<compile_context>
chip_gen: v7x
topology: tpu7x:2x2x1
jax: 0.10.2.dev20260603
libtpu: 0.0.44.dev20260713+nightly
codegen_flags: <defaults>
</compile_context>

<pallas_src>
import jax
import jax.numpy as jnp
from jax import lax
from jax.experimental import pallas as pl
from jax.experimental.pallas import tpu as pltpu
from jax.experimental.pallas import tpu_sc as plsc

N = 10000
E = 320000
D = 128
H = 8
HID = 8
C = 16

NC = 2
NS = 16
NW = NC * NS

NPAD = 10240
RPW = NPAD // NS
CH = 192
CHUNKS = 54
EPW = CH * CHUNKS
EPAD = EPW * NW

_mesh = plsc.VectorSubcoreMesh(core_axis_name="c", subcore_axis_name="s")


def _iota16():
    return lax.iota(jnp.int32, 16)


def _mp1_body(s_hbm, d_hbm, src3, dst3, zacc,
              acc_out, srcs, dsts, sA, sB, dA, dB, cA, cB,
              acc_sh, gsA, gsB, gdA, gdB, scA, scB):
    c_idx = lax.axis_index("c")
    s_idx = lax.axis_index("s")
    wid = s_idx * NC + c_idx
    r0 = s_idx * RPW
    pltpu.sync_copy(zacc.at[pl.ds(r0, RPW)], acc_sh.at[pl.ds(r0, RPW)])
    pltpu.sync_copy(src3.at[wid], srcs)
    pltpu.sync_copy(dst3.at[wid], dsts)
    plsc.subcore_barrier()

    lanes = _iota16()

    def gstart(j, sbuf, dbuf, gs, gd):
        pltpu.async_copy(s_hbm.at[srcs.at[j]], sbuf, gs)
        pltpu.async_copy(d_hbm.at[dsts.at[j]], dbuf, gd)

    def gwait(sbuf, dbuf, gs, gd):
        pltpu.make_async_copy(s_hbm.at[srcs.at[0]], sbuf, gs).wait()
        pltpu.make_async_copy(d_hbm.at[dsts.at[0]], dbuf, gd).wait()

    def swait(cbuf, sc):
        pltpu.make_async_copy(zacc.at[pl.ds(0, CH)], cbuf, sc).wait()

    def compute(s_rows, d_rows, c_v):
        def blk(i2, carry):
            row = i2 * 16 + lanes
            exs = []
            for k in range(H):
                ck = jnp.full((16,), k, jnp.int32)
                a = plsc.load_gather(s_rows, [row, ck + 64])
                b = plsc.load_gather(d_rows, [row, ck])
                al = a + b
                al = jnp.maximum(al, 0.2 * al)
                e = jnp.exp(al)
                plsc.store_scatter(c_v, [row, ck + 64], e)
                exs.append(e)
            for h in range(H):
                for q in range(HID):
                    col = jnp.full((16,), h * HID + q, jnp.int32)
                    xwv = plsc.load_gather(s_rows, [row, col])
                    plsc.store_scatter(c_v, [row, col], xwv * exs[h])
            return carry

        lax.fori_loop(0, CH // 16, blk, 0)

    gstart(0, sA, dA, gsA, gdA)
    gstart(1, sB, dB, gsB, gdB)

    def pipe(i, carry):
        jA = 2 * i
        jB = 2 * i + 1
        gwait(sA, dA, gsA, gdA)

        @pl.when(i > 0)
        def _():
            swait(cA, scA)

        compute(sA, dA, cA)
        pltpu.async_copy(cA, acc_sh.at[dsts.at[jA]], scA, add=True)

        @pl.when(i < CHUNKS // 2 - 1)
        def _():
            gstart(jA + 2, sA, dA, gsA, gdA)

        gwait(sB, dB, gsB, gdB)

        @pl.when(i > 0)
        def _():
            swait(cB, scB)

        compute(sB, dB, cB)
        pltpu.async_copy(cB, acc_sh.at[dsts.at[jB]], scB, add=True)

        @pl.when(i < CHUNKS // 2 - 1)
        def _():
            gstart(jB + 2, sB, dB, gsB, gdB)

        return carry

    lax.fori_loop(0, CHUNKS // 2, pipe, 0)
    swait(cA, scA)
    swait(cB, scB)
    plsc.subcore_barrier()
    pltpu.sync_copy(acc_sh.at[pl.ds(r0, RPW)], acc_out.at[c_idx, pl.ds(r0, RPW)])


def _mp1(s_tab, d_tab, src3, dst3, zacc):
    kfn = pl.kernel(
        _mp1_body,
        mesh=_mesh,
        compiler_params=pltpu.CompilerParams(
            needs_layout_passes=False, use_tc_tiling_on_sc=False),
        out_type=jax.ShapeDtypeStruct((NC, NPAD, 72), jnp.float32),
        scratch_types=[
            pltpu.VMEM((CHUNKS, CH), jnp.int32),
            pltpu.VMEM((CHUNKS, CH), jnp.int32),
            pltpu.VMEM((CH, 72), jnp.float32),
            pltpu.VMEM((CH, 72), jnp.float32),
            pltpu.VMEM((CH, H), jnp.float32),
            pltpu.VMEM((CH, H), jnp.float32),
            pltpu.VMEM((CH, 72), jnp.float32),
            pltpu.VMEM((CH, 72), jnp.float32),
            pltpu.VMEM_SHARED((NPAD, 72), jnp.float32),
            pltpu.SemaphoreType.DMA,
            pltpu.SemaphoreType.DMA,
            pltpu.SemaphoreType.DMA,
            pltpu.SemaphoreType.DMA,
            pltpu.SemaphoreType.DMA,
            pltpu.SemaphoreType.DMA,
        ],
    )
    return kfn(s_tab, d_tab, src3, dst3, zacc)


W2ACC = 24


def _mp2_body(s_hbm, as_hbm, ad_hbm, src3, dst3, zacc,
              acc_out, srcs, dsts, sA, sB, asA, asB, adA, adB, cA, cB,
              acc_sh, gsA, gsB, gaA, gaB, gdA, gdB, scA, scB):
    c_idx = lax.axis_index("c")
    s_idx = lax.axis_index("s")
    wid = s_idx * NC + c_idx
    r0 = s_idx * RPW
    pltpu.sync_copy(zacc.at[pl.ds(r0, RPW)], acc_sh.at[pl.ds(r0, RPW)])
    pltpu.sync_copy(src3.at[wid], srcs)
    pltpu.sync_copy(dst3.at[wid], dsts)
    plsc.subcore_barrier()

    lanes = _iota16()
    c16 = jnp.full((16,), C, jnp.int32)

    def gstart(j, sbuf, abuf, dbuf, gs, ga, gd):
        pltpu.async_copy(s_hbm.at[srcs.at[j]], sbuf, gs)
        pltpu.async_copy(as_hbm.at[srcs.at[j]], abuf, ga)
        pltpu.async_copy(ad_hbm.at[dsts.at[j]], dbuf, gd)

    def gwait(sbuf, abuf, dbuf, gs, ga, gd):
        pltpu.make_async_copy(s_hbm.at[srcs.at[0]], sbuf, gs).wait()
        pltpu.make_async_copy(as_hbm.at[srcs.at[0]], abuf, ga).wait()
        pltpu.make_async_copy(ad_hbm.at[dsts.at[0]], dbuf, gd).wait()

    def swait(cbuf, sc):
        pltpu.make_async_copy(zacc.at[pl.ds(0, CH)], cbuf, sc).wait()

    def compute(s_rows, as_v, ad_v, c_v):
        def blk(i2, carry):
            row = i2 * 16 + lanes
            sl = pl.ds(i2 * 16, 16)
            al = as_v[sl] + ad_v[sl]
            al = jnp.maximum(al, 0.2 * al)
            e = jnp.exp(al)
            plsc.store_scatter(c_v, [row, c16], e)
            for q in range(C):
                col = jnp.full((16,), q, jnp.int32)
                xwv = plsc.load_gather(s_rows, [row, col])
                plsc.store_scatter(c_v, [row, col], xwv * e)
            return carry

        lax.fori_loop(0, CH // 16, blk, 0)

    gstart(0, sA, asA, adA, gsA, gaA, gdA)
    gstart(1, sB, asB, adB, gsB, gaB, gdB)

    def pipe(i, carry):
        jA = 2 * i
        jB = 2 * i + 1
        gwait(sA, asA, adA, gsA, gaA, gdA)

        @pl.when(i > 0)
        def _():
            swait(cA, scA)

        compute(sA, asA, adA, cA)
        pltpu.async_copy(cA, acc_sh.at[dsts.at[jA]], scA, add=True)

        @pl.when(i < CHUNKS // 2 - 1)
        def _():
            gstart(jA + 2, sA, asA, adA, gsA, gaA, gdA)

        gwait(sB, asB, adB, gsB, gaB, gdB)

        @pl.when(i > 0)
        def _():
            swait(cB, scB)

        compute(sB, asB, adB, cB)
        pltpu.async_copy(cB, acc_sh.at[dsts.at[jB]], scB, add=True)

        @pl.when(i < CHUNKS // 2 - 1)
        def _():
            gstart(jB + 2, sB, asB, adB, gsB, gaB, gdB)

        return carry

    lax.fori_loop(0, CHUNKS // 2, pipe, 0)
    swait(cA, scA)
    swait(cB, scB)
    plsc.subcore_barrier()
    pltpu.sync_copy(acc_sh.at[pl.ds(r0, RPW)], acc_out.at[c_idx, pl.ds(r0, RPW)])


def _mp2(s_tab, as_n, ad_n, src3, dst3, zacc):
    kfn = pl.kernel(
        _mp2_body,
        mesh=_mesh,
        compiler_params=pltpu.CompilerParams(
            needs_layout_passes=False, use_tc_tiling_on_sc=False),
        out_type=jax.ShapeDtypeStruct((NC, NPAD, W2ACC), jnp.float32),
        scratch_types=[
            pltpu.VMEM((CHUNKS, CH), jnp.int32),
            pltpu.VMEM((CHUNKS, CH), jnp.int32),
            pltpu.VMEM((CH, C), jnp.float32),
            pltpu.VMEM((CH, C), jnp.float32),
            pltpu.VMEM((CH,), jnp.float32),
            pltpu.VMEM((CH,), jnp.float32),
            pltpu.VMEM((CH,), jnp.float32),
            pltpu.VMEM((CH,), jnp.float32),
            pltpu.VMEM((CH, W2ACC), jnp.float32),
            pltpu.VMEM((CH, W2ACC), jnp.float32),
            pltpu.VMEM_SHARED((NPAD, W2ACC), jnp.float32),
            pltpu.SemaphoreType.DMA,
            pltpu.SemaphoreType.DMA,
            pltpu.SemaphoreType.DMA,
            pltpu.SemaphoreType.DMA,
            pltpu.SemaphoreType.DMA,
            pltpu.SemaphoreType.DMA,
            pltpu.SemaphoreType.DMA,
            pltpu.SemaphoreType.DMA,
        ],
    )
    return kfn(s_tab, as_n, ad_n, src3, dst3, zacc)



BI = 1024
GRID = NPAD // BI


def _tabs1_body(x_ref, w1_ref, a1s_ref, a1d_ref, s_ref, ad_ref):
    xw = jnp.dot(x_ref[...], w1_ref[...], preferred_element_type=jnp.float32)
    s_ref[:, :H * HID] = xw
    s_ref[:, H * HID:] = jnp.dot(xw, a1s_ref[...],
                                 preferred_element_type=jnp.float32)
    ad_ref[...] = jnp.dot(xw, a1d_ref[...], preferred_element_type=jnp.float32)


def _tc_tabs1(xp, W1, A1s, A1d):
    return pl.pallas_call(
        _tabs1_body,
        grid=(GRID,),
        in_specs=[
            pl.BlockSpec((BI, D), lambda i: (i, 0)),
            pl.BlockSpec((D, H * HID), lambda i: (0, 0)),
            pl.BlockSpec((H * HID, H), lambda i: (0, 0)),
            pl.BlockSpec((H * HID, H), lambda i: (0, 0)),
        ],
        out_specs=[
            pl.BlockSpec((BI, 72), lambda i: (i, 0)),
            pl.BlockSpec((BI, H), lambda i: (i, 0)),
        ],
        out_shape=[
            jax.ShapeDtypeStruct((NPAD, 72), jnp.float32),
            jax.ShapeDtypeStruct((NPAD, H), jnp.float32),
        ],
    )(xp, W1, A1s, A1d)


def _tabs2_body(acc_ref, rexp_ref, b1_ref, w2_ref, a2s_ref, a2d_ref,
                xw2_ref, as2_ref, ad2_ref):
    acct = acc_ref[0] + acc_ref[1]
    numt = acct[:, :H * HID]
    dent = acct[:, H * HID:]
    denx = jnp.dot(dent, rexp_ref[...],
                   preferred_element_type=jnp.float32)
    h = jax.nn.relu(numt / denx + b1_ref[...])
    xw2 = jnp.dot(h, w2_ref[...], preferred_element_type=jnp.float32)
    xw2_ref[...] = xw2
    as2_ref[...] = jnp.dot(xw2, a2s_ref[...], preferred_element_type=jnp.float32)
    ad2_ref[...] = jnp.dot(xw2, a2d_ref[...], preferred_element_type=jnp.float32)


def _tc_tabs2(acc1, Rexp, b1r, W2, a2sT, a2dT):
    return pl.pallas_call(
        _tabs2_body,
        grid=(GRID,),
        in_specs=[
            pl.BlockSpec((NC, BI, 72), lambda i: (0, i, 0)),
            pl.BlockSpec((H, H * HID), lambda i: (0, 0)),
            pl.BlockSpec((1, H * HID), lambda i: (0, 0)),
            pl.BlockSpec((H * HID, C), lambda i: (0, 0)),
            pl.BlockSpec((C, 1), lambda i: (0, 0)),
            pl.BlockSpec((C, 1), lambda i: (0, 0)),
        ],
        out_specs=[
            pl.BlockSpec((BI, C), lambda i: (i, 0)),
            pl.BlockSpec((BI, 1), lambda i: (i, 0)),
            pl.BlockSpec((BI, 1), lambda i: (i, 0)),
        ],
        out_shape=[
            jax.ShapeDtypeStruct((NPAD, C), jnp.float32),
            jax.ShapeDtypeStruct((NPAD, 1), jnp.float32),
            jax.ShapeDtypeStruct((NPAD, 1), jnp.float32),
        ],
    )(acc1, Rexp, b1r, W2, a2sT, a2dT)


def _x1key_body(acc_ref, b2_ref, pw_ref, pb_ref,
                x1_ref, key_ref, gx_ref):
    i = pl.program_id(0)
    acct = acc_ref[0] + acc_ref[1]
    numt = acct[:, :C]
    dent = acct[:, C:C + 1]
    x1 = numt / dent + b2_ref[...]
    x1_ref[...] = x1
    g = jnp.dot(x1, pw_ref[...], preferred_element_type=jnp.float32) \
        + pb_ref[...]
    rows = jax.lax.broadcasted_iota(jnp.int32, (BI, 1), 0) + i * BI
    key_ref[...] = jnp.where(rows < N, g, jnp.inf)
    rows16 = jax.lax.broadcasted_iota(jnp.int32, (BI, C), 0) + i * BI
    gx_ref[...] = jnp.where(rows16 < N, g * x1, 0.0)


def _tc_x1key(acc2, b2r, pwT, pbr):
    return pl.pallas_call(
        _x1key_body,
        grid=(GRID,),
        in_specs=[
            pl.BlockSpec((NC, BI, W2ACC), lambda i: (0, i, 0)),
            pl.BlockSpec((1, C), lambda i: (0, 0)),
            pl.BlockSpec((C, 1), lambda i: (0, 0)),
            pl.BlockSpec((1, 1), lambda i: (0, 0)),
        ],
        out_specs=[
            pl.BlockSpec((BI, C), lambda i: (i, 0)),
            pl.BlockSpec((BI, 1), lambda i: (i, 0)),
            pl.BlockSpec((BI, C), lambda i: (i, 0)),
        ],
        out_shape=[
            jax.ShapeDtypeStruct((NPAD, C), jnp.float32),
            jax.ShapeDtypeStruct((NPAD, 1), jnp.float32),
            jax.ShapeDtypeStruct((NPAD, C), jnp.float32),
        ],
    )(acc2, b2r, pwT, pbr)


BJ = 2048


def _rank_body(ki_ref, kr_ref, rank_ref, acc_ref):
    i = pl.program_id(0)
    ki = ki_ref[...]
    jrel = (jax.lax.broadcasted_iota(jnp.int32, (BI, BJ), 1)
            - jax.lax.broadcasted_iota(jnp.int32, (BI, BJ), 0))
    acc_ref[...] = jnp.zeros((BI, BJ), jnp.float32)

    def jchunk(jc, carry):
        kj = kr_ref[0, pl.ds(jc * BJ, BJ)].reshape(1, BJ)
        lt = kj < ki
        acc_ref[...] += jnp.where(lt, 1.0, 0.0)

        @pl.when(jc * BJ < (i + 1) * BI)
        def _():
            eqb = (kj == ki) & (jrel < i * BI - jc * BJ)
            acc_ref[...] += jnp.where(eqb, 1.0, 0.0)

        return carry

    lax.fori_loop(0, NPAD // BJ, jchunk, 0)
    rank_ref[...] = jnp.sum(acc_ref[...], axis=1, keepdims=True).astype(jnp.int32)


def _tc_rank(key_col, key_row):
    return pl.pallas_call(
        _rank_body,
        grid=(GRID,),
        in_specs=[
            pl.BlockSpec((BI, 1), lambda i: (i, 0)),
            pl.BlockSpec((1, NPAD), lambda i: (0, 0)),
        ],
        out_specs=pl.BlockSpec((BI, 1), lambda i: (i, 0)),
        out_shape=jax.ShapeDtypeStruct((NPAD, 1), jnp.int32),
        scratch_shapes=[pltpu.VMEM((BI, BJ), jnp.float32)],
    )(key_col, key_row)


def _conv_body(sin_ref, wc1_ref, wc2_ref, b1_ref, b2_ref, l2_ref,
               z_ref, h1p_ref):
    acc = jnp.zeros((NPAD, C), jnp.float32)
    for k in range(5):
        acc += jnp.dot(sin_ref[pl.ds(k, NPAD), :], wc1_ref[pl.ds(k * C, C), :],
                       preferred_element_type=jnp.float32)
    rows = jax.lax.broadcasted_iota(jnp.int32, (NPAD, C), 0)
    h1 = jnp.where(rows < N, jax.nn.relu(acc + b1_ref[...]), 0.0)
    h1p_ref[pl.ds(0, 2), :] = jnp.zeros((2, C), jnp.float32)
    h1p_ref[pl.ds(2, NPAD), :] = h1
    h1p_ref[pl.ds(NPAD + 2, 2), :] = jnp.zeros((2, C), jnp.float32)
    acc2 = jnp.zeros((NPAD, C), jnp.float32)
    for k in range(5):
        acc2 += jnp.dot(h1p_ref[pl.ds(k, NPAD), :], wc2_ref[pl.ds(k * C, C), :],
                        preferred_element_type=jnp.float32)
    y = acc2 + b2_ref[...]
    z_ref[...] = jnp.dot(y, l2_ref[...], preferred_element_type=jnp.float32)


def _tc_conv(sin_pad, Wc1, Wc2, c1br, c2br, L2):
    return pl.pallas_call(
        _conv_body,
        in_specs=[
            pl.BlockSpec((NPAD + 4, C), lambda: (0, 0)),
            pl.BlockSpec((5 * C, C), lambda: (0, 0)),
            pl.BlockSpec((5 * C, C), lambda: (0, 0)),
            pl.BlockSpec((1, C), lambda: (0, 0)),
            pl.BlockSpec((1, C), lambda: (0, 0)),
            pl.BlockSpec((C, C), lambda: (0, 0)),
        ],
        out_specs=pl.BlockSpec((NPAD, C), lambda: (0, 0)),
        out_shape=jax.ShapeDtypeStruct((NPAD, C), jnp.float32),
        scratch_shapes=[pltpu.VMEM((NPAD + 4, C), jnp.float32)],
    )(sin_pad, Wc1, Wc2, c1br, c2br, L2)


def _final_body(x1_ref, zu_ref, l1_ref, b_ref, out_ref):
    o = jnp.dot(x1_ref[...], l1_ref[...], preferred_element_type=jnp.float32) \
        + zu_ref[...] + b_ref[...]
    m = jnp.max(o, axis=1, keepdims=True)
    s = o - m
    out_ref[...] = s - jnp.log(jnp.sum(jnp.exp(s), axis=1, keepdims=True))


def _tc_final(x1, zu, L1, br):
    return pl.pallas_call(
        _final_body,
        grid=(GRID,),
        in_specs=[
            pl.BlockSpec((BI, C), lambda i: (i, 0)),
            pl.BlockSpec((BI, C), lambda i: (i, 0)),
            pl.BlockSpec((C, C), lambda i: (0, 0)),
            pl.BlockSpec((1, C), lambda i: (0, 0)),
        ],
        out_specs=pl.BlockSpec((BI, C), lambda i: (i, 0)),
        out_shape=jax.ShapeDtypeStruct((NPAD, C), jnp.float32),
    )(x1, zu, L1, br)



RPW2 = NPAD // NW


def _scat_body(gx_hbm, rank_hbm, out_hbm, idx_v, rows_v, sem1):
    c_idx = lax.axis_index("c")
    s_idx = lax.axis_index("s")
    r0 = (s_idx * NC + c_idx) * RPW2
    pltpu.sync_copy(rank_hbm.at[pl.ds(r0, RPW2)], idx_v)
    pltpu.sync_copy(gx_hbm.at[pl.ds(r0, RPW2)], rows_v)
    pltpu.async_copy(rows_v, out_hbm.at[idx_v], sem1).wait()


def _sc_scatter_rows(gx, rank):
    kfn = pl.kernel(
        _scat_body,
        mesh=_mesh,
        compiler_params=pltpu.CompilerParams(
            needs_layout_passes=False, use_tc_tiling_on_sc=False),
        out_type=jax.ShapeDtypeStruct((NPAD, C), jnp.float32),
        scratch_types=[
            pltpu.VMEM((RPW2,), jnp.int32),
            pltpu.VMEM((RPW2, C), jnp.float32),
            pltpu.SemaphoreType.DMA,
        ],
    )
    return kfn(gx, rank)


def _gath_body(z_hbm, rank_hbm, out_hbm, idx_v, rows_v, sem1):
    c_idx = lax.axis_index("c")
    s_idx = lax.axis_index("s")
    r0 = (s_idx * NC + c_idx) * RPW2
    pltpu.sync_copy(rank_hbm.at[pl.ds(r0, RPW2)], idx_v)
    pltpu.async_copy(z_hbm.at[idx_v], rows_v, sem1).wait()
    pltpu.sync_copy(rows_v, out_hbm.at[pl.ds(r0, RPW2)])


def _sc_gather_rows(z, rank):
    kfn = pl.kernel(
        _gath_body,
        mesh=_mesh,
        compiler_params=pltpu.CompilerParams(
            needs_layout_passes=False, use_tc_tiling_on_sc=False),
        out_type=jax.ShapeDtypeStruct((NPAD, C), jnp.float32),
        scratch_types=[
            pltpu.VMEM((RPW2,), jnp.int32),
            pltpu.VMEM((RPW2, C), jnp.float32),
            pltpu.SemaphoreType.DMA,
        ],
    )
    return kfn(z, rank)


def kernel(x, edge_index, W1, a1_src, a1_dst, b1, W2, a2_src, a2_dst, b2,
           proj_w, proj_b, c1_w, c1_b, c2_w, c2_b, lin_w, lin_b):
    loop = jnp.arange(N, dtype=jnp.int32)
    src = jnp.concatenate([edge_index[0].astype(jnp.int32), loop])
    dst = jnp.concatenate([edge_index[1].astype(jnp.int32), loop])
    npad_e = EPAD - (E + N)
    pad_idx = 10000 + (jnp.arange(npad_e, dtype=jnp.int32) % (NPAD - N))
    srcp = jnp.concatenate([src, pad_idx])
    dstp = jnp.concatenate([dst, pad_idx])

    eyeH = jnp.eye(H, dtype=jnp.float32)
    A1s = (a1_src[:, :, None] * eyeH[:, None, :]).reshape(H * HID, H)
    A1d = (a1_dst[:, :, None] * eyeH[:, None, :]).reshape(H * HID, H)
    Rexp = jnp.kron(eyeH, jnp.ones((1, HID), jnp.float32))
    b1r = b1.reshape(1, H * HID)
    a2sT = a2_src.T
    a2dT = a2_dst.T
    b2r = b2.reshape(1, C)
    pwT = proj_w.T
    pbr = proj_b.reshape(1, 1)
    Wc1 = jnp.transpose(c1_w, (2, 1, 0)).reshape(5 * C, C)
    Wc2 = jnp.transpose(c2_w, (2, 1, 0)).reshape(5 * C, C)
    c1br = c1_b.reshape(1, C)
    c2br = c2_b.reshape(1, C)
    L1 = lin_w[:, :C].T
    L2 = lin_w[:, C:].T
    br = lin_b.reshape(1, C)

    src3 = srcp.reshape(NW, CHUNKS, CH)
    dst3 = dstp.reshape(NW, CHUNKS, CH)

    xp = jnp.pad(x, ((0, NPAD - N), (0, 0)))
    s_tab, ad1 = _tc_tabs1(xp, W1, A1s, A1d)
    zacc1 = jnp.zeros((NPAD, 72), jnp.float32)
    acc1 = _mp1(s_tab, ad1, src3, dst3, zacc1)

    xw2, as2, ad2 = _tc_tabs2(acc1, Rexp, b1r, W2, a2sT, a2dT)
    zacc2 = jnp.zeros((NPAD, W2ACC), jnp.float32)
    acc2 = _mp2(xw2, as2.reshape(NPAD), ad2.reshape(NPAD),
                src3, dst3, zacc2)

    x1p, key, gx = _tc_x1key(acc2, b2r, pwT, pbr)
    rank = _tc_rank(key, key.reshape(1, NPAD)).reshape(NPAD)
    sorted_in = _sc_scatter_rows(gx, rank)

    sin_pad = jnp.pad(sorted_in, ((2, 2), (0, 0)))
    z = _tc_conv(sin_pad, Wc1, Wc2, c1br, c2br, L2)
    zu = _sc_gather_rows(z, rank)
    outp = _tc_final(x1p, zu, L1, br)
    return outp[:N]

# --- scband reference (transcript-rebuilt; emitter-appended) ---
"""Pipeline reference for scband-nlgat-41188736369376 (READ-ONLY COPY).

The authoritative reference and input builder live on the scoring server;
editing this copy changes nothing except your own understanding.
"""

import jax, jax.numpy as jnp
import numpy as np

N = 10000
E = 320000
D = 128
H = 8
HID = 8
C = 16

def gat_conv(x, src, dst, W, a_src, a_dst, b, heads, out_ch, concat):
    xw = (x @ W).reshape(N, heads, out_ch)
    as_e = (xw * a_src[None, :, :]).sum(-1)
    ad_e = (xw * a_dst[None, :, :]).sum(-1)
    alpha = as_e[src] + ad_e[dst]
    alpha = jax.nn.leaky_relu(alpha, 0.2)
    amax = jax.ops.segment_max(alpha, dst, num_segments=N)
    amax = jnp.where(jnp.isfinite(amax), amax, 0.0)
    ex = jnp.exp(alpha - amax[dst])
    den = jax.ops.segment_sum(ex, dst, num_segments=N)
    coef = ex / (den[dst] + 1e-16)
    out = jax.ops.segment_sum(xw[src] * coef[:, :, None], dst, num_segments=N)
    out = out.reshape(N, heads * out_ch) if concat else out.mean(axis=1)
    return out + b

def conv1d(x, w, b):
    out = jax.lax.conv_general_dilated(x, w, (1,), [(2, 2)], dimension_numbers=('NCH', 'OIH', 'NCH'))
    return out + b[None, :, None]

def setup_inputs(seed: int = 0):
    key = jax.random.key(seed)
    ks = jax.random.split(key, 20)
    inp = {}
    inp['x'] = jax.random.normal(ks[0], (N, D), jnp.float32)
    inp['edge_index'] = jax.random.randint(ks[1], (2, E), 0, N)
    inp['W1'] = jax.random.normal(ks[2], (D, H * HID), jnp.float32) / np.sqrt(D)
    inp['a1_src'] = jax.random.normal(ks[3], (H, HID), jnp.float32) * 0.1
    inp['a1_dst'] = jax.random.normal(ks[4], (H, HID), jnp.float32) * 0.1
    inp['b1'] = jnp.zeros((H * HID,), jnp.float32)
    inp['W2'] = jax.random.normal(ks[5], (H * HID, C), jnp.float32) / np.sqrt(H * HID)
    inp['a2_src'] = jax.random.normal(ks[6], (1, C), jnp.float32) * 0.1
    inp['a2_dst'] = jax.random.normal(ks[7], (1, C), jnp.float32) * 0.1
    inp['b2'] = jnp.zeros((C,), jnp.float32)
    inp['proj_w'] = jax.random.normal(ks[8], (1, C), jnp.float32) / np.sqrt(C)
    inp['proj_b'] = jnp.zeros((1,), jnp.float32)
    inp['c1_w'] = jax.random.normal(ks[9], (C, C, 5), jnp.float32) / np.sqrt(C * 5)
    inp['c1_b'] = jnp.zeros((C,), jnp.float32)
    inp['c2_w'] = jax.random.normal(ks[10], (C, C, 5), jnp.float32) / np.sqrt(C * 5)
    inp['c2_b'] = jnp.zeros((C,), jnp.float32)
    inp['lin_w'] = jax.random.normal(ks[11], (C, 2 * C), jnp.float32) / np.sqrt(2 * C)
    inp['lin_b'] = jnp.zeros((C,), jnp.float32)
    return inp

def reference(x, edge_index, W1, a1_src, a1_dst, b1, W2, a2_src, a2_dst, b2, proj_w, proj_b, c1_w, c1_b, c2_w, c2_b, lin_w, lin_b):
    loop = jnp.arange(N, dtype=edge_index.dtype)
    src = jnp.concatenate([edge_index[0], loop])
    dst = jnp.concatenate([edge_index[1], loop])
    h = jax.nn.relu(gat_conv(x, src, dst, W1, a1_src, a1_dst, b1, H, HID, True))
    x1 = gat_conv(h, src, dst, W2, a2_src, a2_dst, b2, 1, C, False)
    g = x1 @ proj_w.T + proj_b
    idx = jnp.argsort(g[:, 0])
    inv = jnp.argsort(idx)
    sx = g[idx] * x1[idx]
    sx = sx.T[None, :, :]
    sx = jax.nn.relu(conv1d(sx, c1_w, c1_b))
    sx = conv1d(sx, c2_w, c2_b)
    x2 = sx[0].T[inv]
    out = jnp.concatenate([x1, x2], axis=1) @ lin_w.T + lin_b
    return jax.nn.log_softmax(out, axis=1)

if __name__ == "__main__":
    import jax
    _d = setup_inputs()
    print(jax.jit(kernel)(*tuple(_d.values())))

</pallas_src>

<mosaic_0001>
#map = affine_map<(d0, d1) -> (0, 0)>
#map1 = affine_map<(d0, d1) -> (0)>
module attributes {stable_mosaic.version = 14 : i64} {
  func.func @_gath_body(%arg0: i32, %arg1: i32, %arg2: memref<10240x16xf32, #tpu.memory_space<hbm>>, %arg3: memref<10240xi32, #tpu.memory_space<hbm>>, %arg4: memref<10240x16xf32, #tpu.memory_space<hbm>>, %arg5: memref<320xi32, #tpu.memory_space<vmem>>, %arg6: memref<320x16xf32, #tpu.memory_space<vmem>>, %arg7: memref<!tpu.dma_semaphore, #tpu.memory_space<semaphore_mem>>) attributes {dimension_semantics = [#tpu.dimension_semantics<core_parallel>, #tpu.dimension_semantics<subcore_parallel>], iteration_bounds = array<i64: 2, 16>, scalar_prefetch = 0 : i64, scratch_operands = 3 : i64, tpu.core_type = #tpu.core_type<sc_vector_subcore>, window_params = [{transform_indices = #map}, {transform_indices = #map1}, {transform_indices = #map}]} {
    %mul3A = arith.constant 2 : i32
    %mul3A_0 = arith.muli %arg1, %mul3A : i32
    %add3A = arith.addi %mul3A_0, %arg0 : i32
    %mul3A_1 = arith.constant 320 : i32
    %mul3A_2 = arith.muli %add3A, %mul3A_1 : i32
    "tpu.region"() ({
      %run_scoped3A = tpu.sem_alloc : memref<!tpu.dma_semaphore, #tpu.memory_space<semaphore_mem>>
      %dma_start3A_7 = tpu.memref_slice %arg3[%mul3A_2] : memref<10240xi32, #tpu.memory_space<hbm>> -> memref<320xi32, #tpu.memory_space<hbm>>
      %dma_start3A_8 = tpu.memref_slice %arg3[%mul3A_2] : memref<10240xi32, #tpu.memory_space<hbm>> -> memref<320xi32, #tpu.memory_space<hbm>>
      tpu.enqueue_dma source(%dma_start3A_8 : memref<320xi32, #tpu.memory_space<hbm>>) target(%arg5 : memref<320xi32, #tpu.memory_space<vmem>>) target_semaphore(%run_scoped3A : memref<!tpu.dma_semaphore, #tpu.memory_space<semaphore_mem>>)
      %dma_wait3A_9 = tpu.memref_slice %arg3[%mul3A_2] : memref<10240xi32, #tpu.memory_space<hbm>> -> memref<320xi32, #tpu.memory_space<hbm>>
      %dma_wait3A_10 = tpu.memref_slice %arg3[%mul3A_2] : memref<10240xi32, #tpu.memory_space<hbm>> -> memref<320xi32, #tpu.memory_space<hbm>>
      tpu.wait_dma2 semaphore(%run_scoped3A : memref<!tpu.dma_semaphore, #tpu.memory_space<semaphore_mem>>) src(%dma_wait3A_10 : memref<320xi32, #tpu.memory_space<hbm>>) dst(%arg5 : memref<320xi32, #tpu.memory_space<vmem>>)
      tpu.yield
    }) : () -> ()
    %dma_start3A = arith.constant 0 : i32
    %dma_start3A_3 = arith.constant 0 : i32
    %dma_start3A_4 = tpu.memref_slice %arg2[%dma_start3A, %dma_start3A_3] : memref<10240x16xf32, #tpu.memory_space<hbm>> -> memref<10240x16xf32, #tpu.memory_space<hbm>>
    tpu.enqueue_indirect_dma source(%dma_start3A_4 : memref<10240x16xf32, #tpu.memory_space<hbm>>) target(%arg6 : memref<320x16xf32, #tpu.memory_space<vmem>>) offsets(%arg5 : memref<320xi32, #tpu.memory_space<vmem>>) semaphore(%arg7 : memref<!tpu.dma_semaphore, #tpu.memory_space<semaphore_mem>>)
    %dma_wait3A = arith.constant 0 : i32
    %dma_wait3A_5 = arith.constant 0 : i32
    %dma_wait3A_6 = tpu.memref_slice %arg2[%dma_wait3A, %dma_wait3A_5] : memref<10240x16xf32, #tpu.memory_space<hbm>> -> memref<10240x16xf32, #tpu.memory_space<hbm>>
    tpu.wait_indirect_dma semaphore(%arg7 : memref<!tpu.dma_semaphore, #tpu.memory_space<semaphore_mem>>) src(%dma_wait3A_6 : memref<10240x16xf32, #tpu.memory_space<hbm>>) dst(%arg6 : memref<320x16xf32, #tpu.memory_space<vmem>>)
    "tpu.region"() ({
      %run_scoped3A = tpu.sem_alloc : memref<!tpu.dma_semaphore, #tpu.memory_space<semaphore_mem>>
      %dma_start3A_7 = arith.constant 0 : i32
      %dma_start3A_8 = tpu.memref_slice %arg4[%mul3A_2, %dma_start3A_7] : memref<10240x16xf32, #tpu.memory_space<hbm>> -> memref<320x16xf32, #tpu.memory_space<hbm>>
      %dma_start3A_9 = arith.constant 0 : i32
      %dma_start3A_10 = tpu.memref_slice %arg4[%mul3A_2, %dma_start3A_9] : memref<10240x16xf32, #tpu.memory_space<hbm>> -> memref<320x16xf32, #tpu.memory_space<hbm>>
      tpu.enqueue_dma source(%arg6 : memref<320x16xf32, #tpu.memory_space<vmem>>) target(%dma_start3A_10 : memref<320x16xf32, #tpu.memory_space<hbm>>) target_semaphore(%run_scoped3A : memref<!tpu.dma_semaphore, #tpu.memory_space<semaphore_mem>>)
      %dma_wait3A_11 = arith.constant 0 : i32
      %dma_wait3A_12 = tpu.memref_slice %arg4[%mul3A_2, %dma_wait3A_11] : memref<10240x16xf32, #tpu.memory_space<hbm>> -> memref<320x16xf32, #tpu.memory_space<hbm>>
      %dma_wait3A_13 = arith.constant 0 : i32
      %dma_wait3A_14 = tpu.memref_slice %arg4[%mul3A_2, %dma_wait3A_13] : memref<10240x16xf32, #tpu.memory_space<hbm>> -> memref<320x16xf32, #tpu.memory_space<hbm>>
      tpu.wait_dma2 semaphore(%run_scoped3A : memref<!tpu.dma_semaphore, #tpu.memory_space<semaphore_mem>>) src(%arg6 : memref<320x16xf32, #tpu.memory_space<vmem>>) dst(%dma_wait3A_14 : memref<320x16xf32, #tpu.memory_space<hbm>>)
      tpu.yield
    }) : () -> ()
    return
  }
}

#map = affine_map<(d0, d1) -> (0, 0)>
#map1 = affine_map<(d0, d1) -> (0, 0, 0)>
module attributes {stable_mosaic.version = 14 : i64} {
  func.func @_mp1_body(%arg0: i32, %arg1: i32, %arg2: memref<10240x72xf32, #tpu.memory_space<hbm>>, %arg3: memref<10240x8xf32, #tpu.memory_space<hbm>>, %arg4: memref<32x54x192xi32, #tpu.memory_space<hbm>>, %arg5: memref<32x54x192xi32, #tpu.memory_space<hbm>>, %arg6: memref<10240x72xf32, #tpu.memory_space<hbm>>, %arg7: memref<2x10240x72xf32, #tpu.memory_space<hbm>>, %arg8: memref<54x192xi32, #tpu.memory_space<vmem>>, %arg9: memref<54x192xi32, #tpu.memory_space<vmem>>, %arg10: memref<192x72xf32, #tpu.memory_space<vmem>>, %arg11: memref<192x72xf32, #tpu.memory_space<vmem>>, %arg12: memref<192x8xf32, #tpu.memory_space<vmem>>, %arg13: memref<192x8xf32, #tpu.memory_space<vmem>>, %arg14: memref<192x72xf32, #tpu.memory_space<vmem>>, %arg15: memref<192x72xf32, #tpu.memory_space<vmem>>, %arg16: memref<10240x72xf32, #tpu.memory_space<vmem_shared>>, %arg17: memref<!tpu.dma_semaphore, #tpu.memory_space<semaphore_mem>>, %arg18: memref<!tpu.dma_semaphore, #tpu.memory_space<semaphore_mem>>, %arg19: memref<!tpu.dma_semaphore, #tpu.memory_space<semaphore_mem>>, %arg20: memref<!tpu.dma_semaphore, #tpu.memory_space<semaphore_mem>>, %arg21: memref<!tpu.dma_semaphore, #tpu.memory_space<semaphore_mem>>, %arg22: memref<!tpu.dma_semaphore, #tpu.memory_space<semaphore_mem>>) attributes {dimension_semantics = [#tpu.dimension_semantics<core_parallel>, #tpu.dimension_semantics<subcore_parallel>], iteration_bounds = array<i64: 2, 16>, scalar_prefetch = 0 : i64, scratch_operands = 15 : i64, tpu.core_type = #tpu.core_type<sc_vector_subcore>, window_params = [{transform_indices = #map}, {transform_indices = #map}, {transform_indices = #map1}, {transform_indices = #map1}, {transform_indices = #map}, {transform_indices = #map1}]} {
    %mul3A = arith.constant 2 : i32
    %mul3A_0 = arith.muli %arg1, %mul3A : i32
    %add3A = arith.addi %mul3A_0, %arg0 : i32
    %mul3A_1 = arith.constant 640 : i32
    %mul3A_2 = arith.muli %arg1, %mul3A_1 : i32
    "tpu.region"() ({
      %run_scoped3A = tpu.sem_alloc : memref<!tpu.dma_semaphore, #tpu.memory_space<semaphore_mem>>
      %dma_start3A_47 = arith.constant 0 : i32
      %dma_start3A_48 = tpu.memref_slice %arg16[%mul3A_2, %dma_start3A_47] : memref<10240x72xf32, #tpu.memory_space<vmem_shared>> -> memref<640x72xf32, #tpu.memory_space<vmem_shared>>
      %dma_start3A_49 = arith.constant 0 : i32
      %dma_start3A_50 = tpu.memref_slice %arg6[%mul3A_2, %dma_start3A_49] : memref<10240x72xf32, #tpu.memory_space<hbm>> -> memref<640x72xf32, #tpu.memory_space<hbm>>
      tpu.enqueue_dma source(%dma_start3A_50 : memref<640x72xf32, #tpu.memory_space<hbm>>) target(%dma_start3A_48 : memref<640x72xf32, #tpu.memory_space<vmem_shared>>) target_semaphore(%run_scoped3A : memref<!tpu.dma_semaphore, #tpu.memory_space<semaphore_mem>>)
      %dma_wait3A_51 = arith.constant 0 : i32
      %dma_wait3A_52 = tpu.memref_slice %arg16[%mul3A_2, %dma_wait3A_51] : memref<10240x72xf32, #tpu.memory_space<vmem_shared>> -> memref<640x72xf32, #tpu.memory_space<vmem_shared>>
      %dma_wait3A_53 = arith.constant 0 : i32
      %dma_wait3A_54 = tpu.memref_slice %arg6[%mul3A_2, %dma_wait3A_53] : memref<10240x72xf32, #tpu.memory_space<hbm>> -> memref<640x72xf32, #tpu.memory_space<hbm>>
      tpu.wait_dma2 semaphore(%run_scoped3A : memref<!tpu.dma_semaphore, #tpu.memory_space<semaphore_mem>>) src(%dma_wait3A_54 : memref<640x72xf32, #tpu.memory_space<hbm>>) dst(%dma_wait3A_52 : memref<640x72xf32, #tpu.memory_space<vmem_shared>>)
      tpu.yield
    }) : () -> ()
    "tpu.region"() ({
      %run_scoped3A = tpu.sem_alloc : memref<!tpu.dma_semaphore, #tpu.memory_space<semaphore_mem>>
      %dma_start3A_47 = arith.constant 0 : i32
      %dma_start3A_48 = arith.constant 0 : i32
      %dma_start3A_49 = tpu.memref_slice %arg4[%add3A, %dma_start3A_47, %dma_start3A_48] : memref<32x54x192xi32, #tpu.memory_space<hbm>> -> memref<1x54x192xi32, #tpu.memory_space<hbm>>
      %dma_start3A_50 = tpu.memref_squeeze %dma_start3A_49 : memref<1x54x192xi32, #tpu.memory_space<hbm>> -> memref<54x192xi32, #tpu.memory_space<hbm>>
      %dma_start3A_51 = arith.constant 0 : i32
      %dma_start3A_52 = arith.constant 0 : i32
      %dma_start3A_53 = tpu.memref_slice %arg4[%add3A, %dma_start3A_51, %dma_start3A_52] : memref<32x54x192xi32, #tpu.memory_space<hbm>> -> memref<1x54x192xi32, #tpu.memory_space<hbm>>
      %dma_start3A_54 = tpu.memref_squeeze %dma_start3A_53 : memref<1x54x192xi32, #tpu.memory_space<hbm>> -> memref<54x192xi32, #tpu.memory_space<hbm>>
      tpu.enqueue_dma source(%dma_start3A_54 : memref<54x192xi32, #tpu.memory_space<hbm>>) target(%arg8 : memref<54x192xi32, #tpu.memory_space<vmem>>) target_semaphore(%run_scoped3A : memref<!tpu.dma_semaphore, #tpu.memory_space<semaphore_mem>>)
      %dma_wait3A_55 = arith.constant 0 : i32
      %dma_wait3A_56 = arith.constant 0 : i32
      %dma_wait3A_57 = tpu.memref_slice %arg4[%add3A, %dma_wait3A_55, %dma_wait3A_56] : memref<32x54x192xi32, #tpu.memory_space<hbm>> -> memref<1x54x192xi32, #tpu.memory_space<hbm>>
      %dma_wait3A_58 = tpu.memref_squeeze %dma_wait3A_57 : memref<1x54x192xi32, #tpu.memory_space<hbm>> -> memref<54x192xi32, #tpu.memory_space<hbm>>
      %dma_wait3A_59 = arith.constant 0 : i32
      %dma_wait3A_60 = arith.constant 0 : i32
      %dma_wait3A_61 = tpu.memref_slice %arg4[%add3A, %dma_wait3A_59, %dma_wait3A_60] : memref<32x54x192xi32, #tpu.memory_space<hbm>> -> memref<1x54x192xi32, #tpu.memory_space<hbm>>
      %dma_wait3A_62 = tpu.memref_squeeze %dma_wait3A_61 : memref<1x54x192xi32, #tpu.memory_space<hbm>> -> memref<54x192xi32, #tpu.memory_space<hbm>>
      tpu.wait_dma2 semaphore(%run_scoped3A : memref<!tpu.dma_semaphore, #tpu.memory_space<semaphore_mem>>) src(%dma_wait3A_62 : memref<54x192xi32, #tpu.memory_space<hbm>>) dst(%arg8 : memref<54x192xi32, #tpu.memory_space<vmem>>)
      tpu.yield
    }) : () -> ()
    "tpu.region"() ({
      %run_scoped3A = tpu.sem_alloc : memref<!tpu.dma_semaphore, #tpu.memory_space<semaphore_mem>>
      %dma_start3A_47 = arith.constant 0 : i32
      %dma_start3A_48 = arith.constant 0 : i32
      %dma_start3A_49 = tpu.memref_slice %arg5[%add3A, %dma_start3A_47, %dma_start3A_48] : memref<32x54x192xi32, #tpu.memory_space<hbm>> -> memref<1x54x192xi32, #tpu.memory_space<hbm>>
      %dma_start3A_50 = tpu.memref_squeeze %dma_start3A_49 : memref<1x54x192xi32, #tpu.memory_space<hbm>> -> memref<54x192xi32, #tpu.memory_space<hbm>>
      %dma_start3A_51 = arith.constant 0 : i32
      %dma_start3A_52 = arith.constant 0 : i32
      %dma_start3A_53 = tpu.memref_slice %arg5[%add3A, %dma_start3A_51, %dma_start3A_52] : memref<32x54x192xi32, #tpu.memory_space<hbm>> -> memref<1x54x192xi32, #tpu.memory_space<hbm>>
      %dma_start3A_54 = tpu.memref_squeeze %dma_start3A_53 : memref<1x54x192xi32, #tpu.memory_space<hbm>> -> memref<54x192xi32, #tpu.memory_space<hbm>>
      tpu.enqueue_dma source(%dma_start3A_54 : memref<54x192xi32, #tpu.memory_space<hbm>>) target(%arg9 : memref<54x192xi32, #tpu.memory_space<vmem>>) target_semaphore(%run_scoped3A : memref<!tpu.dma_semaphore, #tpu.memory_space<semaphore_mem>>)
      %dma_wait3A_55 = arith.constant 0 : i32
      %dma_wait3A_56 = arith.constant 0 : i32
      %dma_wait3A_57 = tpu.memref_slice %arg5[%add3A, %dma_wait3A_55, %dma_wait3A_56] : memref<32x54x192xi32, #tpu.memory_space<hbm>> -> memref<1x54x192xi32, #tpu.memory_space<hbm>>
      %dma_wait3A_58 = tpu.memref_squeeze %dma_wait3A_57 : memref<1x54x192xi32, #tpu.memory_space<hbm>> -> memref<54x192xi32, #tpu.memory_space<hbm>>
      %dma_wait3A_59 = arith.constant 0 : i32
      %dma_wait3A_60 = arith.constant 0 : i32
      %dma_wait3A_61 = tpu.memref_slice %arg5[%add3A, %dma_wait3A_59, %dma_wait3A_60] : memref<32x54x192xi32, #tpu.memory_space<hbm>> -> memref<1x54x192xi32, #tpu.memory_space<hbm>>
      %dma_wait3A_62 = tpu.memref_squeeze %dma_wait3A_61 : memref<1x54x192xi32, #tpu.memory_space<hbm>> -> memref<54x192xi32, #tpu.memory_space<hbm>>
      tpu.wait_dma2 semaphore(%run_scoped3A : memref<!tpu.dma_semaphore, #tpu.memory_space<semaphore_mem>>) src(%dma_wait3A_62 : memref<54x192xi32, #tpu.memory_space<hbm>>) dst(%arg9 : memref<54x192xi32, #tpu.memory_space<vmem>>)
      tpu.yield
    }) : () -> ()
    %barrier3A = arith.constant 0 : index
    tpu.barrier barrier_id(%barrier3A)
    %iota3A = tpu.iota {dimensions = array<i32: 0>} : vector<16xi32>
    %dma_start3A = arith.constant 0 : i32
    %dma_start3A_3 = arith.constant 0 : i32
    %dma_start3A_4 = tpu.memref_slice %arg8[%dma_start3A, %dma_start3A_3] : memref<54x192xi32, #tpu.memory_space<vmem>> -> memref<1x192xi32, #tpu.memory_space<vmem>>
    %dma_start3A_5 = tpu.memref_squeeze %dma_start3A_4 : memref<1x192xi32, #tpu.memory_space<vmem>> -> memref<192xi32, #tpu.memory_space<vmem>>
    %dma_start3A_6 = arith.constant 0 : i32
    %dma_start3A_7 = arith.constant 0 : i32
    %dma_start3A_8 = tpu.memref_slice %arg2[%dma_start3A_6, %dma_start3A_7] : memref<10240x72xf32, #tpu.memory_space<hbm>> -> memref<10240x72xf32, #tpu.memory_space<hbm>>
    tpu.enqueue_indirect_dma source(%dma_start3A_8 : memref<10240x72xf32, #tpu.memory_space<hbm>>) target(%arg10 : memref<192x72xf32, #tpu.memory_space<vmem>>) offsets(%dma_start3A_5 : memref<192xi32, #tpu.memory_space<vmem>>) semaphore(%arg17 : memref<!tpu.dma_semaphore, #tpu.memory_space<semaphore_mem>>)
    %dma_start3A_9 = arith.constant 0 : i32
    %dma_start3A_10 = arith.constant 0 : i32
    %dma_start3A_11 = tpu.memref_slice %arg9[%dma_start3A_9, %dma_start3A_10] : memref<54x192xi32, #tpu.memory_space<vmem>> -> memref<1x192xi32, #tpu.memory_space<vmem>>
    %dma_start3A_12 = tpu.memref_squeeze %dma_start3A_11 : memref<1x192xi32, #tpu.memory_space<vmem>> -> memref<192xi32, #tpu.memory_space<vmem>>
    %dma_start3A_13 = arith.constant 0 : i32
    %dma_start3A_14 = arith.constant 0 : i32
    %dma_start3A_15 = tpu.memref_slice %arg3[%dma_start3A_13, %dma_start3A_14] : memref<10240x8xf32, #tpu.memory_space<hbm>> -> memref<10240x8xf32, #tpu.memory_space<hbm>>
    tpu.enqueue_indirect_dma source(%dma_start3A_15 : memref<10240x8xf32, #tpu.memory_space<hbm>>) target(%arg12 : memref<192x8xf32, #tpu.memory_space<vmem>>) offsets(%dma_start3A_12 : memref<192xi32, #tpu.memory_space<vmem>>) semaphore(%arg19 : memref<!tpu.dma_semaphore, #tpu.memory_space<semaphore_mem>>)
    %dma_start3A_16 = arith.constant 1 : i32
    %dma_start3A_17 = arith.constant 0 : i32
    %dma_start3A_18 = tpu.memref_slice %arg8[%dma_start3A_16, %dma_start3A_17] : memref<54x192xi32, #tpu.memory_space<vmem>> -> memref<1x192xi32, #tpu.memory_space<vmem>>
    %dma_start3A_19 = tpu.memref_squeeze %dma_start3A_18 : memref<1x192xi32, #tpu.memory_space<vmem>> -> memref<192xi32, #tpu.memory_space<vmem>>
    %dma_start3A_20 = arith.constant 0 : i32
    %dma_start3A_21 = arith.constant 0 : i32
    %dma_start3A_22 = tpu.memref_slice %arg2[%dma_start3A_20, %dma_start3A_21] : memref<10240x72xf32, #tpu.memory_space<hbm>> -> memref<10240x72xf32, #tpu.memory_space<hbm>>
    tpu.enqueue_indirect_dma source(%dma_start3A_22 : memref<10240x72xf32, #tpu.memory_space<hbm>>) target(%arg11 : memref<192x72xf32, #tpu.memory_space<vmem>>) offsets(%dma_start3A_19 : memref<192xi32, #tpu.memory_space<vmem>>) semaphore(%arg18 : memref<!tpu.dma_semaphore, #tpu.memory_space<semaphore_mem>>)
    %dma_start3A_23 = arith.constant 1 : i32
    %dma_start3A_24 = arith.constant 0 : i32
    %dma_start3A_25 = tpu.memref_slice %arg9[%dma_start3A_23, %dma_start3A_24] : memref<54x192xi32, #tpu.memory_space<vmem>> -> memref<1x192xi32, #tpu.memory_space<vmem>>
    %dma_start3A_26 = tpu.memref_squeeze %dma_start3A_25 : memref<1x192xi32, #tpu.memory_space<vmem>> -> memref<192xi32, #tpu.memory_space<vmem>>
    %dma_start3A_27 = arith.constant 0 : i32
    %dma_start3A_28 = arith.constant 0 : i32
    %dma_start3A_29 = tpu.memref_slice %arg3[%dma_start3A_27, %dma_start3A_28] : memref<10240x8xf32, #tpu.memory_space<hbm>> -> memref<10240x8xf32, #tpu.memory_space<hbm>>
    tpu.enqueue_indirect_dma source(%dma_start3A_29 : memref<10240x8xf32, #tpu.memory_space<hbm>>) target(%arg13 : memref<192x8xf32, #tpu.memory_space<vmem>>) offsets(%dma_start3A_26 : memref<192xi32, #tpu.memory_space<vmem>>) semaphore(%arg20 : memref<!tpu.dma_semaphore, #tpu.memory_space<semaphore_mem>>)
    %scan3A = arith.constant 0 : i32
    %scan3A_30 = arith.constant 0 : i32
    %scan3A_31 = arith.constant 27 : i32
    %scan3A_32 = arith.addi %scan3A_30, %scan3A_31 : i32
    %scan3A_33 = arith.constant 1 : i32
    scf.for %scan3A_47 = %scan3A_30 to %scan3A_32 step %scan3A_33  : i32 {
      %mul3A_48 = arith.constant 2 : i32
      %mul3A_49 = arith.muli %mul3A_48, %scan3A_47 : i32
      %mul3A_50 = arith.constant 2 : i32
      %mul3A_51 = arith.muli %mul3A_50, %scan3A_47 : i32
      %add3A_52 = arith.constant 1 : i32
      %add3A_53 = arith.addi %mul3A_51, %add3A_52 : i32
      %dma_wait3A_54 = arith.constant 0 : i32
      %dma_wait3A_55 = arith.constant 0 : i32
      %dma_wait3A_56 = tpu.memref_slice %arg8[%dma_wait3A_54, %dma_wait3A_55] : memref<54x192xi32, #tpu.memory_space<vmem>> -> memref<1x192xi32, #tpu.memory_space<vmem>>
      %dma_wait3A_57 = tpu.memref_squeeze %dma_wait3A_56 : memref<1x192xi32, #tpu.memory_space<vmem>> -> memref<192xi32, #tpu.memory_space<vmem>>
      %dma_wait3A_58 = arith.constant 0 : i32
      %dma_wait3A_59 = arith.constant 0 : i32
      %dma_wait3A_60 = tpu.memref_slice %arg2[%dma_wait3A_58, %dma_wait3A_59] : memref<10240x72xf32, #tpu.memory_space<hbm>> -> memref<10240x72xf32, #tpu.memory_space<hbm>>
      tpu.wait_indirect_dma semaphore(%arg17 : memref<!tpu.dma_semaphore, #tpu.memory_space<semaphore_mem>>) src(%dma_wait3A_60 : memref<10240x72xf32, #tpu.memory_space<hbm>>) dst(%arg10 : memref<192x72xf32, #tpu.memory_space<vmem>>)
      %dma_wait3A_61 = arith.constant 0 : i32
      %dma_wait3A_62 = arith.constant 0 : i32
      %dma_wait3A_63 = tpu.memref_slice %arg9[%dma_wait3A_61, %dma_wait3A_62] : memref<54x192xi32, #tpu.memory_space<vmem>> -> memref<1x192xi32, #tpu.memory_space<vmem>>
      %dma_wait3A_64 = tpu.memref_squeeze %dma_wait3A_63 : memref<1x192xi32, #tpu.memory_space<vmem>> -> memref<192xi32, #tpu.memory_space<vmem>>
      %dma_wait3A_65 = arith.constant 0 : i32
      %dma_wait3A_66 = arith.constant 0 : i32
      %dma_wait3A_67 = tpu.memref_slice %arg3[%dma_wait3A_65, %dma_wait3A_66] : memref<10240x8xf32, #tpu.memory_space<hbm>> -> memref<10240x8xf32, #tpu.memory_space<hbm>>
      tpu.wait_indirect_dma semaphore(%arg19 : memref<!tpu.dma_semaphore, #tpu.memory_space<semaphore_mem>>) src(%dma_wait3A_67 : memref<10240x8xf32, #tpu.memory_space<hbm>>) dst(%arg12 : memref<192x8xf32, #tpu.memory_space<vmem>>)
      %gt3A = arith.constant 0 : i32
      %gt3A_68 = arith.cmpi sgt, %scan3A_47, %gt3A : i32
      %convert_element_type3A = arith.extui %gt3A_68 : i1 to i32
      %cond3A = arith.constant 0 : i32
      %cond3A_69 = arith.cmpi ne, %convert_element_type3A, %cond3A : i32
      scf.if %cond3A_69 {
        %dma_wait3A_122 = arith.constant 0 : i32
        %dma_wait3A_123 = arith.constant 0 : i32
        %dma_wait3A_124 = tpu.memref_slice %arg6[%dma_wait3A_122, %dma_wait3A_123] : memref<10240x72xf32, #tpu.memory_space<hbm>> -> memref<192x72xf32, #tpu.memory_space<hbm>>
        %dma_wait3A_125 = arith.constant 0 : i32
        %dma_wait3A_126 = arith.constant 0 : i32
        %dma_wait3A_127 = tpu.memref_slice %arg6[%dma_wait3A_125, %dma_wait3A_126] : memref<10240x72xf32, #tpu.memory_space<hbm>> -> memref<192x72xf32, #tpu.memory_space<hbm>>
        tpu.wait_dma2 semaphore(%arg21 : memref<!tpu.dma_semaphore, #tpu.memory_space<semaphore_mem>>) src(%dma_wait3A_127 : memref<192x72xf32, #tpu.memory_space<hbm>>) dst(%arg14 : memref<192x72xf32, #tpu.memory_space<vmem>>)
      } else {
      }
      %scan3A_70 = arith.constant 0 : i32
      %scan3A_71 = arith.constant 0 : i32
      %scan3A_72 = arith.constant 12 : i32
      %scan3A_73 = arith.addi %scan3A_71, %scan3A_72 : i32
      %scan3A_74 = arith.constant 1 : i32
      scf.for %scan3A_122 = %scan3A_71 to %scan3A_73 step %scan3A_74  : i32 {
        %mul3A_123 = arith.constant 16 : i32
        %mul3A_124 = arith.muli %scan3A_122, %mul3A_123 : i32
        %add3A_125 = vector.broadcast %mul3A_124 : i32 to vector<16xi32>
        %add3A_126 = arith.addi %add3A_125, %iota3A : vector<16xi32>
        %broadcast_in_dim3A = arith.constant 0 : i32
        %broadcast_in_dim3A_127 = vector.broadcast %broadcast_in_dim3A : i32 to vector<16xi32>
        %add3A_128 = arith.constant 64 : i32
        %add3A_129 = vector.broadcast %add3A_128 : i32 to vector<16xi32>
        %add3A_130 = arith.addi %broadcast_in_dim3A_127, %add3A_129 : vector<16xi32>
        %gather3A = tpu.vector_load_idx %arg10[%add3A_126, %add3A_130] : memref<192x72xf32, #tpu.memory_space<vmem>>[vector<16xi32>, vector<16xi32>], vector<16xf32>,
        %gather3A_131 = tpu.vector_load_idx %arg12[%add3A_126, %broadcast_in_dim3A_127] : memref<192x8xf32, #tpu.memory_space<vmem>>[vector<16xi32>, vector<16xi32>], vector<16xf32>,
        %add3A_132 = arith.addf %gather3A, %gather3A_131 : vector<16xf32>
        %mul3A_133 = arith.constant 2.000000e-01 : f32
        %mul3A_134 = vector.broadcast %mul3A_133 : f32 to vector<16xf32>
        %mul3A_135 = arith.mulf %mul3A_134, %add3A_132 : vector<16xf32>
        %max3A = arith.maximumf %add3A_132, %mul3A_135 : vector<16xf32>
        %exp3A = math.exp %max3A : vector<16xf32>
        %add3A_136 = arith.constant 64 : i32
        %add3A_137 = vector.broadcast %add3A_136 : i32 to vector<16xi32>
        %add3A_138 = arith.addi %broadcast_in_dim3A_127, %add3A_137 : vector<16xi32>
        tpu.vector_store_idx %arg14[%add3A_126, %add3A_138], %exp3A : memref<192x72xf32, #tpu.memory_space<vmem>>[vector<16xi32>, vector<16xi32>], vector<16xf32>,
        %broadcast_in_dim3A_139 = arith.constant 1 : i32
        %broadcast_in_dim3A_140 = vector.broadcast %broadcast_in_dim3A_139 : i32 to vector<16xi32>
        %add3A_141 = arith.constant 64 : i32
        %add3A_142 = vector.broadcast %add3A_141 : i32 to vector<16xi32>
        %add3A_143 = arith.addi %broadcast_in_dim3A_140, %add3A_142 : vector<16xi32>
        %gather3A_144 = tpu.vector_load_idx %arg10[%add3A_126, %add3A_143] : memref<192x72xf32, #tpu.memory_space<vmem>>[vector<16xi32>, vector<16xi32>], vector<16xf32>,
        %gather3A_145 = tpu.vector_load_idx %arg12[%add3A_126, %broadcast_in_dim3A_140] : memref<192x8xf32, #tpu.memory_space<vmem>>[vector<16xi32>, vector<16xi32>], vector<16xf32>,
        %add3A_146 = arith.addf %gather3A_144, %gather3A_145 : vector<16xf32>
        %mul3A_147 = arith.constant 2.000000e-01 : f32
        %mul3A_148 = vector.broadcast %mul3A_147 : f32 to vector<16xf32>
        %mul3A_149 = arith.mulf %mul3A_148, %add3A_146 : vector<16xf32>
        %max3A_150 = arith.maximumf %add3A_146, %mul3A_149 : vector<16xf32>
        %exp3A_151 = math.exp %max3A_150 : vector<16xf32>
        %add3A_152 = arith.constant 64 : i32
        %add3A_153 = vector.broadcast %add3A_152 : i32 to vector<16xi32>
        %add3A_154 = arith.addi %broadcast_in_dim3A_140, %add3A_153 : vector<16xi32>
        tpu.vector_store_idx %arg14[%add3A_126, %add3A_154], %exp3A_151 : memref<192x72xf32, #tpu.memory_space<vmem>>[vector<16xi32>, vector<16xi32>], vector<16xf32>,
        %broadcast_in_dim3A_155 = arith.constant 2 : i32
        %broadcast_in_dim3A_156 = vector.broadcast %broadcast_in_dim3A_155 : i32 to vector<16xi32>
        %add3A_157 = arith.constant 64 : i32
        %add3A_158 = vector.broadcast %add3A_157 : i32 to vector<16xi32>
        %add3A_159 = arith.addi %broadcast_in_dim3A_156, %add3A_158 : vector<16xi32>
        %gather3A_160 = tpu.vector_load_idx %arg10[%add3A_126, %add3A_159] : memref<192x72xf32, #tpu.memory_space<vmem>>[vector<16xi32>, vector<16xi32>], vector<16xf32>,
        %gather3A_161 = tpu.vector_load_idx %arg12[%add3A_126, %broadcast_in_dim3A_156] : memref<192x8xf32, #tpu.memory_space<vmem>>[vector<16xi32>, vector<16xi32>], vector<16xf32>,
        %add3A_162 = arith.addf %gather3A_160, %gather3A_161 : vector<16xf32>
        %mul3A_163 = arith.constant 2.000000e-01 : f32
        %mul3A_164 = vector.broadcast %mul3A_163 : f32 to vector<16xf32>
        %mul3A_165 = arith.mulf %mul3A_164, %add3A_162 : vector<16xf32>
        %max3A_166 = arith.maximumf %add3A_162, %mul3A_165 : vector<16xf32>
        %exp3A_167 = math.exp %max3A_166 : vector<16xf32>
        %add3A_168 = arith.constant 64 : i32
        %add3A_169 = vector.broadcast %add3A_168 : i32 to vector<16xi32>
        %add3A_170 = arith.addi %broadcast_in_dim3A_156, %add3A_169 : vector<16xi32>
        tpu.vector_store_idx %arg14[%add3A_126, %add3A_170], %exp3A_167 : memref<192x72xf32, #tpu.memory_space<vmem>>[vector<16xi32>, vector<16xi32>], vector<16xf32>,
        %broadcast_in_dim3A_171 = arith.constant 3 : i32
        %broadcast_in_dim3A_172 = vector.broadcast %broadcast_in_dim3A_171 : i32 to vector<16xi32>
        %add3A_173 = arith.constant 64 : i32
        %add3A_174 = vector.broadcast %add3A_173 : i32 to vector<16xi32>
        %add3A_175 = arith.addi %broadcast_in_dim3A_172, %add3A_174 : vector<16xi32>
        %gather3A_176 = tpu.vector_load_idx %arg10[%add3A_126, %add3A_175] : memref<192x72xf32, #tpu.memory_space<vmem>>[vector<16xi32>, vector<16xi32>], vector<16xf32>,
        %gather3A_177 = tpu.vector_load_idx %arg12[%add3A_126, %broadcast_in_dim3A_172] : memref<192x8xf32, #tpu.memory_space<vmem>>[vector<16xi32>, vector<16xi32>], vector<16xf32>,
        %add3A_178 = arith.addf %gather3A_176, %gather3A_177 : vector<16xf32>
        %mul3A_179 = arith.constant 2.000000e-01 : f32
        %mul3A_180 = vector.broadcast %mul3A_179 : f32 to vector<16xf32>
        %mul3A_181 = arith.mulf %mul3A_180, %add3A_178 : vector<16xf32>
        %max3A_182 = arith.maximumf %add3A_178, %mul3A_181 : vector<16xf32>
        %exp3A_183 = math.exp %max3A_182 : vector<16xf32>
        %add3A_184 = arith.constant 64 : i32
        %add3A_185 = vector.broadcast %add3A_184 : i32 to vector<16xi32>
        %add3A_186 = arith.addi %broadcast_in_dim3A_172, %add3A_185 : vector<16xi32>
        tpu.vector_store_idx %arg14[%add3A_126, %add3A_186], %exp3A_183 : memref<192x72xf32, #tpu.memory_space<vmem>>[vector<16xi32>, vector<16xi32>], vector<16xf32>,
        %broadcast_in_dim3A_187 = arith.constant 4 : i32
        %broadcast_in_dim3A_188 = vector.broadcast %broadcast_in_dim3A_187 : i32 to vector<16xi32>
        %add3A_189 = arith.constant 64 : i32
        %add3A_190 = vector.broadcast %add3A_189 : i32 to vector<16xi32>
        %add3A_191 = arith.addi %broadcast_in_dim3A_188, %add3A_190 : vector<16xi32>
        %gather3A_192 = tpu.vector_load_idx %arg10[%add3A_126, %add3A_191] : memref<192x72xf32, #tpu.memory_space<vmem>>[vector<16xi32>, vector<16xi32>], vector<16xf32>,
        %gather3A_193 = tpu.vector_load_idx %arg12[%add3A_126, %broadcast_in_dim3A_188] : memref<192x8xf32, #tpu.memory_space<vmem>>[vector<16xi32>, vector<16xi32>], vector<16xf32>,
        %add3A_194 = arith.addf %gather3A_192, %gather3A_193 : vector<16xf32>
        %mul3A_195 = arith.constant 2.000000e-01 : f32
        %mul3A_196 = vector.broadcast %mul3A_195 : f32 to vector<16xf32>
        %mul3A_197 = arith.mulf %mul3A_196, %add3A_194 : vector<16xf32>
        %max3A_198 = arith.maximumf %add3A_194, %mul3A_197 : vector<16xf32>
        %exp3A_199 = math.exp %max3A_198 : vector<16xf32>
        %add3A_200 = arith.constant 64 : i32
        %add3A_201 = vector.broadcast %add3A_200 : i32 to vector<16xi32>
        %add3A_202 = arith.addi %broadcast_in_dim3A_188, %add3A_201 : vector<16xi32>
        tpu.vector_store_idx %arg14[%add3A_126, %add3A_202], %exp3A_199 : memref<192x72xf32, #tpu.memory_space<vmem>>[vector<16xi32>, vector<16xi32>], vector<16xf32>,
        %broadcast_in_dim3A_203 = arith.constant 5 : i32
        %broadcast_in_dim3A_204 = vector.broadcast %broadcast_in_dim3A_203 : i32 to vector<16xi32>
        %add3A_205 = arith.constant 64 : i32
        %add3A_206 = vector.broadcast %add3A_205 : i32 to vector<16xi32>
        %add3A_207 = arith.addi %broadcast_in_dim3A_204, %add3A_206 : vector<16xi32>
        %gather3A_208 = tpu.vector_load_idx %arg10[%add3A_126, %add3A_207] : memref<192x72xf32, #tpu.memory_space<vmem>>[vector<16xi32>, vector<16xi32>], vector<16xf32>,
        %gather3A_209 = tpu.vector_load_idx %arg12[%add3A_126, %broadcast_in_dim3A_204] : memref<192x8xf32, #tpu.memory_space<vmem>>[vector<16xi32>, vector<16xi32>], vector<16xf32>,
        %add3A_210 = arith.addf %gather3A_208, %gather3A_209 : vector<16xf32>
        %mul3A_211 = arith.constant 2.000000e-01 : f32
        %mul3A_212 = vector.broadcast %mul3A_211 : f32 to vector<16xf32>
        %mul3A_213 = arith.mulf %mul3A_212, %add3A_210 : vector<16xf32>
        %max3A_214 = arith.maximumf %add3A_210, %mul3A_213 : vector<16xf32>
        %exp3A_215 = math.exp %max3A_214 : vector<16xf32>
        %add3A_216 = arith.constant 64 : i32
        %add3A_217 = vector.broadcast %add3A_216 : i32 to vector<16xi32>
        %add3A_218 = arith.addi %broadcast_in_dim3A_204, %add3A_217 : vector<16xi32>
        tpu.vector_store_idx %arg14[%add3A_126, %add3A_218], %exp3A_215 : memref<192x72xf32, #tpu.memory_space<vmem>>[vector<16xi32>, vector<16xi32>], vector<16xf32>,
        %broadcast_in_dim3A_219 = arith.constant 6 : i32
        %broadcast_in_dim3A_220 = vector.broadcast %broadcast_in_dim3A_219 : i32 to vector<16xi32>
        %add3A_221 = arith.constant 64 : i32
        %add3A_222 = vector.broadcast %add3A_221 : i32 to vector<16xi32>
        %add3A_223 = arith.addi %broadcast_in_dim3A_220, %add3A_222 : vector<16xi32>
        %gather3A_224 = tpu.vector_load_idx %arg10[%add3A_126, %add3A_223] : memref<192x72xf32, #tpu.memory_space<vmem>>[vector<16xi32>, vector<16xi32>], vector<16xf32>,
        %gather3A_225 = tpu.vector_load_idx %arg12[%add3A_126, %broadcast_in_dim3A_220] : memref<192x8xf32, #tpu.memory_space<vmem>>[vector<16xi32>, vector<16xi32>], vector<16xf32>,
        %add3A_226 = arith.addf %gather3A_224, %gather3A_225 : vector<16xf32>
        %mul3A_227 = arith.constant 2.000000e-01 : f32
        %mul3A_228 = vector.broadcast %mul3A_227 : f32 to vector<16xf32>
        %mul3A_229 = arith.mulf %mul3A_228, %add3A_226 : vector<16xf32>
        %max3A_230 = arith.maximumf %add3A_226, %mul3A_229 : vector<16xf32>
        %exp3A_231 = math.exp %max3A_230 : vector<16xf32>
        %add3A_232 = arith.constant 64 : i32
        %add3A_233 = vector.broadcast %add3A_232 : i32 to vector<16xi32>
        %add3A_234 = arith.addi %broadcast_in_dim3A_220, %add3A_233 : vector<16xi32>
        tpu.vector_store_idx %arg14[%add3A_126, %add3A_234], %exp3A_231 : memref<192x72xf32, #tpu.memory_space<vmem>>[vector<16xi32>, vector<16xi32>], vector<16xf32>,
        %broadcast_in_dim3A_235 = arith.constant 7 : i32
        %broadcast_in_dim3A_236 = vector.broadcast %broadcast_in_dim3A_235 : i32 to vector<16xi32>
        %add3A_237 = arith.constant 64 : i32
        %add3A_238 = vector.broadcast %add3A_237 : i32 to vector<16xi32>
        %add3A_239 = arith.addi %broadcast_in_dim3A_236, %add3A_238 : vector<16xi32>
        %gather3A_240 = tpu.vector_load_idx %arg10[%add3A_126, %add3A_239] : memref<192x72xf32, #tpu.memory_space<vmem>>[vector<16xi32>, vector<16xi32>], vector<16xf32>,
        %gather3A_241 = tpu.vector_load_idx %arg12[%add3A_126, %broadcast_in_dim3A_236] : memref<192x8xf32, #tpu.memory_space<vmem>>[vector<16xi32>, vector<16xi32>], vector<16xf32>,
        %add3A_242 = arith.addf %gather3A_240, %gather3A_241 : vector<16xf32>
        %mul3A_243 = arith.constant 2.000000e-01 : f32
        %mul3A_244 = vector.broadcast %mul3A_243 : f32 to vector<16xf32>
        %mul3A_245 = arith.mulf %mul3A_244, %add3A_242 : vector<16xf32>
        %max3A_246 = arith.maximumf %add3A_242, %mul3A_245 : vector<16xf32>
        %exp3A_247 = math.exp %max3A_246 : vector<16xf32>
        %add3A_248 = arith.constant 64 : i32
        %add3A_249 = vector.broadcast %add3A_248 : i32 to vector<16xi32>
        %add3A_250 = arith.addi %broadcast_in_dim3A_236, %add3A_249 : vector<16xi32>
        tpu.vector_store_idx %arg14[%add3A_126, %add3A_250], %exp3A_247 : memref<192x72xf32, #tpu.memory_space<vmem>>[vector<16xi32>, vector<16xi32>], vector<16xf32>,
        %broadcast_in_dim3A_251 = arith.constant 0 : i32
        %broadcast_in_dim3A_252 = vector.broadcast %broadcast_in_dim3A_251 : i32 to vector<16xi32>
        %gather3A_253 = tpu.vector_load_idx %arg10[%add3A_126, %broadcast_in_dim3A_252] : memref<192x72xf32, #tpu.memory_space<vmem>>[vector<16xi32>, vector<16xi32>], vector<16xf32>,
        %mul3A_254 = arith.mulf %gather3A_253, %exp3A : vector<16xf32>
        tpu.vector_store_idx %arg14[%add3A_126, %broadcast_in_dim3A_252], %mul3A_254 : memref<192x72xf32, #tpu.memory_space<vmem>>[vector<16xi32>, vector<16xi32>], vector<16xf32>,
        %broadcast_in_dim3A_255 = arith.constant 1 : i32
        %broadcast_in_dim3A_256 = vector.broadcast %broadcast_in_dim3A_255 : i32 to vector<16xi32>
        %gather3A_257 = tpu.vector_load_idx %arg10[%add3A_126, %broadcast_in_dim3A_256] : memref<192x72xf32, #tpu.memory_space<vmem>>[vector<16xi32>, vector<16xi32>], vector<16xf32>,
        %mul3A_258 = arith.mulf %gather3A_257, %exp3A : vector<16xf32>
        tpu.vector_store_idx %arg14[%add3A_126, %broadcast_in_dim3A_256], %mul3A_258 : memref<192x72xf32, #tpu.memory_space<vmem>>[vector<16xi32>, vector<16xi32>], vector<16xf32>,
        %broadcast_in_dim3A_259 = arith.constant 2 : i32
        %broadcast_in_dim3A_260 = vector.broadcast %broadcast_in_dim3A_259 : i32 to vector<16xi32>
        %gather3A_261 = tpu.vector_load_idx %arg10[%add3A_126, %broadcast_in_dim3A_260] : memref<192x72xf32, #tpu.memory_space<vmem>>[vector<16xi32>, vector<16xi32>], vector<16xf32>,
        %mul3A_262 = arith.mulf %gather3A_261, %exp3A : vector<16xf32>
        tpu.vector_store_idx %arg14[%add3A_126, %broadcast_in_dim3A_260], %mul3A_262 : memref<192x72xf32, #tpu.memory_space<vmem>>[vector<16xi32>, vector<16xi32>], vector<16xf32>,
        %broadcast_in_dim3A_263 = arith.constant 3 : i32
        %broadcast_in_dim3A_264 = vector.broadcast %broadcast_in_dim3A_263 : i32 to vector<16xi32>
        %gather3A_265 = tpu.vector_load_idx %arg10[%add3A_126, %broadcast_in_dim3A_264] : memref<192x72xf32, #tpu.memory_space<vmem>>[vector<16xi32>, vector<16xi32>], vector<16xf32>,
        %mul3A_266 = arith.mulf %gather3A_265, %exp3A : vector<16xf32>
        tpu.vector_store_idx %arg14[%add3A_126, %broadcast_in_dim3A_264], %mul3A_266 : memref<192x72xf32, #tpu.memory_space<vmem>>[vector<16xi32>, vector<16xi32>], vector<16xf32>,
        %broadcast_in_dim3A_267 = arith.constant 4 : i32
        %broadcast_in_dim3A_268 = vector.broadcast %broadcast_in_dim3A_267 : i32 to vector<16xi32>
        %gather3A_269 = tpu.vector_load_idx %arg10[%add3A_126, %broadcast_in_dim3A_268] : memref<192x72xf32, #tpu.memory_space<vmem>>[vector<16xi32>, vector<16xi32>], vector<16xf32>,
        %mul3A_270 = arith.mulf %gather3A_269, %exp3A : vector<16xf32>
        tpu.vector_store_idx %arg14[%add3A_126, %broadcast_in_dim3A_268], %mul3A_270 : memref<192x72xf32, #tpu.memory_space<vmem>>[vector<16xi32>, vector<16xi32>], vector<16xf32>,
        %broadcast_in_dim3A_271 = arith.constant 5 : i32
        %broadcast_in_dim3A_272 = vector.broadcast %broadcast_in_dim3A_271 : i32 to vector<16xi32>
        %gather3A_273 = tpu.vector_load_idx %arg10[%add3A_126, %broadcast_in_dim3A_272] : memref<192x72xf32, #tpu.memory_space<vmem>>[vector<16xi32>, vector<16xi32>], vector<16xf32>,
        %mul3A_274 = arith.mulf %gather3A_273, %exp3A : vector<16xf32>
        tpu.vector_store_idx %arg14[%add3A_126, %broadcast_in_dim3A_272], %mul3A_274 : memref<192x72xf32, #tpu.memory_space<vmem>>[vector<16xi32>, vector<16xi32>], vector<16xf32>,
        %broadcast_in_dim3A_275 = arith.constant 6 : i32
        %broadcast_in_dim3A_276 = vector.broadcast %broadcast_in_dim3A_275 : i32 to vector<16xi32>
        %gather3A_277 = tpu.vector_load_idx %arg10[%add3A_126, %broadcast_in_dim3A_276] : memref<192x72xf32, #tpu.memory_space<vmem>>[vector<16xi32>, vector<16xi32>], vector<16xf32>,
        %mul3A_278 = arith.mulf %gather3A_277, %exp3A : vector<16xf32>
        tpu.vector_store_idx %arg14[%add3A_126, %broadcast_in_dim3A_276], %mul3A_278 : memref<192x72xf32, #tpu.memory_space<vmem>>[vector<16xi32>, vector<16xi32>], vector<16xf32>,
        %broadcast_in_dim3A_279 = arith.constant 7 : i32
        %broadcast_in_dim3A_280 = vector.broadcast %broadcast_in_dim3A_279 : i32 to vector<16xi32>
        %gather3A_281 = tpu.vector_load_idx %arg10[%add3A_126, %broadcast_in_dim3A_280] : memref<192x72xf32, #tpu.memory_space<vmem>>[vector<16xi32>, vector<16xi32>], vector<16xf32>,
        %mul3A_282 = arith.mulf %gather3A_281, %exp3A : vector<16xf32>
        tpu.vector_store_idx %arg14[%add3A_126, %broadcast_in_dim3A_280], %mul3A_282 : memref<192x72xf32, #tpu.memory_space<vmem>>[vector<16xi32>, vector<16xi32>], vector<16xf32>,
        %broadcast_in_dim3A_283 = arith.constant 8 : i32
        %broadcast_in_dim3A_284 = vector.broadcast %broadcast_in_dim3A_283 : i32 to vector<16xi32>
        %gather3A_285 = tpu.vector_load_idx %arg10[%add3A_126, %broadcast_in_dim3A_284] : memref<192x72xf32, #tpu.memory_space<vmem>>[vector<16xi32>, vector<16xi32>], vector<16xf32>,
        %mul3A_286 = arith.mulf %gather3A_285, %exp3A_151 : vector<16xf32>
        tpu.vector_store_idx %arg14[%add3A_126, %broadcast_in_dim3A_284], %mul3A_286 : memref<192x72xf32, #tpu.memory_space<vmem>>[vector<16xi32>, vector<16xi32>], vector<16xf32>,
        %broadcast_in_dim3A_287 = arith.constant 9 : i32
        %broadcast_in_dim3A_288 = vector.broadcast %broadcast_in_dim3A_287 : i32 to vector<16xi32>
        %gather3A_289 = tpu.vector_load_idx %arg10[%add3A_126, %broadcast_in_dim3A_288] : memref<192x72xf32, #tpu.memory_space<vmem>>[vector<16xi32>, vector<16xi32>], vector<16xf32>,
        %mul3A_290 = arith.mulf %gather3A_289, %exp3A_151 : vector<16xf32>
        tpu.vector_store_idx %arg14[%add3A_126, %broadcast_in_dim3A_288], %mul3A_290 : memref<192x72xf32, #tpu.memory_space<vmem>>[vector<16xi32>, vector<16xi32>], vector<16xf32>,
        %broadcast_in_dim3A_291 = arith.constant 10 : i32
        %broadcast_in_dim3A_292 = vector.broadcast %broadcast_in_dim3A_291 : i32 to vector<16xi32>
        %gather3A_293 = tpu.vector_load_idx %arg10[%add3A_126, %broadcast_in_dim3A_292] : memref<192x72xf32, #tpu.memory_space<vmem>>[vector<16xi32>, vector<16xi32>], vector<16xf32>,
        %mul3A_294 = arith.mulf %gather3A_293, %exp3A_151 : vector<16xf32>
        tpu.vector_store_idx %arg14[%add3A_126, %broadcast_in_dim3A_292], %mul3A_294 : memref<192x72xf32, #tpu.memory_space<vmem>>[vector<16xi32>, vector<16xi32>], vector<16xf32>,
        %broadcast_in_dim3A_295 = arith.constant 11 : i32
        %broadcast_in_dim3A_296 = vector.broadcast %broadcast_in_dim3A_295 : i32 to vector<16xi32>
        %gather3A_297 = tpu.vector_load_idx %arg10[%add3A_126, %broadcast_in_dim3A_296] : memref<192x72xf32, #tpu.memory_space<vmem>>[vector<16xi32>, vector<16xi32>], vector<16xf32>,
        %mul3A_298 = arith.mulf %gather3A_297, %exp3A_151 : vector<16xf32>
        tpu.vector_store_idx %arg14[%add3A_126, %broadcast_in_dim3A_296], %mul3A_298 : memref<192x72xf32, #tpu.memory_space<vmem>>[vector<16xi32>, vector<16xi32>], vector<16xf32>,
        %broadcast_in_dim3A_299 = arith.constant 12 : i32
        %broadcast_in_dim3A_300 = vector.broadcast %broadcast_in_dim3A_299 : i32 to vector<16xi32>
        %gather3A_301 = tpu.vector_load_idx %arg10[%add3A_126, %broadcast_in_dim3A_300] : memref<192x72xf32, #tpu.memory_space<vmem>>[vector<16xi32>, vector<16xi32>], vector<16xf32>,
        %mul3A_302 = arith.mulf %gather3A_301, %exp3A_151 : vector<16xf32>
        tpu.vector_store_idx %arg14[%add3A_126, %broadcast_in_dim3A_300], %mul3A_302 : memref<192x72xf32, #tpu.memory_space<vmem>>[vector<16xi32>, vector<16xi32>], vector<16xf32>,
        %broadcast_in_dim3A_303 = arith.constant 13 : i32
        %broadcast_in_dim3A_304 = vector.broadcast %broadcast_in_dim3A_303 : i32 to vector<16xi32>
        %gather3A_305 = tpu.vector_load_idx %arg10[%add3A_126, %broadcast_in_dim3A_304] : memref<192x72xf32, #tpu.memory_space<vmem>>[vector<16xi32>, vector<16xi32>], vector<16xf32>,
        %mul3A_306 = arith.mulf %gather3A_305, %exp3A_151 : vector<16xf32>
        tpu.vector_store_idx %arg14[%add3A_126, %broadcast_in_dim3A_304], %mul3A_306 : memref<192x72xf32, #tpu.memory_space<vmem>>[vector<16xi32>, vector<16xi32>], vector<16xf32>,
        %broadcast_in_dim3A_307 = arith.constant 14 : i32
        %broadcast_in_dim3A_308 = vector.broadcast %broadcast_in_dim3A_307 : i32 to vector<16xi32>
        %gather3A_309 = tpu.vector_load_idx %arg10[%add3A_126, %broadcast_in_dim3A_308] : memref<192x72xf32, #tpu.memory_space<vmem>>[vector<16xi32>, vector<16xi32>], vector<16xf32>,
        %mul3A_310 = arith.mulf %gather3A_309, %exp3A_151 : vector<16xf32>
        tpu.vector_store_idx %arg14[%add3A_126, %broadcast_in_dim3A_308], %mul3A_310 : memref<192x72xf32, #tpu.memory_space<vmem>>[vector<16xi32>, vector<16xi32>], vector<16xf32>,
        %broadcast_in_dim3A_311 = arith.constant 15 : i32
        %broadcast_in_dim3A_312 = vector.broadcast %broadcast_in_dim3A_311 : i32 to vector<16xi32>
        %gather3A_313 = tpu.vector_load_idx %arg10[%add3A_126, %broadcast_in_dim3A_312] : memref<192x72xf32, #tpu.memory_space<vmem>>[vector<16xi32>, vector<16xi32>], vector<16xf32>,
        %mul3A_314 = arith.mulf %gather3A_313, %exp3A_151 : vector<16xf32>
        tpu.vector_store_idx %arg14[%add3A_126, %broadcast_in_dim3A_312], %mul3A_314 : memref<192x72xf32, #tpu.memory_space<vmem>>[vector<16xi32>, vector<16xi32>], vector<16xf32>,
        %broadcast_in_dim3A_315 = arith.constant 16 : i32
        %broadcast_in_dim3A_316 = vector.broadcast %broadcast_in_dim3A_315 : i32 to vector<16xi32>
        %gather3A_317 = tpu.vector_load_idx %arg10[%add3A_126, %broadcast_in_dim3A_316] : memref<192x72xf32, #tpu.memory_space<vmem>>[vector<16xi32>, vector<16xi32>], vector<16xf32>,
        %mul3A_318 = arith.mulf %gather3A_317, %exp3A_167 : vector<16xf32>
        tpu.vector_store_idx %arg14[%add3A_126, %broadcast_in_dim3A_316], %mul3A_318 : memref<192x72xf32, #tpu.memory_space<vmem>>[vector<16xi32>, vector<16xi32>], vector<16xf32>,
        %broadcast_in_dim3A_319 = arith.constant 17 : i32
        %broadcast_in_dim3A_320 = vector.broadcast %broadcast_in_dim3A_319 : i32 to vector<16xi32>
        %gather3A_321 = tpu.vector_load_idx %arg10[%add3A_126, %broadcast_in_dim3A_320] : memref<192x72xf32, #tpu.memory_space<vmem>>[vector<16xi32>, vector<16xi32>], vector<16xf32>,
        %mul3A_322 = arith.mulf %gather3A_321, %exp3A_167 : vector<16xf32>
        tpu.vector_store_idx %arg14[%add3A_126, %broadcast_in_dim3A_320], %mul3A_322 : memref<192x72xf32, #tpu.memory_space<vmem>>[vector<16xi32>, vector<16xi32>], vector<16xf32>,
        %broadcast_in_dim3A_323 = arith.constant 18 : i32
        %broadcast_in_dim3A_324 = vector.broadcast %broadcast_in_dim3A_323 : i32 to vector<16xi32>
        %gather3A_325 = tpu.vector_load_idx %arg10[%add3A_126, %broadcast_in_dim3A_324] : memref<192x72xf32, #tpu.memory_space<vmem>>[vector<16xi32>, vector<16xi32>], vector<16xf32>,
        %mul3A_326 = arith.mulf %gather3A_325, %exp3A_167 : vector<16xf32>
        tpu.vector_store_idx %arg14[%add3A_126, %broadcast_in_dim3A_324], %mul3A_326 : memref<192x72xf32, #tpu.memory_space<vmem>>[vector<16xi32>, vector<16xi32>], vector<16xf32>,
        %broadcast_in_dim3A_327 = arith.constant 19 : i32
        %broadcast_in_dim3A_328 = vector.broadcast %broadcast_in_dim3A_327 : i32 to vector<16xi32>
        %gather3A_329 = tpu.vector_load_idx %arg10[%add3A_126, %broadcast_in_dim3A_328] : memref<192x72xf32, #tpu.memory_space<vmem>>[vector<16xi32>, vector<16xi32>], vector<16xf32>,
        %mul3A_330 = arith.mulf %gather3A_329, %exp3A_167 : vector<16xf32>
        tpu.vector_store_idx %arg14[%add3A_126, %broadcast_in_dim3A_328], %mul3A_330 : memref<192x72xf32, #tpu.memory_space<vmem>>[vector<16xi32>, vector<16xi32>], vector<16xf32>,
        %broadcast_in_dim3A_331 = arith.constant 20 : i32
        %broadcast_in_dim3A_332 = vector.broadcast %broadcast_in_dim3A_331 : i32 to vector<16xi32>
        %gather3A_333 = tpu.vector_load_idx %arg10[%add3A_126, %broadcast_in_dim3A_332] : memref<192x72xf32, #tpu.memory_space<vmem>>[vector<16xi32>, vector<16xi32>], vector<16xf32>,
        %mul3A_334 = arith.mulf %gather3A_333, %exp3A_167 : vector<16xf32>
        tpu.vector_store_idx %arg14[%add3A_126, %broadcast_in_dim3A_332], %mul3A_334 : memref<192x72xf32, #tpu.memory_space<vmem>>[vector<16xi32>, vector<16xi32>], vector<16xf32>,
        %broadcast_in_dim3A_335 = arith.constant 21 : i32
        %broadcast_in_dim3A_336 = vector.broadcast %broadcast_in_dim3A_335 : i32 to vector<16xi32>
        %gather3A_337 = tpu.vector_load_idx %arg10[%add3A_126, %broadcast_in_dim3A_336] : memref<192x72xf32, #tpu.memory_space<vmem>>[vector<16xi32>, vector<16xi32>], vector<16xf32>,
        %mul3A_338 = arith.mulf %gather3A_337, %exp3A_167 : vector<16xf32>
        tpu.vector_store_idx %arg14[%add3A_126, %broadcast_in_dim3A_336], %mul3A_338 : memref<192x72xf32, #tpu.memory_space<vmem>>[vector<16xi32>, vector<16xi32>], vector<16xf32>,
        %broadcast_in_dim3A_339 = arith.constant 22 : i32
        %broadcast_in_dim3A_340 = vector.broadcast %broadcast_in_dim3A_339 : i32 to vector<16xi32>
        %gather3A_341 = tpu.vector_load_idx %arg10[%add3A_126, %broadcast_in_dim3A_340] : memref<192x72xf32, #tpu.memory_space<vmem>>[vector<16xi32>, vector<16xi32>], vector<16xf32>,
        %mul3A_342 = arith.mulf %gather3A_341, %exp3A_167 : vector<16xf32>
        tpu.vector_store_idx %arg14[%add3A_126, %broadcast_in_dim3A_340], %mul3A_342 : memref<192x72xf32, #tpu.memory_space<vmem>>[vector<16xi32>, vector<16xi32>], vector<16xf32>,
        %broadcast_in_dim3A_343 = arith.constant 23 : i32
        %broadcast_in_dim3A_344 = vector.broadcast %broadcast_in_dim3A_343 : i32 to vector<16xi32>
        %gather3A_345 = tpu.vector_load_idx %arg10[%add3A_126, %broadcast_in_dim3A_344] : memref<192x72xf32, #tpu.memory_space<vmem>>[vector<16xi32>, vector<16xi32>], vector<16xf32>,
        %mul3A_346 = arith.mulf %gather3A_345, %exp3A_167 : vector<16xf32>
        tpu.vector_store_idx %arg14[%add3A_126, %broadcast_in_dim3A_344], %mul3A_346 : memref<192x72xf32, #tpu.memory_space<vmem>>[vector<16xi32>, vector<16xi32>], vector<16xf32>,
        %broadcast_in_dim3A_347 = arith.constant 24 : i32
        %broadcast_in_dim3A_348 = vector.broadcast %broadcast_in_dim3A_347 : i32 to vector<16xi32>
        %gather3A_349 = tpu.vector_load_idx %arg10[%add3A_126, %broadcast_in_dim3A_348] : memref<192x72xf32, #tpu.memory_space<vmem>>[vector<16xi32>, vector<16xi32>], vector<16xf32>,
        %mul3A_350 = arith.mulf %gather3A_349, %exp3A_183 : vector<16xf32>
        tpu.vector_store_idx %arg14[%add3A_126, %broadcast_in_dim3A_348], %mul3A_350 : memref<192x72xf32, #tpu.memory_space<vmem>>[vector<16xi32>, vector<16xi32>], vector<16xf32>,
        %broadcast_in_dim3A_351 = arith.constant 25 : i32
        %broadcast_in_dim3A_352 = vector.broadcast %broadcast_in_dim3A_351 : i32 to vector<16xi32>
        %gather3A_353 = tpu.vector_load_idx %arg10[%add3A_126, %broadcast_in_dim3A_352] : memref<192x72xf32, #tpu.memory_space<vmem>>[vector<16xi32>, vector<16xi32>], vector<16xf32>,
        %mul3A_354 = arith.mulf %gather3A_353, %exp3A_183 : vector<16xf32>
        tpu.vector_store_idx %arg14[%add3A_126, %broadcast_in_dim3A_352], %mul3A_354 : memref<192x72xf32, #tpu.memory_space<vmem>>[vector<16xi32>, vector<16xi32>], vector<16xf32>,
        %broadcast_in_dim3A_355 = arith.constant 26 : i32
        %broadcast_in_dim3A_356 = vector.broadcast %broadcast_in_dim3A_355 : i32 to vector<16xi32>
        %gather3A_357 = tpu.vector_load_idx %arg10[%add3A_126, %broadcast_in_dim3A_356] : memref<192x72xf32, #tpu.memory_space<vmem>>[vector<16xi32>, vector<16xi32>], vector<16xf32>,
        %mul3A_358 = arith.mulf %gather3A_357, %exp3A_183 : vector<16xf32>
        tpu.vector_store_idx %arg14[%add3A_126, %broadcast_in_dim3A_356], %mul3A_358 : memref<192x72xf32, #tpu.memory_space<vmem>>[vector<16xi32>, vector<16xi32>], vector<16xf32>,
        %broadcast_in_dim3A_359 = arith.constant 27 : i32
        %broadcast_in_dim3A_360 = vector.broadcast %broadcast_in_dim3A_359 : i32 to vector<16xi32>
        %gather3A_361 = tpu.vector_load_idx %arg10[%add3A_126, %broadcast_in_dim3A_360] : memref<192x72xf32, #tpu.memory_space<vmem>>[vector<16xi32>, vector<16xi32>], vector<16xf32>,
        %mul3A_362 = arith.mulf %gather3A_361, %exp3A_183 : vector<16xf32>
        tpu.vector_store_idx %arg14[%add3A_126, %broadcast_in_dim3A_360], %mul3A_362 : memref<192x72xf32, #tpu.memory_space<vmem>>[vector<16xi32>, vector<16xi32>], vector<16xf32>,
        %broadcast_in_dim3A_363 = arith.constant 28 : i32
        %broadcast_in_dim3A_364 = vector.broadcast %broadcast_in_dim3A_363 : i32 to vector<16xi32>
        %gather3A_365 = tpu.vector_load_idx %arg10[%add3A_126, %broadcast_in_dim3A_364] : memref<192x72xf32, #tpu.memory_space<vmem>>[vector<16xi32>, vector<16xi32>], vector<16xf32>,
        %mul3A_366 = arith.mulf %gather3A_365, %exp3A_183 : vector<16xf32>
        tpu.vector_store_idx %arg14[%add3A_126, %broadcast_in_dim3A_364], %mul3A_366 : memref<192x72xf32, #tpu.memory_space<vmem>>[vector<16xi32>, vector<16xi32>], vector<16xf32>,
        %broadcast_in_dim3A_367 = arith.constant 29 : i32
        %broadcast_in_dim3A_368 = vector.broadcast %broadcast_in_dim3A_367 : i32 to vector<16xi32>
        %gather3A_369 = tpu.vector_load_idx %arg10[%add3A_126, %broadcast_in_dim3A_368] : memref<192x72xf32, #tpu.memory_space<vmem>>[vector<16xi32>, vector<16xi32>], vector<16xf32>,
        %mul3A_370 = arith.mulf %gather3A_369, %exp3A_183 : vector<16xf32>
        tpu.vector_store_idx %arg14[%add3A_126, %broadcast_in_dim3A_368], %mul3A_370 : memref<192x72xf32, #tpu.memory_space<vmem>>[vector<16xi32>, vector<16xi32>], vector<16xf32>,
        %broadcast_in_dim3A_371 = arith.constant 30 : i32
        %broadcast_in_dim3A_372 = vector.broadcast %broadcast_in_dim3A_371 : i32 to vector<16xi32>
        %gather3A_373 = tpu.vector_load_idx %arg10[%add3A_126, %broadcast_in_dim3A_372] : memref<192x72xf32, #tpu.memory_space<vmem>>[vector<16xi32>, vector<16xi32>], vector<16xf32>,
        %mul3A_374 = arith.mulf %gather3A_373, %exp3A_183 : vector<16xf32>
        tpu.vector_store_idx %arg14[%add3A_126, %broadcast_in_dim3A_372], %mul3A_374 : memref<192x72xf32, #tpu.memory_space<vmem>>[vector<16xi32>, vector<16xi32>], vector<16xf32>,
        %broadcast_in_dim3A_375 = arith.constant 31 : i32
        %broadcast_in_dim3A_376 = vector.broadcast %broadcast_in_dim3A_375 : i32 to vector<16xi32>
        %gather3A_377 = tpu.vector_load_idx %arg10[%add3A_126, %broadcast_in_dim3A_376] : memref<192x72xf32, #tpu.memory_space<vmem>>[vector<16xi32>, vector<16xi32>], vector<16xf32>,
        %mul3A_378 = arith.mulf %gather3A_377, %exp3A_183 : vector<16xf32>
        tpu.vector_store_idx %arg14[%add3A_126, %broadcast_in_dim3A_376], %mul3A_378 : memref<192x72xf32, #tpu.memory_space<vmem>>[vector<16xi32>, vector<16xi32>], vector<16xf32>,
        %broadcast_in_dim3A_379 = arith.constant 32 : i32
        %broadcast_in_dim3A_380 = vector.broadcast %broadcast_in_dim3A_379 : i32 to vector<16xi32>
        %gather3A_381 = tpu.vector_load_idx %arg10[%add3A_126, %broadcast_in_dim3A_380] : memref<192x72xf32, #tpu.memory_space<vmem>>[vector<16xi32>, vector<16xi32>], vector<16xf32>,
        %mul3A_382 = arith.mulf %gather3A_381, %exp3A_199 : vector<16xf32>
        tpu.vector_store_idx %arg14[%add3A_126, %broadcast_in_dim3A_380], %mul3A_382 : memref<192x72xf32, #tpu.memory_space<vmem>>[vector<16xi32>, vector<16xi32>], vector<16xf32>,
        %broadcast_in_dim3A_383 = arith.constant 33 : i32
        %broadcast_in_dim3A_384 = vector.broadcast %broadcast_in_dim3A_383 : i32 to vector<16xi32>
        %gather3A_385 = tpu.vector_load_idx %arg10[%add3A_126, %broadcast_in_dim3A_384] : memref<192x72xf32, #tpu.memory_space<vmem>>[vector<16xi32>, vector<16xi32>], vector<16xf32>,
        %mul3A_386 = arith.mulf %gather3A_385, %exp3A_199 : vector<16xf32>
        tpu.vector_store_idx %arg14[%add3A_126, %broadcast_in_dim3A_384], %mul3A_386 : memref<192x72xf32, #tpu.memory_space<vmem>>[vector<16xi32>, vector<16xi32>], vector<16xf32>,
        %broadcast_in_dim3A_387 = arith.constant 34 : i32
        %broadcast_in_dim3A_388 = vector.broadcast %broadcast_in_dim3A_387 : i32 to vector<16xi32>
        %gather3A_389 = tpu.vector_load_idx %arg10[%add3A_126, %broadcast_in_dim3A_388] : memref<192x72xf32, #tpu.memory_space<vmem>>[vector<16xi32>, vector<16xi32>], vector<16xf32>,
        %mul3A_390 = arith.mulf %gather3A_389, %exp3A_199 : vector<16xf32>
        tpu.vector_store_idx %arg14[%add3A_126, %broadcast_in_dim3A_388], %mul3A_390 : memref<192x72xf32, #tpu.memory_space<vmem>>[vector<16xi32>, vector<16xi32>], vector<16xf32>,
        %broadcast_in_dim3A_391 = arith.constant 35 : i32
        %broadcast_in_dim3A_392 = vector.broadcast %broadcast_in_dim3A_391 : i32 to vector<16xi32>
        %gather3A_393 = tpu.vector_load_idx %arg10[%add3A_126, %broadcast_in_dim3A_392] : memref<192x72xf32, #tpu.memory_space<vmem>>[vector<16xi32>, vector<16xi32>], vector<16xf32>,
        %mul3A_394 = arith.mulf %gather3A_393, %exp3A_199 : vector<16xf32>
        tpu.vector_store_idx %arg14[%add3A_126, %broadcast_in_dim3A_392], %mul3A_394 : memref<192x72xf32, #tpu.memory_space<vmem>>[vector<16xi32>, vector<16xi32>], vector<16xf32>,
        %broadcast_in_dim3A_395 = arith.constant 36 : i32
        %broadcast_in_dim3A_396 = vector.broadcast %broadcast_in_dim3A_395 : i32 to vector<16xi32>
        %gather3A_397 = tpu.vector_load_idx %arg10[%add3A_126, %broadcast_in_dim3A_396] : memref<192x72xf32, #tpu.memory_space<vmem>>[vector<16xi32>, vector<16xi32>], vector<16xf32>,
        %mul3A_398 = arith.mulf %gather3A_397, %exp3A_199 : vector<16xf32>
        tpu.vector_store_idx %arg14[%add3A_126, %broadcast_in_dim3A_396], %mul3A_398 : memref<192x72xf32, #tpu.memory_space<vmem>>[vector<16xi32>, vector<16xi32>], vector<16xf32>,
        %broadcast_in_dim3A_399 = arith.constant 37 : i32
        %broadcast_in_dim3A_400 = vector.broadcast %broadcast_in_dim3A_399 : i32 to vector<16xi32>
        %gather3A_401 = tpu.vector_load_idx %arg10[%add3A_126, %broadcast_in_dim3A_400] : memref<192x72xf32, #tpu.memory_space<vmem>>[vector<16xi32>, vector<16xi32>], vector<16xf32>,
        %mul3A_402 = arith.mulf %gather3A_401, %exp3A_199 : vector<16xf32>
        tpu.vector_store_idx %arg14[%add3A_126, %broadcast_in_dim3A_400], %mul3A_402 : memref<192x72xf32, #tpu.memory_space<vmem>>[vector<16xi32>, vector<16xi32>], vector<16xf32>,
        %broadcast_in_dim3A_403 = arith.constant 38 : i32
        %broadcast_in_dim3A_404 = vector.broadcast %broadcast_in_dim3A_403 : i32 to vector<16xi32>
        %gather3A_405 = tpu.vector_load_idx %arg10[%add3A_126, %broadcast_in_dim3A_404] : memref<192x72xf32, #tpu.memory_space<vmem>>[vector<16xi32>, vector<16xi32>], vector<16xf32>,
        %mul3A_406 = arith.mulf %gather3A_405, %exp3A_199 : vector<16xf32>
        tpu.vector_store_idx %arg14[%add3A_126, %broadcast_in_dim3A_404], %mul3A_406 : memref<192x72xf32, #tpu.memory_space<vmem>>[vector<16xi32>, vector<16xi32>], vector<16xf32>,
        %broadcast_in_dim3A_407 = arith.constant 39 : i32
        %broadcast_in_dim3A_408 = vector.broadcast %broadcast_in_dim3A_407 : i32 to vector<16xi32>
        %gather3A_409 = tpu.vector_load_idx %arg10[%add3A_126, %broadcast_in_dim3A_408] : memref<192x72xf32, #tpu.memory_space<vmem>>[vector<16xi32>, vector<16xi32>], vector<16xf32>,
        %mul3A_410 = arith.mulf %gather3A_409, %exp3A_199 : vector<16xf32>
        tpu.vector_store_idx %arg14[%add3A_126, %broadcast_in_dim3A_408], %mul3A_410 : memref<192x72xf32, #tpu.memory_space<vmem>>[vector<16xi32>, vector<16xi32>], vector<16xf32>,
        %broadcast_in_dim3A_411 = arith.constant 40 : i32
        %broadcast_in_dim3A_412 = vector.broadcast %broadcast_in_dim3A_411 : i32 to vector<16xi32>
        %gather3A_413 = tpu.vector_load_idx %arg10[%add3A_126, %broadcast_in_dim3A_412] : memref<192x72xf32, #tpu.memory_space<vmem>>[vector<16xi32>, vector<16xi32>], vector<16xf32>,
        %mul3A_414 = arith.mulf %gather3A_413, %exp3A_215 : vector<16xf32>
        tpu.vector_store_idx %arg14[%add3A_126, %broadcast_in_dim3A_412], %mul3A_414 : memref<192x72xf32, #tpu.memory_space<vmem>>[vector<16xi32>, vector<16xi32>], vector<16xf32>,
        %broadcast_in_dim3A_415 = arith.constant 41 : i32
        %broadcast_in_dim3A_416 = vector.broadcast %broadcast_in_dim3A_415 : i32 to vector<16xi32>
        %gather3A_417 = tpu.vector_load_idx %arg10[%add3A_126, %broadcast_in_dim3A_416] : memref<192x72xf32, #tpu.memory_space<vmem>>[vector<16xi32>, vector<16xi32>], vector<16xf32>,
        %mul3A_418 = arith.mulf %gather3A_417, %exp3A_215 : vector<16xf32>
        tpu.vector_store_idx %arg14[%add3A_126, %broadcast_in_dim3A_416], %mul3A_418 : memref<192x72xf32, #tpu.memory_space<vmem>>[vector<16xi32>, vector<16xi32>], vector<16xf32>,
        %broadcast_in_dim3A_419 = arith.constant 42 : i32
        %broadcast_in_dim3A_420 = vector.broadcast %broadcast_in_dim3A_419 : i32 to vector<16xi32>
        %gather3A_421 = tpu.vector_load_idx %arg10[%add3A_126, %broadcast_in_dim3A_420] : memref<192x72xf32, #tpu.memory_space<vmem>>[vector<16xi32>, vector<16xi32>], vector<16xf32>,
        %mul3A_422 = arith.mulf %gather3A_421, %exp3A_215 : vector<16xf32>
        tpu.vector_store_idx %arg14[%add3A_126, %broadcast_in_dim3A_420], %mul3A_422 : memref<192x72xf32, #tpu.memory_space<vmem>>[vector<16xi32>, vector<16xi32>], vector<16xf32>,
        %broadcast_in_dim3A_423 = arith.constant 43 : i32
        %broadcast_in_dim3A_424 = vector.broadcast %broadcast_in_dim3A_423 : i32 to vector<16xi32>
        %gather3A_425 = tpu.vector_load_idx %arg10[%add3A_126, %broadcast_in_dim3A_424] : memref<192x72xf32, #tpu.memory_space<vmem>>[vector<16xi32>, vector<16xi32>], vector<16xf32>,
        %mul3A_426 = arith.mulf %gather3A_425, %exp3A_215 : vector<16xf32>
        tpu.vector_store_idx %arg14[%add3A_126, %broadcast_in_dim3A_424], %mul3A_426 : memref<192x72xf32, #tpu.memory_space<vmem>>[vector<16xi32>, vector<16xi32>], vector<16xf32>,
        %broadcast_in_dim3A_427 = arith.constant 44 : i32
        %broadcast_in_dim3A_428 = vector.broadcast %broadcast_in_dim3A_427 : i32 to vector<16xi32>
        %gather3A_429 = tpu.vector_load_idx %arg10[%add3A_126, %broadcast_in_dim3A_428] : memref<192x72xf32, #tpu.memory_space<vmem>>[vector<16xi32>, vector<16xi32>], vector<16xf32>,
        %mul3A_430 = arith.mulf %gather3A_429, %exp3A_215 : vector<16xf32>
        tpu.vector_store_idx %arg14[%add3A_126, %broadcast_in_dim3A_428], %mul3A_430 : memref<192x72xf32, #tpu.memory_space<vmem>>[vector<16xi32>, vector<16xi32>], vector<16xf32>,
        %broadcast_in_dim3A_431 = arith.constant 45 : i32
        %broadcast_in_dim3A_432 = vector.broadcast %broadcast_in_dim3A_431 : i32 to vector<16xi32>
        %gather3A_433 = tpu.vector_load_idx %arg10[%add3A_126, %broadcast_in_dim3A_432] : memref<192x72xf32, #tpu.memory_space<vmem>>[vector<16xi32>, vector<16xi32>], vector<16xf32>,
        %mul3A_434 = arith.mulf %gather3A_433, %exp3A_215 : vector<16xf32>
        tpu.vector_store_idx %arg14[%add3A_126, %broadcast_in_dim3A_432], %mul3A_434 : memref<192x72xf32, #tpu.memory_space<vmem>>[vector<16xi32>, vector<16xi32>], vector<16xf32>,
        %broadcast_in_dim3A_435 = arith.constant 46 : i32
        %broadcast_in_dim3A_436 = vector.broadcast %broadcast_in_dim3A_435 : i32 to vector<16xi32>
        %gather3A_437 = tpu.vector_load_idx %arg10[%add3A_126, %broadcast_in_dim3A_436] : memref<192x72xf32, #tpu.memory_space<vmem>>[vector<16xi32>, vector<16xi32>], vector<16xf32>,
        %mul3A_438 = arith.mulf %gather3A_437, %exp3A_215 : vector<16xf32>
        tpu.vector_store_idx %arg14[%add3A_126, %broadcast_in_dim3A_436], %mul3A_438 : memref<192x72xf32, #tpu.memory_space<vmem>>[vector<16xi32>, vector<16xi32>], vector<16xf32>,
        %broadcast_in_dim3A_439 = arith.constant 47 : i32
        %broadcast_in_dim3A_440 = vector.broadcast %broadcast_in_dim3A_439 : i32 to vector<16xi32>
        %gather3A_441 = tpu.vector_load_idx %arg10[%add3A_126, %broadcast_in_dim3A_440] : memref<192x72xf32, #tpu.memory_space<vmem>>[vector<16xi32>, vector<16xi32>], vector<16xf32>,
        %mul3A_442 = arith.mulf %gather3A_441, %exp3A_215 : vector<16xf32>
        tpu.vector_store_idx %arg14[%add3A_126, %broadcast_in_dim3A_440], %mul3A_442 : memref<192x72xf32, #tpu.memory_space<vmem>>[vector<16xi32>, vector<16xi32>], vector<16xf32>,
        %broadcast_in_dim3A_443 = arith.constant 48 : i32
        %broadcast_in_dim3A_444 = vector.broadcast %broadcast_in_dim3A_443 : i32 to vector<16xi32>
        %gather3A_445 = tpu.vector_load_idx %arg10[%add3A_126, %broadcast_in_dim3A_444] : memref<192x72xf32, #tpu.memory_space<vmem>>[vector<16xi32>, vector<16xi32>], vector<16xf32>,
        %mul3A_446 = arith.mulf %gather3A_445, %exp3A_231 : vector<16xf32>
        tpu.vector_store_idx %arg14[%add3A_126, %broadcast_in_dim3A_444], %mul3A_446 : memref<192x72xf32, #tpu.memory_space<vmem>>[vector<16xi32>, vector<16xi32>], vector<16xf32>,
        %broadcast_in_dim3A_447 = arith.constant 49 : i32
        %broadcast_in_dim3A_448 = vector.broadcast %broadcast_in_dim3A_447 : i32 to vector<16xi32>
        %gather3A_449 = tpu.vector_load_idx %arg10[%add3A_126, %broadcast_in_dim3A_448] : memref<192x72xf32, #tpu.memory_space<vmem>>[vector<16xi32>, vector<16xi32>], vector<16xf32>,
        %mul3A_450 = arith.mulf %gather3A_449, %exp3A_231 : vector<16xf32>
        tpu.vector_store_idx %arg14[%add3A_126, %broadcast_in_dim3A_448], %mul3A_450 : memref<192x72xf32, #tpu.memory_space<vmem>>[vector<16xi32>, vector<16xi32>], vector<16xf32>,
        %broadcast_in_dim3A_451 = arith.constant 50 : i32
        %broadcast_in_dim3A_452 = vector.broadcast %broadcast_in_dim3A_451 : i32 to vector<16xi32>
        %gather3A_453 = tpu.vector_load_idx %arg10[%add3A_126, %broadcast_in_dim3A_452] : memref<192x72xf32, #tpu.memory_space<vmem>>[vector<16xi32>, vector<16xi32>], vector<16xf32>,
        %mul3A_454 = arith.mulf %gather3A_453, %exp3A_231 : vector<16xf32>
        tpu.vector_store_idx %arg14[%add3A_126, %broadcast_in_dim3A_452], %mul3A_454 : memref<192x72xf32, #tpu.memory_space<vmem>>[vector<16xi32>, vector<16xi32>], vector<16xf32>,
        %broadcast_in_dim3A_455 = arith.constant 51 : i32
        %broadcast_in_dim3A_456 = vector.broadcast %broadcast_in_dim3A_455 : i32 to vector<16xi32>
        %gather3A_457 = tpu.vector_load_idx %arg10[%add3A_126, %broadcast_in_dim3A_456] : memref<192x72xf32, #tpu.memory_space<vmem>>[vector<16xi32>, vector<16xi32>], vector<16xf32>,
        %mul3A_458 = arith.mulf %gather3A_457, %exp3A_231 : vector<16xf32>
        tpu.vector_store_idx %arg14[%add3A_126, %broadcast_in_dim3A_456], %mul3A_458 : memref<192x72xf32, #tpu.memory_space<vmem>>[vector<16xi32>, vector<16xi32>], vector<16xf32>,
        %broadcast_in_dim3A_459 = arith.constant 52 : i32
        %broadcast_in_dim3A_460 = vector.broadcast %broadcast_in_dim3A_459 : i32 to vector<16xi32>
        %gather3A_461 = tpu.vector_load_idx %arg10[%add3A_126, %broadcast_in_dim3A_460] : memref<192x72xf32, #tpu.memory_space<vmem>>[vector<16xi32>, vector<16xi32>], vector<16xf32>,
        %mul3A_462 = arith.mulf %gather3A_461, %exp3A_231 : vector<16xf32>
        tpu.vector_store_idx %arg14[%add3A_126, %broadcast_in_dim3A_460], %mul3A_462 : memref<192x72xf32, #tpu.memory_space<vmem>>[vector<16xi32>, vector<16xi32>], vector<16xf32>,
        %broadcast_in_dim3A_463 = arith.constant 53 : i32
        %broadcast_in_dim3A_464 = vector.broadcast %broadcast_in_dim3A_463 : i32 to vector<16xi32>
        %gather3A_465 = tpu.vector_load_idx %arg10[%add3A_126, %broadcast_in_dim3A_464] : memref<192x72xf32, #tpu.memory_space<vmem>>[vector<16xi32>, vector<16xi32>], vector<16xf32>,
        %mul3A_466 = arith.mulf %gather3A_465, %exp3A_231 : vector<16xf32>
        tpu.vector_store_idx %arg14[%add3A_126, %broadcast_in_dim3A_464], %mul3A_466 : memref<192x72xf32, #tpu.memory_space<vmem>>[vector<16xi32>, vector<16xi32>], vector<16xf32>,
        %broadcast_in_dim3A_467 = arith.constant 54 : i32
        %broadcast_in_dim3A_468 = vector.broadcast %broadcast_in_dim3A_467 : i32 to vector<16xi32>
        %gather3A_469 = tpu.vector_load_idx %arg10[%add3A_126, %broadcast_in_dim3A_468] : memref<192x72xf32, #tpu.memory_space<vmem>>[vector<16xi32>, vector<16xi32>], vector<16xf32>,
        %mul3A_470 = arith.mulf %gather3A_469, %exp3A_231 : vector<16xf32>
        tpu.vector_store_idx %arg14[%add3A_126, %broadcast_in_dim3A_468], %mul3A_470 : memref<192x72xf32, #tpu.memory_space<vmem>>[vector<16xi32>, vector<16xi32>], vector<16xf32>,
        %broadcast_in_dim3A_471 = arith.constant 55 : i32
        %broadcast_in_dim3A_472 = vector.broadcast %broadcast_in_dim3A_471 : i32 to vector<16xi32>
        %gather3A_473 = tpu.vector_load_idx %arg10[%add3A_126, %broadcast_in_dim3A_472] : memref<192x72xf32, #tpu.memory_space<vmem>>[vector<16xi32>, vector<16xi32>], vector<16xf32>,
        %mul3A_474 = arith.mulf %gather3A_473, %exp3A_231 : vector<16xf32>
        tpu.vector_store_idx %arg14[%add3A_126, %broadcast_in_dim3A_472], %mul3A_474 : memref<192x72xf32, #tpu.memory_space<vmem>>[vector<16xi32>, vector<16xi32>], vector<16xf32>,
        %broadcast_in_dim3A_475 = arith.constant 56 : i32
        %broadcast_in_dim3A_476 = vector.broadcast %broadcast_in_dim3A_475 : i32 to vector<16xi32>
        %gather3A_477 = tpu.vector_load_idx %arg10[%add3A_126, %broadcast_in_dim3A_476] : memref<192x72xf32, #tpu.memory_space<vmem>>[vector<16xi32>, vector<16xi32>], vector<16xf32>,
        %mul3A_478 = arith.mulf %gather3A_477, %exp3A_247 : vector<16xf32>
        tpu.vector_store_idx %arg14[%add3A_126, %broadcast_in_dim3A_476], %mul3A_478 : memref<192x72xf32, #tpu.memory_space<vmem>>[vector<16xi32>, vector<16xi32>], vector<16xf32>,
        %broadcast_in_dim3A_479 = arith.constant 57 : i32
        %broadcast_in_dim3A_480 = vector.broadcast %broadcast_in_dim3A_479 : i32 to vector<16xi32>
        %gather3A_481 = tpu.vector_load_idx %arg10[%add3A_126, %broadcast_in_dim3A_480] : memref<192x72xf32, #tpu.memory_space<vmem>>[vector<16xi32>, vector<16xi32>], vector<16xf32>,
        %mul3A_482 = arith.mulf %gather3A_481, %exp3A_247 : vector<16xf32>
        tpu.vector_store_idx %arg14[%add3A_126, %broadcast_in_dim3A_480], %mul3A_482 : memref<192x72xf32, #tpu.memory_space<vmem>>[vector<16xi32>, vector<16xi32>], vector<16xf32>,
        %broadcast_in_dim3A_483 = arith.constant 58 : i32
        %broadcast_in_dim3A_484 = vector.broadcast %broadcast_in_dim3A_483 : i32 to vector<16xi32>
        %gather3A_485 = tpu.vector_load_idx %arg10[%add3A_126, %broadcast_in_dim3A_484] : memref<192x72xf32, #tpu.memory_space<vmem>>[vector<16xi32>, vector<16xi32>], vector<16xf32>,
        %mul3A_486 = arith.mulf %gather3A_485, %exp3A_247 : vector<16xf32>
        tpu.vector_store_idx %arg14[%add3A_126, %broadcast_in_dim3A_484], %mul3A_486 : memref<192x72xf32, #tpu.memory_space<vmem>>[vector<16xi32>, vector<16xi32>], vector<16xf32>,
        %broadcast_in_dim3A_487 = arith.constant 59 : i32
        %broadcast_in_dim3A_488 = vector.broadcast %broadcast_in_dim3A_487 : i32 to vector<16xi32>
        %gather3A_489 = tpu.vector_load_idx %arg10[%add3A_126, %broadcast_in_dim3A_488] : memref<192x72xf32, #tpu.memory_space<vmem>>[vector<16xi32>, vector<16xi32>], vector<16xf32>,
        %mul3A_490 = arith.mulf %gather3A_489, %exp3A_247 : vector<16xf32>
        tpu.vector_store_idx %arg14[%add3A_126, %broadcast_in_dim3A_488], %mul3A_490 : memref<192x72xf32, #tpu.memory_space<vmem>>[vector<16xi32>, vector<16xi32>], vector<16xf32>,
        %broadcast_in_dim3A_491 = arith.constant 60 : i32
        %broadcast_in_dim3A_492 = vector.broadcast %broadcast_in_dim3A_491 : i32 to vector<16xi32>
        %gather3A_493 = tpu.vector_load_idx %arg10[%add3A_126, %broadcast_in_dim3A_492] : memref<192x72xf32, #tpu.memory_space<vmem>>[vector<16xi32>, vector<16xi32>], vector<16xf32>,
        %mul3A_494 = arith.mulf %gather3A_493, %exp3A_247 : vector<16xf32>
        tpu.vector_store_idx %arg14[%add3A_126, %broadcast_in_dim3A_492], %mul3A_494 : memref<192x72xf32, #tpu.memory_space<vmem>>[vector<16xi32>, vector<16xi32>], vector<16xf32>,
        %broadcast_in_dim3A_495 = arith.constant 61 : i32
        %broadcast_in_dim3A_496 = vector.broadcast %broadcast_in_dim3A_495 : i32 to vector<16xi32>
        %gather3A_497 = tpu.vector_load_idx %arg10[%add3A_126, %broadcast_in_dim3A_496] : memref<192x72xf32, #tpu.memory_space<vmem>>[vector<16xi32>, vector<16xi32>], vector<16xf32>,
        %mul3A_498 = arith.mulf %gather3A_497, %exp3A_247 : vector<16xf32>
        tpu.vector_store_idx %arg14[%add3A_126, %broadcast_in_dim3A_496], %mul3A_498 : memref<192x72xf32, #tpu.memory_space<vmem>>[vector<16xi32>, vector<16xi32>], vector<16xf32>,
        %broadcast_in_dim3A_499 = arith.constant 62 : i32
        %broadcast_in_dim3A_500 = vector.broadcast %broadcast_in_dim3A_499 : i32 to vector<16xi32>
        %gather3A_501 = tpu.vector_load_idx %arg10[%add3A_126, %broadcast_in_dim3A_500] : memref<192x72xf32, #tpu.memory_space<vmem>>[vector<16xi32>, vector<16xi32>], vector<16xf32>,
        %mul3A_502 = arith.mulf %gather3A_501, %exp3A_247 : vector<16xf32>
        tpu.vector_store_idx %arg14[%add3A_126, %broadcast_in_dim3A_500], %mul3A_502 : memref<192x72xf32, #tpu.memory_space<vmem>>[vector<16xi32>, vector<16xi32>], vector<16xf32>,
        %broadcast_in_dim3A_503 = arith.constant 63 : i32
        %broadcast_in_dim3A_504 = vector.broadcast %broadcast_in_dim3A_503 : i32 to vector<16xi32>
        %gather3A_505 = tpu.vector_load_idx %arg10[%add3A_126, %broadcast_in_dim3A_504] : memref<192x72xf32, #tpu.memory_space<vmem>>[vector<16xi32>, vector<16xi32>], vector<16xf32>,
        %mul3A_506 = arith.mulf %gather3A_505, %exp3A_247 : vector<16xf32>
        tpu.vector_store_idx %arg14[%add3A_126, %broadcast_in_dim3A_504], %mul3A_506 : memref<192x72xf32, #tpu.memory_space<vmem>>[vector<16xi32>, vector<16xi32>], vector<16xf32>,
      }
      %scan3A_75 = arith.constant 12 : i32
      %dma_start3A_76 = arith.constant 0 : i32
      %dma_start3A_77 = tpu.memref_slice %arg9[%mul3A_49, %dma_start3A_76] : memref<54x192xi32, #tpu.memory_space<vmem>> -> memref<1x192xi32, #tpu.memory_space<vmem>>
      %dma_start3A_78 = tpu.memref_squeeze %dma_start3A_77 : memref<1x192xi32, #tpu.memory_space<vmem>> -> memref<192xi32, #tpu.memory_space<vmem>>
      %dma_start3A_79 = arith.constant 0 : i32
      %dma_start3A_80 = arith.constant 0 : i32
      %dma_start3A_81 = tpu.memref_slice %arg16[%dma_start3A_79, %dma_start3A_80] : memref<10240x72xf32, #tpu.memory_space<vmem_shared>> -> memref<10240x72xf32, #tpu.memory_space<vmem_shared>>
      tpu.enqueue_indirect_dma source(%arg14 : memref<192x72xf32, #tpu.memory_space<vmem>>) target(%dma_start3A_81 : memref<10240x72xf32, #tpu.memory_space<vmem_shared>>) offsets(%dma_start3A_78 : memref<192xi32, #tpu.memory_space<vmem>>) semaphore(%arg21 : memref<!tpu.dma_semaphore, #tpu.memory_space<semaphore_mem>>) {add = true}
      %lt3A = arith.constant 26 : i32
      %lt3A_82 = arith.cmpi slt, %scan3A_47, %lt3A : i32
      %convert_element_type3A_83 = arith.extui %lt3A_82 : i1 to i32
      %cond3A_84 = arith.constant 0 : i32
      %cond3A_85 = arith.cmpi ne, %convert_element_type3A_83, %cond3A_84 : i32
      scf.if %cond3A_85 {
        %add3A_122 = arith.constant 2 : i32
        %add3A_123 = arith.addi %mul3A_49, %add3A_122 : i32
        %dma_start3A_124 = arith.constant 0 : i32
        %dma_start3A_125 = tpu.memref_slice %arg8[%add3A_123, %dma_start3A_124] : memref<54x192xi32, #tpu.memory_space<vmem>> -> memref<1x192xi32, #tpu.memory_space<vmem>>
        %dma_start3A_126 = tpu.memref_squeeze %dma_start3A_125 : memref<1x192xi32, #tpu.memory_space<vmem>> -> memref<192xi32, #tpu.memory_space<vmem>>
        %dma_start3A_127 = arith.constant 0 : i32
        %dma_start3A_128 = arith.constant 0 : i32
        %dma_start3A_129 = tpu.memref_slice %arg2[%dma_start3A_127, %dma_start3A_128] : memref<10240x72xf32, #tpu.memory_space<hbm>> -> memref<10240x72xf32, #tpu.memory_space<hbm>>
        tpu.enqueue_indirect_dma source(%dma_start3A_129 : memref<10240x72xf32, #tpu.memory_space<hbm>>) target(%arg10 : memref<192x72xf32, #tpu.memory_space<vmem>>) offsets(%dma_start3A_126 : memref<192xi32, #tpu.memory_space<vmem>>) semaphore(%arg17 : memref<!tpu.dma_semaphore, #tpu.memory_space<semaphore_mem>>)
        %dma_start3A_130 = arith.constant 0 : i32
        %dma_start3A_131 = tpu.memref_slice %arg9[%add3A_123, %dma_start3A_130] : memref<54x192xi32, #tpu.memory_space<vmem>> -> memref<1x192xi32, #tpu.memory_space<vmem>>
        %dma_start3A_132 = tpu.memref_squeeze %dma_start3A_131 : memref<1x192xi32, #tpu.memory_space<vmem>> -> memref<192xi32, #tpu.memory_space<vmem>>
        %dma_start3A_133 = arith.constant 0 : i32
        %dma_start3A_134 = arith.constant 0 : i32
        %dma_start3A_135 = tpu.memref_slice %arg3[%dma_start3A_133, %dma_start3A_134] : memref<10240x8xf32, #tpu.memory_space<hbm>> -> memref<10240x8xf32, #tpu.memory_space<hbm>>
        tpu.enqueue_indirect_dma source(%dma_start3A_135 : memref<10240x8xf32, #tpu.memory_space<hbm>>) target(%arg12 : memref<192x8xf32, #tpu.memory_space<vmem>>) offsets(%dma_start3A_132 : memref<192xi32, #tpu.memory_space<vmem>>) semaphore(%arg19 : memref<!tpu.dma_semaphore, #tpu.memory_space<semaphore_mem>>)
      } else {
      }
      %dma_wait3A_86 = arith.constant 0 : i32
      %dma_wait3A_87 = arith.constant 0 : i32
      %dma_wait3A_88 = tpu.memref_slice %arg8[%dma_wait3A_86, %dma_wait3A_87] : memref<54x192xi32, #tpu.memory_space<vmem>> -> memref<1x192xi32, #tpu.memory_space<vmem>>
      %dma_wait3A_89 = tpu.memref_squeeze %dma_wait3A_88 : memref<1x192xi32, #tpu.memory_space<vmem>> -> memref<192xi32, #tpu.memory_space<vmem>>
      %dma_wait3A_90 = arith.constant 0 : i32
      %dma_wait3A_91 = arith.constant 0 : i32
      %dma_wait3A_92 = tpu.memref_slice %arg2[%dma_wait3A_90, %dma_wait3A_91] : memref<10240x72xf32, #tpu.memory_space<hbm>> -> memref<10240x72xf32, #tpu.memory_space<hbm>>
      tpu.wait_indirect_dma semaphore(%arg18 : memref<!tpu.dma_semaphore, #tpu.memory_space<semaphore_mem>>) src(%dma_wait3A_92 : memref<10240x72xf32, #tpu.memory_space<hbm>>) dst(%arg11 : memref<192x72xf32, #tpu.memory_space<vmem>>)
      %dma_wait3A_93 = arith.constant 0 : i32
      %dma_wait3A_94 = arith.constant 0 : i32
      %dma_wait3A_95 = tpu.memref_slice %arg9[%dma_wait3A_93, %dma_wait3A_94] : memref<54x192xi32, #tpu.memory_space<vmem>> -> memref<1x192xi32, #tpu.memory_space<vmem>>
      %dma_wait3A_96 = tpu.memref_squeeze %dma_wait3A_95 : memref<1x192xi32, #tpu.memory_space<vmem>> -> memref<192xi32, #tpu.memory_space<vmem>>
      %dma_wait3A_97 = arith.constant 0 : i32
      %dma_wait3A_98 = arith.constant 0 : i32
      %dma_wait3A_99 = tpu.memref_slice %arg3[%dma_wait3A_97, %dma_wait3A_98] : memref<10240x8xf32, #tpu.memory_space<hbm>> -> memref<10240x8xf32, #tpu.memory_space<hbm>>
      tpu.wait_indirect_dma semaphore(%arg20 : memref<!tpu.dma_semaphore, #tpu.memory_space<semaphore_mem>>) src(%dma_wait3A_99 : memref<10240x8xf32, #tpu.memory_space<hbm>>) dst(%arg13 : memref<192x8xf32, #tpu.memory_space<vmem>>)
      %gt3A_100 = arith.constant 0 : i32
      %gt3A_101 = arith.cmpi sgt, %scan3A_47, %gt3A_100 : i32
      %convert_element_type3A_102 = arith.extui %gt3A_101 : i1 to i32
      %cond3A_103 = arith.constant 0 : i32
      %cond3A_104 = arith.cmpi ne, %convert_element_type3A_102, %cond3A_103 : i32
      scf.if %cond3A_104 {
        %dma_wait3A_122 = arith.constant 0 : i32
        %dma_wait3A_123 = arith.constant 0 : i32
        %dma_wait3A_124 = tpu.memref_slice %arg6[%dma_wait3A_122, %dma_wait3A_123] : memref<10240x72xf32, #tpu.memory_space<hbm>> -> memref<192x72xf32, #tpu.memory_space<hbm>>
        %dma_wait3A_125 = arith.constant 0 : i32
        %dma_wait3A_126 = arith.constant 0 : i32
        %dma_wait3A_127 = tpu.memref_slice %arg6[%dma_wait3A_125, %dma_wait3A_126] : memref<10240x72xf32, #tpu.memory_space<hbm>> -> memref<192x72xf32, #tpu.memory_space<hbm>>
        tpu.wait_dma2 semaphore(%arg22 : memref<!tpu.dma_semaphore, #tpu.memory_space<semaphore_mem>>) src(%dma_wait3A_127 : memref<192x72xf32, #tpu.memory_space<hbm>>) dst(%arg15 : memref<192x72xf32, #tpu.memory_space<vmem>>)
      } else {
      }
      %scan3A_105 = arith.constant 0 : i32
      %scan3A_106 = arith.constant 0 : i32
      %scan3A_107 = arith.constant 12 : i32
      %scan3A_108 = arith.addi %scan3A_106, %scan3A_107 : i32
      %scan3A_109 = arith.constant 1 : i32
      scf.for %scan3A_122 = %scan3A_106 to %scan3A_108 step %scan3A_109  : i32 {
        %mul3A_123 = arith.constant 16 : i32
        %mul3A_124 = arith.muli %scan3A_122, %mul3A_123 : i32
        %add3A_125 = vector.broadcast %mul3A_124 : i32 to vector<16xi32>
        %add3A_126 = arith.addi %add3A_125, %iota3A : vector<16xi32>
        %broadcast_in_dim3A = arith.constant 0 : i32
        %broadcast_in_dim3A_127 = vector.broadcast %broadcast_in_dim3A : i32 to vector<16xi32>
        %add3A_128 = arith.constant 64 : i32
        %add3A_129 = vector.broadcast %add3A_128 : i32 to vector<16xi32>
        %add3A_130 = arith.addi %broadcast_in_dim3A_127, %add3A_129 : vector<16xi32>
        %gather3A = tpu.vector_load_idx %arg11[%add3A_126, %add3A_130] : memref<192x72xf32, #tpu.memory_space<vmem>>[vector<16xi32>, vector<16xi32>], vector<16xf32>,
        %gather3A_131 = tpu.vector_load_idx %arg13[%add3A_126, %broadcast_in_dim3A_127] : memref<192x8xf32, #tpu.memory_space<vmem>>[vector<16xi32>, vector<16xi32>], vector<16xf32>,
        %add3A_132 = arith.addf %gather3A, %gather3A_131 : vector<16xf32>
        %mul3A_133 = arith.constant 2.000000e-01 : f32
        %mul3A_134 = vector.broadcast %mul3A_133 : f32 to vector<16xf32>
        %mul3A_135 = arith.mulf %mul3A_134, %add3A_132 : vector<16xf32>
        %max3A = arith.maximumf %add3A_132, %mul3A_135 : vector<16xf32>
        %exp3A = math.exp %max3A : vector<16xf32>
        %add3A_136 = arith.constant 64 : i32
        %add3A_137 = vector.broadcast %add3A_136 : i32 to vector<16xi32>
        %add3A_138 = arith.addi %broadcast_in_dim3A_127, %add3A_137 : vector<16xi32>
        tpu.vector_store_idx %arg15[%add3A_126, %add3A_138], %exp3A : memref<192x72xf32, #tpu.memory_space<vmem>>[vector<16xi32>, vector<16xi32>], vector<16xf32>,
        %broadcast_in_dim3A_139 = arith.constant 1 : i32
        %broadcast_in_dim3A_140 = vector.broadcast %broadcast_in_dim3A_139 : i32 to vector<16xi32>
        %add3A_141 = arith.constant 64 : i32
        %add3A_142 = vector.broadcast %add3A_141 : i32 to vector<16xi32>
        %add3A_143 = arith.addi %broadcast_in_dim3A_140, %add3A_142 : vector<16xi32>
        %gather3A_144 = tpu.vector_load_idx %arg11[%add3A_126, %add3A_143] : memref<192x72xf32, #tpu.memory_space<vmem>>[vector<16xi32>, vector<16xi32>], vector<16xf32>,
        %gather3A_145 = tpu.vector_load_idx %arg13[%add3A_126, %broadcast_in_dim3A_140] : memref<192x8xf32, #tpu.memory_space<vmem>>[vector<16xi32>, vector<16xi32>], vector<16xf32>,
        %add3A_146 = arith.addf %gather3A_144, %gather3A_145 : vector<16xf32>
        %mul3A_147 = arith.constant 2.000000e-01 : f32
        %mul3A_148 = vector.broadcast %mul3A_147 : f32 to vector<16xf32>
        %mul3A_149 = arith.mulf %mul3A_148, %add3A_146 : vector<16xf32>
        %max3A_150 = arith.maximumf %add3A_146, %mul3A_149 : vector<16xf32>
        %exp3A_151 = math.exp %max3A_150 : vector<16xf32>
        %add3A_152 = arith.constant 64 : i32
        %add3A_153 = vector.broadcast %add3A_152 : i32 to vector<16xi32>
        %add3A_154 = arith.addi %broadcast_in_dim3A_140, %add3A_153 : vector<16xi32>
        tpu.vector_store_idx %arg15[%add3A_126, %add3A_154], %exp3A_151 : memref<192x72xf32, #tpu.memory_space<vmem>>[vector<16xi32>, vector<16xi32>], vector<16xf32>,
        %broadcast_in_dim3A_155 = arith.constant 2 : i32
        %broadcast_in_dim3A_156 = vector.broadcast %broadcast_in_dim3A_155 : i32 to vector<16xi32>
        %add3A_157 = arith.constant 64 : i32
        %add3A_158 = vector.broadcast %add3A_157 : i32 to vector<16xi32>
        %add3A_159 = arith.addi %broadcast_in_dim3A_156, %add3A_158 : vector<16xi32>
        %gather3A_160 = tpu.vector_load_idx %arg11[%add3A_126, %add3A_159] : memref<192x72xf32, #tpu.memory_space<vmem>>[vector<16xi32>, vector<16xi32>], vector<16xf32>,
        %gather3A_161 = tpu.vector_load_idx %arg13[%add3A_126, %broadcast_in_dim3A_156] : memref<192x8xf32, #tpu.memory_space<vmem>>[vector<16xi32>, vector<16xi32>], vector<16xf32>,
        %add3A_162 = arith.addf %gather3A_160, %gather3A_161 : vector<16xf32>
        %mul3A_163 = arith.constant 2.000000e-01 : f32
        %mul3A_164 = vector.broadcast %mul3A_163 : f32 to vector<16xf32>
        %mul3A_165 = arith.mulf %mul3A_164, %add3A_162 : vector<16xf32>
        %max3A_166 = arith.maximumf %add3A_162, %mul3A_165 : vector<16xf32>
        %exp3A_167 = math.exp %max3A_166 : vector<16xf32>
        %add3A_168 = arith.constant 64 : i32
        %add3A_169 = vector.broadcast %add3A_168 : i32 to vector<16xi32>
        %add3A_170 = arith.addi %broadcast_in_dim3A_156, %add3A_169 : vector<16xi32>
        tpu.vector_store_idx %arg15[%add3A_126, %add3A_170], %exp3A_167 : memref<192x72xf32, #tpu.memory_space<vmem>>[vector<16xi32>, vector<16xi32>], vector<16xf32>,
        %broadcast_in_dim3A_171 = arith.constant 3 : i32
        %broadcast_in_dim3A_172 = vector.broadcast %broadcast_in_dim3A_171 : i32 to vector<16xi32>
        %add3A_173 = arith.constant 64 : i32
        %add3A_174 = vector.broadcast %add3A_173 : i32 to vector<16xi32>
        %add3A_175 = arith.addi %broadcast_in_dim3A_172, %add3A_174 : vector<16xi32>
        %gather3A_176 = tpu.vector_load_idx %arg11[%add3A_126, %add3A_175] : memref<192x72xf32, #tpu.memory_space<vmem>>[vector<16xi32>, vector<16xi32>], vector<16xf32>,
        %gather3A_177 = tpu.vector_load_idx %arg13[%add3A_126, %broadcast_in_dim3A_172] : memref<192x8xf32, #tpu.memory_space<vmem>>[vector<16xi32>, vector<16xi32>], vector<16xf32>,
        %add3A_178 = arith.addf %gather3A_176, %gather3A_177 : vector<16xf32>
        %mul3A_179 = arith.constant 2.000000e-01 : f32
        %mul3A_180 = vector.broadcast %mul3A_179 : f32 to vector<16xf32>
        %mul3A_181 = arith.mulf %mul3A_180, %add3A_178 : vector<16xf32>
        %max3A_182 = arith.maximumf %add3A_178, %mul3A_181 : vector<16xf32>
        %exp3A_183 = math.exp %max3A_182 : vector<16xf32>
        %add3A_184 = arith.constant 64 : i32
        %add3A_185 = vector.broadcast %add3A_184 : i32 to vector<16xi32>
        %add3A_186 = arith.addi %broadcast_in_dim3A_172, %add3A_185 : vector<16xi32>
        tpu.vector_store_idx %arg15[%add3A_126, %add3A_186], %exp3A_183 : memref<192x72xf32, #tpu.memory_space<vmem>>[vector<16xi32>, vector<16xi32>], vector<16xf32>,
        %broadcast_in_dim3A_187 = arith.constant 4 : i32
        %broadcast_in_dim3A_188 = vector.broadcast %broadcast_in_dim3A_187 : i32 to vector<16xi32>
        %add3A_189 = arith.constant 64 : i32
        %add3A_190 = vector.broadcast %add3A_189 : i32 to vector<16xi32>
        %add3A_191 = arith.addi %broadcast_in_dim3A_188, %add3A_190 : vector<16xi32>
        %gather3A_192 = tpu.vector_load_idx %arg11[%add3A_126, %add3A_191] : memref<192x72xf32, #tpu.memory_space<vmem>>[vector<16xi32>, vector<16xi32>], vector<16xf32>,
        %gather3A_193 = tpu.vector_load_idx %arg13[%add3A_126, %broadcast_in_dim3A_188] : memref<192x8xf32, #tpu.memory_space<vmem>>[vector<16xi32>, vector<16xi32>], vector<16xf32>,
        %add3A_194 = arith.addf %gather3A_192, %gather3A_193 : vector<16xf32>
        %mul3A_195 = arith.constant 2.000000e-01 : f32
        %mul3A_196 = vector.broadcast %mul3A_195 : f32 to vector<16xf32>
        %mul3A_197 = arith.mulf %mul3A_196, %add3A_194 : vector<16xf32>
        %max3A_198 = arith.maximumf %add3A_194, %mul3A_197 : vector<16xf32>
        %exp3A_199 = math.exp %max3A_198 : vector<16xf32>
        %add3A_200 = arith.constant 64 : i32
        %add3A_201 = vector.broadcast %add3A_200 : i32 to vector<16xi32>
        %add3A_202 = arith.addi %broadcast_in_dim3A_188, %add3A_201 : vector<16xi32>
        tpu.vector_store_idx %arg15[%add3A_126, %add3A_202], %exp3A_199 : memref<192x72xf32, #tpu.memory_space<vmem>>[vector<16xi32>, vector<16xi32>], vector<16xf32>,
        %broadcast_in_dim3A_203 = arith.constant 5 : i32
        %broadcast_in_dim3A_204 = vector.broadcast %broadcast_in_dim3A_203 : i32 to vector<16xi32>
        %add3A_205 = arith.constant 64 : i32
        %add3A_206 = vector.broadcast %add3A_205 : i32 to vector<16xi32>
        %add3A_207 = arith.addi %broadcast_in_dim3A_204, %add3A_206 : vector<16xi32>
        %gather3A_208 = tpu.vector_load_idx %arg11[%add3A_126, %add3A_207] : memref<192x72xf32, #tpu.memory_space<vmem>>[vector<16xi32>, vector<16xi32>], vector<16xf32>,
        %gather3A_209 = tpu.vector_load_idx %arg13[%add3A_126, %broadcast_in_dim3A_204] : memref<192x8xf32, #tpu.memory_space<vmem>>[vector<16xi32>, vector<16xi32>], vector<16xf32>,
        %add3A_210 = arith.addf %gather3A_208, %gather3A_209 : vector<16xf32>
        %mul3A_211 = arith.constant 2.000000e-01 : f32
        %mul3A_212 = vector.broadcast %mul3A_211 : f32 to vector<16xf32>
        %mul3A_213 = arith.mulf %mul3A_212, %add3A_210 : vector<16xf32>
        %max3A_214 = arith.maximumf %add3A_210, %mul3A_213 : vector<16xf32>
        %exp3A_215 = math.exp %max3A_214 : vector<16xf32>
        %add3A_216 = arith.constant 64 : i32
        %add3A_217 = vector.broadcast %add3A_216 : i32 to vector<16xi32>
        %add3A_218 = arith.addi %broadcast_in_dim3A_204, %add3A_217 : vector<16xi32>
        tpu.vector_store_idx %arg15[%add3A_126, %add3A_218], %exp3A_215 : memref<192x72xf32, #tpu.memory_space<vmem>>[vector<16xi32>, vector<16xi32>], vector<16xf32>,
        %broadcast_in_dim3A_219 = arith.constant 6 : i32
        %broadcast_in_dim3A_220 = vector.broadcast %broadcast_in_dim3A_219 : i32 to vector<16xi32>
        %add3A_221 = arith.constant 64 : i32
        %add3A_222 = vector.broadcast %add3A_221 : i32 to vector<16xi32>
        %add3A_223 = arith.addi %broadcast_in_dim3A_220, %add3A_222 : vector<16xi32>
        %gather3A_224 = tpu.vector_load_idx %arg11[%add3A_126, %add3A_223] : memref<192x72xf32, #tpu.memory_space<vmem>>[vector<16xi32>, vector<16xi32>], vector<16xf32>,
        %gather3A_225 = tpu.vector_load_idx %arg13[%add3A_126, %broadcast_in_dim3A_220] : memref<192x8xf32, #tpu.memory_space<vmem>>[vector<16xi32>, vector<16xi32>], vector<16xf32>,
        %add3A_226 = arith.addf %gather3A_224, %gather3A_225 : vector<16xf32>
        %mul3A_227 = arith.constant 2.000000e-01 : f32
        %mul3A_228 = vector.broadcast %mul3A_227 : f32 to vector<16xf32>
        %mul3A_229 = arith.mulf %mul3A_228, %add3A_226 : vector<16xf32>
        %max3A_230 = arith.maximumf %add3A_226, %mul3A_229 : vector<16xf32>
        %exp3A_231 = math.exp %max3A_230 : vector<16xf32>
        %add3A_232 = arith.constant 64 : i32
        %add3A_233 = vector.broadcast %add3A_232 : i32 to vector<16xi32>
        %add3A_234 = arith.addi %broadcast_in_dim3A_220, %add3A_233 : vector<16xi32>
        tpu.vector_store_idx %arg15[%add3A_126, %add3A_234], %exp3A_231 : memref<192x72xf32, #tpu.memory_space<vmem>>[vector<16xi32>, vector<16xi32>], vector<16xf32>,
        %broadcast_in_dim3A_235 = arith.constant 7 : i32
        %broadcast_in_dim3A_236 = vector.broadcast %broadcast_in_dim3A_235 : i32 to vector<16xi32>
        %add3A_237 = arith.constant 64 : i32
        %add3A_238 = vector.broadcast %add3A_237 : i32 to vector<16xi32>
        %add3A_239 = arith.addi %broadcast_in_dim3A_236, %add3A_238 : vector<16xi32>
        %gather3A_240 = tpu.vector_load_idx %arg11[%add3A_126, %add3A_239] : memref<192x72xf32, #tpu.memory_space<vmem>>[vector<16xi32>, vector<16xi32>], vector<16xf32>,
        %gather3A_241 = tpu.vector_load_idx %arg13[%add3A_126, %broadcast_in_dim3A_236] : memref<192x8xf32, #tpu.memory_space<vmem>>[vector<16xi32>, vector<16xi32>], vector<16xf32>,
        %add3A_242 = arith.addf %gather3A_240, %gather3A_241 : vector<16xf32>
        %mul3A_243 = arith.constant 2.000000e-01 : f32
        %mul3A_244 = vector.broadcast %mul3A_243 : f32 to vector<16xf32>
        %mul3A_245 = arith.mulf %mul3A_244, %add3A_242 : vector<16xf32>
        %max3A_246 = arith.maximumf %add3A_242, %mul3A_245 : vector<16xf32>
        %exp3A_247 = math.exp %max3A_246 : vector<16xf32>
        %add3A_248 = arith.constant 64 : i32
        %add3A_249 = vector.broadcast %add3A_248 : i32 to vector<16xi32>
        %add3A_250 = arith.addi %broadcast_in_dim3A_236, %add3A_249 : vector<16xi32>
        tpu.vector_store_idx %arg15[%add3A_126, %add3A_250], %exp3A_247 : memref<192x72xf32, #tpu.memory_space<vmem>>[vector<16xi32>, vector<16xi32>], vector<16xf32>,
        %broadcast_in_dim3A_251 = arith.constant 0 : i32
        %broadcast_in_dim3A_252 = vector.broadcast %broadcast_in_dim3A_251 : i32 to vector<16xi32>
        %gather3A_253 = tpu.vector_load_idx %arg11[%add3A_126, %broadcast_in_dim3A_252] : memref<192x72xf32, #tpu.memory_space<vmem>>[vector<16xi32>, vector<16xi32>], vector<16xf32>,
        %mul3A_254 = arith.mulf %gather3A_253, %exp3A : vector<16xf32>
        tpu.vector_store_idx %arg15[%add3A_126, %broadcast_in_dim3A_252], %mul3A_254 : memref<192x72xf32, #tpu.memory_space<vmem>>[vector<16xi32>, vector<16xi32>], vector<16xf32>,
        %broadcast_in_dim3A_255 = arith.constant 1 : i32
        %broadcast_in_dim3A_256 = vector.broadcast %broadcast_in_dim3A_255 : i32 to vector<16xi32>
        %gather3A_257 = tpu.vector_load_idx %arg11[%add3A_126, %broadcast_in_dim3A_256] : memref<192x72xf32, #tpu.memory_space<vmem>>[vector<16xi32>, vector<16xi32>], vector<16xf32>,
        %mul3A_258 = arith.mulf %gather3A_257, %exp3A : vector<16xf32>
        tpu.vector_store_idx %arg15[%add3A_126, %broadcast_in_dim3A_256], %mul3A_258 : memref<192x72xf32, #tpu.memory_space<vmem>>[vector<16xi32>, vector<16xi32>], vector<16xf32>,
        %broadcast_in_dim3A_259 = arith.constant 2 : i32
        %broadcast_in_dim3A_260 = vector.broadcast %broadcast_in_dim3A_259 : i32 to vector<16xi32>
        %gather3A_261 = tpu.vector_load_idx %arg11[%add3A_126, %broadcast_in_dim3A_260] : memref<192x72xf32, #tpu.memory_space<vmem>>[vector<16xi32>, vector<16xi32>], vector<16xf32>,
        %mul3A_262 = arith.mulf %gather3A_261, %exp3A : vector<16xf32>
        tpu.vector_store_idx %arg15[%add3A_126, %broadcast_in_dim3A_260], %mul3A_262 : memref<192x72xf32, #tpu.memory_space<vmem>>[vector<16xi32>, vector<16xi32>], vector<16xf32>,
        %broadcast_in_dim3A_263 = arith.constant 3 : i32
        %broadcast_in_dim3A_264 = vector.broadcast %broadcast_in_dim3A_263 : i32 to vector<16xi32>
        %gather3A_265 = tpu.vector_load_idx %arg11[%add3A_126, %broadcast_in_dim3A_264] : memref<192x72xf32, #tpu.memory_space<vmem>>[vector<16xi32>, vector<16xi32>], vector<16xf32>,
        %mul3A_266 = arith.mulf %gather3A_265, %exp3A : vector<16xf32>
        tpu.vector_store_idx %arg15[%add3A_126, %broadcast_in_dim3A_264], %mul3A_266 : memref<192x72xf32, #tpu.memory_space<vmem>>[vector<16xi32>, vector<16xi32>], vector<16xf32>,
        %broadcast_in_dim3A_267 = arith.constant 4 : i32
        %broadcast_in_dim3A_268 = vector.broadcast %broadcast_in_dim3A_267 : i32 to vector<16xi32>
        %gather3A_269 = tpu.vector_load_idx %arg11[%add3A_126, %broadcast_in_dim3A_268] : memref<192x72xf32, #tpu.memory_space<vmem>>[vector<16xi32>, vector<16xi32>], vector<16xf32>,
        %mul3A_270 = arith.mulf %gather3A_269, %exp3A : vector<16xf32>
        tpu.vector_store_idx %arg15[%add3A_126, %broadcast_in_dim3A_268], %mul3A_270 : memref<192x72xf32, #tpu.memory_space<vmem>>[vector<16xi32>, vector<16xi32>], vector<16xf32>,
        %broadcast_in_dim3A_271 = arith.constant 5 : i32
        %broadcast_in_dim3A_272 = vector.broadcast %broadcast_in_dim3A_271 : i32 to vector<16xi32>
        %gather3A_273 = tpu.vector_load_idx %arg11[%add3A_126, %broadcast_in_dim3A_272] : memref<192x72xf32, #tpu.memory_space<vmem>>[vector<16xi32>, vector<16xi32>], vector<16xf32>,
        %mul3A_274 = arith.mulf %gather3A_273, %exp3A : vector<16xf32>
        tpu.vector_store_idx %arg15[%add3A_126, %broadcast_in_dim3A_272], %mul3A_274 : memref<192x72xf32, #tpu.memory_space<vmem>>[vector<16xi32>, vector<16xi32>], vector<16xf32>,
        %broadcast_in_dim3A_275 = arith.constant 6 : i32
        %broadcast_in_dim3A_276 = vector.broadcast %broadcast_in_dim3A_275 : i32 to vector<16xi32>
        %gather3A_277 = tpu.vector_load_idx %arg11[%add3A_126, %broadcast_in_dim3A_276] : memref<192x72xf32, #tpu.memory_space<vmem>>[vector<16xi32>, vector<16xi32>], vector<16xf32>,
        %mul3A_278 = arith.mulf %gather3A_277, %exp3A : vector<16xf32>
        tpu.vector_store_idx %arg15[%add3A_126, %broadcast_in_dim3A_276], %mul3A_278 : memref<192x72xf32, #tpu.memory_space<vmem>>[vector<16xi32>, vector<16xi32>], vector<16xf32>,
        %broadcast_in_dim3A_279 = arith.constant 7 : i32
        %broadcast_in_dim3A_280 = vector.broadcast %broadcast_in_dim3A_279 : i32 to vector<16xi32>
        %gather3A_281 = tpu.vector_load_idx %arg11[%add3A_126, %broadcast_in_dim3A_280] : memref<192x72xf32, #tpu.memory_space<vmem>>[vector<16xi32>, vector<16xi32>], vector<16xf32>,
        %mul3A_282 = arith.mulf %gather3A_281, %exp3A : vector<16xf32>
        tpu.vector_store_idx %arg15[%add3A_126, %broadcast_in_dim3A_280], %mul3A_282 : memref<192x72xf32, #tpu.memory_space<vmem>>[vector<16xi32>, vector<16xi32>], vector<16xf32>,
        %broadcast_in_dim3A_283 = arith.constant 8 : i32
        %broadcast_in_dim3A_284 = vector.broadcast %broadcast_in_dim3A_283 : i32 to vector<16xi32>
        %gather3A_285 = tpu.vector_load_idx %arg11[%add3A_126, %broadcast_in_dim3A_284] : memref<192x72xf32, #tpu.memory_space<vmem>>[vector<16xi32>, vector<16xi32>], vector<16xf32>,
        %mul3A_286 = arith.mulf %gather3A_285, %exp3A_151 : vector<16xf32>
        tpu.vector_store_idx %arg15[%add3A_126, %broadcast_in_dim3A_284], %mul3A_286 : memref<192x72xf32, #tpu.memory_space<vmem>>[vector<16xi32>, vector<16xi32>], vector<16xf32>,
        %broadcast_in_dim3A_287 = arith.constant 9 : i32
        %broadcast_in_dim3A_288 = vector.broadcast %broadcast_in_dim3A_287 : i32 to vector<16xi32>
        %gather3A_289 = tpu.vector_load_idx %arg11[%add3A_126, %broadcast_in_dim3A_288] : memref<192x72xf32, #tpu.memory_space<vmem>>[vector<16xi32>, vector<16xi32>], vector<16xf32>,
        %mul3A_290 = arith.mulf %gather3A_289, %exp3A_151 : vector<16xf32>
        tpu.vector_store_idx %arg15[%add3A_126, %broadcast_in_dim3A_288], %mul3A_290 : memref<192x72xf32, #tpu.memory_space<vmem>>[vector<16xi32>, vector<16xi32>], vector<16xf32>,
        %broadcast_in_dim3A_291 = arith.constant 10 : i32
        %broadcast_in_dim3A_292 = vector.broadcast %broadcast_in_dim3A_291 : i32 to vector<16xi32>
        %gather3A_293 = tpu.vector_load_idx %arg11[%add3A_126, %broadcast_in_dim3A_292] : memref<192x72xf32, #tpu.memory_space<vmem>>[vector<16xi32>, vector<16xi32>], vector<16xf32>,
        %mul3A_294 = arith.mulf %gather3A_293, %exp3A_151 : vector<16xf32>
        tpu.vector_store_idx %arg15[%add3A_126, %broadcast_in_dim3A_292], %mul3A_294 : memref<192x72xf32, #tpu.memory_space<vmem>>[vector<16xi32>, vector<16xi32>], vector<16xf32>,
        %broadcast_in_dim3A_295 = arith.constant 11 : i32
        %broadcast_in_dim3A_296 = vector.broadcast %broadcast_in_dim3A_295 : i32 to vector<16xi32>
        %gather3A_297 = tpu.vector_load_idx %arg11[%add3A_126, %broadcast_in_dim3A_296] : memref<192x72xf32, #tpu.memory_space<vmem>>[vector<16xi32>, vector<16xi32>], vector<16xf32>,
        %mul3A_298 = arith.mulf %gather3A_297, %exp3A_151 : vector<16xf32>
        tpu.vector_store_idx %arg15[%add3A_126, %broadcast_in_dim3A_296], %mul3A_298 : memref<192x72xf32, #tpu.memory_space<vmem>>[vector<16xi32>, vector<16xi32>], vector<16xf32>,
        %broadcast_in_dim3A_299 = arith.constant 12 : i32
        %broadcast_in_dim3A_300 = vector.broadcast %broadcast_in_dim3A_299 : i32 to vector<16xi32>
        %gather3A_301 = tpu.vector_load_idx %arg11[%add3A_126, %broadcast_in_dim3A_300] : memref<192x72xf32, #tpu.memory_space<vmem>>[vector<16xi32>, vector<16xi32>], vector<16xf32>,
        %mul3A_302 = arith.mulf %gather3A_301, %exp3A_151 : vector<16xf32>
        tpu.vector_store_idx %arg15[%add3A_126, %broadcast_in_dim3A_300], %mul3A_302 : memref<192x72xf32, #tpu.memory_space<vmem>>[vector<16xi32>, vector<16xi32>], vector<16xf32>,
        %broadcast_in_dim3A_303 = arith.constant 13 : i32
        %broadcast_in_dim3A_304 = vector.broadcast %broadcast_in_dim3A_303 : i32 to vector<16xi32>
        %gather3A_305 = tpu.vector_load_idx %arg11[%add3A_126, %broadcast_in_dim3A_304] : memref<192x72xf32, #tpu.memory_space<vmem>>[vector<16xi32>, vector<16xi32>], vector<16xf32>,
        %mul3A_306 = arith.mulf %gather3A_305, %exp3A_151 : vector<16xf32>
        tpu.vector_store_idx %arg15[%add3A_126, %broadcast_in_dim3A_304], %mul3A_306 : memref<192x72xf32, #tpu.memory_space<vmem>>[vector<16xi32>, vector<16xi32>], vector<16xf32>,
        %broadcast_in_dim3A_307 = arith.constant 14 : i32
        %broadcast_in_dim3A_308 = vector.broadcast %broadcast_in_dim3A_307 : i32 to vector<16xi32>
        %gather3A_309 = tpu.vector_load_idx %arg11[%add3A_126, %broadcast_in_dim3A_308] : memref<192x72xf32, #tpu.memory_space<vmem>>[vector<16xi32>, vector<16xi32>], vector<16xf32>,
        %mul3A_310 = arith.mulf %gather3A_309, %exp3A_151 : vector<16xf32>
        tpu.vector_store_idx %arg15[%add3A_126, %broadcast_in_dim3A_308], %mul3A_310 : memref<192x72xf32, #tpu.memory_space<vmem>>[vector<16xi32>, vector<16xi32>], vector<16xf32>,
        %broadcast_in_dim3A_311 = arith.constant 15 : i32
        %broadcast_in_dim3A_312 = vector.broadcast %broadcast_in_dim3A_311 : i32 to vector<16xi32>
        %gather3A_313 = tpu.vector_load_idx %arg11[%add3A_126, %broadcast_in_dim3A_312] : memref<192x72xf32, #tpu.memory_space<vmem>>[vector<16xi32>, vector<16xi32>], vector<16xf32>,
        %mul3A_314 = arith.mulf %gather3A_313, %exp3A_151 : vector<16xf32>
        tpu.vector_store_idx %arg15[%add3A_126, %broadcast_in_dim3A_312], %mul3A_314 : memref<192x72xf32, #tpu.memory_space<vmem>>[vector<16xi32>, vector<16xi32>], vector<16xf32>,
        %broadcast_in_dim3A_315 = arith.constant 16 : i32
        %broadcast_in_dim3A_316 = vector.broadcast %broadcast_in_dim3A_315 : i32 to vector<16xi32>
        %gather3A_317 = tpu.vector_load_idx %arg11[%add3A_126, %broadcast_in_dim3A_316] : memref<192x72xf32, #tpu.memory_space<vmem>>[vector<16xi32>, vector<16xi32>], vector<16xf32>,
        %mul3A_318 = arith.mulf %gather3A_317, %exp3A_167 : vector<16xf32>
        tpu.vector_store_idx %arg15[%add3A_126, %broadcast_in_dim3A_316], %mul3A_318 : memref<192x72xf32, #tpu.memory_space<vmem>>[vector<16xi32>, vector<16xi32>], vector<16xf32>,
        %broadcast_in_dim3A_319 = arith.constant 17 : i32
        %broadcast_in_dim3A_320 = vector.broadcast %broadcast_in_dim3A_319 : i32 to vector<16xi32>
        %gather3A_321 = tpu.vector_load_idx %arg11[%add3A_126, %broadcast_in_dim3A_320] : memref<192x72xf32, #tpu.memory_space<vmem>>[vector<16xi32>, vector<16xi32>], vector<16xf32>,
        %mul3A_322 = arith.mulf %gather3A_321, %exp3A_167 : vector<16xf32>
        tpu.vector_store_idx %arg15[%add3A_126, %broadcast_in_dim3A_320], %mul3A_322 : memref<192x72xf32, #tpu.memory_space<vmem>>[vector<16xi32>, vector<16xi32>], vector<16xf32>,
        %broadcast_in_dim3A_323 = arith.constant 18 : i32
        %broadcast_in_dim3A_324 = vector.broadcast %broadcast_in_dim3A_323 : i32 to vector<16xi32>
        %gather3A_325 = tpu.vector_load_idx %arg11[%add3A_126, %broadcast_in_dim3A_324] : memref<192x72xf32, #tpu.memory_space<vmem>>[vector<16xi32>, vector<16xi32>], vector<16xf32>,
        %mul3A_326 = arith.mulf %gather3A_325, %exp3A_167 : vector<16xf32>
        tpu.vector_store_idx %arg15[%add3A_126, %broadcast_in_dim3A_324], %mul3A_326 : memref<192x72xf32, #tpu.memory_space<vmem>>[vector<16xi32>, vector<16xi32>], vector<16xf32>,
        %broadcast_in_dim3A_327 = arith.constant 19 : i32
        %broadcast_in_dim3A_328 = vector.broadcast %broadcast_in_dim3A_327 : i32 to vector<16xi32>
        %gather3A_329 = tpu.vector_load_idx %arg11[%add3A_126, %broadcast_in_dim3A_328] : memref<192x72xf32, #tpu.memory_space<vmem>>[vector<16xi32>, vector<16xi32>], vector<16xf32>,
        %mul3A_330 = arith.mulf %gather3A_329, %exp3A_167 : vector<16xf32>
        tpu.vector_store_idx %arg15[%add3A_126, %broadcast_in_dim3A_328], %mul3A_330 : memref<192x72xf32, #tpu.memory_space<vmem>>[vector<16xi32>, vector<16xi32>], vector<16xf32>,
        %broadcast_in_dim3A_331 = arith.constant 20 : i32
        %broadcast_in_dim3A_332 = vector.broadcast %broadcast_in_dim3A_331 : i32 to vector<16xi32>
        %gather3A_333 = tpu.vector_load_idx %arg11[%add3A_126, %broadcast_in_dim3A_332] : memref<192x72xf32, #tpu.memory_space<vmem>>[vector<16xi32>, vector<16xi32>], vector<16xf32>,
        %mul3A_334 = arith.mulf %gather3A_333, %exp3A_167 : vector<16xf32>
        tpu.vector_store_idx %arg15[%add3A_126, %broadcast_in_dim3A_332], %mul3A_334 : memref<192x72xf32, #tpu.memory_space<vmem>>[vector<16xi32>, vector<16xi32>], vector<16xf32>,
        %broadcast_in_dim3A_335 = arith.constant 21 : i32
        %broadcast_in_dim3A_336 = vector.broadcast %broadcast_in_dim3A_335 : i32 to vector<16xi32>
        %gather3A_337 = tpu.vector_load_idx %arg11[%add3A_126, %broadcast_in_dim3A_336] : memref<192x72xf32, #tpu.memory_space<vmem>>[vector<16xi32>, vector<16xi32>], vector<16xf32>,
        %mul3A_338 = arith.mulf %gather3A_337, %exp3A_167 : vector<16xf32>
        tpu.vector_store_idx %arg15[%add3A_126, %broadcast_in_dim3A_336], %mul3A_338 : memref<192x72xf32, #tpu.memory_space<vmem>>[vector<16xi32>, vector<16xi32>], vector<16xf32>,
        %broadcast_in_dim3A_339 = arith.constant 22 : i32
        %broadcast_in_dim3A_340 = vector.broadcast %broadcast_in_dim3A_339 : i32 to vector<16xi32>
        %gather3A_341 = tpu.vector_load_idx %arg11[%add3A_126, %broadcast_in_dim3A_340] : memref<192x72xf32, #tpu.memory_space<vmem>>[vector<16xi32>, vector<16xi32>], vector<16xf32>,
        %mul3A_342 = arith.mulf %gather3A_341, %exp3A_167 : vector<16xf32>
        tpu.vector_store_idx %arg15[%add3A_126, %broadcast_in_dim3A_340], %mul3A_342 : memref<192x72xf32, #tpu.memory_space<vmem>>[vector<16xi32>, vector<16xi32>], vector<16xf32>,
        %broadcast_in_dim3A_343 = arith.constant 23 : i32
        %broadcast_in_dim3A_344 = vector.broadcast %broadcast_in_dim3A_343 : i32 to vector<16xi32>
        %gather3A_345 = tpu.vector_load_idx %arg11[%add3A_126, %broadcast_in_dim3A_344] : memref<192x72xf32, #tpu.memory_space<vmem>>[vector<16xi32>, vector<16xi32>], vector<16xf32>,
        %mul3A_346 = arith.mulf %gather3A_345, %exp3A_167 : vector<16xf32>
        tpu.vector_store_idx %arg15[%add3A_126, %broadcast_in_dim3A_344], %mul3A_346 : memref<192x72xf32, #tpu.memory_space<vmem>>[vector<16xi32>, vector<16xi32>], vector<16xf32>,
        %broadcast_in_dim3A_347 = arith.constant 24 : i32
        %broadcast_in_dim3A_348 = vector.broadcast %broadcast_in_dim3A_347 : i32 to vector<16xi32>
        %gather3A_349 = tpu.vector_load_idx %arg11[%add3A_126, %broadcast_in_dim3A_348] : memref<192x72xf32, #tpu.memory_space<vmem>>[vector<16xi32>, vector<16xi32>], vector<16xf32>,
        %mul3A_350 = arith.mulf %gather3A_349, %exp3A_183 : vector<16xf32>
        tpu.vector_store_idx %arg15[%add3A_126, %broadcast_in_dim3A_348], %mul3A_350 : memref<192x72xf32, #tpu.memory_space<vmem>>[vector<16xi32>, vector<16xi32>], vector<16xf32>,
        %broadcast_in_dim3A_351 = arith.constant 25 : i32
        %broadcast_in_dim3A_352 = vector.broadcast %broadcast_in_dim3A_351 : i32 to vector<16xi32>
        %gather3A_353 = tpu.vector_load_idx %arg11[%add3A_126, %broadcast_in_dim3A_352] : memref<192x72xf32, #tpu.memory_space<vmem>>[vector<16xi32>, vector<16xi32>], vector<16xf32>,
        %mul3A_354 = arith.mulf %gather3A_353, %exp3A_183 : vector<16xf32>
        tpu.vector_store_idx %arg15[%add3A_126, %broadcast_in_dim3A_352], %mul3A_354 : memref<192x72xf32, #tpu.memory_space<vmem>>[vector<16xi32>, vector<16xi32>], vector<16xf32>,
        %broadcast_in_dim3A_355 = arith.constant 26 : i32
        %broadcast_in_dim3A_356 = vector.broadcast %broadcast_in_dim3A_355 : i32 to vector<16xi32>
        %gather3A_357 = tpu.vector_load_idx %arg11[%add3A_126, %broadcast_in_dim3A_356] : memref<192x72xf32, #tpu.memory_space<vmem>>[vector<16xi32>, vector<16xi32>], vector<16xf32>,
        %mul3A_358 = arith.mulf %gather3A_357, %exp3A_183 : vector<16xf32>
        tpu.vector_store_idx %arg15[%add3A_126, %broadcast_in_dim3A_356], %mul3A_358 : memref<192x72xf32, #tpu.memory_space<vmem>>[vector<16xi32>, vector<16xi32>], vector<16xf32>,
        %broadcast_in_dim3A_359 = arith.constant 27 : i32
        %broadcast_in_dim3A_360 = vector.broadcast %broadcast_in_dim3A_359 : i32 to vector<16xi32>
        %gather3A_361 = tpu.vector_load_idx %arg11[%add3A_126, %broadcast_in_dim3A_360] : memref<192x72xf32, #tpu.memory_space<vmem>>[vector<16xi32>, vector<16xi32>], vector<16xf32>,
        %mul3A_362 = arith.mulf %gather3A_361, %exp3A_183 : vector<16xf32>
        tpu.vector_store_idx %arg15[%add3A_126, %broadcast_in_dim3A_360], %mul3A_362 : memref<192x72xf32, #tpu.memory_space<vmem>>[vector<16xi32>, vector<16xi32>], vector<16xf32>,
        %broadcast_in_dim3A_363 = arith.constant 28 : i32
        %broadcast_in_dim3A_364 = vector.broadcast %broadcast_in_dim3A_363 : i32 to vector<16xi32>
        %gather3A_365 = tpu.vector_load_idx %arg11[%add3A_126, %broadcast_in_dim3A_364] : memref<192x72xf32, #tpu.memory_space<vmem>>[vector<16xi32>, vector<16xi32>], vector<16xf32>,
        %mul3A_366 = arith.mulf %gather3A_365, %exp3A_183 : vector<16xf32>
        tpu.vector_store_idx %arg15[%add3A_126, %broadcast_in_dim3A_364], %mul3A_366 : memref<192x72xf32, #tpu.memory_space<vmem>>[vector<16xi32>, vector<16xi32>], vector<16xf32>,
        %broadcast_in_dim3A_367 = arith.constant 29 : i32
        %broadcast_in_dim3A_368 = vector.broadcast %broadcast_in_dim3A_367 : i32 to vector<16xi32>
        %gather3A_369 = tpu.vector_load_idx %arg11[%add3A_126, %broadcast_in_dim3A_368] : memref<192x72xf32, #tpu.memory_space<vmem>>[vector<16xi32>, vector<16xi32>], vector<16xf32>,
        %mul3A_370 = arith.mulf %gather3A_369, %exp3A_183 : vector<16xf32>
        tpu.vector_store_idx %arg15[%add3A_126, %broadcast_in_dim3A_368], %mul3A_370 : memref<192x72xf32, #tpu.memory_space<vmem>>[vector<16xi32>, vector<16xi32>], vector<16xf32>,
        %broadcast_in_dim3A_371 = arith.constant 30 : i32
        %broadcast_in_dim3A_372 = vector.broadcast %broadcast_in_dim3A_371 : i32 to vector<16xi32>
        %gather3A_373 = tpu.vector_load_idx %arg11[%add3A_126, %broadcast_in_dim3A_372] : memref<192x72xf32, #tpu.memory_space<vmem>>[vector<16xi32>, vector<16xi32>], vector<16xf32>,
        %mul3A_374 = arith.mulf %gather3A_373, %exp3A_183 : vector<16xf32>
        tpu.vector_store_idx %arg15[%add3A_126, %broadcast_in_dim3A_372], %mul3A_374 : memref<192x72xf32, #tpu.memory_space<vmem>>[vector<16xi32>, vector<16xi32>], vector<16xf32>,
        %broadcast_in_dim3A_375 = arith.constant 31 : i32
        %broadcast_in_dim3A_376 = vector.broadcast %broadcast_in_dim3A_375 : i32 to vector<16xi32>
        %gather3A_377 = tpu.vector_load_idx %arg11[%add3A_126, %broadcast_in_dim3A_376] : memref<192x72xf32, #tpu.memory_space<vmem>>[vector<16xi32>, vector<16xi32>], vector<16xf32>,
        %mul3A_378 = arith.mulf %gather3A_377, %exp3A_183 : vector<16xf32>
        tpu.vector_store_idx %arg15[%add3A_126, %broadcast_in_dim3A_376], %mul3A_378 : memref<192x72xf32, #tpu.memory_space<vmem>>[vector<16xi32>, vector<16xi32>], vector<16xf32>,
        %broadcast_in_dim3A_379 = arith.constant 32 : i32
        %broadcast_in_dim3A_380 = vector.broadcast %broadcast_in_dim3A_379 : i32 to vector<16xi32>
        %gather3A_381 = tpu.vector_load_idx %arg11[%add3A_126, %broadcast_in_dim3A_380] : memref<192x72xf32, #tpu.memory_space<vmem>>[vector<16xi32>, vector<16xi32>], vector<16xf32>,
        %mul3A_382 = arith.mulf %gather3A_381, %exp3A_199 : vector<16xf32>
        tpu.vector_store_idx %arg15[%add3A_126, %broadcast_in_dim3A_380], %mul3A_382 : memref<192x72xf32, #tpu.memory_space<vmem>>[vector<16xi32>, vector<16xi32>], vector<16xf32>,
        %broadcast_in_dim3A_383 = arith.constant 33 : i32
        %broadcast_in_dim3A_384 = vector.broadcast %broadcast_in_dim3A_383 : i32 to vector<16xi32>
        %gather3A_385 = tpu.vector_load_idx %arg11[%add3A_126, %broadcast_in_dim3A_384] : memref<192x72xf32, #tpu.memory_space<vmem>>[vector<16xi32>, vector<16xi32>], vector<16xf32>,
        %mul3A_386 = arith.mulf %gather3A_385, %exp3A_199 : vector<16xf32>
        tpu.vector_store_idx %arg15[%add3A_126, %broadcast_in_dim3A_384], %mul3A_386 : memref<192x72xf32, #tpu.memory_space<vmem>>[vector<16xi32>, vector<16xi32>], vector<16xf32>,
        %broadcast_in_dim3A_387 = arith.constant 34 : i32
        %broadcast_in_dim3A_388 = vector.broadcast %broadcast_in_dim3A_387 : i32 to vector<16xi32>
        %gather3A_389 = tpu.vector_load_idx %arg11[%add3A_126, %broadcast_in_dim3A_388] : memref<192x72xf32, #tpu.memory_space<vmem>>[vector<16xi32>, vector<16xi32>], vector<16xf32>,
        %mul3A_390 = arith.mulf %gather3A_389, %exp3A_199 : vector<16xf32>
        tpu.vector_store_idx %arg15[%add3A_126, %broadcast_in_dim3A_388], %mul3A_390 : memref<192x72xf32, #tpu.memory_space<vmem>>[vector<16xi32>, vector<16xi32>], vector<16xf32>,
        %broadcast_in_dim3A_391 = arith.constant 35 : i32
        %broadcast_in_dim3A_392 = vector.broadcast %broadcast_in_dim3A_391 : i32 to vector<16xi32>
        %gather3A_393 = tpu.vector_load_idx %arg11[%add3A_126, %broadcast_in_dim3A_392] : memref<192x72xf32, #tpu.memory_space<vmem>>[vector<16xi32>, vector<16xi32>], vector<16xf32>,
        %mul3A_394 = arith.mulf %gather3A_393, %exp3A_199 : vector<16xf32>
        tpu.vector_store_idx %arg15[%add3A_126, %broadcast_in_dim3A_392], %mul3A_394 : memref<192x72xf32, #tpu.memory_space<vmem>>[vector<16xi32>, vector<16xi32>], vector<16xf32>,
        %broadcast_in_dim3A_395 = arith.constant 36 : i32
        %broadcast_in_dim3A_396 = vector.broadcast %broadcast_in_dim3A_395 : i32 to vector<16xi32>
        %gather3A_397 = tpu.vector_load_idx %arg11[%add3A_126, %broadcast_in_dim3A_396] : memref<192x72xf32, #tpu.memory_space<vmem>>[vector<16xi32>, vector<16xi32>], vector<16xf32>,
        %mul3A_398 = arith.mulf %gather3A_397, %exp3A_199 : vector<16xf32>
        tpu.vector_store_idx %arg15[%add3A_126, %broadcast_in_dim3A_396], %mul3A_398 : memref<192x72xf32, #tpu.memory_space<vmem>>[vector<16xi32>, vector<16xi32>], vector<16xf32>,
        %broadcast_in_dim3A_399 = arith.constant 37 : i32
        %broadcast_in_dim3A_400 = vector.broadcast %broadcast_in_dim3A_399 : i32 to vector<16xi32>
        %gather3A_401 = tpu.vector_load_idx %arg11[%add3A_126, %broadcast_in_dim3A_400] : memref<192x72xf32, #tpu.memory_space<vmem>>[vector<16xi32>, vector<16xi32>], vector<16xf32>,
        %mul3A_402 = arith.mulf %gather3A_401, %exp3A_199 : vector<16xf32>
        tpu.vector_store_idx %arg15[%add3A_126, %broadcast_in_dim3A_400], %mul3A_402 : memref<192x72xf32, #tpu.memory_space<vmem>>[vector<16xi32>, vector<16xi32>], vector<16xf32>,
        %broadcast_in_dim3A_403 = arith.constant 38 : i32
        %broadcast_in_dim3A_404 = vector.broadcast %broadcast_in_dim3A_403 : i32 to vector<16xi32>
        %gather3A_405 = tpu.vector_load_idx %arg11[%add3A_126, %broadcast_in_dim3A_404] : memref<192x72xf32, #tpu.memory_space<vmem>>[vector<16xi32>, vector<16xi32>], vector<16xf32>,
        %mul3A_406 = arith.mulf %gather3A_405, %exp3A_199 : vector<16xf32>
        tpu.vector_store_idx %arg15[%add3A_126, %broadcast_in_dim3A_404], %mul3A_406 : memref<192x72xf32, #tpu.memory_space<vmem>>[vector<16xi32>, vector<16xi32>], vector<16xf32>,
        %broadcast_in_dim3A_407 = arith.constant 39 : i32
        %broadcast_in_dim3A_408 = vector.broadcast %broadcast_in_dim3A_407 : i32 to vector<16xi32>
        %gather3A_409 = tpu.vector_load_idx %arg11[%add3A_126, %broadcast_in_dim3A_408] : memref<192x72xf32, #tpu.memory_space<vmem>>[vector<16xi32>, vector<16xi32>], vector<16xf32>,
        %mul3A_410 = arith.mulf %gather3A_409, %exp3A_199 : vector<16xf32>
        tpu.vector_store_idx %arg15[%add3A_126, %broadcast_in_dim3A_408], %mul3A_410 : memref<192x72xf32, #tpu.memory_space<vmem>>[vector<16xi32>, vector<16xi32>], vector<16xf32>,
        %broadcast_in_dim3A_411 = arith.constant 40 : i32
        %broadcast_in_dim3A_412 = vector.broadcast %broadcast_in_dim3A_411 : i32 to vector<16xi32>
        %gather3A_413 = tpu.vector_load_idx %arg11[%add3A_126, %broadcast_in_dim3A_412] : memref<192x72xf32, #tpu.memory_space<vmem>>[vector<16xi32>, vector<16xi32>], vector<16xf32>,
        %mul3A_414 = arith.mulf %gather3A_413, %exp3A_215 : vector<16xf32>
        tpu.vector_store_idx %arg15[%add3A_126, %broadcast_in_dim3A_412], %mul3A_414 : memref<192x72xf32, #tpu.memory_space<vmem>>[vector<16xi32>, vector<16xi32>], vector<16xf32>,
        %broadcast_in_dim3A_415 = arith.constant 41 : i32
        %broadcast_in_dim3A_416 = vector.broadcast %broadcast_in_dim3A_415 : i32 to vector<16xi32>
        %gather3A_417 = tpu.vector_load_idx %arg11[%add3A_126, %broadcast_in_dim3A_416] : memref<192x72xf32, #tpu.memory_space<vmem>>[vector<16xi32>, vector<16xi32>], vector<16xf32>,
        %mul3A_418 = arith.mulf %gather3A_417, %exp3A_215 : vector<16xf32>
        tpu.vector_store_idx %arg15[%add3A_126, %broadcast_in_dim3A_416], %mul3A_418 : memref<192x72xf32, #tpu.memory_space<vmem>>[vector<16xi32>, vector<16xi32>], vector<16xf32>,
        %broadcast_in_dim3A_419 = arith.constant 42 : i32
        %broadcast_in_dim3A_420 = vector.broadcast %broadcast_in_dim3A_419 : i32 to vector<16xi32>
        %gather3A_421 = tpu.vector_load_idx %arg11[%add3A_126, %broadcast_in_dim3A_420] : memref<192x72xf32, #tpu.memory_space<vmem>>[vector<16xi32>, vector<16xi32>], vector<16xf32>,
        %mul3A_422 = arith.mulf %gather3A_421, %exp3A_215 : vector<16xf32>
        tpu.vector_store_idx %arg15[%add3A_126, %broadcast_in_dim3A_420], %mul3A_422 : memref<192x72xf32, #tpu.memory_space<vmem>>[vector<16xi32>, vector<16xi32>], vector<16xf32>,
        %broadcast_in_dim3A_423 = arith.constant 43 : i32
        %broadcast_in_dim3A_424 = vector.broadcast %broadcast_in_dim3A_423 : i32 to vector<16xi32>
        %gather3A_425 = tpu.vector_load_idx %arg11[%add3A_126, %broadcast_in_dim3A_424] : memref<192x72xf32, #tpu.memory_space<vmem>>[vector<16xi32>, vector<16xi32>], vector<16xf32>,
        %mul3A_426 = arith.mulf %gather3A_425, %exp3A_215 : vector<16xf32>
        tpu.vector_store_idx %arg15[%add3A_126, %broadcast_in_dim3A_424], %mul3A_426 : memref<192x72xf32, #tpu.memory_space<vmem>>[vector<16xi32>, vector<16xi32>], vector<16xf32>,
        %broadcast_in_dim3A_427 = arith.constant 44 : i32
        %broadcast_in_dim3A_428 = vector.broadcast %broadcast_in_dim3A_427 : i32 to vector<16xi32>
        %gather3A_429 = tpu.vector_load_idx %arg11[%add3A_126, %broadcast_in_dim3A_428] : memref<192x72xf32, #tpu.memory_space<vmem>>[vector<16xi32>, vector<16xi32>], vector<16xf32>,
        %mul3A_430 = arith.mulf %gather3A_429, %exp3A_215 : vector<16xf32>
        tpu.vector_store_idx %arg15[%add3A_126, %broadcast_in_dim3A_428], %mul3A_430 : memref<192x72xf32, #tpu.memory_space<vmem>>[vector<16xi32>, vector<16xi32>], vector<16xf32>,
        %broadcast_in_dim3A_431 = arith.constant 45 : i32
        %broadcast_in_dim3A_432 = vector.broadcast %broadcast_in_dim3A_431 : i32 to vector<16xi32>
        %gather3A_433 = tpu.vector_load_idx %arg11[%add3A_126, %broadcast_in_dim3A_432] : memref<192x72xf32, #tpu.memory_space<vmem>>[vector<16xi32>, vector<16xi32>], vector<16xf32>,
        %mul3A_434 = arith.mulf %gather3A_433, %exp3A_215 : vector<16xf32>
        tpu.vector_store_idx %arg15[%add3A_126, %broadcast_in_dim3A_432], %mul3A_434 : memref<192x72xf32, #tpu.memory_space<vmem>>[vector<16xi32>, vector<16xi32>], vector<16xf32>,
        %broadcast_in_dim3A_435 = arith.constant 46 : i32
        %broadcast_in_dim3A_436 = vector.broadcast %broadcast_in_dim3A_435 : i32 to vector<16xi32>
        %gather3A_437 = tpu.vector_load_idx %arg11[%add3A_126, %broadcast_in_dim3A_436] : memref<192x72xf32, #tpu.memory_space<vmem>>[vector<16xi32>, vector<16xi32>], vector<16xf32>,
        %mul3A_438 = arith.mulf %gather3A_437, %exp3A_215 : vector<16xf32>
        tpu.vector_store_idx %arg15[%add3A_126, %broadcast_in_dim3A_436], %mul3A_438 : memref<192x72xf32, #tpu.memory_space<vmem>>[vector<16xi32>, vector<16xi32>], vector<16xf32>,
        %broadcast_in_dim3A_439 = arith.constant 47 : i32
        %broadcast_in_dim3A_440 = vector.broadcast %broadcast_in_dim3A_439 : i32 to vector<16xi32>
        %gather3A_441 = tpu.vector_load_idx %arg11[%add3A_126, %broadcast_in_dim3A_440] : memref<192x72xf32, #tpu.memory_space<vmem>>[vector<16xi32>, vector<16xi32>], vector<16xf32>,
        %mul3A_442 = arith.mulf %gather3A_441, %exp3A_215 : vector<16xf32>
        tpu.vector_store_idx %arg15[%add3A_126, %broadcast_in_dim3A_440], %mul3A_442 : memref<192x72xf32, #tpu.memory_space<vmem>>[vector<16xi32>, vector<16xi32>], vector<16xf32>,
        %broadcast_in_dim3A_443 = arith.constant 48 : i32
        %broadcast_in_dim3A_444 = vector.broadcast %broadcast_in_dim3A_443 : i32 to vector<16xi32>
        %gather3A_445 = tpu.vector_load_idx %arg11[%add3A_126, %broadcast_in_dim3A_444] : memref<192x72xf32, #tpu.memory_space<vmem>>[vector<16xi32>, vector<16xi32>], vector<16xf32>,
        %mul3A_446 = arith.mulf %gather3A_445, %exp3A_231 : vector<16xf32>
        tpu.vector_store_idx %arg15[%add3A_126, %broadcast_in_dim3A_444], %mul3A_446 : memref<192x72xf32, #tpu.memory_space<vmem>>[vector<16xi32>, vector<16xi32>], vector<16xf32>,
        %broadcast_in_dim3A_447 = arith.constant 49 : i32
        %broadcast_in_dim3A_448 = vector.broadcast %broadcast_in_dim3A_447 : i32 to vector<16xi32>
        %gather3A_449 = tpu.vector_load_idx %arg11[%add3A_126, %broadcast_in_dim3A_448] : memref<192x72xf32, #tpu.memory_space<vmem>>[vector<16xi32>, vector<16xi32>], vector<16xf32>,
        %mul3A_450 = arith.mulf %gather3A_449, %exp3A_231 : vector<16xf32>
        tpu.vector_store_idx %arg15[%add3A_126, %broadcast_in_dim3A_448], %mul3A_450 : memref<192x72xf32, #tpu.memory_space<vmem>>[vector<16xi32>, vector<16xi32>], vector<16xf32>,
        %broadcast_in_dim3A_451 = arith.constant 50 : i32
        %broadcast_in_dim3A_452 = vector.broadcast %broadcast_in_dim3A_451 : i32 to vector<16xi32>
        %gather3A_453 = tpu.vector_load_idx %arg11[%add3A_126, %broadcast_in_dim3A_452] : memref<192x72xf32, #tpu.memory_space<vmem>>[vector<16xi32>, vector<16xi32>], vector<16xf32>,
        %mul3A_454 = arith.mulf %gather3A_453, %exp3A_231 : vector<16xf32>
        tpu.vector_store_idx %arg15[%add3A_126, %broadcast_in_dim3A_452], %mul3A_454 : memref<192x72xf32, #tpu.memory_space<vmem>>[vector<16xi32>, vector<16xi32>], vector<16xf32>,
        %broadcast_in_dim3A_455 = arith.constant 51 : i32
        %broadcast_in_dim3A_456 = vector.broadcast %broadcast_in_dim3A_455 : i32 to vector<16xi32>
        %gather3A_457 = tpu.vector_load_idx %arg11[%add3A_126, %broadcast_in_dim3A_456] : memref<192x72xf32, #tpu.memory_space<vmem>>[vector<16xi32>, vector<16xi32>], vector<16xf32>,
        %mul3A_458 = arith.mulf %gather3A_457, %exp3A_231 : vector<16xf32>
        tpu.vector_store_idx %arg15[%add3A_126, %broadcast_in_dim3A_456], %mul3A_458 : memref<192x72xf32, #tpu.memory_space<vmem>>[vector<16xi32>, vector<16xi32>], vector<16xf32>,
        %broadcast_in_dim3A_459 = arith.constant 52 : i32
        %broadcast_in_dim3A_460 = vector.broadcast %broadcast_in_dim3A_459 : i32 to vector<16xi32>
        %gather3A_461 = tpu.vector_load_idx %arg11[%add3A_126, %broadcast_in_dim3A_460] : memref<192x72xf32, #tpu.memory_space<vmem>>[vector<16xi32>, vector<16xi32>], vector<16xf32>,
        %mul3A_462 = arith.mulf %gather3A_461, %exp3A_231 : vector<16xf32>
        tpu.vector_store_idx %arg15[%add3A_126, %broadcast_in_dim3A_460], %mul3A_462 : memref<192x72xf32, #tpu.memory_space<vmem>>[vector<16xi32>, vector<16xi32>], vector<16xf32>,
        %broadcast_in_dim3A_463 = arith.constant 53 : i32
        %broadcast_in_dim3A_464 = vector.broadcast %broadcast_in_dim3A_463 : i32 to vector<16xi32>
        %gather3A_465 = tpu.vector_load_idx %arg11[%add3A_126, %broadcast_in_dim3A_464] : memref<192x72xf32, #tpu.memory_space<vmem>>[vector<16xi32>, vector<16xi32>], vector<16xf32>,
        %mul3A_466 = arith.mulf %gather3A_465, %exp3A_231 : vector<16xf32>
        tpu.vector_store_idx %arg15[%add3A_126, %broadcast_in_dim3A_464], %mul3A_466 : memref<192x72xf32, #tpu.memory_space<vmem>>[vector<16xi32>, vector<16xi32>], vector<16xf32>,
        %broadcast_in_dim3A_467 = arith.constant 54 : i32
        %broadcast_in_dim3A_468 = vector.broadcast %broadcast_in_dim3A_467 : i32 to vector<16xi32>
        %gather3A_469 = tpu.vector_load_idx %arg11[%add3A_126, %broadcast_in_dim3A_468] : memref<192x72xf32, #tpu.memory_space<vmem>>[vector<16xi32>, vector<16xi32>], vector<16xf32>,
        %mul3A_470 = arith.mulf %gather3A_469, %exp3A_231 : vector<16xf32>
        tpu.vector_store_idx %arg15[%add3A_126, %broadcast_in_dim3A_468], %mul3A_470 : memref<192x72xf32, #tpu.memory_space<vmem>>[vector<16xi32>, vector<16xi32>], vector<16xf32>,
        %broadcast_in_dim3A_471 = arith.constant 55 : i32
        %broadcast_in_dim3A_472 = vector.broadcast %broadcast_in_dim3A_471 : i32 to vector<16xi32>
        %gather3A_473 = tpu.vector_load_idx %arg11[%add3A_126, %broadcast_in_dim3A_472] : memref<192x72xf32, #tpu.memory_space<vmem>>[vector<16xi32>, vector<16xi32>], vector<16xf32>,
        %mul3A_474 = arith.mulf %gather3A_473, %exp3A_231 : vector<16xf32>
        tpu.vector_store_idx %arg15[%add3A_126, %broadcast_in_dim3A_472], %mul3A_474 : memref<192x72xf32, #tpu.memory_space<vmem>>[vector<16xi32>, vector<16xi32>], vector<16xf32>,
        %broadcast_in_dim3A_475 = arith.constant 56 : i32
        %broadcast_in_dim3A_476 = vector.broadcast %broadcast_in_dim3A_475 : i32 to vector<16xi32>
        %gather3A_477 = tpu.vector_load_idx %arg11[%add3A_126, %broadcast_in_dim3A_476] : memref<192x72xf32, #tpu.memory_space<vmem>>[vector<16xi32>, vector<16xi32>], vector<16xf32>,
        %mul3A_478 = arith.mulf %gather3A_477, %exp3A_247 : vector<16xf32>
        tpu.vector_store_idx %arg15[%add3A_126, %broadcast_in_dim3A_476], %mul3A_478 : memref<192x72xf32, #tpu.memory_space<vmem>>[vector<16xi32>, vector<16xi32>], vector<16xf32>,
        %broadcast_in_dim3A_479 = arith.constant 57 : i32
        %broadcast_in_dim3A_480 = vector.broadcast %broadcast_in_dim3A_479 : i32 to vector<16xi32>
        %gather3A_481 = tpu.vector_load_idx %arg11[%add3A_126, %broadcast_in_dim3A_480] : memref<192x72xf32, #tpu.memory_space<vmem>>[vector<16xi32>, vector<16xi32>], vector<16xf32>,
        %mul3A_482 = arith.mulf %gather3A_481, %exp3A_247 : vector<16xf32>
        tpu.vector_store_idx %arg15[%add3A_126, %broadcast_in_dim3A_480], %mul3A_482 : memref<192x72xf32, #tpu.memory_space<vmem>>[vector<16xi32>, vector<16xi32>], vector<16xf32>,
        %broadcast_in_dim3A_483 = arith.constant 58 : i32
        %broadcast_in_dim3A_484 = vector.broadcast %broadcast_in_dim3A_483 : i32 to vector<16xi32>
        %gather3A_485 = tpu.vector_load_idx %arg11[%add3A_126, %broadcast_in_dim3A_484] : memref<192x72xf32, #tpu.memory_space<vmem>>[vector<16xi32>, vector<16xi32>], vector<16xf32>,
        %mul3A_486 = arith.mulf %gather3A_485, %exp3A_247 : vector<16xf32>
        tpu.vector_store_idx %arg15[%add3A_126, %broadcast_in_dim3A_484], %mul3A_486 : memref<192x72xf32, #tpu.memory_space<vmem>>[vector<16xi32>, vector<16xi32>], vector<16xf32>,
        %broadcast_in_dim3A_487 = arith.constant 59 : i32
        %broadcast_in_dim3A_488 = vector.broadcast %broadcast_in_dim3A_487 : i32 to vector<16xi32>
        %gather3A_489 = tpu.vector_load_idx %arg11[%add3A_126, %broadcast_in_dim3A_488] : memref<192x72xf32, #tpu.memory_space<vmem>>[vector<16xi32>, vector<16xi32>], vector<16xf32>,
        %mul3A_490 = arith.mulf %gather3A_489, %exp3A_247 : vector<16xf32>
        tpu.vector_store_idx %arg15[%add3A_126, %broadcast_in_dim3A_488], %mul3A_490 : memref<192x72xf32, #tpu.memory_space<vmem>>[vector<16xi32>, vector<16xi32>], vector<16xf32>,
        %broadcast_in_dim3A_491 = arith.constant 60 : i32
        %broadcast_in_dim3A_492 = vector.broadcast %broadcast_in_dim3A_491 : i32 to vector<16xi32>
        %gather3A_493 = tpu.vector_load_idx %arg11[%add3A_126, %broadcast_in_dim3A_492] : memref<192x72xf32, #tpu.memory_space<vmem>>[vector<16xi32>, vector<16xi32>], vector<16xf32>,
        %mul3A_494 = arith.mulf %gather3A_493, %exp3A_247 : vector<16xf32>
        tpu.vector_store_idx %arg15[%add3A_126, %broadcast_in_dim3A_492], %mul3A_494 : memref<192x72xf32, #tpu.memory_space<vmem>>[vector<16xi32>, vector<16xi32>], vector<16xf32>,
        %broadcast_in_dim3A_495 = arith.constant 61 : i32
        %broadcast_in_dim3A_496 = vector.broadcast %broadcast_in_dim3A_495 : i32 to vector<16xi32>
        %gather3A_497 = tpu.vector_load_idx %arg11[%add3A_126, %broadcast_in_dim3A_496] : memref<192x72xf32, #tpu.memory_space<vmem>>[vector<16xi32>, vector<16xi32>], vector<16xf32>,
        %mul3A_498 = arith.mulf %gather3A_497, %exp3A_247 : vector<16xf32>
        tpu.vector_store_idx %arg15[%add3A_126, %broadcast_in_dim3A_496], %mul3A_498 : memref<192x72xf32, #tpu.memory_space<vmem>>[vector<16xi32>, vector<16xi32>], vector<16xf32>,
        %broadcast_in_dim3A_499 = arith.constant 62 : i32
        %broadcast_in_dim3A_500 = vector.broadcast %broadcast_in_dim3A_499 : i32 to vector<16xi32>
        %gather3A_501 = tpu.vector_load_idx %arg11[%add3A_126, %broadcast_in_dim3A_500] : memref<192x72xf32, #tpu.memory_space<vmem>>[vector<16xi32>, vector<16xi32>], vector<16xf32>,
        %mul3A_502 = arith.mulf %gather3A_501, %exp3A_247 : vector<16xf32>
        tpu.vector_store_idx %arg15[%add3A_126, %broadcast_in_dim3A_500], %mul3A_502 : memref<192x72xf32, #tpu.memory_space<vmem>>[vector<16xi32>, vector<16xi32>], vector<16xf32>,
        %broadcast_in_dim3A_503 = arith.constant 63 : i32
        %broadcast_in_dim3A_504 = vector.broadcast %broadcast_in_dim3A_503 : i32 to vector<16xi32>
        %gather3A_505 = tpu.vector_load_idx %arg11[%add3A_126, %broadcast_in_dim3A_504] : memref<192x72xf32, #tpu.memory_space<vmem>>[vector<16xi32>, vector<16xi32>], vector<16xf32>,
        %mul3A_506 = arith.mulf %gather3A_505, %exp3A_247 : vector<16xf32>
        tpu.vector_store_idx %arg15[%add3A_126, %broadcast_in_dim3A_504], %mul3A_506 : memref<192x72xf32, #tpu.memory_space<vmem>>[vector<16xi32>, vector<16xi32>], vector<16xf32>,
      }
      %scan3A_110 = arith.constant 12 : i32
      %dma_start3A_111 = arith.constant 0 : i32
      %dma_start3A_112 = tpu.memref_slice %arg9[%add3A_53, %dma_start3A_111] : memref<54x192xi32, #tpu.memory_space<vmem>> -> memref<1x192xi32, #tpu.memory_space<vmem>>
      %dma_start3A_113 = tpu.memref_squeeze %dma_start3A_112 : memref<1x192xi32, #tpu.memory_space<vmem>> -> memref<192xi32, #tpu.memory_space<vmem>>
      %dma_start3A_114 = arith.constant 0 : i32
      %dma_start3A_115 = arith.constant 0 : i32
      %dma_start3A_116 = tpu.memref_slice %arg16[%dma_start3A_114, %dma_start3A_115] : memref<10240x72xf32, #tpu.memory_space<vmem_shared>> -> memref<10240x72xf32, #tpu.memory_space<vmem_shared>>
      tpu.enqueue_indirect_dma source(%arg15 : memref<192x72xf32, #tpu.memory_space<vmem>>) target(%dma_start3A_116 : memref<10240x72xf32, #tpu.memory_space<vmem_shared>>) offsets(%dma_start3A_113 : memref<192xi32, #tpu.memory_space<vmem>>) semaphore(%arg22 : memref<!tpu.dma_semaphore, #tpu.memory_space<semaphore_mem>>) {add = true}
      %lt3A_117 = arith.constant 26 : i32
      %lt3A_118 = arith.cmpi slt, %scan3A_47, %lt3A_117 : i32
      %convert_element_type3A_119 = arith.extui %lt3A_118 : i1 to i32
      %cond3A_120 = arith.constant 0 : i32
      %cond3A_121 = arith.cmpi ne, %convert_element_type3A_119, %cond3A_120 : i32
      scf.if %cond3A_121 {
        %add3A_122 = arith.constant 2 : i32
        %add3A_123 = arith.addi %add3A_53, %add3A_122 : i32
        %dma_start3A_124 = arith.constant 0 : i32
        %dma_start3A_125 = tpu.memref_slice %arg8[%add3A_123, %dma_start3A_124] : memref<54x192xi32, #tpu.memory_space<vmem>> -> memref<1x192xi32, #tpu.memory_space<vmem>>
        %dma_start3A_126 = tpu.memref_squeeze %dma_start3A_125 : memref<1x192xi32, #tpu.memory_space<vmem>> -> memref<192xi32, #tpu.memory_space<vmem>>
        %dma_start3A_127 = arith.constant 0 : i32
        %dma_start3A_128 = arith.constant 0 : i32
        %dma_start3A_129 = tpu.memref_slice %arg2[%dma_start3A_127, %dma_start3A_128] : memref<10240x72xf32, #tpu.memory_space<hbm>> -> memref<10240x72xf32, #tpu.memory_space<hbm>>
        tpu.enqueue_indirect_dma source(%dma_start3A_129 : memref<10240x72xf32, #tpu.memory_space<hbm>>) target(%arg11 : memref<192x72xf32, #tpu.memory_space<vmem>>) offsets(%dma_start3A_126 : memref<192xi32, #tpu.memory_space<vmem>>) semaphore(%arg18 : memref<!tpu.dma_semaphore, #tpu.memory_space<semaphore_mem>>)
        %dma_start3A_130 = arith.constant 0 : i32
        %dma_start3A_131 = tpu.memref_slice %arg9[%add3A_123, %dma_start3A_130] : memref<54x192xi32, #tpu.memory_space<vmem>> -> memref<1x192xi32, #tpu.memory_space<vmem>>
        %dma_start3A_132 = tpu.memref_squeeze %dma_start3A_131 : memref<1x192xi32, #tpu.memory_space<vmem>> -> memref<192xi32, #tpu.memory_space<vmem>>
        %dma_start3A_133 = arith.constant 0 : i32
        %dma_start3A_134 = arith.constant 0 : i32
        %dma_start3A_135 = tpu.memref_slice %arg3[%dma_start3A_133, %dma_start3A_134] : memref<10240x8xf32, #tpu.memory_space<hbm>> -> memref<10240x8xf32, #tpu.memory_space<hbm>>
        tpu.enqueue_indirect_dma source(%dma_start3A_135 : memref<10240x8xf32, #tpu.memory_space<hbm>>) target(%arg13 : memref<192x8xf32, #tpu.memory_space<vmem>>) offsets(%dma_start3A_132 : memref<192xi32, #tpu.memory_space<vmem>>) semaphore(%arg20 : memref<!tpu.dma_semaphore, #tpu.memory_space<semaphore_mem>>)
      } else {
      }
    }
    %scan3A_34 = arith.constant 27 : i32
    %dma_wait3A = arith.constant 0 : i32
    %dma_wait3A_35 = arith.constant 0 : i32
    %dma_wait3A_36 = tpu.memref_slice %arg6[%dma_wait3A, %dma_wait3A_35] : memref<10240x72xf32, #tpu.memory_space<hbm>> -> memref<192x72xf32, #tpu.memory_space<hbm>>
    %dma_wait3A_37 = arith.constant 0 : i32
    %dma_wait3A_38 = arith.constant 0 : i32
    %dma_wait3A_39 = tpu.memref_slice %arg6[%dma_wait3A_37, %dma_wait3A_38] : memref<10240x72xf32, #tpu.memory_space<hbm>> -> memref<192x72xf32, #tpu.memory_space<hbm>>
    tpu.wait_dma2 semaphore(%arg21 : memref<!tpu.dma_semaphore, #tpu.memory_space<semaphore_mem>>) src(%dma_wait3A_39 : memref<192x72xf32, #tpu.memory_space<hbm>>) dst(%arg14 : memref<192x72xf32, #tpu.memory_space<vmem>>)
    %dma_wait3A_40 = arith.constant 0 : i32
    %dma_wait3A_41 = arith.constant 0 : i32
    %dma_wait3A_42 = tpu.memref_slice %arg6[%dma_wait3A_40, %dma_wait3A_41] : memref<10240x72xf32, #tpu.memory_space<hbm>> -> memref<192x72xf32, #tpu.memory_space<hbm>>
    %dma_wait3A_43 = arith.constant 0 : i32
    %dma_wait3A_44 = arith.constant 0 : i32
    %dma_wait3A_45 = tpu.memref_slice %arg6[%dma_wait3A_43, %dma_wait3A_44] : memref<10240x72xf32, #tpu.memory_space<hbm>> -> memref<192x72xf32, #tpu.memory_space<hbm>>
    tpu.wait_dma2 semaphore(%arg22 : memref<!tpu.dma_semaphore, #tpu.memory_space<semaphore_mem>>) src(%dma_wait3A_45 : memref<192x72xf32, #tpu.memory_space<hbm>>) dst(%arg15 : memref<192x72xf32, #tpu.memory_space<vmem>>)
    %barrier3A_46 = arith.constant 0 : index
    tpu.barrier barrier_id(%barrier3A_46)
    "tpu.region"() ({
      %run_scoped3A = tpu.sem_alloc : memref<!tpu.dma_semaphore, #tpu.memory_space<semaphore_mem>>
      %dma_start3A_47 = arith.constant 0 : i32
      %dma_start3A_48 = tpu.memref_slice %arg7[%arg0, %mul3A_2, %dma_start3A_47] : memref<2x10240x72xf32, #tpu.memory_space<hbm>> -> memref<1x640x72xf32, #tpu.memory_space<hbm>>
      %dma_start3A_49 = tpu.memref_squeeze %dma_start3A_48 : memref<1x640x72xf32, #tpu.memory_space<hbm>> -> memref<640x72xf32, #tpu.memory_space<hbm>>
      %dma_start3A_50 = arith.constant 0 : i32
      %dma_start3A_51 = tpu.memref_slice %arg16[%mul3A_2, %dma_start3A_50] : memref<10240x72xf32, #tpu.memory_space<vmem_shared>> -> memref<640x72xf32, #tpu.memory_space<vmem_shared>>
      tpu.enqueue_dma source(%dma_start3A_51 : memref<640x72xf32, #tpu.memory_space<vmem_shared>>) target(%dma_start3A_49 : memref<640x72xf32, #tpu.memory_space<hbm>>) target_semaphore(%run_scoped3A : memref<!tpu.dma_semaphore, #tpu.memory_space<semaphore_mem>>)
      %dma_wait3A_52 = arith.constant 0 : i32
      %dma_wait3A_53 = tpu.memref_slice %arg7[%arg0, %mul3A_2, %dma_wait3A_52] : memref<2x10240x72xf32, #tpu.memory_space<hbm>> -> memref<1x640x72xf32, #tpu.memory_space<hbm>>
      %dma_wait3A_54 = tpu.memref_squeeze %dma_wait3A_53 : memref<1x640x72xf32, #tpu.memory_space<hbm>> -> memref<640x72xf32, #tpu.memory_space<hbm>>
      %dma_wait3A_55 = arith.constant 0 : i32
      %dma_wait3A_56 = tpu.memref_slice %arg16[%mul3A_2, %dma_wait3A_55] : memref<10240x72xf32, #tpu.memory_space<vmem_shared>> -> memref<640x72xf32, #tpu.memory_space<vmem_shared>>
      tpu.wait_dma2 semaphore(%run_scoped3A : memref<!tpu.dma_semaphore, #tpu.memory_space<semaphore_mem>>) src(%dma_wait3A_56 : memref<640x72xf32, #tpu.memory_space<vmem_shared>>) dst(%dma_wait3A_54 : memref<640x72xf32, #tpu.memory_space<hbm>>)
      tpu.yield
    }) : () -> ()
    return
  }
}

#map = affine_map<(d0, d1) -> (0, 0)>
#map1 = affine_map<(d0, d1) -> (0)>
#map2 = affine_map<(d0, d1) -> (0, 0, 0)>
module attributes {stable_mosaic.version = 14 : i64} {
  func.func @_mp2_body(%arg0: i32, %arg1: i32, %arg2: memref<10240x16xf32, #tpu.memory_space<hbm>>, %arg3: memref<10240xf32, #tpu.memory_space<hbm>>, %arg4: memref<10240xf32, #tpu.memory_space<hbm>>, %arg5: memref<32x54x192xi32, #tpu.memory_space<hbm>>, %arg6: memref<32x54x192xi32, #tpu.memory_space<hbm>>, %arg7: memref<10240x24xf32, #tpu.memory_space<hbm>>, %arg8: memref<2x10240x24xf32, #tpu.memory_space<hbm>>, %arg9: memref<54x192xi32, #tpu.memory_space<vmem>>, %arg10: memref<54x192xi32, #tpu.memory_space<vmem>>, %arg11: memref<192x16xf32, #tpu.memory_space<vmem>>, %arg12: memref<192x16xf32, #tpu.memory_space<vmem>>, %arg13: memref<192xf32, #tpu.memory_space<vmem>>, %arg14: memref<192xf32, #tpu.memory_space<vmem>>, %arg15: memref<192xf32, #tpu.memory_space<vmem>>, %arg16: memref<192xf32, #tpu.memory_space<vmem>>, %arg17: memref<192x24xf32, #tpu.memory_space<vmem>>, %arg18: memref<192x24xf32, #tpu.memory_space<vmem>>, %arg19: memref<10240x24xf32, #tpu.memory_space<vmem_shared>>, %arg20: memref<!tpu.dma_semaphore, #tpu.memory_space<semaphore_mem>>, %arg21: memref<!tpu.dma_semaphore, #tpu.memory_space<semaphore_mem>>, %arg22: memref<!tpu.dma_semaphore, #tpu.memory_space<semaphore_mem>>, %arg23: memref<!tpu.dma_semaphore, #tpu.memory_space<semaphore_mem>>, %arg24: memref<!tpu.dma_semaphore, #tpu.memory_space<semaphore_mem>>, %arg25: memref<!tpu.dma_semaphore, #tpu.memory_space<semaphore_mem>>, %arg26: memref<!tpu.dma_semaphore, #tpu.memory_space<semaphore_mem>>, %arg27: memref<!tpu.dma_semaphore, #tpu.memory_space<semaphore_mem>>) attributes {dimension_semantics = [#tpu.dimension_semantics<core_parallel>, #tpu.dimension_semantics<subcore_parallel>], iteration_bounds = array<i64: 2, 16>, scalar_prefetch = 0 : i64, scratch_operands = 19 : i64, tpu.core_type = #tpu.core_type<sc_vector_subcore>, window_params = [{transform_indices = #map}, {transform_indices = #map1}, {transform_indices = #map1}, {transform_indices = #map2}, {transform_indices = #map2}, {transform_indices = #map}, {transform_indices = #map2}]} {
    %mul3A = arith.constant 2 : i32
    %mul3A_0 = arith.muli %arg1, %mul3A : i32
    %add3A = arith.addi %mul3A_0, %arg0 : i32
    %mul3A_1 = arith.constant 640 : i32
    %mul3A_2 = arith.muli %arg1, %mul3A_1 : i32
    "tpu.region"() ({
      %run_scoped3A = tpu.sem_alloc : memref<!tpu.dma_semaphore, #tpu.memory_space<semaphore_mem>>
      %dma_start3A_58 = arith.constant 0 : i32
      %dma_start3A_59 = tpu.memref_slice %arg19[%mul3A_2, %dma_start3A_58] : memref<10240x24xf32, #tpu.memory_space<vmem_shared>> -> memref<640x24xf32, #tpu.memory_space<vmem_shared>>
      %dma_start3A_60 = arith.constant 0 : i32
      %dma_start3A_61 = tpu.memref_slice %arg7[%mul3A_2, %dma_start3A_60] : memref<10240x24xf32, #tpu.memory_space<hbm>> -> memref<640x24xf32, #tpu.memory_space<hbm>>
      tpu.enqueue_dma source(%dma_start3A_61 : memref<640x24xf32, #tpu.memory_space<hbm>>) target(%dma_start3A_59 : memref<640x24xf32, #tpu.memory_space<vmem_shared>>) target_semaphore(%run_scoped3A : memref<!tpu.dma_semaphore, #tpu.memory_space<semaphore_mem>>)
      %dma_wait3A_62 = arith.constant 0 : i32
      %dma_wait3A_63 = tpu.memref_slice %arg19[%mul3A_2, %dma_wait3A_62] : memref<10240x24xf32, #tpu.memory_space<vmem_shared>> -> memref<640x24xf32, #tpu.memory_space<vmem_shared>>
      %dma_wait3A_64 = arith.constant 0 : i32
      %dma_wait3A_65 = tpu.memref_slice %arg7[%mul3A_2, %dma_wait3A_64] : memref<10240x24xf32, #tpu.memory_space<hbm>> -> memref<640x24xf32, #tpu.memory_space<hbm>>
      tpu.wait_dma2 semaphore(%run_scoped3A : memref<!tpu.dma_semaphore, #tpu.memory_space<semaphore_mem>>) src(%dma_wait3A_65 : memref<640x24xf32, #tpu.memory_space<hbm>>) dst(%dma_wait3A_63 : memref<640x24xf32, #tpu.memory_space<vmem_shared>>)
      tpu.yield
    }) : () -> ()
    "tpu.region"() ({
      %run_scoped3A = tpu.sem_alloc : memref<!tpu.dma_semaphore, #tpu.memory_space<semaphore_mem>>
      %dma_start3A_58 = arith.constant 0 : i32
      %dma_start3A_59 = arith.constant 0 : i32
      %dma_start3A_60 = tpu.memref_slice %arg5[%add3A, %dma_start3A_58, %dma_start3A_59] : memref<32x54x192xi32, #tpu.memory_space<hbm>> -> memref<1x54x192xi32, #tpu.memory_space<hbm>>
      %dma_start3A_61 = tpu.memref_squeeze %dma_start3A_60 : memref<1x54x192xi32, #tpu.memory_space<hbm>> -> memref<54x192xi32, #tpu.memory_space<hbm>>
      %dma_start3A_62 = arith.constant 0 : i32
      %dma_start3A_63 = arith.constant 0 : i32
      %dma_start3A_64 = tpu.memref_slice %arg5[%add3A, %dma_start3A_62, %dma_start3A_63] : memref<32x54x192xi32, #tpu.memory_space<hbm>> -> memref<1x54x192xi32, #tpu.memory_space<hbm>>
      %dma_start3A_65 = tpu.memref_squeeze %dma_start3A_64 : memref<1x54x192xi32, #tpu.memory_space<hbm>> -> memref<54x192xi32, #tpu.memory_space<hbm>>
      tpu.enqueue_dma source(%dma_start3A_65 : memref<54x192xi32, #tpu.memory_space<hbm>>) target(%arg9 : memref<54x192xi32, #tpu.memory_space<vmem>>) target_semaphore(%run_scoped3A : memref<!tpu.dma_semaphore, #tpu.memory_space<semaphore_mem>>)
      %dma_wait3A_66 = arith.constant 0 : i32
      %dma_wait3A_67 = arith.constant 0 : i32
      %dma_wait3A_68 = tpu.memref_slice %arg5[%add3A, %dma_wait3A_66, %dma_wait3A_67] : memref<32x54x192xi32, #tpu.memory_space<hbm>> -> memref<1x54x192xi32, #tpu.memory_space<hbm>>
      %dma_wait3A_69 = tpu.memref_squeeze %dma_wait3A_68 : memref<1x54x192xi32, #tpu.memory_space<hbm>> -> memref<54x192xi32, #tpu.memory_space<hbm>>
      %dma_wait3A_70 = arith.constant 0 : i32
      %dma_wait3A_71 = arith.constant 0 : i32
      %dma_wait3A_72 = tpu.memref_slice %arg5[%add3A, %dma_wait3A_70, %dma_wait3A_71] : memref<32x54x192xi32, #tpu.memory_space<hbm>> -> memref<1x54x192xi32, #tpu.memory_space<hbm>>
      %dma_wait3A_73 = tpu.memref_squeeze %dma_wait3A_72 : memref<1x54x192xi32, #tpu.memory_space<hbm>> -> memref<54x192xi32, #tpu.memory_space<hbm>>
      tpu.wait_dma2 semaphore(%run_scoped3A : memref<!tpu.dma_semaphore, #tpu.memory_space<semaphore_mem>>) src(%dma_wait3A_73 : memref<54x192xi32, #tpu.memory_space<hbm>>) dst(%arg9 : memref<54x192xi32, #tpu.memory_space<vmem>>)
      tpu.yield
    }) : () -> ()
    "tpu.region"() ({
      %run_scoped3A = tpu.sem_alloc : memref<!tpu.dma_semaphore, #tpu.memory_space<semaphore_mem>>
      %dma_start3A_58 = arith.constant 0 : i32
      %dma_start3A_59 = arith.constant 0 : i32
      %dma_start3A_60 = tpu.memref_slice %arg6[%add3A, %dma_start3A_58, %dma_start3A_59] : memref<32x54x192xi32, #tpu.memory_space<hbm>> -> memref<1x54x192xi32, #tpu.memory_space<hbm>>
      %dma_start3A_61 = tpu.memref_squeeze %dma_start3A_60 : memref<1x54x192xi32, #tpu.memory_space<hbm>> -> memref<54x192xi32, #tpu.memory_space<hbm>>
      %dma_start3A_62 = arith.constant 0 : i32
      %dma_start3A_63 = arith.constant 0 : i32
      %dma_start3A_64 = tpu.memref_slice %arg6[%add3A, %dma_start3A_62, %dma_start3A_63] : memref<32x54x192xi32, #tpu.memory_space<hbm>> -> memref<1x54x192xi32, #tpu.memory_space<hbm>>
      %dma_start3A_65 = tpu.memref_squeeze %dma_start3A_64 : memref<1x54x192xi32, #tpu.memory_space<hbm>> -> memref<54x192xi32, #tpu.memory_space<hbm>>
      tpu.enqueue_dma source(%dma_start3A_65 : memref<54x192xi32, #tpu.memory_space<hbm>>) target(%arg10 : memref<54x192xi32, #tpu.memory_space<vmem>>) target_semaphore(%run_scoped3A : memref<!tpu.dma_semaphore, #tpu.memory_space<semaphore_mem>>)
      %dma_wait3A_66 = arith.constant 0 : i32
      %dma_wait3A_67 = arith.constant 0 : i32
      %dma_wait3A_68 = tpu.memref_slice %arg6[%add3A, %dma_wait3A_66, %dma_wait3A_67] : memref<32x54x192xi32, #tpu.memory_space<hbm>> -> memref<1x54x192xi32, #tpu.memory_space<hbm>>
      %dma_wait3A_69 = tpu.memref_squeeze %dma_wait3A_68 : memref<1x54x192xi32, #tpu.memory_space<hbm>> -> memref<54x192xi32, #tpu.memory_space<hbm>>
      %dma_wait3A_70 = arith.constant 0 : i32
      %dma_wait3A_71 = arith.constant 0 : i32
      %dma_wait3A_72 = tpu.memref_slice %arg6[%add3A, %dma_wait3A_70, %dma_wait3A_71] : memref<32x54x192xi32, #tpu.memory_space<hbm>> -> memref<1x54x192xi32, #tpu.memory_space<hbm>>
      %dma_wait3A_73 = tpu.memref_squeeze %dma_wait3A_72 : memref<1x54x192xi32, #tpu.memory_space<hbm>> -> memref<54x192xi32, #tpu.memory_space<hbm>>
      tpu.wait_dma2 semaphore(%run_scoped3A : memref<!tpu.dma_semaphore, #tpu.memory_space<semaphore_mem>>) src(%dma_wait3A_73 : memref<54x192xi32, #tpu.memory_space<hbm>>) dst(%arg10 : memref<54x192xi32, #tpu.memory_space<vmem>>)
      tpu.yield
    }) : () -> ()
    %barrier3A = arith.constant 0 : index
    tpu.barrier barrier_id(%barrier3A)
    %iota3A = tpu.iota {dimensions = array<i32: 0>} : vector<16xi32>
    %broadcast_in_dim3A = arith.constant 16 : i32
    %broadcast_in_dim3A_3 = vector.broadcast %broadcast_in_dim3A : i32 to vector<16xi32>
    %dma_start3A = arith.constant 0 : i32
    %dma_start3A_4 = arith.constant 0 : i32
    %dma_start3A_5 = tpu.memref_slice %arg9[%dma_start3A, %dma_start3A_4] : memref<54x192xi32, #tpu.memory_space<vmem>> -> memref<1x192xi32, #tpu.memory_space<vmem>>
    %dma_start3A_6 = tpu.memref_squeeze %dma_start3A_5 : memref<1x192xi32, #tpu.memory_space<vmem>> -> memref<192xi32, #tpu.memory_space<vmem>>
    %dma_start3A_7 = arith.constant 0 : i32
    %dma_start3A_8 = arith.constant 0 : i32
    %dma_start3A_9 = tpu.memref_slice %arg2[%dma_start3A_7, %dma_start3A_8] : memref<10240x16xf32, #tpu.memory_space<hbm>> -> memref<10240x16xf32, #tpu.memory_space<hbm>>
    tpu.enqueue_indirect_dma source(%dma_start3A_9 : memref<10240x16xf32, #tpu.memory_space<hbm>>) target(%arg11 : memref<192x16xf32, #tpu.memory_space<vmem>>) offsets(%dma_start3A_6 : memref<192xi32, #tpu.memory_space<vmem>>) semaphore(%arg20 : memref<!tpu.dma_semaphore, #tpu.memory_space<semaphore_mem>>)
    %dma_start3A_10 = arith.constant 0 : i32
    %dma_start3A_11 = arith.constant 0 : i32
    %dma_start3A_12 = tpu.memref_slice %arg9[%dma_start3A_10, %dma_start3A_11] : memref<54x192xi32, #tpu.memory_space<vmem>> -> memref<1x192xi32, #tpu.memory_space<vmem>>
    %dma_start3A_13 = tpu.memref_squeeze %dma_start3A_12 : memref<1x192xi32, #tpu.memory_space<vmem>> -> memref<192xi32, #tpu.memory_space<vmem>>
    %dma_start3A_14 = arith.constant 0 : i32
    %dma_start3A_15 = tpu.memref_slice %arg3[%dma_start3A_14] : memref<10240xf32, #tpu.memory_space<hbm>> -> memref<10240xf32, #tpu.memory_space<hbm>>
    tpu.enqueue_indirect_dma source(%dma_start3A_15 : memref<10240xf32, #tpu.memory_space<hbm>>) target(%arg13 : memref<192xf32, #tpu.memory_space<vmem>>) offsets(%dma_start3A_13 : memref<192xi32, #tpu.memory_space<vmem>>) semaphore(%arg22 : memref<!tpu.dma_semaphore, #tpu.memory_space<semaphore_mem>>)
    %dma_start3A_16 = arith.constant 0 : i32
    %dma_start3A_17 = arith.constant 0 : i32
    %dma_start3A_18 = tpu.memref_slice %arg10[%dma_start3A_16, %dma_start3A_17] : memref<54x192xi32, #tpu.memory_space<vmem>> -> memref<1x192xi32, #tpu.memory_space<vmem>>
    %dma_start3A_19 = tpu.memref_squeeze %dma_start3A_18 : memref<1x192xi32, #tpu.memory_space<vmem>> -> memref<192xi32, #tpu.memory_space<vmem>>
    %dma_start3A_20 = arith.constant 0 : i32
    %dma_start3A_21 = tpu.memref_slice %arg4[%dma_start3A_20] : memref<10240xf32, #tpu.memory_space<hbm>> -> memref<10240xf32, #tpu.memory_space<hbm>>
    tpu.enqueue_indirect_dma source(%dma_start3A_21 : memref<10240xf32, #tpu.memory_space<hbm>>) target(%arg15 : memref<192xf32, #tpu.memory_space<vmem>>) offsets(%dma_start3A_19 : memref<192xi32, #tpu.memory_space<vmem>>) semaphore(%arg24 : memref<!tpu.dma_semaphore, #tpu.memory_space<semaphore_mem>>)
    %dma_start3A_22 = arith.constant 1 : i32
    %dma_start3A_23 = arith.constant 0 : i32
    %dma_start3A_24 = tpu.memref_slice %arg9[%dma_start3A_22, %dma_start3A_23] : memref<54x192xi32, #tpu.memory_space<vmem>> -> memref<1x192xi32, #tpu.memory_space<vmem>>
    %dma_start3A_25 = tpu.memref_squeeze %dma_start3A_24 : memref<1x192xi32, #tpu.memory_space<vmem>> -> memref<192xi32, #tpu.memory_space<vmem>>
    %dma_start3A_26 = arith.constant 0 : i32
    %dma_start3A_27 = arith.constant 0 : i32
    %dma_start3A_28 = tpu.memref_slice %arg2[%dma_start3A_26, %dma_start3A_27] : memref<10240x16xf32, #tpu.memory_space<hbm>> -> memref<10240x16xf32, #tpu.memory_space<hbm>>
    tpu.enqueue_indirect_dma source(%dma_start3A_28 : memref<10240x16xf32, #tpu.memory_space<hbm>>) target(%arg12 : memref<192x16xf32, #tpu.memory_space<vmem>>) offsets(%dma_start3A_25 : memref<192xi32, #tpu.memory_space<vmem>>) semaphore(%arg21 : memref<!tpu.dma_semaphore, #tpu.memory_space<semaphore_mem>>)
    %dma_start3A_29 = arith.constant 1 : i32
    %dma_start3A_30 = arith.constant 0 : i32
    %dma_start3A_31 = tpu.memref_slice %arg9[%dma_start3A_29, %dma_start3A_30] : memref<54x192xi32, #tpu.memory_space<vmem>> -> memref<1x192xi32, #tpu.memory_space<vmem>>
    %dma_start3A_32 = tpu.memref_squeeze %dma_start3A_31 : memref<1x192xi32, #tpu.memory_space<vmem>> -> memref<192xi32, #tpu.memory_space<vmem>>
    %dma_start3A_33 = arith.constant 0 : i32
    %dma_start3A_34 = tpu.memref_slice %arg3[%dma_start3A_33] : memref<10240xf32, #tpu.memory_space<hbm>> -> memref<10240xf32, #tpu.memory_space<hbm>>
    tpu.enqueue_indirect_dma source(%dma_start3A_34 : memref<10240xf32, #tpu.memory_space<hbm>>) target(%arg14 : memref<192xf32, #tpu.memory_space<vmem>>) offsets(%dma_start3A_32 : memref<192xi32, #tpu.memory_space<vmem>>) semaphore(%arg23 : memref<!tpu.dma_semaphore, #tpu.memory_space<semaphore_mem>>)
    %dma_start3A_35 = arith.constant 1 : i32
    %dma_start3A_36 = arith.constant 0 : i32
    %dma_start3A_37 = tpu.memref_slice %arg10[%dma_start3A_35, %dma_start3A_36] : memref<54x192xi32, #tpu.memory_space<vmem>> -> memref<1x192xi32, #tpu.memory_space<vmem>>
    %dma_start3A_38 = tpu.memref_squeeze %dma_start3A_37 : memref<1x192xi32, #tpu.memory_space<vmem>> -> memref<192xi32, #tpu.memory_space<vmem>>
    %dma_start3A_39 = arith.constant 0 : i32
    %dma_start3A_40 = tpu.memref_slice %arg4[%dma_start3A_39] : memref<10240xf32, #tpu.memory_space<hbm>> -> memref<10240xf32, #tpu.memory_space<hbm>>
    tpu.enqueue_indirect_dma source(%dma_start3A_40 : memref<10240xf32, #tpu.memory_space<hbm>>) target(%arg16 : memref<192xf32, #tpu.memory_space<vmem>>) offsets(%dma_start3A_38 : memref<192xi32, #tpu.memory_space<vmem>>) semaphore(%arg25 : memref<!tpu.dma_semaphore, #tpu.memory_space<semaphore_mem>>)
    %scan3A = arith.constant 0 : i32
    %scan3A_41 = arith.constant 0 : i32
    %scan3A_42 = arith.constant 27 : i32
    %scan3A_43 = arith.addi %scan3A_41, %scan3A_42 : i32
    %scan3A_44 = arith.constant 1 : i32
    scf.for %scan3A_58 = %scan3A_41 to %scan3A_43 step %scan3A_44  : i32 {
      %mul3A_59 = arith.constant 2 : i32
      %mul3A_60 = arith.muli %mul3A_59, %scan3A_58 : i32
      %mul3A_61 = arith.constant 2 : i32
      %mul3A_62 = arith.muli %mul3A_61, %scan3A_58 : i32
      %add3A_63 = arith.constant 1 : i32
      %add3A_64 = arith.addi %mul3A_62, %add3A_63 : i32
      %dma_wait3A_65 = arith.constant 0 : i32
      %dma_wait3A_66 = arith.constant 0 : i32
      %dma_wait3A_67 = tpu.memref_slice %arg9[%dma_wait3A_65, %dma_wait3A_66] : memref<54x192xi32, #tpu.memory_space<vmem>> -> memref<1x192xi32, #tpu.memory_space<vmem>>
      %dma_wait3A_68 = tpu.memref_squeeze %dma_wait3A_67 : memref<1x192xi32, #tpu.memory_space<vmem>> -> memref<192xi32, #tpu.memory_space<vmem>>
      %dma_wait3A_69 = arith.constant 0 : i32
      %dma_wait3A_70 = arith.constant 0 : i32
      %dma_wait3A_71 = tpu.memref_slice %arg2[%dma_wait3A_69, %dma_wait3A_70] : memref<10240x16xf32, #tpu.memory_space<hbm>> -> memref<10240x16xf32, #tpu.memory_space<hbm>>
      tpu.wait_indirect_dma semaphore(%arg20 : memref<!tpu.dma_semaphore, #tpu.memory_space<semaphore_mem>>) src(%dma_wait3A_71 : memref<10240x16xf32, #tpu.memory_space<hbm>>) dst(%arg11 : memref<192x16xf32, #tpu.memory_space<vmem>>)
      %dma_wait3A_72 = arith.constant 0 : i32
      %dma_wait3A_73 = arith.constant 0 : i32
      %dma_wait3A_74 = tpu.memref_slice %arg9[%dma_wait3A_72, %dma_wait3A_73] : memref<54x192xi32, #tpu.memory_space<vmem>> -> memref<1x192xi32, #tpu.memory_space<vmem>>
      %dma_wait3A_75 = tpu.memref_squeeze %dma_wait3A_74 : memref<1x192xi32, #tpu.memory_space<vmem>> -> memref<192xi32, #tpu.memory_space<vmem>>
      %dma_wait3A_76 = arith.constant 0 : i32
      %dma_wait3A_77 = tpu.memref_slice %arg3[%dma_wait3A_76] : memref<10240xf32, #tpu.memory_space<hbm>> -> memref<10240xf32, #tpu.memory_space<hbm>>
      tpu.wait_indirect_dma semaphore(%arg22 : memref<!tpu.dma_semaphore, #tpu.memory_space<semaphore_mem>>) src(%dma_wait3A_77 : memref<10240xf32, #tpu.memory_space<hbm>>) dst(%arg13 : memref<192xf32, #tpu.memory_space<vmem>>)
      %dma_wait3A_78 = arith.constant 0 : i32
      %dma_wait3A_79 = arith.constant 0 : i32
      %dma_wait3A_80 = tpu.memref_slice %arg10[%dma_wait3A_78, %dma_wait3A_79] : memref<54x192xi32, #tpu.memory_space<vmem>> -> memref<1x192xi32, #tpu.memory_space<vmem>>
      %dma_wait3A_81 = tpu.memref_squeeze %dma_wait3A_80 : memref<1x192xi32, #tpu.memory_space<vmem>> -> memref<192xi32, #tpu.memory_space<vmem>>
      %dma_wait3A_82 = arith.constant 0 : i32
      %dma_wait3A_83 = tpu.memref_slice %arg4[%dma_wait3A_82] : memref<10240xf32, #tpu.memory_space<hbm>> -> memref<10240xf32, #tpu.memory_space<hbm>>
      tpu.wait_indirect_dma semaphore(%arg24 : memref<!tpu.dma_semaphore, #tpu.memory_space<semaphore_mem>>) src(%dma_wait3A_83 : memref<10240xf32, #tpu.memory_space<hbm>>) dst(%arg15 : memref<192xf32, #tpu.memory_space<vmem>>)
      %gt3A = arith.constant 0 : i32
      %gt3A_84 = arith.cmpi sgt, %scan3A_58, %gt3A : i32
      %convert_element_type3A = arith.extui %gt3A_84 : i1 to i32
      %cond3A = arith.constant 0 : i32
      %cond3A_85 = arith.cmpi ne, %convert_element_type3A, %cond3A : i32
      scf.if %cond3A_85 {
        %dma_wait3A_143 = arith.constant 0 : i32
        %dma_wait3A_144 = arith.constant 0 : i32
        %dma_wait3A_145 = tpu.memref_slice %arg7[%dma_wait3A_143, %dma_wait3A_144] : memref<10240x24xf32, #tpu.memory_space<hbm>> -> memref<192x24xf32, #tpu.memory_space<hbm>>
        %dma_wait3A_146 = arith.constant 0 : i32
        %dma_wait3A_147 = arith.constant 0 : i32
        %dma_wait3A_148 = tpu.memref_slice %arg7[%dma_wait3A_146, %dma_wait3A_147] : memref<10240x24xf32, #tpu.memory_space<hbm>> -> memref<192x24xf32, #tpu.memory_space<hbm>>
        tpu.wait_dma2 semaphore(%arg26 : memref<!tpu.dma_semaphore, #tpu.memory_space<semaphore_mem>>) src(%dma_wait3A_148 : memref<192x24xf32, #tpu.memory_space<hbm>>) dst(%arg17 : memref<192x24xf32, #tpu.memory_space<vmem>>)
      } else {
      }
      %scan3A_86 = arith.constant 0 : i32
      %scan3A_87 = arith.constant 0 : i32
      %scan3A_88 = arith.constant 12 : i32
      %scan3A_89 = arith.addi %scan3A_87, %scan3A_88 : i32
      %scan3A_90 = arith.constant 1 : i32
      scf.for %scan3A_143 = %scan3A_87 to %scan3A_89 step %scan3A_90  : i32 {
        %mul3A_144 = arith.constant 16 : i32
        %mul3A_145 = arith.muli %scan3A_143, %mul3A_144 : i32
        %add3A_146 = vector.broadcast %mul3A_145 : i32 to vector<16xi32>
        %add3A_147 = arith.addi %add3A_146, %iota3A : vector<16xi32>
        %mul3A_148 = arith.constant 16 : i32
        %mul3A_149 = arith.muli %scan3A_143, %mul3A_148 : i32
        %get3A = arith.index_cast %mul3A_149 : i32 to index
        %get3A_150 = tpu.vector_load %arg13[%get3A] {strides = array<i32>} : memref<192xf32, #tpu.memory_space<vmem>>, vector<16xf32>,
        %get3A_151 = arith.index_cast %mul3A_149 : i32 to index
        %get3A_152 = tpu.vector_load %arg15[%get3A_151] {strides = array<i32>} : memref<192xf32, #tpu.memory_space<vmem>>, vector<16xf32>,
        %add3A_153 = arith.addf %get3A_150, %get3A_152 : vector<16xf32>
        %mul3A_154 = arith.constant 2.000000e-01 : f32
        %mul3A_155 = vector.broadcast %mul3A_154 : f32 to vector<16xf32>
        %mul3A_156 = arith.mulf %mul3A_155, %add3A_153 : vector<16xf32>
        %max3A = arith.maximumf %add3A_153, %mul3A_156 : vector<16xf32>
        %exp3A = math.exp %max3A : vector<16xf32>
        tpu.vector_store_idx %arg17[%add3A_147, %broadcast_in_dim3A_3], %exp3A : memref<192x24xf32, #tpu.memory_space<vmem>>[vector<16xi32>, vector<16xi32>], vector<16xf32>,
        %broadcast_in_dim3A_157 = arith.constant 0 : i32
        %broadcast_in_dim3A_158 = vector.broadcast %broadcast_in_dim3A_157 : i32 to vector<16xi32>
        %gather3A = tpu.vector_load_idx %arg11[%add3A_147, %broadcast_in_dim3A_158] : memref<192x16xf32, #tpu.memory_space<vmem>>[vector<16xi32>, vector<16xi32>], vector<16xf32>,
        %mul3A_159 = arith.mulf %gather3A, %exp3A : vector<16xf32>
        tpu.vector_store_idx %arg17[%add3A_147, %broadcast_in_dim3A_158], %mul3A_159 : memref<192x24xf32, #tpu.memory_space<vmem>>[vector<16xi32>, vector<16xi32>], vector<16xf32>,
        %broadcast_in_dim3A_160 = arith.constant 1 : i32
        %broadcast_in_dim3A_161 = vector.broadcast %broadcast_in_dim3A_160 : i32 to vector<16xi32>
        %gather3A_162 = tpu.vector_load_idx %arg11[%add3A_147, %broadcast_in_dim3A_161] : memref<192x16xf32, #tpu.memory_space<vmem>>[vector<16xi32>, vector<16xi32>], vector<16xf32>,
        %mul3A_163 = arith.mulf %gather3A_162, %exp3A : vector<16xf32>
        tpu.vector_store_idx %arg17[%add3A_147, %broadcast_in_dim3A_161], %mul3A_163 : memref<192x24xf32, #tpu.memory_space<vmem>>[vector<16xi32>, vector<16xi32>], vector<16xf32>,
        %broadcast_in_dim3A_164 = arith.constant 2 : i32
        %broadcast_in_dim3A_165 = vector.broadcast %broadcast_in_dim3A_164 : i32 to vector<16xi32>
        %gather3A_166 = tpu.vector_load_idx %arg11[%add3A_147, %broadcast_in_dim3A_165] : memref<192x16xf32, #tpu.memory_space<vmem>>[vector<16xi32>, vector<16xi32>], vector<16xf32>,
        %mul3A_167 = arith.mulf %gather3A_166, %exp3A : vector<16xf32>
        tpu.vector_store_idx %arg17[%add3A_147, %broadcast_in_dim3A_165], %mul3A_167 : memref<192x24xf32, #tpu.memory_space<vmem>>[vector<16xi32>, vector<16xi32>], vector<16xf32>,
        %broadcast_in_dim3A_168 = arith.constant 3 : i32
        %broadcast_in_dim3A_169 = vector.broadcast %broadcast_in_dim3A_168 : i32 to vector<16xi32>
        %gather3A_170 = tpu.vector_load_idx %arg11[%add3A_147, %broadcast_in_dim3A_169] : memref<192x16xf32, #tpu.memory_space<vmem>>[vector<16xi32>, vector<16xi32>], vector<16xf32>,
        %mul3A_171 = arith.mulf %gather3A_170, %exp3A : vector<16xf32>
        tpu.vector_store_idx %arg17[%add3A_147, %broadcast_in_dim3A_169], %mul3A_171 : memref<192x24xf32, #tpu.memory_space<vmem>>[vector<16xi32>, vector<16xi32>], vector<16xf32>,
        %broadcast_in_dim3A_172 = arith.constant 4 : i32
        %broadcast_in_dim3A_173 = vector.broadcast %broadcast_in_dim3A_172 : i32 to vector<16xi32>
        %gather3A_174 = tpu.vector_load_idx %arg11[%add3A_147, %broadcast_in_dim3A_173] : memref<192x16xf32, #tpu.memory_space<vmem>>[vector<16xi32>, vector<16xi32>], vector<16xf32>,
        %mul3A_175 = arith.mulf %gather3A_174, %exp3A : vector<16xf32>
        tpu.vector_store_idx %arg17[%add3A_147, %broadcast_in_dim3A_173], %mul3A_175 : memref<192x24xf32, #tpu.memory_space<vmem>>[vector<16xi32>, vector<16xi32>], vector<16xf32>,
        %broadcast_in_dim3A_176 = arith.constant 5 : i32
        %broadcast_in_dim3A_177 = vector.broadcast %broadcast_in_dim3A_176 : i32 to vector<16xi32>
        %gather3A_178 = tpu.vector_load_idx %arg11[%add3A_147, %broadcast_in_dim3A_177] : memref<192x16xf32, #tpu.memory_space<vmem>>[vector<16xi32>, vector<16xi32>], vector<16xf32>,
        %mul3A_179 = arith.mulf %gather3A_178, %exp3A : vector<16xf32>
        tpu.vector_store_idx %arg17[%add3A_147, %broadcast_in_dim3A_177], %mul3A_179 : memref<192x24xf32, #tpu.memory_space<vmem>>[vector<16xi32>, vector<16xi32>], vector<16xf32>,
        %broadcast_in_dim3A_180 = arith.constant 6 : i32
        %broadcast_in_dim3A_181 = vector.broadcast %broadcast_in_dim3A_180 : i32 to vector<16xi32>
        %gather3A_182 = tpu.vector_load_idx %arg11[%add3A_147, %broadcast_in_dim3A_181] : memref<192x16xf32, #tpu.memory_space<vmem>>[vector<16xi32>, vector<16xi32>], vector<16xf32>,
        %mul3A_183 = arith.mulf %gather3A_182, %exp3A : vector<16xf32>
        tpu.vector_store_idx %arg17[%add3A_147, %broadcast_in_dim3A_181], %mul3A_183 : memref<192x24xf32, #tpu.memory_space<vmem>>[vector<16xi32>, vector<16xi32>], vector<16xf32>,
        %broadcast_in_dim3A_184 = arith.constant 7 : i32
        %broadcast_in_dim3A_185 = vector.broadcast %broadcast_in_dim3A_184 : i32 to vector<16xi32>
        %gather3A_186 = tpu.vector_load_idx %arg11[%add3A_147, %broadcast_in_dim3A_185] : memref<192x16xf32, #tpu.memory_space<vmem>>[vector<16xi32>, vector<16xi32>], vector<16xf32>,
        %mul3A_187 = arith.mulf %gather3A_186, %exp3A : vector<16xf32>
        tpu.vector_store_idx %arg17[%add3A_147, %broadcast_in_dim3A_185], %mul3A_187 : memref<192x24xf32, #tpu.memory_space<vmem>>[vector<16xi32>, vector<16xi32>], vector<16xf32>,
        %broadcast_in_dim3A_188 = arith.constant 8 : i32
        %broadcast_in_dim3A_189 = vector.broadcast %broadcast_in_dim3A_188 : i32 to vector<16xi32>
        %gather3A_190 = tpu.vector_load_idx %arg11[%add3A_147, %broadcast_in_dim3A_189] : memref<192x16xf32, #tpu.memory_space<vmem>>[vector<16xi32>, vector<16xi32>], vector<16xf32>,
        %mul3A_191 = arith.mulf %gather3A_190, %exp3A : vector<16xf32>
        tpu.vector_store_idx %arg17[%add3A_147, %broadcast_in_dim3A_189], %mul3A_191 : memref<192x24xf32, #tpu.memory_space<vmem>>[vector<16xi32>, vector<16xi32>], vector<16xf32>,
        %broadcast_in_dim3A_192 = arith.constant 9 : i32
        %broadcast_in_dim3A_193 = vector.broadcast %broadcast_in_dim3A_192 : i32 to vector<16xi32>
        %gather3A_194 = tpu.vector_load_idx %arg11[%add3A_147, %broadcast_in_dim3A_193] : memref<192x16xf32, #tpu.memory_space<vmem>>[vector<16xi32>, vector<16xi32>], vector<16xf32>,
        %mul3A_195 = arith.mulf %gather3A_194, %exp3A : vector<16xf32>
        tpu.vector_store_idx %arg17[%add3A_147, %broadcast_in_dim3A_193], %mul3A_195 : memref<192x24xf32, #tpu.memory_space<vmem>>[vector<16xi32>, vector<16xi32>], vector<16xf32>,
        %broadcast_in_dim3A_196 = arith.constant 10 : i32
        %broadcast_in_dim3A_197 = vector.broadcast %broadcast_in_dim3A_196 : i32 to vector<16xi32>
        %gather3A_198 = tpu.vector_load_idx %arg11[%add3A_147, %broadcast_in_dim3A_197] : memref<192x16xf32, #tpu.memory_space<vmem>>[vector<16xi32>, vector<16xi32>], vector<16xf32>,
        %mul3A_199 = arith.mulf %gather3A_198, %exp3A : vector<16xf32>
        tpu.vector_store_idx %arg17[%add3A_147, %broadcast_in_dim3A_197], %mul3A_199 : memref<192x24xf32, #tpu.memory_space<vmem>>[vector<16xi32>, vector<16xi32>], vector<16xf32>,
        %broadcast_in_dim3A_200 = arith.constant 11 : i32
        %broadcast_in_dim3A_201 = vector.broadcast %broadcast_in_dim3A_200 : i32 to vector<16xi32>
        %gather3A_202 = tpu.vector_load_idx %arg11[%add3A_147, %broadcast_in_dim3A_201] : memref<192x16xf32, #tpu.memory_space<vmem>>[vector<16xi32>, vector<16xi32>], vector<16xf32>,
        %mul3A_203 = arith.mulf %gather3A_202, %exp3A : vector<16xf32>
        tpu.vector_store_idx %arg17[%add3A_147, %broadcast_in_dim3A_201], %mul3A_203 : memref<192x24xf32, #tpu.memory_space<vmem>>[vector<16xi32>, vector<16xi32>], vector<16xf32>,
        %broadcast_in_dim3A_204 = arith.constant 12 : i32
        %broadcast_in_dim3A_205 = vector.broadcast %broadcast_in_dim3A_204 : i32 to vector<16xi32>
        %gather3A_206 = tpu.vector_load_idx %arg11[%add3A_147, %broadcast_in_dim3A_205] : memref<192x16xf32, #tpu.memory_space<vmem>>[vector<16xi32>, vector<16xi32>], vector<16xf32>,
        %mul3A_207 = arith.mulf %gather3A_206, %exp3A : vector<16xf32>
        tpu.vector_store_idx %arg17[%add3A_147, %broadcast_in_dim3A_205], %mul3A_207 : memref<192x24xf32, #tpu.memory_space<vmem>>[vector<16xi32>, vector<16xi32>], vector<16xf32>,
        %broadcast_in_dim3A_208 = arith.constant 13 : i32
        %broadcast_in_dim3A_209 = vector.broadcast %broadcast_in_dim3A_208 : i32 to vector<16xi32>
        %gather3A_210 = tpu.vector_load_idx %arg11[%add3A_147, %broadcast_in_dim3A_209] : memref<192x16xf32, #tpu.memory_space<vmem>>[vector<16xi32>, vector<16xi32>], vector<16xf32>,
        %mul3A_211 = arith.mulf %gather3A_210, %exp3A : vector<16xf32>
        tpu.vector_store_idx %arg17[%add3A_147, %broadcast_in_dim3A_209], %mul3A_211 : memref<192x24xf32, #tpu.memory_space<vmem>>[vector<16xi32>, vector<16xi32>], vector<16xf32>,
        %broadcast_in_dim3A_212 = arith.constant 14 : i32
        %broadcast_in_dim3A_213 = vector.broadcast %broadcast_in_dim3A_212 : i32 to vector<16xi32>
        %gather3A_214 = tpu.vector_load_idx %arg11[%add3A_147, %broadcast_in_dim3A_213] : memref<192x16xf32, #tpu.memory_space<vmem>>[vector<16xi32>, vector<16xi32>], vector<16xf32>,
        %mul3A_215 = arith.mulf %gather3A_214, %exp3A : vector<16xf32>
        tpu.vector_store_idx %arg17[%add3A_147, %broadcast_in_dim3A_213], %mul3A_215 : memref<192x24xf32, #tpu.memory_space<vmem>>[vector<16xi32>, vector<16xi32>], vector<16xf32>,
        %broadcast_in_dim3A_216 = arith.constant 15 : i32
        %broadcast_in_dim3A_217 = vector.broadcast %broadcast_in_dim3A_216 : i32 to vector<16xi32>
        %gather3A_218 = tpu.vector_load_idx %arg11[%add3A_147, %broadcast_in_dim3A_217] : memref<192x16xf32, #tpu.memory_space<vmem>>[vector<16xi32>, vector<16xi32>], vector<16xf32>,
        %mul3A_219 = arith.mulf %gather3A_218, %exp3A : vector<16xf32>
        tpu.vector_store_idx %arg17[%add3A_147, %broadcast_in_dim3A_217], %mul3A_219 : memref<192x24xf32, #tpu.memory_space<vmem>>[vector<16xi32>, vector<16xi32>], vector<16xf32>,
      }
      %scan3A_91 = arith.constant 12 : i32
      %dma_start3A_92 = arith.constant 0 : i32
      %dma_start3A_93 = tpu.memref_slice %arg10[%mul3A_60, %dma_start3A_92] : memref<54x192xi32, #tpu.memory_space<vmem>> -> memref<1x192xi32, #tpu.memory_space<vmem>>
      %dma_start3A_94 = tpu.memref_squeeze %dma_start3A_93 : memref<1x192xi32, #tpu.memory_space<vmem>> -> memref<192xi32, #tpu.memory_space<vmem>>
      %dma_start3A_95 = arith.constant 0 : i32
      %dma_start3A_96 = arith.constant 0 : i32
      %dma_start3A_97 = tpu.memref_slice %arg19[%dma_start3A_95, %dma_start3A_96] : memref<10240x24xf32, #tpu.memory_space<vmem_shared>> -> memref<10240x24xf32, #tpu.memory_space<vmem_shared>>
      tpu.enqueue_indirect_dma source(%arg17 : memref<192x24xf32, #tpu.memory_space<vmem>>) target(%dma_start3A_97 : memref<10240x24xf32, #tpu.memory_space<vmem_shared>>) offsets(%dma_start3A_94 : memref<192xi32, #tpu.memory_space<vmem>>) semaphore(%arg26 : memref<!tpu.dma_semaphore, #tpu.memory_space<semaphore_mem>>) {add = true}
      %lt3A = arith.constant 26 : i32
      %lt3A_98 = arith.cmpi slt, %scan3A_58, %lt3A : i32
      %convert_element_type3A_99 = arith.extui %lt3A_98 : i1 to i32
      %cond3A_100 = arith.constant 0 : i32
      %cond3A_101 = arith.cmpi ne, %convert_element_type3A_99, %cond3A_100 : i32
      scf.if %cond3A_101 {
        %add3A_143 = arith.constant 2 : i32
        %add3A_144 = arith.addi %mul3A_60, %add3A_143 : i32
        %dma_start3A_145 = arith.constant 0 : i32
        %dma_start3A_146 = tpu.memref_slice %arg9[%add3A_144, %dma_start3A_145] : memref<54x192xi32, #tpu.memory_space<vmem>> -> memref<1x192xi32, #tpu.memory_space<vmem>>
        %dma_start3A_147 = tpu.memref_squeeze %dma_start3A_146 : memref<1x192xi32, #tpu.memory_space<vmem>> -> memref<192xi32, #tpu.memory_space<vmem>>
        %dma_start3A_148 = arith.constant 0 : i32
        %dma_start3A_149 = arith.constant 0 : i32
        %dma_start3A_150 = tpu.memref_slice %arg2[%dma_start3A_148, %dma_start3A_149] : memref<10240x16xf32, #tpu.memory_space<hbm>> -> memref<10240x16xf32, #tpu.memory_space<hbm>>
        tpu.enqueue_indirect_dma source(%dma_start3A_150 : memref<10240x16xf32, #tpu.memory_space<hbm>>) target(%arg11 : memref<192x16xf32, #tpu.memory_space<vmem>>) offsets(%dma_start3A_147 : memref<192xi32, #tpu.memory_space<vmem>>) semaphore(%arg20 : memref<!tpu.dma_semaphore, #tpu.memory_space<semaphore_mem>>)
        %dma_start3A_151 = arith.constant 0 : i32
        %dma_start3A_152 = tpu.memref_slice %arg9[%add3A_144, %dma_start3A_151] : memref<54x192xi32, #tpu.memory_space<vmem>> -> memref<1x192xi32, #tpu.memory_space<vmem>>
        %dma_start3A_153 = tpu.memref_squeeze %dma_start3A_152 : memref<1x192xi32, #tpu.memory_space<vmem>> -> memref<192xi32, #tpu.memory_space<vmem>>
        %dma_start3A_154 = arith.constant 0 : i32
        %dma_start3A_155 = tpu.memref_slice %arg3[%dma_start3A_154] : memref<10240xf32, #tpu.memory_space<hbm>> -> memref<10240xf32, #tpu.memory_space<hbm>>
        tpu.enqueue_indirect_dma source(%dma_start3A_155 : memref<10240xf32, #tpu.memory_space<hbm>>) target(%arg13 : memref<192xf32, #tpu.memory_space<vmem>>) offsets(%dma_start3A_153 : memref<192xi32, #tpu.memory_space<vmem>>) semaphore(%arg22 : memref<!tpu.dma_semaphore, #tpu.memory_space<semaphore_mem>>)
        %dma_start3A_156 = arith.constant 0 : i32
        %dma_start3A_157 = tpu.memref_slice %arg10[%add3A_144, %dma_start3A_156] : memref<54x192xi32, #tpu.memory_space<vmem>> -> memref<1x192xi32, #tpu.memory_space<vmem>>
        %dma_start3A_158 = tpu.memref_squeeze %dma_start3A_157 : memref<1x192xi32, #tpu.memory_space<vmem>> -> memref<192xi32, #tpu.memory_space<vmem>>
        %dma_start3A_159 = arith.constant 0 : i32
        %dma_start3A_160 = tpu.memref_slice %arg4[%dma_start3A_159] : memref<10240xf32, #tpu.memory_space<hbm>> -> memref<10240xf32, #tpu.memory_space<hbm>>
        tpu.enqueue_indirect_dma source(%dma_start3A_160 : memref<10240xf32, #tpu.memory_space<hbm>>) target(%arg15 : memref<192xf32, #tpu.memory_space<vmem>>) offsets(%dma_start3A_158 : memref<192xi32, #tpu.memory_space<vmem>>) semaphore(%arg24 : memref<!tpu.dma_semaphore, #tpu.memory_space<semaphore_mem>>)
      } else {
      }
      %dma_wait3A_102 = arith.constant 0 : i32
      %dma_wait3A_103 = arith.constant 0 : i32
      %dma_wait3A_104 = tpu.memref_slice %arg9[%dma_wait3A_102, %dma_wait3A_103] : memref<54x192xi32, #tpu.memory_space<vmem>> -> memref<1x192xi32, #tpu.memory_space<vmem>>
      %dma_wait3A_105 = tpu.memref_squeeze %dma_wait3A_104 : memref<1x192xi32, #tpu.memory_space<vmem>> -> memref<192xi32, #tpu.memory_space<vmem>>
      %dma_wait3A_106 = arith.constant 0 : i32
      %dma_wait3A_107 = arith.constant 0 : i32
      %dma_wait3A_108 = tpu.memref_slice %arg2[%dma_wait3A_106, %dma_wait3A_107] : memref<10240x16xf32, #tpu.memory_space<hbm>> -> memref<10240x16xf32, #tpu.memory_space<hbm>>
      tpu.wait_indirect_dma semaphore(%arg21 : memref<!tpu.dma_semaphore, #tpu.memory_space<semaphore_mem>>) src(%dma_wait3A_108 : memref<10240x16xf32, #tpu.memory_space<hbm>>) dst(%arg12 : memref<192x16xf32, #tpu.memory_space<vmem>>)
      %dma_wait3A_109 = arith.constant 0 : i32
      %dma_wait3A_110 = arith.constant 0 : i32
      %dma_wait3A_111 = tpu.memref_slice %arg9[%dma_wait3A_109, %dma_wait3A_110] : memref<54x192xi32, #tpu.memory_space<vmem>> -> memref<1x192xi32, #tpu.memory_space<vmem>>
      %dma_wait3A_112 = tpu.memref_squeeze %dma_wait3A_111 : memref<1x192xi32, #tpu.memory_space<vmem>> -> memref<192xi32, #tpu.memory_space<vmem>>
      %dma_wait3A_113 = arith.constant 0 : i32
      %dma_wait3A_114 = tpu.memref_slice %arg3[%dma_wait3A_113] : memref<10240xf32, #tpu.memory_space<hbm>> -> memref<10240xf32, #tpu.memory_space<hbm>>
      tpu.wait_indirect_dma semaphore(%arg23 : memref<!tpu.dma_semaphore, #tpu.memory_space<semaphore_mem>>) src(%dma_wait3A_114 : memref<10240xf32, #tpu.memory_space<hbm>>) dst(%arg14 : memref<192xf32, #tpu.memory_space<vmem>>)
      %dma_wait3A_115 = arith.constant 0 : i32
      %dma_wait3A_116 = arith.constant 0 : i32
      %dma_wait3A_117 = tpu.memref_slice %arg10[%dma_wait3A_115, %dma_wait3A_116] : memref<54x192xi32, #tpu.memory_space<vmem>> -> memref<1x192xi32, #tpu.memory_space<vmem>>
      %dma_wait3A_118 = tpu.memref_squeeze %dma_wait3A_117 : memref<1x192xi32, #tpu.memory_space<vmem>> -> memref<192xi32, #tpu.memory_space<vmem>>
      %dma_wait3A_119 = arith.constant 0 : i32
      %dma_wait3A_120 = tpu.memref_slice %arg4[%dma_wait3A_119] : memref<10240xf32, #tpu.memory_space<hbm>> -> memref<10240xf32, #tpu.memory_space<hbm>>
      tpu.wait_indirect_dma semaphore(%arg25 : memref<!tpu.dma_semaphore, #tpu.memory_space<semaphore_mem>>) src(%dma_wait3A_120 : memref<10240xf32, #tpu.memory_space<hbm>>) dst(%arg16 : memref<192xf32, #tpu.memory_space<vmem>>)
      %gt3A_121 = arith.constant 0 : i32
      %gt3A_122 = arith.cmpi sgt, %scan3A_58, %gt3A_121 : i32
      %convert_element_type3A_123 = arith.extui %gt3A_122 : i1 to i32
      %cond3A_124 = arith.constant 0 : i32
      %cond3A_125 = arith.cmpi ne, %convert_element_type3A_123, %cond3A_124 : i32
      scf.if %cond3A_125 {
        %dma_wait3A_143 = arith.constant 0 : i32
        %dma_wait3A_144 = arith.constant 0 : i32
        %dma_wait3A_145 = tpu.memref_slice %arg7[%dma_wait3A_143, %dma_wait3A_144] : memref<10240x24xf32, #tpu.memory_space<hbm>> -> memref<192x24xf32, #tpu.memory_space<hbm>>
        %dma_wait3A_146 = arith.constant 0 : i32
        %dma_wait3A_147 = arith.constant 0 : i32
        %dma_wait3A_148 = tpu.memref_slice %arg7[%dma_wait3A_146, %dma_wait3A_147] : memref<10240x24xf32, #tpu.memory_space<hbm>> -> memref<192x24xf32, #tpu.memory_space<hbm>>
        tpu.wait_dma2 semaphore(%arg27 : memref<!tpu.dma_semaphore, #tpu.memory_space<semaphore_mem>>) src(%dma_wait3A_148 : memref<192x24xf32, #tpu.memory_space<hbm>>) dst(%arg18 : memref<192x24xf32, #tpu.memory_space<vmem>>)
      } else {
      }
      %scan3A_126 = arith.constant 0 : i32
      %scan3A_127 = arith.constant 0 : i32
      %scan3A_128 = arith.constant 12 : i32
      %scan3A_129 = arith.addi %scan3A_127, %scan3A_128 : i32
      %scan3A_130 = arith.constant 1 : i32
      scf.for %scan3A_143 = %scan3A_127 to %scan3A_129 step %scan3A_130  : i32 {
        %mul3A_144 = arith.constant 16 : i32
        %mul3A_145 = arith.muli %scan3A_143, %mul3A_144 : i32
        %add3A_146 = vector.broadcast %mul3A_145 : i32 to vector<16xi32>
        %add3A_147 = arith.addi %add3A_146, %iota3A : vector<16xi32>
        %mul3A_148 = arith.constant 16 : i32
        %mul3A_149 = arith.muli %scan3A_143, %mul3A_148 : i32
        %get3A = arith.index_cast %mul3A_149 : i32 to index
        %get3A_150 = tpu.vector_load %arg14[%get3A] {strides = array<i32>} : memref<192xf32, #tpu.memory_space<vmem>>, vector<16xf32>,
        %get3A_151 = arith.index_cast %mul3A_149 : i32 to index
        %get3A_152 = tpu.vector_load %arg16[%get3A_151] {strides = array<i32>} : memref<192xf32, #tpu.memory_space<vmem>>, vector<16xf32>,
        %add3A_153 = arith.addf %get3A_150, %get3A_152 : vector<16xf32>
        %mul3A_154 = arith.constant 2.000000e-01 : f32
        %mul3A_155 = vector.broadcast %mul3A_154 : f32 to vector<16xf32>
        %mul3A_156 = arith.mulf %mul3A_155, %add3A_153 : vector<16xf32>
        %max3A = arith.maximumf %add3A_153, %mul3A_156 : vector<16xf32>
        %exp3A = math.exp %max3A : vector<16xf32>
        tpu.vector_store_idx %arg18[%add3A_147, %broadcast_in_dim3A_3], %exp3A : memref<192x24xf32, #tpu.memory_space<vmem>>[vector<16xi32>, vector<16xi32>], vector<16xf32>,
        %broadcast_in_dim3A_157 = arith.constant 0 : i32
        %broadcast_in_dim3A_158 = vector.broadcast %broadcast_in_dim3A_157 : i32 to vector<16xi32>
        %gather3A = tpu.vector_load_idx %arg12[%add3A_147, %broadcast_in_dim3A_158] : memref<192x16xf32, #tpu.memory_space<vmem>>[vector<16xi32>, vector<16xi32>], vector<16xf32>,
        %mul3A_159 = arith.mulf %gather3A, %exp3A : vector<16xf32>
        tpu.vector_store_idx %arg18[%add3A_147, %broadcast_in_dim3A_158], %mul3A_159 : memref<192x24xf32, #tpu.memory_space<vmem>>[vector<16xi32>, vector<16xi32>], vector<16xf32>,
        %broadcast_in_dim3A_160 = arith.constant 1 : i32
        %broadcast_in_dim3A_161 = vector.broadcast %broadcast_in_dim3A_160 : i32 to vector<16xi32>
        %gather3A_162 = tpu.vector_load_idx %arg12[%add3A_147, %broadcast_in_dim3A_161] : memref<192x16xf32, #tpu.memory_space<vmem>>[vector<16xi32>, vector<16xi32>], vector<16xf32>,
        %mul3A_163 = arith.mulf %gather3A_162, %exp3A : vector<16xf32>
        tpu.vector_store_idx %arg18[%add3A_147, %broadcast_in_dim3A_161], %mul3A_163 : memref<192x24xf32, #tpu.memory_space<vmem>>[vector<16xi32>, vector<16xi32>], vector<16xf32>,
        %broadcast_in_dim3A_164 = arith.constant 2 : i32
        %broadcast_in_dim3A_165 = vector.broadcast %broadcast_in_dim3A_164 : i32 to vector<16xi32>
        %gather3A_166 = tpu.vector_load_idx %arg12[%add3A_147, %broadcast_in_dim3A_165] : memref<192x16xf32, #tpu.memory_space<vmem>>[vector<16xi32>, vector<16xi32>], vector<16xf32>,
        %mul3A_167 = arith.mulf %gather3A_166, %exp3A : vector<16xf32>
        tpu.vector_store_idx %arg18[%add3A_147, %broadcast_in_dim3A_165], %mul3A_167 : memref<192x24xf32, #tpu.memory_space<vmem>>[vector<16xi32>, vector<16xi32>], vector<16xf32>,
        %broadcast_in_dim3A_168 = arith.constant 3 : i32
        %broadcast_in_dim3A_169 = vector.broadcast %broadcast_in_dim3A_168 : i32 to vector<16xi32>
        %gather3A_170 = tpu.vector_load_idx %arg12[%add3A_147, %broadcast_in_dim3A_169] : memref<192x16xf32, #tpu.memory_space<vmem>>[vector<16xi32>, vector<16xi32>], vector<16xf32>,
        %mul3A_171 = arith.mulf %gather3A_170, %exp3A : vector<16xf32>
        tpu.vector_store_idx %arg18[%add3A_147, %broadcast_in_dim3A_169], %mul3A_171 : memref<192x24xf32, #tpu.memory_space<vmem>>[vector<16xi32>, vector<16xi32>], vector<16xf32>,
        %broadcast_in_dim3A_172 = arith.constant 4 : i32
        %broadcast_in_dim3A_173 = vector.broadcast %broadcast_in_dim3A_172 : i32 to vector<16xi32>
        %gather3A_174 = tpu.vector_load_idx %arg12[%add3A_147, %broadcast_in_dim3A_173] : memref<192x16xf32, #tpu.memory_space<vmem>>[vector<16xi32>, vector<16xi32>], vector<16xf32>,
        %mul3A_175 = arith.mulf %gather3A_174, %exp3A : vector<16xf32>
        tpu.vector_store_idx %arg18[%add3A_147, %broadcast_in_dim3A_173], %mul3A_175 : memref<192x24xf32, #tpu.memory_space<vmem>>[vector<16xi32>, vector<16xi32>], vector<16xf32>,
        %broadcast_in_dim3A_176 = arith.constant 5 : i32
        %broadcast_in_dim3A_177 = vector.broadcast %broadcast_in_dim3A_176 : i32 to vector<16xi32>
        %gather3A_178 = tpu.vector_load_idx %arg12[%add3A_147, %broadcast_in_dim3A_177] : memref<192x16xf32, #tpu.memory_space<vmem>>[vector<16xi32>, vector<16xi32>], vector<16xf32>,
        %mul3A_179 = arith.mulf %gather3A_178, %exp3A : vector<16xf32>
        tpu.vector_store_idx %arg18[%add3A_147, %broadcast_in_dim3A_177], %mul3A_179 : memref<192x24xf32, #tpu.memory_space<vmem>>[vector<16xi32>, vector<16xi32>], vector<16xf32>,
        %broadcast_in_dim3A_180 = arith.constant 6 : i32
        %broadcast_in_dim3A_181 = vector.broadcast %broadcast_in_dim3A_180 : i32 to vector<16xi32>
        %gather3A_182 = tpu.vector_load_idx %arg12[%add3A_147, %broadcast_in_dim3A_181] : memref<192x16xf32, #tpu.memory_space<vmem>>[vector<16xi32>, vector<16xi32>], vector<16xf32>,
        %mul3A_183 = arith.mulf %gather3A_182, %exp3A : vector<16xf32>
        tpu.vector_store_idx %arg18[%add3A_147, %broadcast_in_dim3A_181], %mul3A_183 : memref<192x24xf32, #tpu.memory_space<vmem>>[vector<16xi32>, vector<16xi32>], vector<16xf32>,
        %broadcast_in_dim3A_184 = arith.constant 7 : i32
        %broadcast_in_dim3A_185 = vector.broadcast %broadcast_in_dim3A_184 : i32 to vector<16xi32>
        %gather3A_186 = tpu.vector_load_idx %arg12[%add3A_147, %broadcast_in_dim3A_185] : memref<192x16xf32, #tpu.memory_space<vmem>>[vector<16xi32>, vector<16xi32>], vector<16xf32>,
        %mul3A_187 = arith.mulf %gather3A_186, %exp3A : vector<16xf32>
        tpu.vector_store_idx %arg18[%add3A_147, %broadcast_in_dim3A_185], %mul3A_187 : memref<192x24xf32, #tpu.memory_space<vmem>>[vector<16xi32>, vector<16xi32>], vector<16xf32>,
        %broadcast_in_dim3A_188 = arith.constant 8 : i32
        %broadcast_in_dim3A_189 = vector.broadcast %broadcast_in_dim3A_188 : i32 to vector<16xi32>
        %gather3A_190 = tpu.vector_load_idx %arg12[%add3A_147, %broadcast_in_dim3A_189] : memref<192x16xf32, #tpu.memory_space<vmem>>[vector<16xi32>, vector<16xi32>], vector<16xf32>,
        %mul3A_191 = arith.mulf %gather3A_190, %exp3A : vector<16xf32>
        tpu.vector_store_idx %arg18[%add3A_147, %broadcast_in_dim3A_189], %mul3A_191 : memref<192x24xf32, #tpu.memory_space<vmem>>[vector<16xi32>, vector<16xi32>], vector<16xf32>,
        %broadcast_in_dim3A_192 = arith.constant 9 : i32
        %broadcast_in_dim3A_193 = vector.broadcast %broadcast_in_dim3A_192 : i32 to vector<16xi32>
        %gather3A_194 = tpu.vector_load_idx %arg12[%add3A_147, %broadcast_in_dim3A_193] : memref<192x16xf32, #tpu.memory_space<vmem>>[vector<16xi32>, vector<16xi32>], vector<16xf32>,
        %mul3A_195 = arith.mulf %gather3A_194, %exp3A : vector<16xf32>
        tpu.vector_store_idx %arg18[%add3A_147, %broadcast_in_dim3A_193], %mul3A_195 : memref<192x24xf32, #tpu.memory_space<vmem>>[vector<16xi32>, vector<16xi32>], vector<16xf32>,
        %broadcast_in_dim3A_196 = arith.constant 10 : i32
        %broadcast_in_dim3A_197 = vector.broadcast %broadcast_in_dim3A_196 : i32 to vector<16xi32>
        %gather3A_198 = tpu.vector_load_idx %arg12[%add3A_147, %broadcast_in_dim3A_197] : memref<192x16xf32, #tpu.memory_space<vmem>>[vector<16xi32>, vector<16xi32>], vector<16xf32>,
        %mul3A_199 = arith.mulf %gather3A_198, %exp3A : vector<16xf32>
        tpu.vector_store_idx %arg18[%add3A_147, %broadcast_in_dim3A_197], %mul3A_199 : memref<192x24xf32, #tpu.memory_space<vmem>>[vector<16xi32>, vector<16xi32>], vector<16xf32>,
        %broadcast_in_dim3A_200 = arith.constant 11 : i32
        %broadcast_in_dim3A_201 = vector.broadcast %broadcast_in_dim3A_200 : i32 to vector<16xi32>
        %gather3A_202 = tpu.vector_load_idx %arg12[%add3A_147, %broadcast_in_dim3A_201] : memref<192x16xf32, #tpu.memory_space<vmem>>[vector<16xi32>, vector<16xi32>], vector<16xf32>,
        %mul3A_203 = arith.mulf %gather3A_202, %exp3A : vector<16xf32>
        tpu.vector_store_idx %arg18[%add3A_147, %broadcast_in_dim3A_201], %mul3A_203 : memref<192x24xf32, #tpu.memory_space<vmem>>[vector<16xi32>, vector<16xi32>], vector<16xf32>,
        %broadcast_in_dim3A_204 = arith.constant 12 : i32
        %broadcast_in_dim3A_205 = vector.broadcast %broadcast_in_dim3A_204 : i32 to vector<16xi32>
        %gather3A_206 = tpu.vector_load_idx %arg12[%add3A_147, %broadcast_in_dim3A_205] : memref<192x16xf32, #tpu.memory_space<vmem>>[vector<16xi32>, vector<16xi32>], vector<16xf32>,
        %mul3A_207 = arith.mulf %gather3A_206, %exp3A : vector<16xf32>
        tpu.vector_store_idx %arg18[%add3A_147, %broadcast_in_dim3A_205], %mul3A_207 : memref<192x24xf32, #tpu.memory_space<vmem>>[vector<16xi32>, vector<16xi32>], vector<16xf32>,
        %broadcast_in_dim3A_208 = arith.constant 13 : i32
        %broadcast_in_dim3A_209 = vector.broadcast %broadcast_in_dim3A_208 : i32 to vector<16xi32>
        %gather3A_210 = tpu.vector_load_idx %arg12[%add3A_147, %broadcast_in_dim3A_209] : memref<192x16xf32, #tpu.memory_space<vmem>>[vector<16xi32>, vector<16xi32>], vector<16xf32>,
        %mul3A_211 = arith.mulf %gather3A_210, %exp3A : vector<16xf32>
        tpu.vector_store_idx %arg18[%add3A_147, %broadcast_in_dim3A_209], %mul3A_211 : memref<192x24xf32, #tpu.memory_space<vmem>>[vector<16xi32>, vector<16xi32>], vector<16xf32>,
        %broadcast_in_dim3A_212 = arith.constant 14 : i32
        %broadcast_in_dim3A_213 = vector.broadcast %broadcast_in_dim3A_212 : i32 to vector<16xi32>
        %gather3A_214 = tpu.vector_load_idx %arg12[%add3A_147, %broadcast_in_dim3A_213] : memref<192x16xf32, #tpu.memory_space<vmem>>[vector<16xi32>, vector<16xi32>], vector<16xf32>,
        %mul3A_215 = arith.mulf %gather3A_214, %exp3A : vector<16xf32>
        tpu.vector_store_idx %arg18[%add3A_147, %broadcast_in_dim3A_213], %mul3A_215 : memref<192x24xf32, #tpu.memory_space<vmem>>[vector<16xi32>, vector<16xi32>], vector<16xf32>,
        %broadcast_in_dim3A_216 = arith.constant 15 : i32
        %broadcast_in_dim3A_217 = vector.broadcast %broadcast_in_dim3A_216 : i32 to vector<16xi32>
        %gather3A_218 = tpu.vector_load_idx %arg12[%add3A_147, %broadcast_in_dim3A_217] : memref<192x16xf32, #tpu.memory_space<vmem>>[vector<16xi32>, vector<16xi32>], vector<16xf32>,
        %mul3A_219 = arith.mulf %gather3A_218, %exp3A : vector<16xf32>
        tpu.vector_store_idx %arg18[%add3A_147, %broadcast_in_dim3A_217], %mul3A_219 : memref<192x24xf32, #tpu.memory_space<vmem>>[vector<16xi32>, vector<16xi32>], vector<16xf32>,
      }
      %scan3A_131 = arith.constant 12 : i32
      %dma_start3A_132 = arith.constant 0 : i32
      %dma_start3A_133 = tpu.memref_slice %arg10[%add3A_64, %dma_start3A_132] : memref<54x192xi32, #tpu.memory_space<vmem>> -> memref<1x192xi32, #tpu.memory_space<vmem>>
      %dma_start3A_134 = tpu.memref_squeeze %dma_start3A_133 : memref<1x192xi32, #tpu.memory_space<vmem>> -> memref<192xi32, #tpu.memory_space<vmem>>
      %dma_start3A_135 = arith.constant 0 : i32
      %dma_start3A_136 = arith.constant 0 : i32
      %dma_start3A_137 = tpu.memref_slice %arg19[%dma_start3A_135, %dma_start3A_136] : memref<10240x24xf32, #tpu.memory_space<vmem_shared>> -> memref<10240x24xf32, #tpu.memory_space<vmem_shared>>
      tpu.enqueue_indirect_dma source(%arg18 : memref<192x24xf32, #tpu.memory_space<vmem>>) target(%dma_start3A_137 : memref<10240x24xf32, #tpu.memory_space<vmem_shared>>) offsets(%dma_start3A_134 : memref<192xi32, #tpu.memory_space<vmem>>) semaphore(%arg27 : memref<!tpu.dma_semaphore, #tpu.memory_space<semaphore_mem>>) {add = true}
      %lt3A_138 = arith.constant 26 : i32
      %lt3A_139 = arith.cmpi slt, %scan3A_58, %lt3A_138 : i32
      %convert_element_type3A_140 = arith.extui %lt3A_139 : i1 to i32
      %cond3A_141 = arith.constant 0 : i32
      %cond3A_142 = arith.cmpi ne, %convert_element_type3A_140, %cond3A_141 : i32
      scf.if %cond3A_142 {
        %add3A_143 = arith.constant 2 : i32
        %add3A_144 = arith.addi %add3A_64, %add3A_143 : i32
        %dma_start3A_145 = arith.constant 0 : i32
        %dma_start3A_146 = tpu.memref_slice %arg9[%add3A_144, %dma_start3A_145] : memref<54x192xi32, #tpu.memory_space<vmem>> -> memref<1x192xi32, #tpu.memory_space<vmem>>
        %dma_start3A_147 = tpu.memref_squeeze %dma_start3A_146 : memref<1x192xi32, #tpu.memory_space<vmem>> -> memref<192xi32, #tpu.memory_space<vmem>>
        %dma_start3A_148 = arith.constant 0 : i32
        %dma_start3A_149 = arith.constant 0 : i32
        %dma_start3A_150 = tpu.memref_slice %arg2[%dma_start3A_148, %dma_start3A_149] : memref<10240x16xf32, #tpu.memory_space<hbm>> -> memref<10240x16xf32, #tpu.memory_space<hbm>>
        tpu.enqueue_indirect_dma source(%dma_start3A_150 : memref<10240x16xf32, #tpu.memory_space<hbm>>) target(%arg12 : memref<192x16xf32, #tpu.memory_space<vmem>>) offsets(%dma_start3A_147 : memref<192xi32, #tpu.memory_space<vmem>>) semaphore(%arg21 : memref<!tpu.dma_semaphore, #tpu.memory_space<semaphore_mem>>)
        %dma_start3A_151 = arith.constant 0 : i32
        %dma_start3A_152 = tpu.memref_slice %arg9[%add3A_144, %dma_start3A_151] : memref<54x192xi32, #tpu.memory_space<vmem>> -> memref<1x192xi32, #tpu.memory_space<vmem>>
        %dma_start3A_153 = tpu.memref_squeeze %dma_start3A_152 : memref<1x192xi32, #tpu.memory_space<vmem>> -> memref<192xi32, #tpu.memory_space<vmem>>
        %dma_start3A_154 = arith.constant 0 : i32
        %dma_start3A_155 = tpu.memref_slice %arg3[%dma_start3A_154] : memref<10240xf32, #tpu.memory_space<hbm>> -> memref<10240xf32, #tpu.memory_space<hbm>>
        tpu.enqueue_indirect_dma source(%dma_start3A_155 : memref<10240xf32, #tpu.memory_space<hbm>>) target(%arg14 : memref<192xf32, #tpu.memory_space<vmem>>) offsets(%dma_start3A_153 : memref<192xi32, #tpu.memory_space<vmem>>) semaphore(%arg23 : memref<!tpu.dma_semaphore, #tpu.memory_space<semaphore_mem>>)
        %dma_start3A_156 = arith.constant 0 : i32
        %dma_start3A_157 = tpu.memref_slice %arg10[%add3A_144, %dma_start3A_156] : memref<54x192xi32, #tpu.memory_space<vmem>> -> memref<1x192xi32, #tpu.memory_space<vmem>>
        %dma_start3A_158 = tpu.memref_squeeze %dma_start3A_157 : memref<1x192xi32, #tpu.memory_space<vmem>> -> memref<192xi32, #tpu.memory_space<vmem>>
        %dma_start3A_159 = arith.constant 0 : i32
        %dma_start3A_160 = tpu.memref_slice %arg4[%dma_start3A_159] : memref<10240xf32, #tpu.memory_space<hbm>> -> memref<10240xf32, #tpu.memory_space<hbm>>
        tpu.enqueue_indirect_dma source(%dma_start3A_160 : memref<10240xf32, #tpu.memory_space<hbm>>) target(%arg16 : memref<192xf32, #tpu.memory_space<vmem>>) offsets(%dma_start3A_158 : memref<192xi32, #tpu.memory_space<vmem>>) semaphore(%arg25 : memref<!tpu.dma_semaphore, #tpu.memory_space<semaphore_mem>>)
      } else {
      }
    }
    %scan3A_45 = arith.constant 27 : i32
    %dma_wait3A = arith.constant 0 : i32
    %dma_wait3A_46 = arith.constant 0 : i32
    %dma_wait3A_47 = tpu.memref_slice %arg7[%dma_wait3A, %dma_wait3A_46] : memref<10240x24xf32, #tpu.memory_space<hbm>> -> memref<192x24xf32, #tpu.memory_space<hbm>>
    %dma_wait3A_48 = arith.constant 0 : i32
    %dma_wait3A_49 = arith.constant 0 : i32
    %dma_wait3A_50 = tpu.memref_slice %arg7[%dma_wait3A_48, %dma_wait3A_49] : memref<10240x24xf32, #tpu.memory_space<hbm>> -> memref<192x24xf32, #tpu.memory_space<hbm>>
    tpu.wait_dma2 semaphore(%arg26 : memref<!tpu.dma_semaphore, #tpu.memory_space<semaphore_mem>>) src(%dma_wait3A_50 : memref<192x24xf32, #tpu.memory_space<hbm>>) dst(%arg17 : memref<192x24xf32, #tpu.memory_space<vmem>>)
    %dma_wait3A_51 = arith.constant 0 : i32
    %dma_wait3A_52 = arith.constant 0 : i32
    %dma_wait3A_53 = tpu.memref_slice %arg7[%dma_wait3A_51, %dma_wait3A_52] : memref<10240x24xf32, #tpu.memory_space<hbm>> -> memref<192x24xf32, #tpu.memory_space<hbm>>
    %dma_wait3A_54 = arith.constant 0 : i32
    %dma_wait3A_55 = arith.constant 0 : i32
    %dma_wait3A_56 = tpu.memref_slice %arg7[%dma_wait3A_54, %dma_wait3A_55] : memref<10240x24xf32, #tpu.memory_space<hbm>> -> memref<192x24xf32, #tpu.memory_space<hbm>>
    tpu.wait_dma2 semaphore(%arg27 : memref<!tpu.dma_semaphore, #tpu.memory_space<semaphore_mem>>) src(%dma_wait3A_56 : memref<192x24xf32, #tpu.memory_space<hbm>>) dst(%arg18 : memref<192x24xf32, #tpu.memory_space<vmem>>)
    %barrier3A_57 = arith.constant 0 : index
    tpu.barrier barrier_id(%barrier3A_57)
    "tpu.region"() ({
      %run_scoped3A = tpu.sem_alloc : memref<!tpu.dma_semaphore, #tpu.memory_space<semaphore_mem>>
      %dma_start3A_58 = arith.constant 0 : i32
      %dma_start3A_59 = tpu.memref_slice %arg8[%arg0, %mul3A_2, %dma_start3A_58] : memref<2x10240x24xf32, #tpu.memory_space<hbm>> -> memref<1x640x24xf32, #tpu.memory_space<hbm>>
      %dma_start3A_60 = tpu.memref_squeeze %dma_start3A_59 : memref<1x640x24xf32, #tpu.memory_space<hbm>> -> memref<640x24xf32, #tpu.memory_space<hbm>>
      %dma_start3A_61 = arith.constant 0 : i32
      %dma_start3A_62 = tpu.memref_slice %arg19[%mul3A_2, %dma_start3A_61] : memref<10240x24xf32, #tpu.memory_space<vmem_shared>> -> memref<640x24xf32, #tpu.memory_space<vmem_shared>>
      tpu.enqueue_dma source(%dma_start3A_62 : memref<640x24xf32, #tpu.memory_space<vmem_shared>>) target(%dma_start3A_60 : memref<640x24xf32, #tpu.memory_space<hbm>>) target_semaphore(%run_scoped3A : memref<!tpu.dma_semaphore, #tpu.memory_space<semaphore_mem>>)
      %dma_wait3A_63 = arith.constant 0 : i32
      %dma_wait3A_64 = tpu.memref_slice %arg8[%arg0, %mul3A_2, %dma_wait3A_63] : memref<2x10240x24xf32, #tpu.memory_space<hbm>> -> memref<1x640x24xf32, #tpu.memory_space<hbm>>
      %dma_wait3A_65 = tpu.memref_squeeze %dma_wait3A_64 : memref<1x640x24xf32, #tpu.memory_space<hbm>> -> memref<640x24xf32, #tpu.memory_space<hbm>>
      %dma_wait3A_66 = arith.constant 0 : i32
      %dma_wait3A_67 = tpu.memref_slice %arg19[%mul3A_2, %dma_wait3A_66] : memref<10240x24xf32, #tpu.memory_space<vmem_shared>> -> memref<640x24xf32, #tpu.memory_space<vmem_shared>>
      tpu.wait_dma2 semaphore(%run_scoped3A : memref<!tpu.dma_semaphore, #tpu.memory_space<semaphore_mem>>) src(%dma_wait3A_67 : memref<640x24xf32, #tpu.memory_space<vmem_shared>>) dst(%dma_wait3A_65 : memref<640x24xf32, #tpu.memory_space<hbm>>)
      tpu.yield
    }) : () -> ()
    return
  }
}

#map = affine_map<(d0, d1) -> (0, 0)>
#map1 = affine_map<(d0, d1) -> (0)>
module attributes {stable_mosaic.version = 14 : i64} {
  func.func @_scat_body(%arg0: i32, %arg1: i32, %arg2: memref<10240x16xf32, #tpu.memory_space<hbm>>, %arg3: memref<10240xi32, #tpu.memory_space<hbm>>, %arg4: memref<10240x16xf32, #tpu.memory_space<hbm>>, %arg5: memref<320xi32, #tpu.memory_space<vmem>>, %arg6: memref<320x16xf32, #tpu.memory_space<vmem>>, %arg7: memref<!tpu.dma_semaphore, #tpu.memory_space<semaphore_mem>>) attributes {dimension_semantics = [#tpu.dimension_semantics<core_parallel>, #tpu.dimension_semantics<subcore_parallel>], iteration_bounds = array<i64: 2, 16>, scalar_prefetch = 0 : i64, scratch_operands = 3 : i64, tpu.core_type = #tpu.core_type<sc_vector_subcore>, window_params = [{transform_indices = #map}, {transform_indices = #map1}, {transform_indices = #map}]} {
    %mul3A = arith.constant 2 : i32
    %mul3A_0 = arith.muli %arg1, %mul3A : i32
    %add3A = arith.addi %mul3A_0, %arg0 : i32
    %mul3A_1 = arith.constant 320 : i32
    %mul3A_2 = arith.muli %add3A, %mul3A_1 : i32
    "tpu.region"() ({
      %run_scoped3A = tpu.sem_alloc : memref<!tpu.dma_semaphore, #tpu.memory_space<semaphore_mem>>
      %dma_start3A_7 = tpu.memref_slice %arg3[%mul3A_2] : memref<10240xi32, #tpu.memory_space<hbm>> -> memref<320xi32, #tpu.memory_space<hbm>>
      %dma_start3A_8 = tpu.memref_slice %arg3[%mul3A_2] : memref<10240xi32, #tpu.memory_space<hbm>> -> memref<320xi32, #tpu.memory_space<hbm>>
      tpu.enqueue_dma source(%dma_start3A_8 : memref<320xi32, #tpu.memory_space<hbm>>) target(%arg5 : memref<320xi32, #tpu.memory_space<vmem>>) target_semaphore(%run_scoped3A : memref<!tpu.dma_semaphore, #tpu.memory_space<semaphore_mem>>)
      %dma_wait3A_9 = tpu.memref_slice %arg3[%mul3A_2] : memref<10240xi32, #tpu.memory_space<hbm>> -> memref<320xi32, #tpu.memory_space<hbm>>
      %dma_wait3A_10 = tpu.memref_slice %arg3[%mul3A_2] : memref<10240xi32, #tpu.memory_space<hbm>> -> memref<320xi32, #tpu.memory_space<hbm>>
      tpu.wait_dma2 semaphore(%run_scoped3A : memref<!tpu.dma_semaphore, #tpu.memory_space<semaphore_mem>>) src(%dma_wait3A_10 : memref<320xi32, #tpu.memory_space<hbm>>) dst(%arg5 : memref<320xi32, #tpu.memory_space<vmem>>)
      tpu.yield
    }) : () -> ()
    "tpu.region"() ({
      %run_scoped3A = tpu.sem_alloc : memref<!tpu.dma_semaphore, #tpu.memory_space<semaphore_mem>>
      %dma_start3A_7 = arith.constant 0 : i32
      %dma_start3A_8 = tpu.memref_slice %arg2[%mul3A_2, %dma_start3A_7] : memref<10240x16xf32, #tpu.memory_space<hbm>> -> memref<320x16xf32, #tpu.memory_space<hbm>>
      %dma_start3A_9 = arith.constant 0 : i32
      %dma_start3A_10 = tpu.memref_slice %arg2[%mul3A_2, %dma_start3A_9] : memref<10240x16xf32, #tpu.memory_space<hbm>> -> memref<320x16xf32, #tpu.memory_space<hbm>>
      tpu.enqueue_dma source(%dma_start3A_10 : memref<320x16xf32, #tpu.memory_space<hbm>>) target(%arg6 : memref<320x16xf32, #tpu.memory_space<vmem>>) target_semaphore(%run_scoped3A : memref<!tpu.dma_semaphore, #tpu.memory_space<semaphore_mem>>)
      %dma_wait3A_11 = arith.constant 0 : i32
      %dma_wait3A_12 = tpu.memref_slice %arg2[%mul3A_2, %dma_wait3A_11] : memref<10240x16xf32, #tpu.memory_space<hbm>> -> memref<320x16xf32, #tpu.memory_space<hbm>>
      %dma_wait3A_13 = arith.constant 0 : i32
      %dma_wait3A_14 = tpu.memref_slice %arg2[%mul3A_2, %dma_wait3A_13] : memref<10240x16xf32, #tpu.memory_space<hbm>> -> memref<320x16xf32, #tpu.memory_space<hbm>>
      tpu.wait_dma2 semaphore(%run_scoped3A : memref<!tpu.dma_semaphore, #tpu.memory_space<semaphore_mem>>) src(%dma_wait3A_14 : memref<320x16xf32, #tpu.memory_space<hbm>>) dst(%arg6 : memref<320x16xf32, #tpu.memory_space<vmem>>)
      tpu.yield
    }) : () -> ()
    %dma_start3A = arith.constant 0 : i32
    %dma_start3A_3 = arith.constant 0 : i32
    %dma_start3A_4 = tpu.memref_slice %arg4[%dma_start3A, %dma_start3A_3] : memref<10240x16xf32, #tpu.memory_space<hbm>> -> memref<10240x16xf32, #tpu.memory_space<hbm>>
    tpu.enqueue_indirect_dma source(%arg6 : memref<320x16xf32, #tpu.memory_space<vmem>>) target(%dma_start3A_4 : memref<10240x16xf32, #tpu.memory_space<hbm>>) offsets(%arg5 : memref<320xi32, #tpu.memory_space<vmem>>) semaphore(%arg7 : memref<!tpu.dma_semaphore, #tpu.memory_space<semaphore_mem>>)
    %dma_wait3A = arith.constant 0 : i32
    %dma_wait3A_5 = arith.constant 0 : i32
    %dma_wait3A_6 = tpu.memref_slice %arg4[%dma_wait3A, %dma_wait3A_5] : memref<10240x16xf32, #tpu.memory_space<hbm>> -> memref<10240x16xf32, #tpu.memory_space<hbm>>
    tpu.wait_indirect_dma semaphore(%arg7 : memref<!tpu.dma_semaphore, #tpu.memory_space<semaphore_mem>>) src(%arg6 : memref<320x16xf32, #tpu.memory_space<vmem>>) dst(%dma_wait3A_6 : memref<10240x16xf32, #tpu.memory_space<hbm>>)
    return
  }
}

module attributes {stable_mosaic.version = 14 : i64} {
  func.func @_tabs1_body(%arg0: i32, %arg1: memref<1024x128xf32, #tpu.memory_space<vmem>>, %arg2: memref<128x64xf32, #tpu.memory_space<vmem>>, %arg3: memref<64x8xf32, #tpu.memory_space<vmem>>, %arg4: memref<64x8xf32, #tpu.memory_space<vmem>>, %arg5: memref<1024x72xf32, #tpu.memory_space<vmem>>, %arg6: memref<1024x8xf32, #tpu.memory_space<vmem>>) attributes {dimension_semantics = [#tpu.dimension_semantics<arbitrary>], iteration_bounds = array<i64: 10>, scalar_prefetch = 0 : i64, scratch_operands = 0 : i64, tpu.core_type = #tpu.core_type<tc>, window_params = [{transform_indices = @transform_0, window_bounds = array<i64: 1024, 128>}, {pipeline_mode = #tpu.pipeline_mode<synchronous>, transform_indices = @transform_1, window_bounds = array<i64: 128, 64>}, {pipeline_mode = #tpu.pipeline_mode<synchronous>, transform_indices = @transform_2, window_bounds = array<i64: 64, 8>}, {pipeline_mode = #tpu.pipeline_mode<synchronous>, transform_indices = @transform_3, window_bounds = array<i64: 64, 8>}, {transform_indices = @transform_4, window_bounds = array<i64: 1024, 72>}, {transform_indices = @transform_5, window_bounds = array<i64: 1024, 8>}]} {
    %get3A = arith.constant 0 : index
    %get3A_0 = arith.constant 0 : index
    %get3A_1 = vector.load %arg1[%get3A, %get3A_0] : memref<1024x128xf32, #tpu.memory_space<vmem>>, vector<1024x128xf32>
    %get3A_2 = arith.constant 0 : index
    %get3A_3 = arith.constant 0 : index
    %get3A_4 = vector.load %arg2[%get3A_2, %get3A_3] : memref<128x64xf32, #tpu.memory_space<vmem>>, vector<128x64xf32>
    %dot_general3A = arith.constant dense<0.000000e+00> : vector<1024x64xf32>
    %dot_general3A_5 = tpu.matmul %get3A_1, %get3A_4, %dot_general3A {dimension_numbers = #tpu.dot_dimension_numbers<[1], [0], [0], [1], [0, 0, 1, 1], [], []>, transpose_lhs_hint = false} : vector<1024x128xf32>, vector<128x64xf32>, vector<1024x64xf32> -> vector<1024x64xf32>
    %swap3A = arith.constant 0 : index
    %swap3A_6 = arith.constant 0 : index
    %swap3A_7 = vector.load %arg5[%swap3A, %swap3A_6] : memref<1024x72xf32, #tpu.memory_space<vmem>>, vector<1024x64xf32>
    tpu.vector_store %arg5[%swap3A, %swap3A_6], %dot_general3A_5 {strides = array<i32>} : memref<1024x72xf32, #tpu.memory_space<vmem>>, vector<1024x64xf32>,
    %get3A_8 = arith.constant 0 : index
    %get3A_9 = arith.constant 0 : index
    %get3A_10 = vector.load %arg3[%get3A_8, %get3A_9] : memref<64x8xf32, #tpu.memory_space<vmem>>, vector<64x8xf32>
    %dot_general3A_11 = arith.constant dense<0.000000e+00> : vector<1024x8xf32>
    %dot_general3A_12 = tpu.matmul %dot_general3A_5, %get3A_10, %dot_general3A_11 {dimension_numbers = #tpu.dot_dimension_numbers<[1], [0], [0], [1], [0, 0, 1, 1], [], []>, transpose_lhs_hint = false} : vector<1024x64xf32>, vector<64x8xf32>, vector<1024x8xf32> -> vector<1024x8xf32>
    %swap3A_13 = arith.constant 0 : index
    %swap3A_14 = arith.constant 64 : index
    %swap3A_15 = vector.load %arg5[%swap3A_13, %swap3A_14] : memref<1024x72xf32, #tpu.memory_space<vmem>>, vector<1024x8xf32>
    tpu.vector_store %arg5[%swap3A_13, %swap3A_14], %dot_general3A_12 {strides = array<i32>} : memref<1024x72xf32, #tpu.memory_space<vmem>>, vector<1024x8xf32>,
    %get3A_16 = arith.constant 0 : index
    %get3A_17 = arith.constant 0 : index
    %get3A_18 = vector.load %arg4[%get3A_16, %get3A_17] : memref<64x8xf32, #tpu.memory_space<vmem>>, vector<64x8xf32>
    %dot_general3A_19 = arith.constant dense<0.000000e+00> : vector<1024x8xf32>
    %dot_general3A_20 = tpu.matmul %dot_general3A_5, %get3A_18, %dot_general3A_19 {dimension_numbers = #tpu.dot_dimension_numbers<[1], [0], [0], [1], [0, 0, 1, 1], [], []>, transpose_lhs_hint = false} : vector<1024x64xf32>, vector<64x8xf32>, vector<1024x8xf32> -> vector<1024x8xf32>
    %swap3A_21 = arith.constant 0 : index
    %swap3A_22 = arith.constant 0 : index
    %swap3A_23 = vector.load %arg6[%swap3A_21, %swap3A_22] : memref<1024x8xf32, #tpu.memory_space<vmem>>, vector<1024x8xf32>
    tpu.vector_store %arg6[%swap3A_21, %swap3A_22], %dot_general3A_20 {strides = array<i32>} : memref<1024x8xf32, #tpu.memory_space<vmem>>, vector<1024x8xf32>,
    return
  }
  func.func @transform_0(%arg0: i32) -> (i32, i32) {
    %c0_i32 = arith.constant 0 : i32
    %c0_i32_0 = arith.constant 0 : i32
    return %arg0, %c0_i32 : i32, i32
  }
  func.func @transform_1(%arg0: i32) -> (i32, i32) {
    %c0_i32 = arith.constant 0 : i32
    %c0_i32_0 = arith.constant 0 : i32
    %c0_i32_1 = arith.constant 0 : i32
    return %c0_i32, %c0_i32_0 : i32, i32
  }
  func.func @transform_2(%arg0: i32) -> (i32, i32) {
    %c0_i32 = arith.constant 0 : i32
    %c0_i32_0 = arith.constant 0 : i32
    %c0_i32_1 = arith.constant 0 : i32
    return %c0_i32, %c0_i32_0 : i32, i32
  }
  func.func @transform_3(%arg0: i32) -> (i32, i32) {
    %c0_i32 = arith.constant 0 : i32
    %c0_i32_0 = arith.constant 0 : i32
    %c0_i32_1 = arith.constant 0 : i32
    return %c0_i32, %c0_i32_0 : i32, i32
  }
  func.func @transform_4(%arg0: i32) -> (i32, i32) {
    %c0_i32 = arith.constant 0 : i32
    %c0_i32_0 = arith.constant 0 : i32
    return %arg0, %c0_i32 : i32, i32
  }
  func.func @transform_5(%arg0: i32) -> (i32, i32) {
    %c0_i32 = arith.constant 0 : i32
    %c0_i32_0 = arith.constant 0 : i32
    return %arg0, %c0_i32 : i32, i32
  }
}

module attributes {stable_mosaic.version = 14 : i64} {
  func.func @_tabs2_body(%arg0: i32, %arg1: memref<2x1024x72xf32, #tpu.memory_space<vmem>>, %arg2: memref<8x64xf32, #tpu.memory_space<vmem>>, %arg3: memref<1x64xf32, #tpu.memory_space<vmem>>, %arg4: memref<64x16xf32, #tpu.memory_space<vmem>>, %arg5: memref<16x1xf32, #tpu.memory_space<vmem>>, %arg6: memref<16x1xf32, #tpu.memory_space<vmem>>, %arg7: memref<1024x16xf32, #tpu.memory_space<vmem>>, %arg8: memref<1024x1xf32, #tpu.memory_space<vmem>>, %arg9: memref<1024x1xf32, #tpu.memory_space<vmem>>) attributes {dimension_semantics = [#tpu.dimension_semantics<arbitrary>], iteration_bounds = array<i64: 10>, scalar_prefetch = 0 : i64, scratch_operands = 0 : i64, tpu.core_type = #tpu.core_type<tc>, window_params = [{transform_indices = @transform_0, window_bounds = array<i64: 2, 1024, 72>}, {pipeline_mode = #tpu.pipeline_mode<synchronous>, transform_indices = @transform_1, window_bounds = array<i64: 8, 64>}, {pipeline_mode = #tpu.pipeline_mode<synchronous>, transform_indices = @transform_2, window_bounds = array<i64: 1, 64>}, {pipeline_mode = #tpu.pipeline_mode<synchronous>, transform_indices = @transform_3, window_bounds = array<i64: 64, 16>}, {pipeline_mode = #tpu.pipeline_mode<synchronous>, transform_indices = @transform_4, window_bounds = array<i64: 16, 1>}, {pipeline_mode = #tpu.pipeline_mode<synchronous>, transform_indices = @transform_5, window_bounds = array<i64: 16, 1>}, {transform_indices = @transform_6, window_bounds = array<i64: 1024, 16>}, {transform_indices = @transform_7, window_bounds = array<i64: 1024, 1>}, {transform_indices = @transform_8, window_bounds = array<i64: 1024, 1>}]} {
    %get3A = arith.constant 0 : index
    %get3A_0 = arith.constant 0 : index
    %get3A_1 = arith.constant 0 : index
    %get3A_2 = vector.load %arg1[%get3A, %get3A_0, %get3A_1] : memref<2x1024x72xf32, #tpu.memory_space<vmem>>, vector<1x1024x72xf32>
    %get3A_3 = vector.shape_cast %get3A_2 : vector<1x1024x72xf32> to vector<1024x72xf32>
    %get3A_4 = arith.constant 1 : index
    %get3A_5 = arith.constant 0 : index
    %get3A_6 = arith.constant 0 : index
    %get3A_7 = vector.load %arg1[%get3A_4, %get3A_5, %get3A_6] : memref<2x1024x72xf32, #tpu.memory_space<vmem>>, vector<1x1024x72xf32>
    %get3A_8 = vector.shape_cast %get3A_7 : vector<1x1024x72xf32> to vector<1024x72xf32>
    %add3A = arith.addf %get3A_3, %get3A_8 : vector<1024x72xf32>
    %slice3A = vector.extract_strided_slice %add3A {offsets = [0, 0], sizes = [1024, 64], strides = [1, 1]} : vector<1024x72xf32> to vector<1024x64xf32>
    %slice3A_9 = vector.extract_strided_slice %add3A {offsets = [0, 64], sizes = [1024, 8], strides = [1, 1]} : vector<1024x72xf32> to vector<1024x8xf32>
    %get3A_10 = arith.constant 0 : index
    %get3A_11 = arith.constant 0 : index
    %get3A_12 = vector.load %arg2[%get3A_10, %get3A_11] : memref<8x64xf32, #tpu.memory_space<vmem>>, vector<8x64xf32>
    %dot_general3A = arith.constant dense<0.000000e+00> : vector<1024x64xf32>
    %dot_general3A_13 = tpu.matmul %slice3A_9, %get3A_12, %dot_general3A {dimension_numbers = #tpu.dot_dimension_numbers<[1], [0], [0], [1], [0, 0, 1, 1], [], []>, transpose_lhs_hint = false} : vector<1024x8xf32>, vector<8x64xf32>, vector<1024x64xf32> -> vector<1024x64xf32>
    %div3A = arith.divf %slice3A, %dot_general3A_13 : vector<1024x64xf32>
    %get3A_14 = arith.constant 0 : index
    %get3A_15 = arith.constant 0 : index
    %get3A_16 = vector.load %arg3[%get3A_14, %get3A_15] : memref<1x64xf32, #tpu.memory_space<vmem>>, vector<1x64xf32>
    %add3A_17 = vector.broadcast %get3A_16 : vector<1x64xf32> to vector<1024x64xf32>
    %add3A_18 = arith.addf %div3A, %add3A_17 : vector<1024x64xf32>
    %max3A = arith.constant 0.000000e+00 : f32
    %max3A_19 = vector.broadcast %max3A : f32 to vector<1024x64xf32>
    %max3A_20 = arith.maximumf %add3A_18, %max3A_19 : vector<1024x64xf32>
    %get3A_21 = arith.constant 0 : index
    %get3A_22 = arith.constant 0 : index
    %get3A_23 = vector.load %arg4[%get3A_21, %get3A_22] : memref<64x16xf32, #tpu.memory_space<vmem>>, vector<64x16xf32>
    %dot_general3A_24 = arith.constant dense<0.000000e+00> : vector<1024x16xf32>
    %dot_general3A_25 = tpu.matmul %max3A_20, %get3A_23, %dot_general3A_24 {dimension_numbers = #tpu.dot_dimension_numbers<[1], [0], [0], [1], [0, 0, 1, 1], [], []>, transpose_lhs_hint = false} : vector<1024x64xf32>, vector<64x16xf32>, vector<1024x16xf32> -> vector<1024x16xf32>
    %swap3A = arith.constant 0 : index
    %swap3A_26 = arith.constant 0 : index
    %swap3A_27 = vector.load %arg7[%swap3A, %swap3A_26] : memref<1024x16xf32, #tpu.memory_space<vmem>>, vector<1024x16xf32>
    tpu.vector_store %arg7[%swap3A, %swap3A_26], %dot_general3A_25 {strides = array<i32>} : memref<1024x16xf32, #tpu.memory_space<vmem>>, vector<1024x16xf32>,
    %get3A_28 = arith.constant 0 : index
    %get3A_29 = arith.constant 0 : index
    %get3A_30 = vector.load %arg5[%get3A_28, %get3A_29] : memref<16x1xf32, #tpu.memory_space<vmem>>, vector<16x1xf32>
    %dot_general3A_31 = arith.constant dense<0.000000e+00> : vector<1024x1xf32>
    %dot_general3A_32 = tpu.matmul %dot_general3A_25, %get3A_30, %dot_general3A_31 {dimension_numbers = #tpu.dot_dimension_numbers<[1], [0], [0], [1], [0, 0, 1, 1], [], []>, transpose_lhs_hint = false} : vector<1024x16xf32>, vector<16x1xf32>, vector<1024x1xf32> -> vector<1024x1xf32>
    %swap3A_33 = arith.constant 0 : index
    %swap3A_34 = arith.constant 0 : index
    %swap3A_35 = vector.load %arg8[%swap3A_33, %swap3A_34] : memref<1024x1xf32, #tpu.memory_space<vmem>>, vector<1024x1xf32>
    tpu.vector_store %arg8[%swap3A_33, %swap3A_34], %dot_general3A_32 {strides = array<i32>} : memref<1024x1xf32, #tpu.memory_space<vmem>>, vector<1024x1xf32>,
    %get3A_36 = arith.constant 0 : index
    %get3A_37 = arith.constant 0 : index
    %get3A_38 = vector.load %arg6[%get3A_36, %get3A_37] : memref<16x1xf32, #tpu.memory_space<vmem>>, vector<16x1xf32>
    %dot_general3A_39 = arith.constant dense<0.000000e+00> : vector<1024x1xf32>
    %dot_general3A_40 = tpu.matmul %dot_general3A_25, %get3A_38, %dot_general3A_39 {dimension_numbers = #tpu.dot_dimension_numbers<[1], [0], [0], [1], [0, 0, 1, 1], [], []>, transpose_lhs_hint = false} : vector<1024x16xf32>, vector<16x1xf32>, vector<1024x1xf32> -> vector<1024x1xf32>
    %swap3A_41 = arith.constant 0 : index
    %swap3A_42 = arith.constant 0 : index
    %swap3A_43 = vector.load %arg9[%swap3A_41, %swap3A_42] : memref<1024x1xf32, #tpu.memory_space<vmem>>, vector<1024x1xf32>
    tpu.vector_store %arg9[%swap3A_41, %swap3A_42], %dot_general3A_40 {strides = array<i32>} : memref<1024x1xf32, #tpu.memory_space<vmem>>, vector<1024x1xf32>,
    return
  }
  func.func @transform_0(%arg0: i32) -> (i32, i32, i32) {
    %c0_i32 = arith.constant 0 : i32
    %c0_i32_0 = arith.constant 0 : i32
    %c0_i32_1 = arith.constant 0 : i32
    return %c0_i32, %arg0, %c0_i32_0 : i32, i32, i32
  }
  func.func @transform_1(%arg0: i32) -> (i32, i32) {
    %c0_i32 = arith.constant 0 : i32
    %c0_i32_0 = arith.constant 0 : i32
    %c0_i32_1 = arith.constant 0 : i32
    return %c0_i32, %c0_i32_0 : i32, i32
  }
  func.func @transform_2(%arg0: i32) -> (i32, i32) {
    %c0_i32 = arith.constant 0 : i32
    %c0_i32_0 = arith.constant 0 : i32
    %c0_i32_1 = arith.constant 0 : i32
    return %c0_i32, %c0_i32_0 : i32, i32
  }
  func.func @transform_3(%arg0: i32) -> (i32, i32) {
    %c0_i32 = arith.constant 0 : i32
    %c0_i32_0 = arith.constant 0 : i32
    %c0_i32_1 = arith.constant 0 : i32
    return %c0_i32, %c0_i32_0 : i32, i32
  }
  func.func @transform_4(%arg0: i32) -> (i32, i32) {
    %c0_i32 = arith.constant 0 : i32
    %c0_i32_0 = arith.constant 0 : i32
    %c0_i32_1 = arith.constant 0 : i32
    return %c0_i32, %c0_i32_0 : i32, i32
  }
  func.func @transform_5(%arg0: i32) -> (i32, i32) {
    %c0_i32 = arith.constant 0 : i32
    %c0_i32_0 = arith.constant 0 : i32
    %c0_i32_1 = arith.constant 0 : i32
    return %c0_i32, %c0_i32_0 : i32, i32
  }
  func.func @transform_6(%arg0: i32) -> (i32, i32) {
    %c0_i32 = arith.constant 0 : i32
    %c0_i32_0 = arith.constant 0 : i32
    return %arg0, %c0_i32 : i32, i32
  }
  func.func @transform_7(%arg0: i32) -> (i32, i32) {
    %c0_i32 = arith.constant 0 : i32
    %c0_i32_0 = arith.constant 0 : i32
    return %arg0, %c0_i32 : i32, i32
  }
  func.func @transform_8(%arg0: i32) -> (i32, i32) {
    %c0_i32 = arith.constant 0 : i32
    %c0_i32_0 = arith.constant 0 : i32
    return %arg0, %c0_i32 : i32, i32
  }
}

module attributes {stable_mosaic.version = 14 : i64} {
  func.func @_x1key_body(%arg0: i32, %arg1: memref<2x1024x24xf32, #tpu.memory_space<vmem>>, %arg2: memref<1x16xf32, #tpu.memory_space<vmem>>, %arg3: memref<16x1xf32, #tpu.memory_space<vmem>>, %arg4: memref<1x1xf32, #tpu.memory_space<vmem>>, %arg5: memref<1024x16xf32, #tpu.memory_space<vmem>>, %arg6: memref<1024x1xf32, #tpu.memory_space<vmem>>, %arg7: memref<1024x16xf32, #tpu.memory_space<vmem>>) attributes {dimension_semantics = [#tpu.dimension_semantics<arbitrary>], iteration_bounds = array<i64: 10>, scalar_prefetch = 0 : i64, scratch_operands = 0 : i64, tpu.core_type = #tpu.core_type<tc>, window_params = [{transform_indices = @transform_0, window_bounds = array<i64: 2, 1024, 24>}, {pipeline_mode = #tpu.pipeline_mode<synchronous>, transform_indices = @transform_1, window_bounds = array<i64: 1, 16>}, {pipeline_mode = #tpu.pipeline_mode<synchronous>, transform_indices = @transform_2, window_bounds = array<i64: 16, 1>}, {pipeline_mode = #tpu.pipeline_mode<synchronous>, transform_indices = @transform_3, window_bounds = array<i64: 1, 1>}, {transform_indices = @transform_4, window_bounds = array<i64: 1024, 16>}, {transform_indices = @transform_5, window_bounds = array<i64: 1024, 1>}, {transform_indices = @transform_6, window_bounds = array<i64: 1024, 16>}]} {
    %get3A = arith.constant 0 : index
    %get3A_0 = arith.constant 0 : index
    %get3A_1 = arith.constant 0 : index
    %get3A_2 = vector.load %arg1[%get3A, %get3A_0, %get3A_1] : memref<2x1024x24xf32, #tpu.memory_space<vmem>>, vector<1x1024x24xf32>
    %get3A_3 = vector.shape_cast %get3A_2 : vector<1x1024x24xf32> to vector<1024x24xf32>
    %get3A_4 = arith.constant 1 : index
    %get3A_5 = arith.constant 0 : index
    %get3A_6 = arith.constant 0 : index
    %get3A_7 = vector.load %arg1[%get3A_4, %get3A_5, %get3A_6] : memref<2x1024x24xf32, #tpu.memory_space<vmem>>, vector<1x1024x24xf32>
    %get3A_8 = vector.shape_cast %get3A_7 : vector<1x1024x24xf32> to vector<1024x24xf32>
    %add3A = arith.addf %get3A_3, %get3A_8 : vector<1024x24xf32>
    %slice3A = vector.extract_strided_slice %add3A {offsets = [0, 0], sizes = [1024, 16], strides = [1, 1]} : vector<1024x24xf32> to vector<1024x16xf32>
    %slice3A_9 = vector.extract_strided_slice %add3A {offsets = [0, 16], sizes = [1024, 1], strides = [1, 1]} : vector<1024x24xf32> to vector<1024x1xf32>
    %div3A = vector.broadcast %slice3A_9 : vector<1024x1xf32> to vector<1024x16xf32>
    %div3A_10 = arith.divf %slice3A, %div3A : vector<1024x16xf32>
    %get3A_11 = arith.constant 0 : index
    %get3A_12 = arith.constant 0 : index
    %get3A_13 = vector.load %arg2[%get3A_11, %get3A_12] : memref<1x16xf32, #tpu.memory_space<vmem>>, vector<1x16xf32>
    %add3A_14 = vector.broadcast %get3A_13 : vector<1x16xf32> to vector<1024x16xf32>
    %add3A_15 = arith.addf %div3A_10, %add3A_14 : vector<1024x16xf32>
    %swap3A = arith.constant 0 : index
    %swap3A_16 = arith.constant 0 : index
    %swap3A_17 = vector.load %arg5[%swap3A, %swap3A_16] : memref<1024x16xf32, #tpu.memory_space<vmem>>, vector<1024x16xf32>
    tpu.vector_store %arg5[%swap3A, %swap3A_16], %add3A_15 {strides = array<i32>} : memref<1024x16xf32, #tpu.memory_space<vmem>>, vector<1024x16xf32>,
    %get3A_18 = arith.constant 0 : index
    %get3A_19 = arith.constant 0 : index
    %get3A_20 = vector.load %arg3[%get3A_18, %get3A_19] : memref<16x1xf32, #tpu.memory_space<vmem>>, vector<16x1xf32>
    %dot_general3A = arith.constant dense<0.000000e+00> : vector<1024x1xf32>
    %dot_general3A_21 = tpu.matmul %add3A_15, %get3A_20, %dot_general3A {dimension_numbers = #tpu.dot_dimension_numbers<[1], [0], [0], [1], [0, 0, 1, 1], [], []>, transpose_lhs_hint = false} : vector<1024x16xf32>, vector<16x1xf32>, vector<1024x1xf32> -> vector<1024x1xf32>
    %get3A_22 = arith.constant 0 : index
    %get3A_23 = arith.constant 0 : index
    %get3A_24 = vector.load %arg4[%get3A_22, %get3A_23] : memref<1x1xf32, #tpu.memory_space<vmem>>, vector<1x1xf32>
    %add3A_25 = vector.broadcast %get3A_24 : vector<1x1xf32> to vector<1024x1xf32>
    %add3A_26 = arith.addf %dot_general3A_21, %add3A_25 : vector<1024x1xf32>
    %iota3A = tpu.iota {dimensions = array<i32: 0>} : vector<1024x1xi32>
    %mul3A = arith.constant 1024 : i32
    %mul3A_27 = arith.muli %arg0, %mul3A : i32
    %add3A_28 = vector.broadcast %mul3A_27 : i32 to vector<1024x1xi32>
    %add3A_29 = arith.addi %iota3A, %add3A_28 : vector<1024x1xi32>
    %lt3A = arith.constant 10000 : i32
    %lt3A_30 = vector.broadcast %lt3A : i32 to vector<1024x1xi32>
    %lt3A_31 = arith.cmpi slt, %add3A_29, %lt3A_30 : vector<1024x1xi32>
    %jit3A = arith.constant 0x7F800000 : f32
    %broadcast_in_dim3A = vector.broadcast %jit3A : f32 to vector<1024x1xf32>
    %select_n3A = arith.select %lt3A_31, %add3A_26, %broadcast_in_dim3A : vector<1024x1xi1>, vector<1024x1xf32>
    %swap3A_32 = arith.constant 0 : index
    %swap3A_33 = arith.constant 0 : index
    %swap3A_34 = vector.load %arg6[%swap3A_32, %swap3A_33] : memref<1024x1xf32, #tpu.memory_space<vmem>>, vector<1024x1xf32>
    tpu.vector_store %arg6[%swap3A_32, %swap3A_33], %select_n3A {strides = array<i32>} : memref<1024x1xf32, #tpu.memory_space<vmem>>, vector<1024x1xf32>,
    %iota3A_35 = tpu.iota {dimensions = array<i32: 0>} : vector<1024x16xi32>
    %mul3A_36 = arith.constant 1024 : i32
    %mul3A_37 = arith.muli %arg0, %mul3A_36 : i32
    %add3A_38 = vector.broadcast %mul3A_37 : i32 to vector<1024x16xi32>
    %add3A_39 = arith.addi %iota3A_35, %add3A_38 : vector<1024x16xi32>
    %lt3A_40 = arith.constant 10000 : i32
    %lt3A_41 = vector.broadcast %lt3A_40 : i32 to vector<1024x16xi32>
    %lt3A_42 = arith.cmpi slt, %add3A_39, %lt3A_41 : vector<1024x16xi32>
    %mul3A_43 = vector.broadcast %add3A_26 : vector<1024x1xf32> to vector<1024x16xf32>
    %mul3A_44 = arith.mulf %mul3A_43, %add3A_15 : vector<1024x16xf32>
    %jit3A_45 = arith.constant 0.000000e+00 : f32
    %broadcast_in_dim3A_46 = vector.broadcast %jit3A_45 : f32 to vector<1024x16xf32>
    %select_n3A_47 = arith.select %lt3A_42, %mul3A_44, %broadcast_in_dim3A_46 : vector<1024x16xi1>, vector<1024x16xf32>
    %swap3A_48 = arith.constant 0 : index
    %swap3A_49 = arith.constant 0 : index
    %swap3A_50 = vector.load %arg7[%swap3A_48, %swap3A_49] : memref<1024x16xf32, #tpu.memory_space<vmem>>, vector<1024x16xf32>
    tpu.vector_store %arg7[%swap3A_48, %swap3A_49], %select_n3A_47 {strides = array<i32>} : memref<1024x16xf32, #tpu.memory_space<vmem>>, vector<1024x16xf32>,
    return
  }
  func.func @transform_0(%arg0: i32) -> (i32, i32, i32) {
    %c0_i32 = arith.constant 0 : i32
    %c0_i32_0 = arith.constant 0 : i32
    %c0_i32_1 = arith.constant 0 : i32
    return %c0_i32, %arg0, %c0_i32_0 : i32, i32, i32
  }
  func.func @transform_1(%arg0: i32) -> (i32, i32) {
    %c0_i32 = arith.constant 0 : i32
    %c0_i32_0 = arith.constant 0 : i32
    %c0_i32_1 = arith.constant 0 : i32
    return %c0_i32, %c0_i32_0 : i32, i32
  }
  func.func @transform_2(%arg0: i32) -> (i32, i32) {
    %c0_i32 = arith.constant 0 : i32
    %c0_i32_0 = arith.constant 0 : i32
    %c0_i32_1 = arith.constant 0 : i32
    return %c0_i32, %c0_i32_0 : i32, i32
  }
  func.func @transform_3(%arg0: i32) -> (i32, i32) {
    %c0_i32 = arith.constant 0 : i32
    %c0_i32_0 = arith.constant 0 : i32
    %c0_i32_1 = arith.constant 0 : i32
    return %c0_i32, %c0_i32_0 : i32, i32
  }
  func.func @transform_4(%arg0: i32) -> (i32, i32) {
    %c0_i32 = arith.constant 0 : i32
    %c0_i32_0 = arith.constant 0 : i32
    return %arg0, %c0_i32 : i32, i32
  }
  func.func @transform_5(%arg0: i32) -> (i32, i32) {
    %c0_i32 = arith.constant 0 : i32
    %c0_i32_0 = arith.constant 0 : i32
    return %arg0, %c0_i32 : i32, i32
  }
  func.func @transform_6(%arg0: i32) -> (i32, i32) {
    %c0_i32 = arith.constant 0 : i32
    %c0_i32_0 = arith.constant 0 : i32
    return %arg0, %c0_i32 : i32, i32
  }
}

module attributes {stable_mosaic.version = 14 : i64} {
  func.func @_rank_body(%arg0: i32, %arg1: memref<1024x1xf32, #tpu.memory_space<vmem>>, %arg2: memref<1x10240xf32, #tpu.memory_space<vmem>>, %arg3: memref<1024x1xi32, #tpu.memory_space<vmem>>, %arg4: memref<1024x2048xf32, #tpu.memory_space<vmem>>) attributes {dimension_semantics = [#tpu.dimension_semantics<arbitrary>], iteration_bounds = array<i64: 10>, scalar_prefetch = 0 : i64, scratch_operands = 1 : i64, tpu.core_type = #tpu.core_type<tc>, window_params = [{transform_indices = @transform_0, window_bounds = array<i64: 1024, 1>}, {pipeline_mode = #tpu.pipeline_mode<synchronous>, transform_indices = @transform_1, window_bounds = array<i64: 1, 10240>}, {transform_indices = @transform_2, window_bounds = array<i64: 1024, 1>}]} {
    %get3A = arith.constant 0 : index
    %get3A_0 = arith.constant 0 : index
    %get3A_1 = vector.load %arg1[%get3A, %get3A_0] : memref<1024x1xf32, #tpu.memory_space<vmem>>, vector<1024x1xf32>
    %iota3A = tpu.iota {dimensions = array<i32: 1>} : vector<1024x2048xi32>
    %iota3A_2 = tpu.iota {dimensions = array<i32: 0>} : vector<1024x2048xi32>
    %sub3A = arith.subi %iota3A, %iota3A_2 : vector<1024x2048xi32>
    %broadcast_in_dim3A = arith.constant 0.000000e+00 : f32
    %broadcast_in_dim3A_3 = vector.broadcast %broadcast_in_dim3A : f32 to vector<1024x2048xf32>
    %swap3A = arith.constant 0 : index
    %swap3A_4 = arith.constant 0 : index
    %swap3A_5 = vector.load %arg4[%swap3A, %swap3A_4] : memref<1024x2048xf32, #tpu.memory_space<vmem>>, vector<1024x2048xf32>
    tpu.vector_store %arg4[%swap3A, %swap3A_4], %broadcast_in_dim3A_3 {strides = array<i32>} : memref<1024x2048xf32, #tpu.memory_space<vmem>>, vector<1024x2048xf32>,
    %scan3A = arith.constant 0 : i32
    %scan3A_6 = arith.constant 5 : i32
    %scan3A_7 = arith.addi %scan3A, %scan3A_6 : i32
    %scan3A_8 = arith.constant 1 : i32
    scf.for %scan3A_18 = %scan3A to %scan3A_7 step %scan3A_8  : i32 {
      %mul3A = arith.constant 2048 : i32
      %mul3A_19 = arith.muli %scan3A_18, %mul3A : i32
      %get3A_20 = arith.constant 0 : index
      %get3A_21 = arith.index_cast %mul3A_19 : i32 to index
      %get3A_22 = vector.load %arg2[%get3A_20, %get3A_21] : memref<1x10240xf32, #tpu.memory_space<vmem>>, vector<1x2048xf32>
      %get3A_23 = vector.shape_cast %get3A_22 : vector<1x2048xf32> to vector<2048xf32>
      %reshape3A = vector.shape_cast %get3A_23 : vector<2048xf32> to vector<1x2048xf32>
      %lt3A = vector.broadcast %reshape3A : vector<1x2048xf32> to vector<1024x2048xf32>
      %lt3A_24 = vector.broadcast %get3A_1 : vector<1024x1xf32> to vector<1024x2048xf32>
      %lt3A_25 = arith.cmpf olt, %lt3A, %lt3A_24 : vector<1024x2048xf32>
      %get3A_26 = arith.constant 0 : index
      %get3A_27 = arith.constant 0 : index
      %get3A_28 = vector.load %arg4[%get3A_26, %get3A_27] : memref<1024x2048xf32, #tpu.memory_space<vmem>>, vector<1024x2048xf32>
      %jit3A = arith.constant 1.000000e+00 : f32
      %jit3A_29 = arith.constant 0.000000e+00 : f32
      %broadcast_in_dim3A_30 = vector.broadcast %jit3A : f32 to vector<1024x2048xf32>
      %broadcast_in_dim3A_31 = vector.broadcast %jit3A_29 : f32 to vector<1024x2048xf32>
      %select_n3A = arith.select %lt3A_25, %broadcast_in_dim3A_30, %broadcast_in_dim3A_31 : vector<1024x2048xi1>, vector<1024x2048xf32>
      %add3A = arith.addf %get3A_28, %select_n3A : vector<1024x2048xf32>
      %swap3A_32 = arith.constant 0 : index
      %swap3A_33 = arith.constant 0 : index
      %swap3A_34 = vector.load %arg4[%swap3A_32, %swap3A_33] : memref<1024x2048xf32, #tpu.memory_space<vmem>>, vector<1024x2048xf32>
      tpu.vector_store %arg4[%swap3A_32, %swap3A_33], %add3A {strides = array<i32>} : memref<1024x2048xf32, #tpu.memory_space<vmem>>, vector<1024x2048xf32>,
      %mul3A_35 = arith.constant 2048 : i32
      %mul3A_36 = arith.muli %scan3A_18, %mul3A_35 : i32
      %add3A_37 = arith.constant 1 : i32
      %add3A_38 = arith.addi %arg0, %add3A_37 : i32
      %mul3A_39 = arith.constant 1024 : i32
      %mul3A_40 = arith.muli %add3A_38, %mul3A_39 : i32
      %lt3A_41 = arith.cmpi slt, %mul3A_36, %mul3A_40 : i32
      %convert_element_type3A_42 = arith.extui %lt3A_41 : i1 to i32
      %cond3A = arith.constant 0 : i32
      %cond3A_43 = arith.cmpi ne, %convert_element_type3A_42, %cond3A : i32
      scf.if %cond3A_43 {
        %eq3A = vector.broadcast %reshape3A : vector<1x2048xf32> to vector<1024x2048xf32>
        %eq3A_44 = vector.broadcast %get3A_1 : vector<1024x1xf32> to vector<1024x2048xf32>
        %eq3A_45 = arith.cmpf oeq, %eq3A, %eq3A_44 : vector<1024x2048xf32>
        %mul3A_46 = arith.constant 1024 : i32
        %mul3A_47 = arith.muli %arg0, %mul3A_46 : i32
        %mul3A_48 = arith.constant 2048 : i32
        %mul3A_49 = arith.muli %scan3A_18, %mul3A_48 : i32
        %sub3A_50 = arith.subi %mul3A_47, %mul3A_49 : i32
        %lt3A_51 = vector.broadcast %sub3A_50 : i32 to vector<1024x2048xi32>
        %lt3A_52 = arith.cmpi slt, %sub3A, %lt3A_51 : vector<1024x2048xi32>
        %and3A = arith.andi %eq3A_45, %lt3A_52 : vector<1024x2048xi1>
        %get3A_53 = arith.constant 0 : index
        %get3A_54 = arith.constant 0 : index
        %get3A_55 = vector.load %arg4[%get3A_53, %get3A_54] : memref<1024x2048xf32, #tpu.memory_space<vmem>>, vector<1024x2048xf32>
        %jit3A_56 = arith.constant 1.000000e+00 : f32
        %jit3A_57 = arith.constant 0.000000e+00 : f32
        %broadcast_in_dim3A_58 = vector.broadcast %jit3A_56 : f32 to vector<1024x2048xf32>
        %broadcast_in_dim3A_59 = vector.broadcast %jit3A_57 : f32 to vector<1024x2048xf32>
        %select_n3A_60 = arith.select %and3A, %broadcast_in_dim3A_58, %broadcast_in_dim3A_59 : vector<1024x2048xi1>, vector<1024x2048xf32>
        %add3A_61 = arith.addf %get3A_55, %select_n3A_60 : vector<1024x2048xf32>
        %swap3A_62 = arith.constant 0 : index
        %swap3A_63 = arith.constant 0 : index
        %swap3A_64 = vector.load %arg4[%swap3A_62, %swap3A_63] : memref<1024x2048xf32, #tpu.memory_space<vmem>>, vector<1024x2048xf32>
        tpu.vector_store %arg4[%swap3A_62, %swap3A_63], %add3A_61 {strides = array<i32>} : memref<1024x2048xf32, #tpu.memory_space<vmem>>, vector<1024x2048xf32>,
      } else {
      }
    }
    %scan3A_9 = arith.constant 5 : i32
    %get3A_10 = arith.constant 0 : index
    %get3A_11 = arith.constant 0 : index
    %get3A_12 = vector.load %arg4[%get3A_10, %get3A_11] : memref<1024x2048xf32, #tpu.memory_space<vmem>>, vector<1024x2048xf32>
    %reduce_sum3A = arith.constant dense<0.000000e+00> : vector<1024xf32>
    %reduce_sum3A_13 = vector.multi_reduction <add>, %get3A_12, %reduce_sum3A [1] : vector<1024x2048xf32> to vector<1024xf32>
    %broadcast_in_dim3A_14 = vector.shape_cast %reduce_sum3A_13 : vector<1024xf32> to vector<1024x1xf32>
    %convert_element_type3A = arith.fptosi %broadcast_in_dim3A_14 : vector<1024x1xf32> to vector<1024x1xi32>
    %swap3A_15 = arith.constant 0 : index
    %swap3A_16 = arith.constant 0 : index
    %swap3A_17 = vector.load %arg3[%swap3A_15, %swap3A_16] : memref<1024x1xi32, #tpu.memory_space<vmem>>, vector<1024x1xi32>
    tpu.vector_store %arg3[%swap3A_15, %swap3A_16], %convert_element_type3A {strides = array<i32>} : memref<1024x1xi32, #tpu.memory_space<vmem>>, vector<1024x1xi32>,
    return
  }
  func.func @transform_0(%arg0: i32) -> (i32, i32) {
    %c0_i32 = arith.constant 0 : i32
    %c0_i32_0 = arith.constant 0 : i32
    return %arg0, %c0_i32 : i32, i32
  }
  func.func @transform_1(%arg0: i32) -> (i32, i32) {
    %c0_i32 = arith.constant 0 : i32
    %c0_i32_0 = arith.constant 0 : i32
    %c0_i32_1 = arith.constant 0 : i32
    return %c0_i32, %c0_i32_0 : i32, i32
  }
  func.func @transform_2(%arg0: i32) -> (i32, i32) {
    %c0_i32 = arith.constant 0 : i32
    %c0_i32_0 = arith.constant 0 : i32
    return %arg0, %c0_i32 : i32, i32
  }
}

module attributes {stable_mosaic.version = 14 : i64} {
  func.func @_conv_body(%arg0: memref<10244x16xf32, #tpu.memory_space<vmem>>, %arg1: memref<80x16xf32, #tpu.memory_space<vmem>>, %arg2: memref<80x16xf32, #tpu.memory_space<vmem>>, %arg3: memref<1x16xf32, #tpu.memory_space<vmem>>, %arg4: memref<1x16xf32, #tpu.memory_space<vmem>>, %arg5: memref<16x16xf32, #tpu.memory_space<vmem>>, %arg6: memref<10240x16xf32, #tpu.memory_space<vmem>>, %arg7: memref<10244x16xf32, #tpu.memory_space<vmem>>) attributes {dimension_semantics = [], scalar_prefetch = 0 : i64, scratch_operands = 1 : i64, tpu.core_type = #tpu.core_type<tc>} {
    %broadcast_in_dim3A = arith.constant 0.000000e+00 : f32
    %broadcast_in_dim3A_0 = vector.broadcast %broadcast_in_dim3A : f32 to vector<10240x16xf32>
    %get3A = arith.constant 0 : index
    %get3A_1 = arith.constant 0 : index
    %get3A_2 = vector.load %arg0[%get3A, %get3A_1] : memref<10244x16xf32, #tpu.memory_space<vmem>>, vector<10240x16xf32>
    %get3A_3 = arith.constant 0 : index
    %get3A_4 = arith.constant 0 : index
    %get3A_5 = vector.load %arg1[%get3A_3, %get3A_4] : memref<80x16xf32, #tpu.memory_space<vmem>>, vector<16x16xf32>
    %dot_general3A = arith.constant dense<0.000000e+00> : vector<10240x16xf32>
    %dot_general3A_6 = tpu.matmul %get3A_2, %get3A_5, %dot_general3A {dimension_numbers = #tpu.dot_dimension_numbers<[1], [0], [0], [1], [0, 0, 1, 1], [], []>, transpose_lhs_hint = false} : vector<10240x16xf32>, vector<16x16xf32>, vector<10240x16xf32> -> vector<10240x16xf32>
    %add3A = arith.addf %broadcast_in_dim3A_0, %dot_general3A_6 : vector<10240x16xf32>
    %get3A_7 = arith.constant 1 : index
    %get3A_8 = arith.constant 0 : index
    %get3A_9 = vector.load %arg0[%get3A_7, %get3A_8] : memref<10244x16xf32, #tpu.memory_space<vmem>>, vector<10240x16xf32>
    %get3A_10 = arith.constant 16 : index
    %get3A_11 = arith.constant 0 : index
    %get3A_12 = vector.load %arg1[%get3A_10, %get3A_11] : memref<80x16xf32, #tpu.memory_space<vmem>>, vector<16x16xf32>
    %dot_general3A_13 = arith.constant dense<0.000000e+00> : vector<10240x16xf32>
    %dot_general3A_14 = tpu.matmul %get3A_9, %get3A_12, %dot_general3A_13 {dimension_numbers = #tpu.dot_dimension_numbers<[1], [0], [0], [1], [0, 0, 1, 1], [], []>, transpose_lhs_hint = false} : vector<10240x16xf32>, vector<16x16xf32>, vector<10240x16xf32> -> vector<10240x16xf32>
    %add3A_15 = arith.addf %add3A, %dot_general3A_14 : vector<10240x16xf32>
    %get3A_16 = arith.constant 2 : index
    %get3A_17 = arith.constant 0 : index
    %get3A_18 = vector.load %arg0[%get3A_16, %get3A_17] : memref<10244x16xf32, #tpu.memory_space<vmem>>, vector<10240x16xf32>
    %get3A_19 = arith.constant 32 : index
    %get3A_20 = arith.constant 0 : index
    %get3A_21 = vector.load %arg1[%get3A_19, %get3A_20] : memref<80x16xf32, #tpu.memory_space<vmem>>, vector<16x16xf32>
    %dot_general3A_22 = arith.constant dense<0.000000e+00> : vector<10240x16xf32>
    %dot_general3A_23 = tpu.matmul %get3A_18, %get3A_21, %dot_general3A_22 {dimension_numbers = #tpu.dot_dimension_numbers<[1], [0], [0], [1], [0, 0, 1, 1], [], []>, transpose_lhs_hint = false} : vector<10240x16xf32>, vector<16x16xf32>, vector<10240x16xf32> -> vector<10240x16xf32>
    %add3A_24 = arith.addf %add3A_15, %dot_general3A_23 : vector<10240x16xf32>
    %get3A_25 = arith.constant 3 : index
    %get3A_26 = arith.constant 0 : index
    %get3A_27 = vector.load %arg0[%get3A_25, %get3A_26] : memref<10244x16xf32, #tpu.memory_space<vmem>>, vector<10240x16xf32>
    %get3A_28 = arith.constant 48 : index
    %get3A_29 = arith.constant 0 : index
    %get3A_30 = vector.load %arg1[%get3A_28, %get3A_29] : memref<80x16xf32, #tpu.memory_space<vmem>>, vector<16x16xf32>
    %dot_general3A_31 = arith.constant dense<0.000000e+00> : vector<10240x16xf32>
    %dot_general3A_32 = tpu.matmul %get3A_27, %get3A_30, %dot_general3A_31 {dimension_numbers = #tpu.dot_dimension_numbers<[1], [0], [0], [1], [0, 0, 1, 1], [], []>, transpose_lhs_hint = false} : vector<10240x16xf32>, vector<16x16xf32>, vector<10240x16xf32> -> vector<10240x16xf32>
    %add3A_33 = arith.addf %add3A_24, %dot_general3A_32 : vector<10240x16xf32>
    %get3A_34 = arith.constant 4 : index
    %get3A_35 = arith.constant 0 : index
    %get3A_36 = vector.load %arg0[%get3A_34, %get3A_35] : memref<10244x16xf32, #tpu.memory_space<vmem>>, vector<10240x16xf32>
    %get3A_37 = arith.constant 64 : index
    %get3A_38 = arith.constant 0 : index
    %get3A_39 = vector.load %arg1[%get3A_37, %get3A_38] : memref<80x16xf32, #tpu.memory_space<vmem>>, vector<16x16xf32>
    %dot_general3A_40 = arith.constant dense<0.000000e+00> : vector<10240x16xf32>
    %dot_general3A_41 = tpu.matmul %get3A_36, %get3A_39, %dot_general3A_40 {dimension_numbers = #tpu.dot_dimension_numbers<[1], [0], [0], [1], [0, 0, 1, 1], [], []>, transpose_lhs_hint = false} : vector<10240x16xf32>, vector<16x16xf32>, vector<10240x16xf32> -> vector<10240x16xf32>
    %add3A_42 = arith.addf %add3A_33, %dot_general3A_41 : vector<10240x16xf32>
    %iota3A = tpu.iota {dimensions = array<i32: 0>} : vector<10240x16xi32>
    %lt3A = arith.constant 10000 : i32
    %lt3A_43 = vector.broadcast %lt3A : i32 to vector<10240x16xi32>
    %lt3A_44 = arith.cmpi slt, %iota3A, %lt3A_43 : vector<10240x16xi32>
    %get3A_45 = arith.constant 0 : index
    %get3A_46 = arith.constant 0 : index
    %get3A_47 = vector.load %arg3[%get3A_45, %get3A_46] : memref<1x16xf32, #tpu.memory_space<vmem>>, vector<1x16xf32>
    %add3A_48 = vector.broadcast %get3A_47 : vector<1x16xf32> to vector<10240x16xf32>
    %add3A_49 = arith.addf %add3A_42, %add3A_48 : vector<10240x16xf32>
    %max3A = arith.constant 0.000000e+00 : f32
    %max3A_50 = vector.broadcast %max3A : f32 to vector<10240x16xf32>
    %max3A_51 = arith.maximumf %add3A_49, %max3A_50 : vector<10240x16xf32>
    %jit3A = arith.constant 0.000000e+00 : f32
    %broadcast_in_dim3A_52 = vector.broadcast %jit3A : f32 to vector<10240x16xf32>
    %select_n3A = arith.select %lt3A_44, %max3A_51, %broadcast_in_dim3A_52 : vector<10240x16xi1>, vector<10240x16xf32>
    %broadcast_in_dim3A_53 = arith.constant 0.000000e+00 : f32
    %broadcast_in_dim3A_54 = vector.broadcast %broadcast_in_dim3A_53 : f32 to vector<2x16xf32>
    %swap3A = arith.constant 0 : index
    %swap3A_55 = arith.constant 0 : index
    %swap3A_56 = vector.load %arg7[%swap3A, %swap3A_55] : memref<10244x16xf32, #tpu.memory_space<vmem>>, vector<2x16xf32>
    tpu.vector_store %arg7[%swap3A, %swap3A_55], %broadcast_in_dim3A_54 {strides = array<i32>} : memref<10244x16xf32, #tpu.memory_space<vmem>>, vector<2x16xf32>,
    %swap3A_57 = arith.constant 2 : index
    %swap3A_58 = arith.constant 0 : index
    %swap3A_59 = vector.load %arg7[%swap3A_57, %swap3A_58] : memref<10244x16xf32, #tpu.memory_space<vmem>>, vector<10240x16xf32>
    tpu.vector_store %arg7[%swap3A_57, %swap3A_58], %select_n3A {strides = array<i32>} : memref<10244x16xf32, #tpu.memory_space<vmem>>, vector<10240x16xf32>,
    %broadcast_in_dim3A_60 = arith.constant 0.000000e+00 : f32
    %broadcast_in_dim3A_61 = vector.broadcast %broadcast_in_dim3A_60 : f32 to vector<2x16xf32>
    %swap3A_62 = arith.constant 10242 : index
    %swap3A_63 = arith.constant 0 : index
    %swap3A_64 = vector.load %arg7[%swap3A_62, %swap3A_63] : memref<10244x16xf32, #tpu.memory_space<vmem>>, vector<2x16xf32>
    tpu.vector_store %arg7[%swap3A_62, %swap3A_63], %broadcast_in_dim3A_61 {strides = array<i32>} : memref<10244x16xf32, #tpu.memory_space<vmem>>, vector<2x16xf32>,
    %broadcast_in_dim3A_65 = arith.constant 0.000000e+00 : f32
    %broadcast_in_dim3A_66 = vector.broadcast %broadcast_in_dim3A_65 : f32 to vector<10240x16xf32>
    %get3A_67 = arith.constant 0 : index
    %get3A_68 = arith.constant 0 : index
    %get3A_69 = vector.load %arg7[%get3A_67, %get3A_68] : memref<10244x16xf32, #tpu.memory_space<vmem>>, vector<10240x16xf32>
    %get3A_70 = arith.constant 0 : index
    %get3A_71 = arith.constant 0 : index
    %get3A_72 = vector.load %arg2[%get3A_70, %get3A_71] : memref<80x16xf32, #tpu.memory_space<vmem>>, vector<16x16xf32>
    %dot_general3A_73 = arith.constant dense<0.000000e+00> : vector<10240x16xf32>
    %dot_general3A_74 = tpu.matmul %get3A_69, %get3A_72, %dot_general3A_73 {dimension_numbers = #tpu.dot_dimension_numbers<[1], [0], [0], [1], [0, 0, 1, 1], [], []>, transpose_lhs_hint = false} : vector<10240x16xf32>, vector<16x16xf32>, vector<10240x16xf32> -> vector<10240x16xf32>
    %add3A_75 = arith.addf %broadcast_in_dim3A_66, %dot_general3A_74 : vector<10240x16xf32>
    %get3A_76 = arith.constant 1 : index
    %get3A_77 = arith.constant 0 : index
    %get3A_78 = vector.load %arg7[%get3A_76, %get3A_77] : memref<10244x16xf32, #tpu.memory_space<vmem>>, vector<10240x16xf32>
    %get3A_79 = arith.constant 16 : index
    %get3A_80 = arith.constant 0 : index
    %get3A_81 = vector.load %arg2[%get3A_79, %get3A_80] : memref<80x16xf32, #tpu.memory_space<vmem>>, vector<16x16xf32>
    %dot_general3A_82 = arith.constant dense<0.000000e+00> : vector<10240x16xf32>
    %dot_general3A_83 = tpu.matmul %get3A_78, %get3A_81, %dot_general3A_82 {dimension_numbers = #tpu.dot_dimension_numbers<[1], [0], [0], [1], [0, 0, 1, 1], [], []>, transpose_lhs_hint = false} : vector<10240x16xf32>, vector<16x16xf32>, vector<10240x16xf32> -> vector<10240x16xf32>
    %add3A_84 = arith.addf %add3A_75, %dot_general3A_83 : vector<10240x16xf32>
    %get3A_85 = arith.constant 2 : index
    %get3A_86 = arith.constant 0 : index
    %get3A_87 = vector.load %arg7[%get3A_85, %get3A_86] : memref<10244x16xf32, #tpu.memory_space<vmem>>, vector<10240x16xf32>
    %get3A_88 = arith.constant 32 : index
    %get3A_89 = arith.constant 0 : index
    %get3A_90 = vector.load %arg2[%get3A_88, %get3A_89] : memref<80x16xf32, #tpu.memory_space<vmem>>, vector<16x16xf32>
    %dot_general3A_91 = arith.constant dense<0.000000e+00> : vector<10240x16xf32>
    %dot_general3A_92 = tpu.matmul %get3A_87, %get3A_90, %dot_general3A_91 {dimension_numbers = #tpu.dot_dimension_numbers<[1], [0], [0], [1], [0, 0, 1, 1], [], []>, transpose_lhs_hint = false} : vector<10240x16xf32>, vector<16x16xf32>, vector<10240x16xf32> -> vector<10240x16xf32>
    %add3A_93 = arith.addf %add3A_84, %dot_general3A_92 : vector<10240x16xf32>
    %get3A_94 = arith.constant 3 : index
    %get3A_95 = arith.constant 0 : index
    %get3A_96 = vector.load %arg7[%get3A_94, %get3A_95] : memref<10244x16xf32, #tpu.memory_space<vmem>>, vector<10240x16xf32>
    %get3A_97 = arith.constant 48 : index
    %get3A_98 = arith.constant 0 : index
    %get3A_99 = vector.load %arg2[%get3A_97, %get3A_98] : memref<80x16xf32, #tpu.memory_space<vmem>>, vector<16x16xf32>
    %dot_general3A_100 = arith.constant dense<0.000000e+00> : vector<10240x16xf32>
    %dot_general3A_101 = tpu.matmul %get3A_96, %get3A_99, %dot_general3A_100 {dimension_numbers = #tpu.dot_dimension_numbers<[1], [0], [0], [1], [0, 0, 1, 1], [], []>, transpose_lhs_hint = false} : vector<10240x16xf32>, vector<16x16xf32>, vector<10240x16xf32> -> vector<10240x16xf32>
    %add3A_102 = arith.addf %add3A_93, %dot_general3A_101 : vector<10240x16xf32>
    %get3A_103 = arith.constant 4 : index
    %get3A_104 = arith.constant 0 : index
    %get3A_105 = vector.load %arg7[%get3A_103, %get3A_104] : memref<10244x16xf32, #tpu.memory_space<vmem>>, vector<10240x16xf32>
    %get3A_106 = arith.constant 64 : index
    %get3A_107 = arith.constant 0 : index
    %get3A_108 = vector.load %arg2[%get3A_106, %get3A_107] : memref<80x16xf32, #tpu.memory_space<vmem>>, vector<16x16xf32>
    %dot_general3A_109 = arith.constant dense<0.000000e+00> : vector<10240x16xf32>
    %dot_general3A_110 = tpu.matmul %get3A_105, %get3A_108, %dot_general3A_109 {dimension_numbers = #tpu.dot_dimension_numbers<[1], [0], [0], [1], [0, 0, 1, 1], [], []>, transpose_lhs_hint = false} : vector<10240x16xf32>, vector<16x16xf32>, vector<10240x16xf32> -> vector<10240x16xf32>
    %add3A_111 = arith.addf %add3A_102, %dot_general3A_110 : vector<10240x16xf32>
    %get3A_112 = arith.constant 0 : index
    %get3A_113 = arith.constant 0 : index
    %get3A_114 = vector.load %arg4[%get3A_112, %get3A_113] : memref<1x16xf32, #tpu.memory_space<vmem>>, vector<1x16xf32>
    %add3A_115 = vector.broadcast %get3A_114 : vector<1x16xf32> to vector<10240x16xf32>
    %add3A_116 = arith.addf %add3A_111, %add3A_115 : vector<10240x16xf32>
    %get3A_117 = arith.constant 0 : index
    %get3A_118 = arith.constant 0 : index
    %get3A_119 = vector.load %arg5[%get3A_117, %get3A_118] : memref<16x16xf32, #tpu.memory_space<vmem>>, vector<16x16xf32>
    %dot_general3A_120 = arith.constant dense<0.000000e+00> : vector<10240x16xf32>
    %dot_general3A_121 = tpu.matmul %add3A_116, %get3A_119, %dot_general3A_120 {dimension_numbers = #tpu.dot_dimension_numbers<[1], [0], [0], [1], [0, 0, 1, 1], [], []>, transpose_lhs_hint = false} : vector<10240x16xf32>, vector<16x16xf32>, vector<10240x16xf32> -> vector<10240x16xf32>
    %swap3A_122 = arith.constant 0 : index
    %swap3A_123 = arith.constant 0 : index
    %swap3A_124 = vector.load %arg6[%swap3A_122, %swap3A_123] : memref<10240x16xf32, #tpu.memory_space<vmem>>, vector<10240x16xf32>
    tpu.vector_store %arg6[%swap3A_122, %swap3A_123], %dot_general3A_121 {strides = array<i32>} : memref<10240x16xf32, #tpu.memory_space<vmem>>, vector<10240x16xf32>,
    return
  }
}

module attributes {stable_mosaic.version = 14 : i64} {
  func.func @_final_body(%arg0: i32, %arg1: memref<1024x16xf32, #tpu.memory_space<vmem>>, %arg2: memref<1024x16xf32, #tpu.memory_space<vmem>>, %arg3: memref<16x16xf32, #tpu.memory_space<vmem>>, %arg4: memref<1x16xf32, #tpu.memory_space<vmem>>, %arg5: memref<1024x16xf32, #tpu.memory_space<vmem>>) attributes {dimension_semantics = [#tpu.dimension_semantics<arbitrary>], iteration_bounds = array<i64: 10>, scalar_prefetch = 0 : i64, scratch_operands = 0 : i64, tpu.core_type = #tpu.core_type<tc>, window_params = [{transform_indices = @transform_0, window_bounds = array<i64: 1024, 16>}, {transform_indices = @transform_1, window_bounds = array<i64: 1024, 16>}, {pipeline_mode = #tpu.pipeline_mode<synchronous>, transform_indices = @transform_2, window_bounds = array<i64: 16, 16>}, {pipeline_mode = #tpu.pipeline_mode<synchronous>, transform_indices = @transform_3, window_bounds = array<i64: 1, 16>}, {transform_indices = @transform_4, window_bounds = array<i64: 1024, 16>}]} {
    %get3A = arith.constant 0 : index
    %get3A_0 = arith.constant 0 : index
    %get3A_1 = vector.load %arg1[%get3A, %get3A_0] : memref<1024x16xf32, #tpu.memory_space<vmem>>, vector<1024x16xf32>
    %get3A_2 = arith.constant 0 : index
    %get3A_3 = arith.constant 0 : index
    %get3A_4 = vector.load %arg3[%get3A_2, %get3A_3] : memref<16x16xf32, #tpu.memory_space<vmem>>, vector<16x16xf32>
    %dot_general3A = arith.constant dense<0.000000e+00> : vector<1024x16xf32>
    %dot_general3A_5 = tpu.matmul %get3A_1, %get3A_4, %dot_general3A {dimension_numbers = #tpu.dot_dimension_numbers<[1], [0], [0], [1], [0, 0, 1, 1], [], []>, transpose_lhs_hint = false} : vector<1024x16xf32>, vector<16x16xf32>, vector<1024x16xf32> -> vector<1024x16xf32>
    %get3A_6 = arith.constant 0 : index
    %get3A_7 = arith.constant 0 : index
    %get3A_8 = vector.load %arg2[%get3A_6, %get3A_7] : memref<1024x16xf32, #tpu.memory_space<vmem>>, vector<1024x16xf32>
    %add3A = arith.addf %dot_general3A_5, %get3A_8 : vector<1024x16xf32>
    %get3A_9 = arith.constant 0 : index
    %get3A_10 = arith.constant 0 : index
    %get3A_11 = vector.load %arg4[%get3A_9, %get3A_10] : memref<1x16xf32, #tpu.memory_space<vmem>>, vector<1x16xf32>
    %add3A_12 = vector.broadcast %get3A_11 : vector<1x16xf32> to vector<1024x16xf32>
    %add3A_13 = arith.addf %add3A, %add3A_12 : vector<1024x16xf32>
    %reduce_max3A = arith.constant dense<0xFF800000> : vector<1024xf32>
    %reduce_max3A_14 = vector.multi_reduction <maximumf>, %add3A_13, %reduce_max3A [1] : vector<1024x16xf32> to vector<1024xf32>
    %broadcast_in_dim3A = vector.shape_cast %reduce_max3A_14 : vector<1024xf32> to vector<1024x1xf32>
    %sub3A = vector.broadcast %broadcast_in_dim3A : vector<1024x1xf32> to vector<1024x16xf32>
    %sub3A_15 = arith.subf %add3A_13, %sub3A : vector<1024x16xf32>
    %exp3A = math.exp %sub3A_15 : vector<1024x16xf32>
    %reduce_sum3A = arith.constant dense<0.000000e+00> : vector<1024xf32>
    %reduce_sum3A_16 = vector.multi_reduction <add>, %exp3A, %reduce_sum3A [1] : vector<1024x16xf32> to vector<1024xf32>
    %broadcast_in_dim3A_17 = vector.shape_cast %reduce_sum3A_16 : vector<1024xf32> to vector<1024x1xf32>
    %log3A = math.log %broadcast_in_dim3A_17 : vector<1024x1xf32>
    %sub3A_18 = vector.broadcast %log3A : vector<1024x1xf32> to vector<1024x16xf32>
    %sub3A_19 = arith.subf %sub3A_15, %sub3A_18 : vector<1024x16xf32>
    %swap3A = arith.constant 0 : index
    %swap3A_20 = arith.constant 0 : index
    %swap3A_21 = vector.load %arg5[%swap3A, %swap3A_20] : memref<1024x16xf32, #tpu.memory_space<vmem>>, vector<1024x16xf32>
    tpu.vector_store %arg5[%swap3A, %swap3A_20], %sub3A_19 {strides = array<i32>} : memref<1024x16xf32, #tpu.memory_space<vmem>>, vector<1024x16xf32>,
    return
  }
  func.func @transform_0(%arg0: i32) -> (i32, i32) {
    %c0_i32 = arith.constant 0 : i32
    %c0_i32_0 = arith.constant 0 : i32
    return %arg0, %c0_i32 : i32, i32
  }
  func.func @transform_1(%arg0: i32) -> (i32, i32) {
    %c0_i32 = arith.constant 0 : i32
    %c0_i32_0 = arith.constant 0 : i32
    return %arg0, %c0_i32 : i32, i32
  }
  func.func @transform_2(%arg0: i32) -> (i32, i32) {
    %c0_i32 = arith.constant 0 : i32
    %c0_i32_0 = arith.constant 0 : i32
    %c0_i32_1 = arith.constant 0 : i32
    return %c0_i32, %c0_i32_0 : i32, i32
  }
  func.func @transform_3(%arg0: i32) -> (i32, i32) {
    %c0_i32 = arith.constant 0 : i32
    %c0_i32_0 = arith.constant 0 : i32
    %c0_i32_1 = arith.constant 0 : i32
    return %c0_i32, %c0_i32_0 : i32, i32
  }
  func.func @transform_4(%arg0: i32) -> (i32, i32) {
    %c0_i32 = arith.constant 0 : i32
    %c0_i32_0 = arith.constant 0 : i32
    return %arg0, %c0_i32 : i32, i32
  }
}

</mosaic_0001>

<sc_bundles>
// kernel: kernel.12.cloned.1.call-start
scs
__scs_entry_jumppad:
0x0: {  	(pc) =	sbr.rel $0x88, $3  }
0x1: {  	(tag) =	ssettag $0x0;
	lr =	simm.s32 $0x1  }
0x2: {  	[smem:$0x3F8F] =	sst lr;
	_ =	strace $0xD0000000  }
0x3: {  	_ = 	snop  }
0x4: {  	_ = 	snop  }
0x5: {  	_ = 	snop  }
0x6: {  	_ = 	snop  }
0x7: {  	_ = 	snop  }
__scs_overlays_trampoline_lowered:
0x8: {  	[smem:$0x3F9E] =	sst s0  }
0x9: {  	[smem:$0x3F9F] =	sst s1  }
0xa: {  	[smem:$0x3FA0] =	sst s2  }
0xb: {  	[smem:$0x3FA1] =	sst s3  }
0xc: {  	[smem:$0x3FA2] =	sst s4  }
0xd: {  	[smem:$0x3FA3] =	sst s5  }
0xe: {  	[smem:$0x3FA4] =	sst s6  }
0xf: {  	[smem:$0x3FA5] =	sst s7  }
0x10: {  	[smem:$0x3FA6] =	sst s8  }
0x11: {  	[smem:$0x3FA7] =	sst s9;
	s0 =	simm.s32 @!p0 $0x0  }
0x12: {  	s1 =	sld [smem:$0x3F8D];
	s0 =	simm.s32 @p0 $0x1  }
0x13: {  	[smem:$0x3FA8] =	sst s0;
	s0 =	simm.s32 @!p1 $0x0  }
0x14: {  	s2 =	sld [smem:$0x3F8C];
	s0 =	simm.s32 @p1 $0x1  }
0x15: {  	[smem:$0x3FA9] =	sst s0;
	s0 =	simm.s32 @!p2 $0x0  }
0x16: {  	s3 =	sld [smem:$0x3FDB];
	s0 =	simm.s32 @p2 $0x1  }
0x17: {  	s4 =	simm.s32 $0x1BF5;
	[smem:$0x3FAB] =	sst s0  }
0x18: {  	s0 =	sld [smem:$0x3F8E];
	_ =	swait.ge [sflag:s4], $0x0  }
0x19: {  	s7 =	sld [smem:$0x3F8F]  }
0x1a: {  	s8 =	sadd.s32 $0xFFFFE003, lr  }
0x1b: {  	s9 =	sadd.s32 $0xFFFFFEF7, lr;
	s5 =	simm.s32 $0xFFFFFFFF;
	p2 =	slt.u32 s8, $0xFFFFF086  }
0x1c: {  	p1 =	slt.u32 s9, $0xF7A;
	s5 =	simm.s32 @!p2 $0x0  }
0x1d: {  	s5 =	simm.s32 @p1 $0x1;
	p0 =	seq.s32 s7, s2  }
0x1e: {  	s7 =	smul.u32 @!p0 $0xF7A, s2;
	p2 =	seq.s32 @!p0 s5, $0x0  }
0x1f: {  	s9 =	smul.u32 $0xF7A, s1;
	s8 =	simm.s32 @!p0 $0x1BF5;
	p2 =	por !p2, p0  }
0x20: {  	[sflag:s8] =	ssyncset.s32 @!p0 $0xFFFFF086;
	s6 =	sadd.s32 @!p0 s3, s7;
	s7 =	simm.s32 @!p0 $0x108  }
0x21: {  	s3 =	sadd.s32 s3, s9;
	s6 =	sadd.s32 @!p0 $0x88, s6;
	s7 =	simm.s32 @p2 $0x1082  }
0x22: {  	[simem:s7], [sflag:s8] =	dma.local @!p0 [hbm:s6], $0xF7A  }
0x23: {  	s9 =	sor.u32 $0xD0000000, s2;
	s6 =	simm.s32 $0x108;
	_ =	swait.ge @!p0 [sflag:s8], $0x0  }
0x24: {  	s3 =	sadd.s32 $0x88, s3;
	s6 =	simm.s32 @!p1 $0x1082;
	[sflag:s4] =	ssyncset.s32 $0xFFFFF086  }
0x25: {  	[simem:s6], [sflag:s4] =	dma.local [hbm:s3], $0xF7A  }
0x26: {  	[smem:$0x3F8F] =	sst s1;
	(tag) =	ssettag s2;
	_ =	strace s9  }
0x27: {  	s1 =	sld [smem:$0x3F9F]  }
0x28: {  	s2 =	sld [smem:$0x3FA0]  }
0x29: {  	s4 =	sld [smem:$0x3FA2]  }
0x2a: {  	p0 =	seq.s32 s5, $0x0;
	s5 =	sld [smem:$0x3FA3]  }
0x2b: {  	s6 =	sld [smem:$0x3FA4]  }
0x2c: {  	s7 =	sld [smem:$0x3FA5]  }
0x2d: {  	s3 =	simm.s32 $0x108;
	s8 =	sld [smem:$0x3FA6]  }
0x2e: {  	s3 =	simm.s32 @!p0 $0x1082;
	s9 =	sld [smem:$0x3FA7]  }
0x2f: {  	lr =	sadd.s32 s0, s3;
	s0 =	sld [smem:$0x3F9E]  }
0x30: {  	s3 =	sld [smem:$0x3FA1]  }
0x31: {  	[smem:$0x3FAA] =	sst s10  }
0x32: {  	s10 =	sld [smem:$0x3FA8];
	_ =	sdelay $0x3  }
0x33: {  	p0 =	seq.s32 s10, $0x1;
	s10 =	sld [smem:$0x3FAA];
	_ =	sdelay $0x3  }
0x34: {  	[smem:$0x3FAA] =	sst s10  }
0x35: {  	s10 =	sld [smem:$0x3FA9];
	_ =	sdelay $0x3  }
0x36: {  	p1 =	seq.s32 s10, $0x1;
	s10 =	sld [smem:$0x3FAA];
	_ =	sdelay $0x3  }
0x37: {  	[smem:$0x3FAA] =	sst s10  }
0x38: {  	s10 =	sld [smem:$0x3FAB]  }
0x39: {  	_ = 	snop;
	(pc) =	sbr.ind lr, $3  }
0x3a: {  	_ = 	snop  }
0x3b: {  	_ = 	snop  }
0x3c: {  	p2 =	seq.s32 s10, $0x1;
	s10 =	sld [smem:$0x3FAA]  }
0x3d: {  	_ =	shalt  }
0x3e: {  	_ =	shalt  }
0x3f: {  	_ =	shalt  }
0x40: {  	_ =	shalt  }
0x41: {  	_ =	shalt  }
0x42: {  	_ =	shalt  }
0x43: {  	_ =	shalt  }
0x44: {  	_ =	shalt  }
0x45: {  	_ =	shalt  }
0x46: {  	_ =	shalt  }
0x47: {  	_ =	shalt  }
0x48: {  	_ =	shalt  }
0x49: {  	_ =	shalt  }
0x4a: {  	_ =	shalt  }
0x4b: {  	_ =	shalt  }
0x4c: {  	_ =	shalt  }
0x4d: {  	_ =	shalt  }
0x4e: {  	_ =	shalt  }
0x4f: {  	_ =	shalt  }
0x50: {  	_ =	shalt  }
0x51: {  	_ =	shalt  }
0x52: {  	_ =	shalt  }
0x53: {  	_ =	shalt  }
0x54: {  	_ =	shalt  }
0x55: {  	_ =	shalt  }
0x56: {  	_ =	shalt  }
0x57: {  	_ =	shalt  }
0x58: {  	_ =	shalt  }
0x59: {  	_ =	shalt  }
0x5a: {  	_ =	shalt  }
0x5b: {  	_ =	shalt  }
0x5c: {  	_ =	shalt  }
0x5d: {  	_ =	shalt  }
0x5e: {  	_ =	shalt  }
0x5f: {  	_ =	shalt  }
0x60: {  	_ =	shalt  }
0x61: {  	_ =	shalt  }
0x62: {  	_ =	shalt  }
0x63: {  	_ =	shalt  }
0x64: {  	_ =	shalt  }
0x65: {  	_ =	shalt  }
0x66: {  	_ =	shalt  }
0x67: {  	_ =	shalt  }
0x68: {  	_ =	shalt  }
0x69: {  	_ =	shalt  }
0x6a: {  	_ =	shalt  }
0x6b: {  	_ =	shalt  }
0x6c: {  	_ =	shalt  }
0x6d: {  	_ =	shalt  }
0x6e: {  	_ =	shalt  }
0x6f: {  	_ =	shalt  }
0x70: {  	_ =	shalt  }
0x71: {  	_ =	shalt  }
0x72: {  	_ =	shalt  }
0x73: {  	_ =	shalt  }
0x74: {  	_ =	shalt  }
0x75: {  	_ =	shalt  }
0x76: {  	_ =	shalt  }
0x77: {  	_ =	shalt  }
0x78: {  	_ =	shalt  }
0x79: {  	_ =	shalt  }
0x7a: {  	_ =	shalt  }
0x7b: {  	_ =	shalt  }
0x7c: {  	_ =	shalt  }
0x7d: {  	_ =	shalt  }
0x7e: {  	_ =	shalt  }
0x7f: {  	_ =	shalt  }
0x80: {  	_ =	shalt  }
0x81: {  	_ =	shalt  }
0x82: {  	_ =	shalt  }
0x83: {  	_ =	shalt  }
0x84: {  	_ =	shalt  }
0x85: {  	_ =	shalt  }
0x86: {  	_ =	shalt  }
0x87: {  	_ =	shalt  }
.Lfunc_end0:
.L_simem_size_0:
called_computation_lowered:
.L_overlay_start_0:
0x88: {  	s2 =	sld [smem:$0x3FD9]  }
0x89: {  	s3 =	sld [smem:$0x3FFE];
	_ =	sdelay $0x1  }
0x8a: {  	s1 =	srdreg.scid  }
0x8b: {  	s0 =	sand.u32 $0x1, s1  }
0x8c: {  	s17 =	sshll.u32 s0, $0xA;
	s2 =	sadd.s32 s3, s2  }
0x8d: {  	s2 =	sadd.s32 s2, s17  }
0x8e: {  	[smem:$0x3FB6] =	sst s2  }
0x8f: {  	_ = 	snop  }
0x90: {  	s2 =	sld [smem:$0x3FD0];
	(tm) =	ssettm $0x1  }
0x91: {  	s18 =	sld [smem:$0x3FFB];
	_ =	sdelay $0x3  }
0x92: {  	_ =	strace s18  }
0x93: {  	s3 =	sld [smem:$0x3FFC];
	_ =	sdelay $0x3  }
0x94: {  	_ =	strace s3  }
0x95: {  	s3 =	sld [smem:$0x3FFD];
	_ =	sdelay $0x3  }
0x96: {  	_ =	strace s3  }
0x97: {  	_ =	strace $0x8FFFFFFF  }
0x98: {  	s19 =	sld [smem:$0x3FDB];
	_ =	sdelay $0x1  }
0x99: {  	s4 =	simm.s32 $_scs_section_size  }
0x9a: {  	s5 =	simm.s32 $_size__tile_overlayer_lowered;
	s6 =	simm.s32 $_tile_overlayer_lowered  }
0x9b: {  	s22 =	simm.s32 $0x1BFF;
	s21 =	sshll.u32 s6, $0x1;
	s3 =	sadd.s32 s4, s19  }
0x9c: {  	s7 =	simm.s32 $0x0;
	s20 =	sshll.u32 s5, $0x1;
	s5 =	sadd.s32 s21, s3  }
0x9d: {  	[timem:s7], [sflag:s22] =	dma.local [hbm:s5], s20  }
0x9e: {  	_ =	swait.ge [sflag:s22], s20  }
0x9f: {  	s4 =	ssub.s32 $0x0, s20;
	[sflag:s22] =	ssyncset.done $0x0  }
0xa0: {  	[sflag:s22] =	ssyncadd.s32 s4;
	_ =	sdelay $0x1  }
0xa1: {  	s23 =	simm.s32 $0x1B8B  }
0xa2: {  	_ =	swait.ge [sflag:s23], $0x1  }
0xa3: {  	[sflag:s23] =	ssyncset.done $0x0  }
0xa4: {  	s25 =	simm.s32 $0x1B8E;
	s24 =	sld [smem:$0x3FFE];
	[sflag:s23] =	ssyncadd.s32 $0xFFFFFFFF  }
0xa5: {  	s26 =	simm.s32 $execute0_lowered;
	[smem:$0x3FD2] =	sst s25  }
0xa6: {  	s5 =	sshll.u32 s26, $0x1;
	_ =	strace $0x80000046;
	[dreg:$0x1] =	wrdreg $0xFFFFFFFF  }
0xa7: {  	s28 =	simm.s32 $_size_execute0_lowered;
	s3 =	sadd.s32 s3, s5;
	[dreg:$0x0] =	wrdreg $0x0  }
0xa8: {  	s5 =	sshll.u32 s28, $0x1;
	[dreg:$0x2] =	wrdreg s3  }
0xa9: {  	[dreg:$0x3] =	wrdreg s5  }
0xaa: {  	[dreg:$0x4] =	wrdreg $0xC0  }
0xab: {  	_ =	task [dreg:s7], $0x5FFFF  }
0xac: {  	[dreg:$0x1] =	wrdreg $0xFFFFFFFF  }
0xad: {  	[dreg:$0x0] =	wrdreg $0x60  }
0xae: {  	[dreg:$0x2] =	wrdreg s24  }
0xaf: {  	[dreg:$0x3] =	wrdreg s2  }
0xb0: {  	[dreg:$0x4] =	wrdreg $0x135000  }
0xb1: {  	[dreg:$0x5] =	wrdreg $0x9  }
0xb2: {  	_ =	task.clear_ibuf [dreg:s7], $0x6FFFF;
	_ =	strace $0x90000046  }
0xb3: {  	s29 =	simm.s32 $0x9;
	_ =	strace $0x80000048  }
0xb4: {  	_ =	swait.ge [sflag:s29], $0x1  }
0xb5: {  	[sflag:s29] =	ssyncadd.s32 $0xFFFFFFFF  }
0xb6: {  	_ =	strace $0x90000048  }
0xb7: {  	_ =	sfence  }
0xb8: {  	s30 =	sld [smem:$0x0];
	_ =	sdelay $0x2  }
0xb9: {  	s31 =	sshll.u32 s1, $0xD;
	s1 =	sshrl.u32 s1, $0x2  }
0xba: {  	s3 =	sand.u32 $0x4000, s31;
	s1 =	sadd.s32 s1, s30  }
0xbb: {  	s0 =	sor.u32 s3, s0;
	s1 =	sshll.u32 s1, $0x11  }
0xbc: {  	s0 =	sor.u32 s1, s0  }
0xbd: {  	s0 =	sadd.s32 $0x8F2B, s0  }
0xbe: {  	[sflag:s0] =	ssyncadd.remote.s32 $0x1  }
0xbf: {  	_ =	sfence.sel $0xFFFF  }
0xc0: {  	[dreg:$0x0] =	wrdreg $0xFFFFFFFF;
	(pc) =	sbr.abs _section_cstart, $3  }
0xc1: {  	[dreg:$0x1] =	wrdreg $0xFFFFFFFF  }
0xc2: {  	_ =	task.clear_ibuf [dreg:s7], $0x2FFFF;
	_ =	strace $0x9FFFFFFF  }
0xc3: {  	(tm) =	ssettm $0x7FFFFFFF  }
tec
execute0_lowered:
.L_overlay_start_1:
0x0: {  	(tag) =	ssettag $0x1  }
0x1: {  	s0 =	srdreg.scid;
	s1 =	rddreg [dreg:$0x0]  }
0x2: {  	s10 =	stileid.u32;
	s2 =	rddreg [dreg:$0x1];
	s13 =	simm.s32 $0x7  }
0x3: {  	s15 =	simm.s32 $0xC0;
	s16 =	simm.s32 $0x5100;
	s17 =	simm.s32 $0xBD00  }
0x4: {  	s18 =	simm.s32 $0x8700;
	s20 =	simm.s32 $0xC300;
	s21 =	simm.s32 $0x1  }
0x5: {  	s22 =	simm.s32 $0x3;
	s28 =	simm.s32 $0x5;
	s29 =	simm.s32 $0x6  }
0x6: {  	s30 =	simm.s32 $0x0;
	s0 =	sand.u32 $0x1, s0;
	s3 =	sshll.u32 s10, $0x1  }
0x7: {  	s7 =	smul.u32 $0xB400, s10;
	s5 =	sadd.s32 $0x1400, s1;
	s26 =	sshll.u32 s10, $0x6  }
0x8: {  	s4 =	sor.u32 s0, s3;
	s3 =	rddreg [dreg:$0x2];
	s8 =	smul.u32 $0xB4000, s0  }
0x9: {  	s0 =	ssub.s32 $0x2, s0;
	s6 =	smul.u32 $0x510, s4;
	s4 =	simm.s32 $0x0  }
0xa: {  	s24 =	sshrl.u32 s7, $0x3;
	s25 =	sshrl.u32 s0, $0x1;
	s12 =	sadd.s32 s7, s3  }
0xb: {  	[smem:$0x7FF] =	sst s4;
	s23 =	sadd.s32 s7, s8;
	s8 =	sadd.s32 s24, s1  }
0xc: {  	s0 =	ssub.s32 s0, s25;
	s7 =	sor.u32 $0x1C07, s26;
	s12 =	sshrl.u32 s12, $0x3  }
.Ltmp0:
0xd: {  	s24 =	simm.s32 $0x2;
	s25 =	simm.s32 $0x4;
	(pc) =	sbr.rel .LBB2_1-.Ltmp0, $4  }
0xe: {  	s26 =	simm.s32 $0xFF00;
	_ =	strace $0x80000047;
	s9 =	sadd.s32 s6, s1  }
0xf: {  	s6 =	sshrl.u32 s23, $0x3;
	s31 =	sadd.s32 $0x2C000, s8;
	s11 =	smax.u32 s0, $0x1  }
0x10: {  	s23 =	simm.s32 $0xC900;
	s1 =	sadd.s32 s6, s1;
	[dreg:$0x4] =	wrdreg s31  }
0x11: {  	v0 =	vlaneseq.u32;
	s8 =	sadd.s32 $0x21E00, s9;
	s9 =	sadd.s32 $0x17C00, s9;
	s10 =	sadd.s32 $0x42800, s1  }
.LBB2_8:
0x12: {  	_ =	swait.ge [sflag:s28], $0x3600  }
0x13: {  	[sflag:s28] =	ssyncset.done $0x0  }
0x14: {  	[sflag:s28] =	ssyncadd.s32 $0xFFFFCA00  }
0x15: {  	_ =	swait.ge [sflag:s29], $0x3600  }
0x16: {  	s30 =	sadd.s32 $0x1, s30;
	[sflag:s29] =	ssyncset.done $0x0  }
0x17: {  	p0 =	sne.s32 s30, s11;
	[sflag:s29] =	ssyncadd.s32 $0xFFFFCA00  }
.Ltmp1:
0x18: {  	[bflag:$0x0] =	sbarrier.arrive $0xFFFF;
	(pc) =	sbr.rel @!p0 .LBB2_9-.Ltmp1, $4  }
0x19: {  	[hbm:s10], [sflag:s7] =	dma.local [spmem:s12], $0x1680  }
0x1a: {  	_ =	swait.ge [sflag:s13], $0x1680  }
0x1b: {  	[sflag:s13] =	ssyncset.done $0x0  }
0x1c: {  	[sflag:s13] =	ssyncadd.s32 $0xFFFFE980  }
.LBB2_1:
0x1d: {  	s0 =	rddreg [dreg:$0x4]  }
0x1e: {  	[spmem:s12], [sflag:s7] =	dma.local [hbm:s0], $0x1680  }
0x1f: {  	_ =	swait.ge [sflag:s13], $0x1680  }
0x20: {  	[sflag:s13] =	ssyncset.done $0x0  }
0x21: {  	[sflag:s13] =	ssyncadd.s32 $0xFFFFE980  }
0x22: {  	[tilespmem:s4], [sflag:$0x7] =	stream.linear.gather [hbm4b:s8+s4], $0x2880, $0x38;
	[tilespmem:$0x1E900] =	vst v63  }
0x23: {  	_ =	swait.ge [sflag:s13], $0x2880  }
0x24: {  	[sflag:s13] =	ssyncset.done $0x0  }
0x25: {  	s14 =	simm.s32 $0x2880;
	[sflag:s13] =	ssyncadd.s32 $0xFFFFD780  }
0x26: {  	[tilespmem:s14], [sflag:$0x7] =	stream.linear.gather [hbm4b:s9+s4], $0x2880, $0x38;
	[tilespmem:$0x1E900] =	vst v63  }
0x27: {  	_ =	swait.ge [sflag:s13], $0x2880  }
0x28: {  	[sflag:s13] =	ssyncset.done $0x0  }
0x29: {  	[sflag:s13] =	ssyncadd.s32 $0xFFFFD780  }
0x2a: {  	[bflag:$0x0] =	sbarrier.arrive $0xFFFF  }
0x2b: {  	[tilespmem:s16], [sflag:$0x1] =	stream.indirect.gather [hbm4b:s5+s15], $0x48, s4, s15, $0xb8;
	[tilespmem:$0x1E900] =	vst v63  }
0x2c: {  	_ = 	snop  }
0x2d: {  	[tilespmem:s17], [sflag:$0x3] =	stream.indirect.gather [hbm4b:s2+s15], $0x8, s14, s15, $0xb8;
	[tilespmem:$0x1E900] =	vst v63  }
0x2e: {  	_ = 	snop  }
0x2f: {  	[tilespmem:s18], [sflag:$0x2] =	stream.indirect.gather [hbm4b:s5+s15], $0x48, s15, s15, $0xb8;
	[tilespmem:$0x1E900] =	vst v63  }
0x30: {  	s19 =	simm.s32 $0x2940;
	s31 =	simm.s32 $0x0  }
0x31: {  	[tilespmem:s20], [sflag:$0x4] =	stream.indirect.gather [hbm4b:s2+s15], $0x8, s19, s15, $0xb8;
	[tilespmem:$0x1E900] =	vst v63  }
.LBB2_2:
0x32: {  	_ =	swait.ge [sflag:s21], $0x3600  }
0x33: {  	[sflag:s21] =	ssyncset.done $0x0  }
0x34: {  	[sflag:s21] =	ssyncadd.s32 $0xFFFFCA00  }
0x35: {  	_ =	swait.ge [sflag:s22], $0x600  }
0x36: {  	p0 =	seq.s32 s31, $0x0;
	[sflag:s22] =	ssyncset.done $0x0  }
0x37: {  	s0 =	simm.s32 @!p0 $0x5;
	[sflag:s22] =	ssyncadd.s32 $0xFFFFFA00  }
0x38: {  	_ =	swait.ge @!p0 [sflag:s0], $0x3600  }
0x39: {  	[sflag:s0] =	ssyncset.done @!p0 $0x0  }
0x3a: {  	s1 =	simm.s32 $0x0;
	[sflag:s0] =	ssyncadd.s32 @!p0 $0xFFFFCA00  }
.LBB2_3:
0x3b: {  	v2 =	vor.u32 s1, v0  }
0x3c: {  	v1 =	vmul.u32 $0x48, v2  }
0x3d: {  	v2 =	vshll.u32 v2, $0x3  }
0x3e: {  	v3 =	vadd.s32 $0x40, v1;
	_ =	sdelay $0x3  }
0x3f: {  	v5 =	vld.idx.msk [tilespmem:v2+s17+$0x0], $0xffff  }
0x40: {  	v4 =	vld.idx.msk [tilespmem:v3+s16+$0x0], $0xffff;
	_ =	sdelay $0x4  }
0x41: {  	v4 =	vadd.f32 v5, v4;
	_ =	sdelay $0x1  }
0x42: {  	v5 =	vmul.f32 $2.000000030e-01, v4;
	_ =	sdelay $0x1  }
0x43: {  	v4 =	vmax.f32 v4, v5  }
0x44: {  	v4 =	vmul.f32 $1.442695020e+00, v4;
	_ =	sdelay $0x1  }
0x45: {  	(erf) = vpow2.f32 v4;
	_ =	sdelay $0x5  }
0x46: {  	v45 =	vadd.s32 $0x41, v1  }
0x47: {  	v46 =	vor.u32 $0x1, v2;
	_ =	sdelay $0x1  }
0x48: {  	v8 =	vpop (erf)  }
0x49: {  	[tilespmem:v3+s23+$0x0] =	vst.idx.msk $0xffff, v8  }
0x4a: {  	v3 =	vld.idx.msk [tilespmem:v45+s16+$0x0], $0xffff  }
0x4b: {  	v5 =	vld.idx.msk [tilespmem:v46+s17+$0x0], $0xffff;
	_ =	sdelay $0x4  }
0x4c: {  	v3 =	vadd.f32 v5, v3;
	_ =	sdelay $0x1  }
0x4d: {  	v5 =	vmul.f32 $2.000000030e-01, v3;
	_ =	sdelay $0x1  }
0x4e: {  	v3 =	vmax.f32 v3, v5  }
0x4f: {  	v3 =	vmul.f32 $1.442695020e+00, v3;
	_ =	sdelay $0x1  }
0x50: {  	(erf) = vpow2.f32 v3;
	_ =	sdelay $0x5  }
0x51: {  	v3 =	vadd.s32 $0x42, v1  }
0x52: {  	v47 =	vor.u32 $0x2, v2;
	_ =	sdelay $0x1  }
0x53: {  	v9 =	vpop (erf)  }
0x54: {  	[tilespmem:v45+s23+$0x0] =	vst.idx.msk $0xffff, v9  }
0x55: {  	v4 =	vld.idx.msk [tilespmem:v3+s16+$0x0], $0xffff  }
0x56: {  	v5 =	vld.idx.msk [tilespmem:v47+s17+$0x0], $0xffff;
	_ =	sdelay $0x4  }
0x57: {  	v4 =	vadd.f32 v5, v4;
	_ =	sdelay $0x1  }
0x58: {  	v5 =	vmul.f32 $2.000000030e-01, v4;
	_ =	sdelay $0x1  }
0x59: {  	v4 =	vmax.f32 v4, v5  }
0x5a: {  	v4 =	vmul.f32 $1.442695020e+00, v4;
	_ =	sdelay $0x1  }
0x5b: {  	(erf) = vpow2.f32 v4;
	_ =	sdelay $0x5  }
0x5c: {  	v48 =	vadd.s32 $0x43, v1  }
0x5d: {  	v49 =	vor.u32 $0x3, v2;
	_ =	sdelay $0x1  }
0x5e: {  	v7 =	vpop (erf)  }
0x5f: {  	[tilespmem:v3+s23+$0x0] =	vst.idx.msk $0xffff, v7  }
0x60: {  	v3 =	vld.idx.msk [tilespmem:v48+s16+$0x0], $0xffff  }
0x61: {  	v5 =	vld.idx.msk [tilespmem:v49+s17+$0x0], $0xffff;
	_ =	sdelay $0x4  }
0x62: {  	v3 =	vadd.f32 v5, v3;
	_ =	sdelay $0x1  }
0x63: {  	v5 =	vmul.f32 $2.000000030e-01, v3;
	_ =	sdelay $0x1  }
0x64: {  	v3 =	vmax.f32 v3, v5  }
0x65: {  	v3 =	vmul.f32 $1.442695020e+00, v3;
	_ =	sdelay $0x1  }
0x66: {  	(erf) = vpow2.f32 v3;
	_ =	sdelay $0x5  }
0x67: {  	v3 =	vadd.s32 $0x44, v1  }
0x68: {  	v50 =	vor.u32 $0x4, v2;
	_ =	sdelay $0x1  }
0x69: {  	v6 =	vpop (erf)  }
0x6a: {  	[tilespmem:v48+s23+$0x0] =	vst.idx.msk $0xffff, v6  }
0x6b: {  	v4 =	vld.idx.msk [tilespmem:v3+s16+$0x0], $0xffff  }
0x6c: {  	v5 =	vld.idx.msk [tilespmem:v50+s17+$0x0], $0xffff;
	_ =	sdelay $0x4  }
0x6d: {  	v4 =	vadd.f32 v5, v4;
	_ =	sdelay $0x1  }
0x6e: {  	v5 =	vmul.f32 $2.000000030e-01, v4;
	_ =	sdelay $0x1  }
0x6f: {  	v4 =	vmax.f32 v4, v5  }
0x70: {  	v4 =	vmul.f32 $1.442695020e+00, v4;
	_ =	sdelay $0x1  }
0x71: {  	(erf) = vpow2.f32 v4;
	_ =	sdelay $0x5  }
0x72: {  	v10 =	vadd.s32 $0x45, v1  }
0x73: {  	v51 =	vor.u32 $0x5, v2;
	_ =	sdelay $0x1  }
0x74: {  	v52 =	vpop (erf)  }
0x75: {  	[tilespmem:v3+s23+$0x0] =	vst.idx.msk $0xffff, v52  }
0x76: {  	v3 =	vld.idx.msk [tilespmem:v10+s16+$0x0], $0xffff  }
0x77: {  	v4 =	vld.idx.msk [tilespmem:v51+s17+$0x0], $0xffff;
	_ =	sdelay $0x4  }
0x78: {  	v3 =	vadd.f32 v4, v3;
	_ =	sdelay $0x1  }
0x79: {  	v4 =	vmul.f32 $2.000000030e-01, v3;
	_ =	sdelay $0x1  }
0x7a: {  	v3 =	vmax.f32 v3, v4  }
0x7b: {  	v3 =	vmul.f32 $1.442695020e+00, v3;
	_ =	sdelay $0x1  }
0x7c: {  	(erf) = vpow2.f32 v3;
	_ =	sdelay $0x5  }
0x7d: {  	v11 =	vadd.s32 $0x46, v1  }
0x7e: {  	v3 =	vor.u32 $0x6, v2;
	_ =	sdelay $0x1  }
0x7f: {  	v53 =	vpop (erf)  }
0x80: {  	[tilespmem:v10+s23+$0x0] =	vst.idx.msk $0xffff, v53  }
0x81: {  	v10 =	vld.idx.msk [tilespmem:v11+s16+$0x0], $0xffff  }
0x82: {  	v3 =	vld.idx.msk [tilespmem:v3+s17+$0x0], $0xffff;
	_ =	sdelay $0x4  }
0x83: {  	v3 =	vadd.f32 v3, v10;
	_ =	sdelay $0x1  }
0x84: {  	v10 =	vmul.f32 $2.000000030e-01, v3;
	_ =	sdelay $0x1  }
0x85: {  	v3 =	vmax.f32 v3, v10  }
0x86: {  	v3 =	vmul.f32 $1.442695020e+00, v3;
	_ =	sdelay $0x1  }
0x87: {  	(erf) = vpow2.f32 v3;
	_ =	sdelay $0x5  }
0x88: {  	v54 =	vadd.s32 $0x47, v1  }
0x89: {  	v2 =	vor.u32 $0x7, v2;
	_ =	sdelay $0x1  }
0x8a: {  	v3 =	vpop (erf)  }
0x8b: {  	[tilespmem:v11+s23+$0x0] =	vst.idx.msk $0xffff, v3  }
0x8c: {  	v11 =	vld.idx.msk [tilespmem:v54+s16+$0x0], $0xffff  }
0x8d: {  	v2 =	vld.idx.msk [tilespmem:v2+s17+$0x0], $0xffff;
	_ =	sdelay $0x4  }
0x8e: {  	v2 =	vadd.f32 v2, v11;
	_ =	sdelay $0x1  }
0x8f: {  	v11 =	vmul.f32 $2.000000030e-01, v2;
	_ =	sdelay $0x1  }
0x90: {  	v2 =	vmax.f32 v2, v11  }
0x91: {  	v2 =	vmul.f32 $1.442695020e+00, v2;
	_ =	sdelay $0x1  }
0x92: {  	(erf) = vpow2.f32 v2;
	_ =	sdelay $0x8  }
0x93: {  	v2 =	vpop (erf)  }
0x94: {  	[tilespmem:v54+s23+$0x0] =	vst.idx.msk $0xffff, v2  }
0x95: {  	v10 =	vld.idx.msk [tilespmem:v1+s16+$0x0], $0xffff;
	_ =	sdelay $0x2  }
0x96: {  	v55 =	vor.u32 $0x1, v1;
	_ =	sdelay $0x1  }
0x97: {  	v10 =	vmul.f32 v10, v8;
	_ =	sdelay $0x1  }
0x98: {  	[tilespmem:v1+s23+$0x0] =	vst.idx.msk $0xffff, v10  }
0x99: {  	v10 =	vld.idx.msk [tilespmem:v55+s16+$0x0], $0xffff;
	_ =	sdelay $0x2  }
0x9a: {  	v12 =	vor.u32 $0x2, v1;
	_ =	sdelay $0x1  }
0x9b: {  	v10 =	vmul.f32 v10, v8;
	_ =	sdelay $0x1  }
0x9c: {  	[tilespmem:v55+s23+$0x0] =	vst.idx.msk $0xffff, v10  }
0x9d: {  	v10 =	vld.idx.msk [tilespmem:v12+s16+$0x0], $0xffff;
	_ =	sdelay $0x2  }
0x9e: {  	v56 =	vor.u32 $0x3, v1;
	_ =	sdelay $0x1  }
0x9f: {  	v10 =	vmul.f32 v10, v8;
	_ =	sdelay $0x1  }
0xa0: {  	[tilespmem:v12+s23+$0x0] =	vst.idx.msk $0xffff, v10  }
0xa1: {  	v10 =	vld.idx.msk [tilespmem:v56+s16+$0x0], $0xffff;
	_ =	sdelay $0x2  }
0xa2: {  	v57 =	vor.u32 $0x4, v1;
	_ =	sdelay $0x1  }
0xa3: {  	v10 =	vmul.f32 v10, v8;
	_ =	sdelay $0x1  }
0xa4: {  	[tilespmem:v56+s23+$0x0] =	vst.idx.msk $0xffff, v10  }
0xa5: {  	v10 =	vld.idx.msk [tilespmem:v57+s16+$0x0], $0xffff;
	_ =	sdelay $0x2  }
0xa6: {  	v58 =	vor.u32 $0x5, v1;
	_ =	sdelay $0x1  }
0xa7: {  	v10 =	vmul.f32 v10, v8;
	_ =	sdelay $0x1  }
0xa8: {  	[tilespmem:v57+s23+$0x0] =	vst.idx.msk $0xffff, v10  }
0xa9: {  	v10 =	vld.idx.msk [tilespmem:v58+s16+$0x0], $0xffff;
	_ =	sdelay $0x2  }
0xaa: {  	v59 =	vor.u32 $0x6, v1;
	_ =	sdelay $0x1  }
0xab: {  	v10 =	vmul.f32 v10, v8;
	_ =	sdelay $0x1  }
0xac: {  	[tilespmem:v58+s23+$0x0] =	vst.idx.msk $0xffff, v10  }
0xad: {  	v10 =	vld.idx.msk [tilespmem:v59+s16+$0x0], $0xffff;
	_ =	sdelay $0x2  }
0xae: {  	v60 =	vor.u32 $0x7, v1;
	_ =	sdelay $0x1  }
0xaf: {  	v10 =	vmul.f32 v10, v8;
	_ =	sdelay $0x1  }
0xb0: {  	[tilespmem:v59+s23+$0x0] =	vst.idx.msk $0xffff, v10  }
0xb1: {  	v10 =	vld.idx.msk [tilespmem:v60+s16+$0x0], $0xffff;
	_ =	sdelay $0x2  }
0xb2: {  	v61 =	vadd.s32 $0x8, v1;
	_ =	sdelay $0x1  }
0xb3: {  	v8 =	vmul.f32 v10, v8;
	_ =	sdelay $0x1  }
0xb4: {  	[tilespmem:v60+s23+$0x0] =	vst.idx.msk $0xffff, v8  }
0xb5: {  	v8 =	vld.idx.msk [tilespmem:v61+s16+$0x0], $0xffff;
	_ =	sdelay $0x2  }
0xb6: {  	v62 =	vadd.s32 $0x9, v1;
	_ =	sdelay $0x1  }
0xb7: {  	v8 =	vmul.f32 v8, v9;
	_ =	sdelay $0x1  }
0xb8: {  	[tilespmem:v61+s23+$0x0] =	vst.idx.msk $0xffff, v8  }
0xb9: {  	v8 =	vld.idx.msk [tilespmem:v62+s16+$0x0], $0xffff;
	_ =	sdelay $0x2  }
0xba: {  	v63 =	vadd.s32 $0xA, v1;
	_ =	sdelay $0x1  }
0xbb: {  	v8 =	vmul.f32 v8, v9;
	_ =	sdelay $0x1  }
0xbc: {  	[tilespmem:v62+s23+$0x0] =	vst.idx.msk $0xffff, v8  }
0xbd: {  	v8 =	vld.idx.msk [tilespmem:v63+s16+$0x0], $0xffff;
	_ =	sdelay $0x2  }
0xbe: {  	v12 =	vadd.s32 $0xB, v1;
	_ =	sdelay $0x1  }
0xbf: {  	v8 =	vmul.f32 v8, v9;
	_ =	sdelay $0x1  }
0xc0: {  	[tilespmem:v63+s23+$0x0] =	vst.idx.msk $0xffff, v8  }
0xc1: {  	v8 =	vld.idx.msk [tilespmem:v12+s16+$0x0], $0xffff;
	_ =	sdelay $0x2  }
0xc2: {  	v13 =	vadd.s32 $0xC, v1;
	_ =	sdelay $0x1  }
0xc3: {  	v8 =	vmul.f32 v8, v9;
	_ =	sdelay $0x1  }
0xc4: {  	[tilespmem:v12+s23+$0x0] =	vst.idx.msk $0xffff, v8  }
0xc5: {  	v8 =	vld.idx.msk [tilespmem:v13+s16+$0x0], $0xffff;
	_ =	sdelay $0x2  }
0xc6: {  	v14 =	vadd.s32 $0xD, v1;
	_ =	sdelay $0x1  }
0xc7: {  	v8 =	vmul.f32 v8, v9;
	_ =	sdelay $0x1  }
0xc8: {  	[tilespmem:v13+s23+$0x0] =	vst.idx.msk $0xffff, v8  }
0xc9: {  	v8 =	vld.idx.msk [tilespmem:v14+s16+$0x0], $0xffff;
	_ =	sdelay $0x2  }
0xca: {  	v15 =	vadd.s32 $0xE, v1;
	_ =	sdelay $0x1  }
0xcb: {  	v8 =	vmul.f32 v8, v9;
	_ =	sdelay $0x1  }
0xcc: {  	[tilespmem:v14+s23+$0x0] =	vst.idx.msk $0xffff, v8  }
0xcd: {  	v8 =	vld.idx.msk [tilespmem:v15+s16+$0x0], $0xffff;
	_ =	sdelay $0x2  }
0xce: {  	v16 =	vadd.s32 $0xF, v1;
	_ =	sdelay $0x1  }
0xcf: {  	v8 =	vmul.f32 v8, v9;
	_ =	sdelay $0x1  }
0xd0: {  	[tilespmem:v15+s23+$0x0] =	vst.idx.msk $0xffff, v8  }
0xd1: {  	v8 =	vld.idx.msk [tilespmem:v16+s16+$0x0], $0xffff;
	_ =	sdelay $0x2  }
0xd2: {  	v17 =	vadd.s32 $0x10, v1;
	_ =	sdelay $0x1  }
0xd3: {  	v8 =	vmul.f32 v8, v9;
	_ =	sdelay $0x1  }
0xd4: {  	[tilespmem:v16+s23+$0x0] =	vst.idx.msk $0xffff, v8  }
0xd5: {  	v8 =	vld.idx.msk [tilespmem:v17+s16+$0x0], $0xffff;
	_ =	sdelay $0x2  }
0xd6: {  	v18 =	vadd.s32 $0x11, v1;
	_ =	sdelay $0x1  }
0xd7: {  	v8 =	vmul.f32 v8, v7;
	_ =	sdelay $0x1  }
0xd8: {  	[tilespmem:v17+s23+$0x0] =	vst.idx.msk $0xffff, v8  }
0xd9: {  	v8 =	vld.idx.msk [tilespmem:v18+s16+$0x0], $0xffff;
	_ =	sdelay $0x2  }
0xda: {  	v19 =	vadd.s32 $0x12, v1;
	_ =	sdelay $0x1  }
0xdb: {  	v8 =	vmul.f32 v8, v7;
	_ =	sdelay $0x1  }
0xdc: {  	[tilespmem:v18+s23+$0x0] =	vst.idx.msk $0xffff, v8  }
0xdd: {  	v8 =	vld.idx.msk [tilespmem:v19+s16+$0x0], $0xffff;
	_ =	sdelay $0x2  }
0xde: {  	v20 =	vadd.s32 $0x13, v1;
	_ =	sdelay $0x1  }
0xdf: {  	v8 =	vmul.f32 v8, v7;
	_ =	sdelay $0x1  }
0xe0: {  	[tilespmem:v19+s23+$0x0] =	vst.idx.msk $0xffff, v8  }
0xe1: {  	v8 =	vld.idx.msk [tilespmem:v20+s16+$0x0], $0xffff;
	_ =	sdelay $0x2  }
0xe2: {  	v21 =	vadd.s32 $0x14, v1;
	_ =	sdelay $0x1  }
0xe3: {  	v8 =	vmul.f32 v8, v7;
	_ =	sdelay $0x1  }
0xe4: {  	[tilespmem:v20+s23+$0x0] =	vst.idx.msk $0xffff, v8  }
0xe5: {  	v8 =	vld.idx.msk [tilespmem:v21+s16+$0x0], $0xffff;
	_ =	sdelay $0x2  }
0xe6: {  	v22 =	vadd.s32 $0x15, v1;
	_ =	sdelay $0x1  }
0xe7: {  	v8 =	vmul.f32 v8, v7;
	_ =	sdelay $0x1  }
0xe8: {  	[tilespmem:v21+s23+$0x0] =	vst.idx.msk $0xffff, v8  }
0xe9: {  	v8 =	vld.idx.msk [tilespmem:v22+s16+$0x0], $0xffff;
	_ =	sdelay $0x2  }
0xea: {  	v23 =	vadd.s32 $0x16, v1;
	_ =	sdelay $0x1  }
0xeb: {  	v8 =	vmul.f32 v8, v7;
	_ =	sdelay $0x1  }
0xec: {  	[tilespmem:v22+s23+$0x0] =	vst.idx.msk $0xffff, v8  }
0xed: {  	v8 =	vld.idx.msk [tilespmem:v23+s16+$0x0], $0xffff;
	_ =	sdelay $0x2  }
0xee: {  	v24 =	vadd.s32 $0x17, v1;
	_ =	sdelay $0x1  }
0xef: {  	v8 =	vmul.f32 v8, v7;
	_ =	sdelay $0x1  }
0xf0: {  	[tilespmem:v23+s23+$0x0] =	vst.idx.msk $0xffff, v8  }
0xf1: {  	v8 =	vld.idx.msk [tilespmem:v24+s16+$0x0], $0xffff;
	_ =	sdelay $0x2  }
0xf2: {  	v25 =	vadd.s32 $0x18, v1;
	_ =	sdelay $0x1  }
0xf3: {  	v7 =	vmul.f32 v8, v7;
	_ =	sdelay $0x1  }
0xf4: {  	[tilespmem:v24+s23+$0x0] =	vst.idx.msk $0xffff, v7  }
0xf5: {  	v7 =	vld.idx.msk [tilespmem:v25+s16+$0x0], $0xffff;
	_ =	sdelay $0x2  }
0xf6: {  	v26 =	vadd.s32 $0x19, v1;
	_ =	sdelay $0x1  }
0xf7: {  	v7 =	vmul.f32 v7, v6;
	_ =	sdelay $0x1  }
0xf8: {  	[tilespmem:v25+s23+$0x0] =	vst.idx.msk $0xffff, v7  }
0xf9: {  	v7 =	vld.idx.msk [tilespmem:v26+s16+$0x0], $0xffff;
	_ =	sdelay $0x2  }
0xfa: {  	v27 =	vadd.s32 $0x1A, v1;
	_ =	sdelay $0x1  }
0xfb: {  	v7 =	vmul.f32 v7, v6;
	_ =	sdelay $0x1  }
0xfc: {  	[tilespmem:v26+s23+$0x0] =	vst.idx.msk $0xffff, v7  }
0xfd: {  	v7 =	vld.idx.msk [tilespmem:v27+s16+$0x0], $0xffff;
	_ =	sdelay $0x2  }
0xfe: {  	v28 =	vadd.s32 $0x1B, v1;
	_ =	sdelay $0x1  }
0xff: {  	v7 =	vmul.f32 v7, v6;
	_ =	sdelay $0x1  }
0x100: {  	[tilespmem:v27+s23+$0x0] =	vst.idx.msk $0xffff, v7  }
0x101: {  	v7 =	vld.idx.msk [tilespmem:v28+s16+$0x0], $0xffff;
	_ =	sdelay $0x2  }
0x102: {  	v29 =	vadd.s32 $0x1C, v1;
	_ =	sdelay $0x1  }
0x103: {  	v7 =	vmul.f32 v7, v6;
	_ =	sdelay $0x1  }
0x104: {  	[tilespmem:v28+s23+$0x0] =	vst.idx.msk $0xffff, v7  }
0x105: {  	v7 =	vld.idx.msk [tilespmem:v29+s16+$0x0], $0xffff;
	_ =	sdelay $0x2  }
0x106: {  	v30 =	vadd.s32 $0x1D, v1;
	_ =	sdelay $0x1  }
0x107: {  	v7 =	vmul.f32 v7, v6;
	_ =	sdelay $0x1  }
0x108: {  	[tilespmem:v29+s23+$0x0] =	vst.idx.msk $0xffff, v7  }
0x109: {  	v7 =	vld.idx.msk [tilespmem:v30+s16+$0x0], $0xffff;
	_ =	sdelay $0x2  }
0x10a: {  	v31 =	vadd.s32 $0x1E, v1;
	_ =	sdelay $0x1  }
0x10b: {  	v7 =	vmul.f32 v7, v6;
	_ =	sdelay $0x1  }
0x10c: {  	[tilespmem:v30+s23+$0x0] =	vst.idx.msk $0xffff, v7  }
0x10d: {  	v7 =	vld.idx.msk [tilespmem:v31+s16+$0x0], $0xffff;
	_ =	sdelay $0x2  }
0x10e: {  	v32 =	vadd.s32 $0x1F, v1;
	_ =	sdelay $0x1  }
0x10f: {  	v7 =	vmul.f32 v7, v6;
	_ =	sdelay $0x1  }
0x110: {  	[tilespmem:v31+s23+$0x0] =	vst.idx.msk $0xffff, v7  }
0x111: {  	v7 =	vld.idx.msk [tilespmem:v32+s16+$0x0], $0xffff;
	_ =	sdelay $0x2  }
0x112: {  	v33 =	vadd.s32 $0x20, v1;
	_ =	sdelay $0x1  }
0x113: {  	v6 =	vmul.f32 v7, v6;
	_ =	sdelay $0x1  }
0x114: {  	[tilespmem:v32+s23+$0x0] =	vst.idx.msk $0xffff, v6  }
0x115: {  	v6 =	vld.idx.msk [tilespmem:v33+s16+$0x0], $0xffff;
	_ =	sdelay $0x2  }
0x116: {  	v34 =	vadd.s32 $0x21, v1;
	_ =	sdelay $0x1  }
0x117: {  	v6 =	vmul.f32 v6, v52;
	_ =	sdelay $0x1  }
0x118: {  	[tilespmem:v33+s23+$0x0] =	vst.idx.msk $0xffff, v6  }
0x119: {  	v6 =	vld.idx.msk [tilespmem:v34+s16+$0x0], $0xffff;
	_ =	sdelay $0x2  }
0x11a: {  	v35 =	vadd.s32 $0x22, v1;
	_ =	sdelay $0x1  }
0x11b: {  	v6 =	vmul.f32 v6, v52;
	_ =	sdelay $0x1  }
0x11c: {  	[tilespmem:v34+s23+$0x0] =	vst.idx.msk $0xffff, v6  }
0x11d: {  	v6 =	vld.idx.msk [tilespmem:v35+s16+$0x0], $0xffff;
	_ =	sdelay $0x2  }
0x11e: {  	v36 =	vadd.s32 $0x23, v1;
	_ =	sdelay $0x1  }
0x11f: {  	v6 =	vmul.f32 v6, v52;
	_ =	sdelay $0x1  }
0x120: {  	[tilespmem:v35+s23+$0x0] =	vst.idx.msk $0xffff, v6  }
0x121: {  	v6 =	vld.idx.msk [tilespmem:v36+s16+$0x0], $0xffff;
	_ =	sdelay $0x2  }
0x122: {  	v37 =	vadd.s32 $0x24, v1;
	_ =	sdelay $0x1  }
0x123: {  	v6 =	vmul.f32 v6, v52;
	_ =	sdelay $0x1  }
0x124: {  	[tilespmem:v36+s23+$0x0] =	vst.idx.msk $0xffff, v6  }
0x125: {  	v6 =	vld.idx.msk [tilespmem:v37+s16+$0x0], $0xffff;
	_ =	sdelay $0x2  }
0x126: {  	v38 =	vadd.s32 $0x25, v1;
	_ =	sdelay $0x1  }
0x127: {  	v6 =	vmul.f32 v6, v52;
	_ =	sdelay $0x1  }
0x128: {  	[tilespmem:v37+s23+$0x0] =	vst.idx.msk $0xffff, v6  }
0x129: {  	v6 =	vld.idx.msk [tilespmem:v38+s16+$0x0], $0xffff;
	_ =	sdelay $0x2  }
0x12a: {  	v39 =	vadd.s32 $0x26, v1;
	_ =	sdelay $0x1  }
0x12b: {  	v6 =	vmul.f32 v6, v52;
	_ =	sdelay $0x1  }
0x12c: {  	[tilespmem:v38+s23+$0x0] =	vst.idx.msk $0xffff, v6  }
0x12d: {  	v6 =	vld.idx.msk [tilespmem:v39+s16+$0x0], $0xffff;
	_ =	sdelay $0x2  }
0x12e: {  	v40 =	vadd.s32 $0x27, v1;
	_ =	sdelay $0x1  }
0x12f: {  	v6 =	vmul.f32 v6, v52;
	_ =	sdelay $0x1  }
0x130: {  	[tilespmem:v39+s23+$0x0] =	vst.idx.msk $0xffff, v6  }
0x131: {  	v6 =	vld.idx.msk [tilespmem:v40+s16+$0x0], $0xffff;
	_ =	sdelay $0x2  }
0x132: {  	v41 =	vadd.s32 $0x28, v1;
	_ =	sdelay $0x1  }
0x133: {  	v5 =	vmul.f32 v6, v52;
	_ =	sdelay $0x1  }
0x134: {  	[tilespmem:v40+s23+$0x0] =	vst.idx.msk $0xffff, v5  }
0x135: {  	v5 =	vld.idx.msk [tilespmem:v41+s16+$0x0], $0xffff;
	_ =	sdelay $0x2  }
0x136: {  	v42 =	vadd.s32 $0x29, v1;
	_ =	sdelay $0x1  }
0x137: {  	v5 =	vmul.f32 v5, v53;
	_ =	sdelay $0x1  }
0x138: {  	[tilespmem:v41+s23+$0x0] =	vst.idx.msk $0xffff, v5  }
0x139: {  	v5 =	vld.idx.msk [tilespmem:v42+s16+$0x0], $0xffff;
	_ =	sdelay $0x2  }
0x13a: {  	v43 =	vadd.s32 $0x2A, v1;
	_ =	sdelay $0x1  }
0x13b: {  	v5 =	vmul.f32 v5, v53;
	_ =	sdelay $0x1  }
0x13c: {  	[tilespmem:v42+s23+$0x0] =	vst.idx.msk $0xffff, v5  }
0x13d: {  	v5 =	vld.idx.msk [tilespmem:v43+s16+$0x0], $0xffff;
	_ =	sdelay $0x2  }
0x13e: {  	v44 =	vadd.s32 $0x2B, v1;
	_ =	sdelay $0x1  }
0x13f: {  	v5 =	vmul.f32 v5, v53;
	_ =	sdelay $0x1  }
0x140: {  	[tilespmem:v43+s23+$0x0] =	vst.idx.msk $0xffff, v5  }
0x141: {  	v5 =	vld.idx.msk [tilespmem:v44+s16+$0x0], $0xffff;
	_ =	sdelay $0x2  }
0x142: {  	v45 =	vadd.s32 $0x2C, v1;
	_ =	sdelay $0x1  }
0x143: {  	v5 =	vmul.f32 v5, v53;
	_ =	sdelay $0x1  }
0x144: {  	[tilespmem:v44+s23+$0x0] =	vst.idx.msk $0xffff, v5  }
0x145: {  	v5 =	vld.idx.msk [tilespmem:v45+s16+$0x0], $0xffff;
	_ =	sdelay $0x2  }
0x146: {  	v46 =	vadd.s32 $0x2D, v1;
	_ =	sdelay $0x1  }
0x147: {  	v5 =	vmul.f32 v5, v53;
	_ =	sdelay $0x1  }
0x148: {  	[tilespmem:v45+s23+$0x0] =	vst.idx.msk $0xffff, v5  }
0x149: {  	v5 =	vld.idx.msk [tilespmem:v46+s16+$0x0], $0xffff;
	_ =	sdelay $0x2  }
0x14a: {  	v47 =	vadd.s32 $0x2E, v1;
	_ =	sdelay $0x1  }
0x14b: {  	v5 =	vmul.f32 v5, v53;
	_ =	sdelay $0x1  }
0x14c: {  	[tilespmem:v46+s23+$0x0] =	vst.idx.msk $0xffff, v5  }
0x14d: {  	v5 =	vld.idx.msk [tilespmem:v47+s16+$0x0], $0xffff;
	_ =	sdelay $0x2  }
0x14e: {  	v48 =	vadd.s32 $0x2F, v1;
	_ =	sdelay $0x1  }
0x14f: {  	v5 =	vmul.f32 v5, v53;
	_ =	sdelay $0x1  }
0x150: {  	[tilespmem:v47+s23+$0x0] =	vst.idx.msk $0xffff, v5  }
0x151: {  	v5 =	vld.idx.msk [tilespmem:v48+s16+$0x0], $0xffff;
	_ =	sdelay $0x2  }
0x152: {  	v49 =	vadd.s32 $0x30, v1;
	_ =	sdelay $0x1  }
0x153: {  	v4 =	vmul.f32 v5, v53;
	_ =	sdelay $0x1  }
0x154: {  	[tilespmem:v48+s23+$0x0] =	vst.idx.msk $0xffff, v4  }
0x155: {  	v4 =	vld.idx.msk [tilespmem:v49+s16+$0x0], $0xffff;
	_ =	sdelay $0x2  }
0x156: {  	v50 =	vadd.s32 $0x31, v1;
	_ =	sdelay $0x1  }
0x157: {  	v4 =	vmul.f32 v4, v3;
	_ =	sdelay $0x1  }
0x158: {  	[tilespmem:v49+s23+$0x0] =	vst.idx.msk $0xffff, v4  }
0x159: {  	v4 =	vld.idx.msk [tilespmem:v50+s16+$0x0], $0xffff;
	_ =	sdelay $0x2  }
0x15a: {  	v51 =	vadd.s32 $0x32, v1;
	_ =	sdelay $0x1  }
0x15b: {  	v4 =	vmul.f32 v4, v3;
	_ =	sdelay $0x1  }
0x15c: {  	[tilespmem:v50+s23+$0x0] =	vst.idx.msk $0xffff, v4  }
0x15d: {  	v4 =	vld.idx.msk [tilespmem:v51+s16+$0x0], $0xffff;
	_ =	sdelay $0x2  }
0x15e: {  	v52 =	vadd.s32 $0x33, v1;
	_ =	sdelay $0x1  }
0x15f: {  	v4 =	vmul.f32 v4, v3;
	_ =	sdelay $0x1  }
0x160: {  	[tilespmem:v51+s23+$0x0] =	vst.idx.msk $0xffff, v4  }
0x161: {  	v4 =	vld.idx.msk [tilespmem:v52+s16+$0x0], $0xffff;
	_ =	sdelay $0x2  }
0x162: {  	v53 =	vadd.s32 $0x34, v1;
	_ =	sdelay $0x1  }
0x163: {  	v4 =	vmul.f32 v4, v3;
	_ =	sdelay $0x1  }
0x164: {  	[tilespmem:v52+s23+$0x0] =	vst.idx.msk $0xffff, v4  }
0x165: {  	v4 =	vld.idx.msk [tilespmem:v53+s16+$0x0], $0xffff;
	_ =	sdelay $0x2  }
0x166: {  	v54 =	vadd.s32 $0x35, v1;
	_ =	sdelay $0x1  }
0x167: {  	v4 =	vmul.f32 v4, v3;
	_ =	sdelay $0x1  }
0x168: {  	[tilespmem:v53+s23+$0x0] =	vst.idx.msk $0xffff, v4  }
0x169: {  	v4 =	vld.idx.msk [tilespmem:v54+s16+$0x0], $0xffff;
	_ =	sdelay $0x2  }
0x16a: {  	v55 =	vadd.s32 $0x36, v1;
	_ =	sdelay $0x1  }
0x16b: {  	v4 =	vmul.f32 v4, v3;
	_ =	sdelay $0x1  }
0x16c: {  	[tilespmem:v54+s23+$0x0] =	vst.idx.msk $0xffff, v4  }
0x16d: {  	v4 =	vld.idx.msk [tilespmem:v55+s16+$0x0], $0xffff;
	_ =	sdelay $0x2  }
0x16e: {  	v56 =	vadd.s32 $0x37, v1;
	_ =	sdelay $0x1  }
0x16f: {  	v4 =	vmul.f32 v4, v3;
	_ =	sdelay $0x1  }
0x170: {  	[tilespmem:v55+s23+$0x0] =	vst.idx.msk $0xffff, v4  }
0x171: {  	v4 =	vld.idx.msk [tilespmem:v56+s16+$0x0], $0xffff;
	_ =	sdelay $0x2  }
0x172: {  	v57 =	vadd.s32 $0x38, v1;
	_ =	sdelay $0x1  }
0x173: {  	v3 =	vmul.f32 v4, v3;
	_ =	sdelay $0x1  }
0x174: {  	[tilespmem:v56+s23+$0x0] =	vst.idx.msk $0xffff, v3  }
0x175: {  	v3 =	vld.idx.msk [tilespmem:v57+s16+$0x0], $0xffff;
	_ =	sdelay $0x2  }
0x176: {  	v58 =	vadd.s32 $0x39, v1;
	_ =	sdelay $0x1  }
0x177: {  	v3 =	vmul.f32 v3, v2;
	_ =	sdelay $0x1  }
0x178: {  	[tilespmem:v57+s23+$0x0] =	vst.idx.msk $0xffff, v3  }
0x179: {  	v3 =	vld.idx.msk [tilespmem:v58+s16+$0x0], $0xffff;
	_ =	sdelay $0x2  }
0x17a: {  	v59 =	vadd.s32 $0x3A, v1;
	_ =	sdelay $0x1  }
0x17b: {  	v3 =	vmul.f32 v3, v2;
	_ =	sdelay $0x1  }
0x17c: {  	[tilespmem:v58+s23+$0x0] =	vst.idx.msk $0xffff, v3  }
0x17d: {  	v3 =	vld.idx.msk [tilespmem:v59+s16+$0x0], $0xffff;
	_ =	sdelay $0x2  }
0x17e: {  	v60 =	vadd.s32 $0x3B, v1;
	_ =	sdelay $0x1  }
0x17f: {  	v3 =	vmul.f32 v3, v2;
	_ =	sdelay $0x1  }
0x180: {  	[tilespmem:v59+s23+$0x0] =	vst.idx.msk $0xffff, v3  }
0x181: {  	v3 =	vld.idx.msk [tilespmem:v60+s16+$0x0], $0xffff;
	_ =	sdelay $0x2  }
0x182: {  	v61 =	vadd.s32 $0x3C, v1;
	_ =	sdelay $0x1  }
0x183: {  	v3 =	vmul.f32 v3, v2;
	_ =	sdelay $0x1  }
0x184: {  	[tilespmem:v60+s23+$0x0] =	vst.idx.msk $0xffff, v3  }
0x185: {  	v3 =	vld.idx.msk [tilespmem:v61+s16+$0x0], $0xffff;
	_ =	sdelay $0x2  }
0x186: {  	v62 =	vadd.s32 $0x3D, v1;
	_ =	sdelay $0x1  }
0x187: {  	v3 =	vmul.f32 v3, v2;
	_ =	sdelay $0x1  }
0x188: {  	[tilespmem:v61+s23+$0x0] =	vst.idx.msk $0xffff, v3  }
0x189: {  	v3 =	vld.idx.msk [tilespmem:v62+s16+$0x0], $0xffff;
	_ =	sdelay $0x2  }
0x18a: {  	v63 =	vadd.s32 $0x3E, v1;
	_ =	sdelay $0x1  }
0x18b: {  	v3 =	vmul.f32 v3, v2;
	_ =	sdelay $0x1  }
0x18c: {  	[tilespmem:v62+s23+$0x0] =	vst.idx.msk $0xffff, v3  }
0x18d: {  	v3 =	vld.idx.msk [tilespmem:v63+s16+$0x0], $0xffff;
	_ =	sdelay $0x2  }
0x18e: {  	v1 =	vadd.s32 $0x3F, v1;
	_ =	sdelay $0x1  }
0x18f: {  	v3 =	vmul.f32 v3, v2;
	_ =	sdelay $0x1  }
0x190: {  	[tilespmem:v63+s23+$0x0] =	vst.idx.msk $0xffff, v3  }
0x191: {  	v3 =	vld.idx.msk [tilespmem:v1+s16+$0x0], $0xffff;
	_ =	sdelay $0x1  }
0x192: {  	p1 =	sne.s32 s1, $0xB0  }
.Ltmp2:
0x193: {  	_ = 	snop;
	(pc) =	sbr.rel @p1 .LBB2_3-.Ltmp2, $3  }
0x194: {  	_ = 	snop  }
0x195: {  	v2 =	vmul.f32 v3, v2;
	_ =	sdelay $0x1  }
0x196: {  	s1 =	sadd.s32 $0x10, s1;
	[tilespmem:v1+s23+$0x0] =	vst.idx.msk $0xffff, v2  }
0x197: {  	s0 =	smul.u32 $0x600, s31;
	_ =	sdelay $0x1  }
0x198: {  	p1 =	seq.s32 s31, $0x1A;
	s1 =	sshra.s32 s0, $0x2  }
0x199: {  	s19 =	smul.u32 @!p1 $0x180, s31;
	s0 =	sadd.s32 $0x2880, s1  }
0x19a: {  	[spmem:s3] =	stream.indirect.scatter.add.f32 [tilespmem:s23], [sflag:$0x5], $0x48, s0, s15, $0xb8;
	[tilespmem:$0x1E900] =	vst v63  }
0x19b: {  	s14 =	simm.s32 @!p1 $0xC0;
	s6 =	simm.s32 @!p1 $0x5100;
	s0 =	sadd.s32 @!p1 $0x180, s19  }
0x19c: {  	[tilespmem:s6], [sflag:$0x1] =	stream.indirect.gather @!p1 [hbm4b:s5+s14], $0x48, s0, s14, $0xb8;
	[tilespmem:$0x1E900] =	vst v63  }
0x19d: {  	s0 =	sadd.s32 @!p1 $0x2A00, s19;
	s6 =	simm.s32 @!p1 $0xBD00  }
0x19e: {  	[tilespmem:s6], [sflag:$0x3] =	stream.indirect.gather @!p1 [hbm4b:s2+s14], $0x8, s0, s14, $0xb8;
	[tilespmem:$0x1E900] =	vst v63  }
0x19f: {  	_ =	swait.ge [sflag:s24], $0x3600  }
0x1a0: {  	[sflag:s24] =	ssyncset.done $0x0  }
0x1a1: {  	[sflag:s24] =	ssyncadd.s32 $0xFFFFCA00  }
0x1a2: {  	_ =	swait.ge [sflag:s25], $0x600  }
0x1a3: {  	[sflag:s25] =	ssyncset.done $0x0  }
0x1a4: {  	s0 =	simm.s32 @!p0 $0x6;
	[sflag:s25] =	ssyncadd.s32 $0xFFFFFA00  }
0x1a5: {  	_ =	swait.ge @!p0 [sflag:s0], $0x3600  }
0x1a6: {  	[sflag:s0] =	ssyncset.done @!p0 $0x0  }
0x1a7: {  	[sflag:s0] =	ssyncadd.s32 @!p0 $0xFFFFCA00;
	s0 =	simm.s32 $0x0  }
.LBB2_5:
0x1a8: {  	v2 =	vor.u32 s0, v0  }
0x1a9: {  	v1 =	vmul.u32 $0x48, v2  }
0x1aa: {  	v2 =	vshll.u32 v2, $0x3  }
0x1ab: {  	v3 =	vadd.s32 $0x40, v1;
	_ =	sdelay $0x3  }
0x1ac: {  	v5 =	vld.idx.msk [tilespmem:v2+s20+$0x0], $0xffff  }
0x1ad: {  	v4 =	vld.idx.msk [tilespmem:v3+s18+$0x0], $0xffff;
	_ =	sdelay $0x4  }
0x1ae: {  	v4 =	vadd.f32 v5, v4;
	_ =	sdelay $0x1  }
0x1af: {  	v5 =	vmul.f32 $2.000000030e-01, v4;
	_ =	sdelay $0x1  }
0x1b0: {  	v4 =	vmax.f32 v4, v5  }
0x1b1: {  	v4 =	vmul.f32 $1.442695020e+00, v4;
	_ =	sdelay $0x1  }
0x1b2: {  	(erf) = vpow2.f32 v4;
	_ =	sdelay $0x5  }
0x1b3: {  	v45 =	vadd.s32 $0x41, v1  }
0x1b4: {  	v46 =	vor.u32 $0x1, v2;
	_ =	sdelay $0x1  }
0x1b5: {  	v8 =	vpop (erf)  }
0x1b6: {  	[tilespmem:v3+s26+$0x0] =	vst.idx.msk $0xffff, v8  }
0x1b7: {  	v3 =	vld.idx.msk [tilespmem:v45+s18+$0x0], $0xffff  }
0x1b8: {  	v5 =	vld.idx.msk [tilespmem:v46+s20+$0x0], $0xffff;
	_ =	sdelay $0x4  }
0x1b9: {  	v3 =	vadd.f32 v5, v3;
	_ =	sdelay $0x1  }
0x1ba: {  	v5 =	vmul.f32 $2.000000030e-01, v3;
	_ =	sdelay $0x1  }
0x1bb: {  	v3 =	vmax.f32 v3, v5  }
0x1bc: {  	v3 =	vmul.f32 $1.442695020e+00, v3;
	_ =	sdelay $0x1  }
0x1bd: {  	(erf) = vpow2.f32 v3;
	_ =	sdelay $0x5  }
0x1be: {  	v3 =	vadd.s32 $0x42, v1  }
0x1bf: {  	v47 =	vor.u32 $0x2, v2;
	_ =	sdelay $0x1  }
0x1c0: {  	v9 =	vpop (erf)  }
0x1c1: {  	[tilespmem:v45+s26+$0x0] =	vst.idx.msk $0xffff, v9  }
0x1c2: {  	v4 =	vld.idx.msk [tilespmem:v3+s18+$0x0], $0xffff  }
0x1c3: {  	v5 =	vld.idx.msk [tilespmem:v47+s20+$0x0], $0xffff;
	_ =	sdelay $0x4  }
0x1c4: {  	v4 =	vadd.f32 v5, v4;
	_ =	sdelay $0x1  }
0x1c5: {  	v5 =	vmul.f32 $2.000000030e-01, v4;
	_ =	sdelay $0x1  }
0x1c6: {  	v4 =	vmax.f32 v4, v5  }
0x1c7: {  	v4 =	vmul.f32 $1.442695020e+00, v4;
	_ =	sdelay $0x1  }
0x1c8: {  	(erf) = vpow2.f32 v4;
	_ =	sdelay $0x5  }
0x1c9: {  	v48 =	vadd.s32 $0x43, v1  }
0x1ca: {  	v49 =	vor.u32 $0x3, v2;
	_ =	sdelay $0x1  }
0x1cb: {  	v7 =	vpop (erf)  }
0x1cc: {  	[tilespmem:v3+s26+$0x0] =	vst.idx.msk $0xffff, v7  }
0x1cd: {  	v3 =	vld.idx.msk [tilespmem:v48+s18+$0x0], $0xffff  }
0x1ce: {  	v5 =	vld.idx.msk [tilespmem:v49+s20+$0x0], $0xffff;
	_ =	sdelay $0x4  }
0x1cf: {  	v3 =	vadd.f32 v5, v3;
	_ =	sdelay $0x1  }
0x1d0: {  	v5 =	vmul.f32 $2.000000030e-01, v3;
	_ =	sdelay $0x1  }
0x1d1: {  	v3 =	vmax.f32 v3, v5  }
0x1d2: {  	v3 =	vmul.f32 $1.442695020e+00, v3;
	_ =	sdelay $0x1  }
0x1d3: {  	(erf) = vpow2.f32 v3;
	_ =	sdelay $0x5  }
0x1d4: {  	v3 =	vadd.s32 $0x44, v1  }
0x1d5: {  	v50 =	vor.u32 $0x4, v2;
	_ =	sdelay $0x1  }
0x1d6: {  	v6 =	vpop (erf)  }
0x1d7: {  	[tilespmem:v48+s26+$0x0] =	vst.idx.msk $0xffff, v6  }
0x1d8: {  	v4 =	vld.idx.msk [tilespmem:v3+s18+$0x0], $0xffff  }
0x1d9: {  	v5 =	vld.idx.msk [tilespmem:v50+s20+$0x0], $0xffff;
	_ =	sdelay $0x4  }
0x1da: {  	v4 =	vadd.f32 v5, v4;
	_ =	sdelay $0x1  }
0x1db: {  	v5 =	vmul.f32 $2.000000030e-01, v4;
	_ =	sdelay $0x1  }
0x1dc: {  	v4 =	vmax.f32 v4, v5  }
0x1dd: {  	v4 =	vmul.f32 $1.442695020e+00, v4;
	_ =	sdelay $0x1  }
0x1de: {  	(erf) = vpow2.f32 v4;
	_ =	sdelay $0x5  }
0x1df: {  	v10 =	vadd.s32 $0x45, v1  }
0x1e0: {  	v51 =	vor.u32 $0x5, v2;
	_ =	sdelay $0x1  }
0x1e1: {  	v52 =	vpop (erf)  }
0x1e2: {  	[tilespmem:v3+s26+$0x0] =	vst.idx.msk $0xffff, v52  }
0x1e3: {  	v3 =	vld.idx.msk [tilespmem:v10+s18+$0x0], $0xffff  }
0x1e4: {  	v4 =	vld.idx.msk [tilespmem:v51+s20+$0x0], $0xffff;
	_ =	sdelay $0x4  }
0x1e5: {  	v3 =	vadd.f32 v4, v3;
	_ =	sdelay $0x1  }
0x1e6: {  	v4 =	vmul.f32 $2.000000030e-01, v3;
	_ =	sdelay $0x1  }
0x1e7: {  	v3 =	vmax.f32 v3, v4  }
0x1e8: {  	v3 =	vmul.f32 $1.442695020e+00, v3;
	_ =	sdelay $0x1  }
0x1e9: {  	(erf) = vpow2.f32 v3;
	_ =	sdelay $0x5  }
0x1ea: {  	v11 =	vadd.s32 $0x46, v1  }
0x1eb: {  	v3 =	vor.u32 $0x6, v2;
	_ =	sdelay $0x1  }
0x1ec: {  	v53 =	vpop (erf)  }
0x1ed: {  	[tilespmem:v10+s26+$0x0] =	vst.idx.msk $0xffff, v53  }
0x1ee: {  	v10 =	vld.idx.msk [tilespmem:v11+s18+$0x0], $0xffff  }
0x1ef: {  	v3 =	vld.idx.msk [tilespmem:v3+s20+$0x0], $0xffff;
	_ =	sdelay $0x4  }
0x1f0: {  	v3 =	vadd.f32 v3, v10;
	_ =	sdelay $0x1  }
0x1f1: {  	v10 =	vmul.f32 $2.000000030e-01, v3;
	_ =	sdelay $0x1  }
0x1f2: {  	v3 =	vmax.f32 v3, v10  }
0x1f3: {  	v3 =	vmul.f32 $1.442695020e+00, v3;
	_ =	sdelay $0x1  }
0x1f4: {  	(erf) = vpow2.f32 v3;
	_ =	sdelay $0x5  }
0x1f5: {  	v54 =	vadd.s32 $0x47, v1  }
0x1f6: {  	v2 =	vor.u32 $0x7, v2;
	_ =	sdelay $0x1  }
0x1f7: {  	v3 =	vpop (erf)  }
0x1f8: {  	[tilespmem:v11+s26+$0x0] =	vst.idx.msk $0xffff, v3  }
0x1f9: {  	v11 =	vld.idx.msk [tilespmem:v54+s18+$0x0], $0xffff  }
0x1fa: {  	v2 =	vld.idx.msk [tilespmem:v2+s20+$0x0], $0xffff;
	_ =	sdelay $0x4  }
0x1fb: {  	v2 =	vadd.f32 v2, v11;
	_ =	sdelay $0x1  }
0x1fc: {  	v11 =	vmul.f32 $2.000000030e-01, v2;
	_ =	sdelay $0x1  }
0x1fd: {  	v2 =	vmax.f32 v2, v11  }
0x1fe: {  	v2 =	vmul.f32 $1.442695020e+00, v2;
	_ =	sdelay $0x1  }
0x1ff: {  	(erf) = vpow2.f32 v2;
	_ =	sdelay $0x8  }
0x200: {  	v2 =	vpop (erf)  }
0x201: {  	[tilespmem:v54+s26+$0x0] =	vst.idx.msk $0xffff, v2  }
0x202: {  	v10 =	vld.idx.msk [tilespmem:v1+s18+$0x0], $0xffff;
	_ =	sdelay $0x2  }
0x203: {  	v55 =	vor.u32 $0x1, v1;
	_ =	sdelay $0x1  }
0x204: {  	v10 =	vmul.f32 v10, v8;
	_ =	sdelay $0x1  }
0x205: {  	[tilespmem:v1+s26+$0x0] =	vst.idx.msk $0xffff, v10  }
0x206: {  	v10 =	vld.idx.msk [tilespmem:v55+s18+$0x0], $0xffff;
	_ =	sdelay $0x2  }
0x207: {  	v12 =	vor.u32 $0x2, v1;
	_ =	sdelay $0x1  }
0x208: {  	v10 =	vmul.f32 v10, v8;
	_ =	sdelay $0x1  }
0x209: {  	[tilespmem:v55+s26+$0x0] =	vst.idx.msk $0xffff, v10  }
0x20a: {  	v10 =	vld.idx.msk [tilespmem:v12+s18+$0x0], $0xffff;
	_ =	sdelay $0x2  }
0x20b: {  	v56 =	vor.u32 $0x3, v1;
	_ =	sdelay $0x1  }
0x20c: {  	v10 =	vmul.f32 v10, v8;
	_ =	sdelay $0x1  }
0x20d: {  	[tilespmem:v12+s26+$0x0] =	vst.idx.msk $0xffff, v10  }
0x20e: {  	v10 =	vld.idx.msk [tilespmem:v56+s18+$0x0], $0xffff;
	_ =	sdelay $0x2  }
0x20f: {  	v57 =	vor.u32 $0x4, v1;
	_ =	sdelay $0x1  }
0x210: {  	v10 =	vmul.f32 v10, v8;
	_ =	sdelay $0x1  }
0x211: {  	[tilespmem:v56+s26+$0x0] =	vst.idx.msk $0xffff, v10  }
0x212: {  	v10 =	vld.idx.msk [tilespmem:v57+s18+$0x0], $0xffff;
	_ =	sdelay $0x2  }
0x213: {  	v58 =	vor.u32 $0x5, v1;
	_ =	sdelay $0x1  }
0x214: {  	v10 =	vmul.f32 v10, v8;
	_ =	sdelay $0x1  }
0x215: {  	[tilespmem:v57+s26+$0x0] =	vst.idx.msk $0xffff, v10  }
0x216: {  	v10 =	vld.idx.msk [tilespmem:v58+s18+$0x0], $0xffff;
	_ =	sdelay $0x2  }
0x217: {  	v59 =	vor.u32 $0x6, v1;
	_ =	sdelay $0x1  }
0x218: {  	v10 =	vmul.f32 v10, v8;
	_ =	sdelay $0x1  }
0x219: {  	[tilespmem:v58+s26+$0x0] =	vst.idx.msk $0xffff, v10  }
0x21a: {  	v10 =	vld.idx.msk [tilespmem:v59+s18+$0x0], $0xffff;
	_ =	sdelay $0x2  }
0x21b: {  	v60 =	vor.u32 $0x7, v1;
	_ =	sdelay $0x1  }
0x21c: {  	v10 =	vmul.f32 v10, v8;
	_ =	sdelay $0x1  }
0x21d: {  	[tilespmem:v59+s26+$0x0] =	vst.idx.msk $0xffff, v10  }
0x21e: {  	v10 =	vld.idx.msk [tilespmem:v60+s18+$0x0], $0xffff;
	_ =	sdelay $0x2  }
0x21f: {  	v61 =	vadd.s32 $0x8, v1;
	_ =	sdelay $0x1  }
0x220: {  	v8 =	vmul.f32 v10, v8;
	_ =	sdelay $0x1  }
0x221: {  	[tilespmem:v60+s26+$0x0] =	vst.idx.msk $0xffff, v8  }
0x222: {  	v8 =	vld.idx.msk [tilespmem:v61+s18+$0x0], $0xffff;
	_ =	sdelay $0x2  }
0x223: {  	v62 =	vadd.s32 $0x9, v1;
	_ =	sdelay $0x1  }
0x224: {  	v8 =	vmul.f32 v8, v9;
	_ =	sdelay $0x1  }
0x225: {  	[tilespmem:v61+s26+$0x0] =	vst.idx.msk $0xffff, v8  }
0x226: {  	v8 =	vld.idx.msk [tilespmem:v62+s18+$0x0], $0xffff;
	_ =	sdelay $0x2  }
0x227: {  	v63 =	vadd.s32 $0xA, v1;
	_ =	sdelay $0x1  }
0x228: {  	v8 =	vmul.f32 v8, v9;
	_ =	sdelay $0x1  }
0x229: {  	[tilespmem:v62+s26+$0x0] =	vst.idx.msk $0xffff, v8  }
0x22a: {  	v8 =	vld.idx.msk [tilespmem:v63+s18+$0x0], $0xffff;
	_ =	sdelay $0x2  }
0x22b: {  	v12 =	vadd.s32 $0xB, v1;
	_ =	sdelay $0x1  }
0x22c: {  	v8 =	vmul.f32 v8, v9;
	_ =	sdelay $0x1  }
0x22d: {  	[tilespmem:v63+s26+$0x0] =	vst.idx.msk $0xffff, v8  }
0x22e: {  	v8 =	vld.idx.msk [tilespmem:v12+s18+$0x0], $0xffff;
	_ =	sdelay $0x2  }
0x22f: {  	v13 =	vadd.s32 $0xC, v1;
	_ =	sdelay $0x1  }
0x230: {  	v8 =	vmul.f32 v8, v9;
	_ =	sdelay $0x1  }
0x231: {  	[tilespmem:v12+s26+$0x0] =	vst.idx.msk $0xffff, v8  }
0x232: {  	v8 =	vld.idx.msk [tilespmem:v13+s18+$0x0], $0xffff;
	_ =	sdelay $0x2  }
0x233: {  	v14 =	vadd.s32 $0xD, v1;
	_ =	sdelay $0x1  }
0x234: {  	v8 =	vmul.f32 v8, v9;
	_ =	sdelay $0x1  }
0x235: {  	[tilespmem:v13+s26+$0x0] =	vst.idx.msk $0xffff, v8  }
0x236: {  	v8 =	vld.idx.msk [tilespmem:v14+s18+$0x0], $0xffff;
	_ =	sdelay $0x2  }
0x237: {  	v15 =	vadd.s32 $0xE, v1;
	_ =	sdelay $0x1  }
0x238: {  	v8 =	vmul.f32 v8, v9;
	_ =	sdelay $0x1  }
0x239: {  	[tilespmem:v14+s26+$0x0] =	vst.idx.msk $0xffff, v8  }
0x23a: {  	v8 =	vld.idx.msk [tilespmem:v15+s18+$0x0], $0xffff;
	_ =	sdelay $0x2  }
0x23b: {  	v16 =	vadd.s32 $0xF, v1;
	_ =	sdelay $0x1  }
0x23c: {  	v8 =	vmul.f32 v8, v9;
	_ =	sdelay $0x1  }
0x23d: {  	[tilespmem:v15+s26+$0x0] =	vst.idx.msk $0xffff, v8  }
0x23e: {  	v8 =	vld.idx.msk [tilespmem:v16+s18+$0x0], $0xffff;
	_ =	sdelay $0x2  }
0x23f: {  	v17 =	vadd.s32 $0x10, v1;
	_ =	sdelay $0x1  }
0x240: {  	v8 =	vmul.f32 v8, v9;
	_ =	sdelay $0x1  }
0x241: {  	[tilespmem:v16+s26+$0x0] =	vst.idx.msk $0xffff, v8  }
0x242: {  	v8 =	vld.idx.msk [tilespmem:v17+s18+$0x0], $0xffff;
	_ =	sdelay $0x2  }
0x243: {  	v18 =	vadd.s32 $0x11, v1;
	_ =	sdelay $0x1  }
0x244: {  	v8 =	vmul.f32 v8, v7;
	_ =	sdelay $0x1  }
0x245: {  	[tilespmem:v17+s26+$0x0] =	vst.idx.msk $0xffff, v8  }
0x246: {  	v8 =	vld.idx.msk [tilespmem:v18+s18+$0x0], $0xffff;
	_ =	sdelay $0x2  }
0x247: {  	v19 =	vadd.s32 $0x12, v1;
	_ =	sdelay $0x1  }
0x248: {  	v8 =	vmul.f32 v8, v7;
	_ =	sdelay $0x1  }
0x249: {  	[tilespmem:v18+s26+$0x0] =	vst.idx.msk $0xffff, v8  }
0x24a: {  	v8 =	vld.idx.msk [tilespmem:v19+s18+$0x0], $0xffff;
	_ =	sdelay $0x2  }
0x24b: {  	v20 =	vadd.s32 $0x13, v1;
	_ =	sdelay $0x1  }
0x24c: {  	v8 =	vmul.f32 v8, v7;
	_ =	sdelay $0x1  }
0x24d: {  	[tilespmem:v19+s26+$0x0] =	vst.idx.msk $0xffff, v8  }
0x24e: {  	v8 =	vld.idx.msk [tilespmem:v20+s18+$0x0], $0xffff;
	_ =	sdelay $0x2  }
0x24f: {  	v21 =	vadd.s32 $0x14, v1;
	_ =	sdelay $0x1  }
0x250: {  	v8 =	vmul.f32 v8, v7;
	_ =	sdelay $0x1  }
0x251: {  	[tilespmem:v20+s26+$0x0] =	vst.idx.msk $0xffff, v8  }
0x252: {  	v8 =	vld.idx.msk [tilespmem:v21+s18+$0x0], $0xffff;
	_ =	sdelay $0x2  }
0x253: {  	v22 =	vadd.s32 $0x15, v1;
	_ =	sdelay $0x1  }
0x254: {  	v8 =	vmul.f32 v8, v7;
	_ =	sdelay $0x1  }
0x255: {  	[tilespmem:v21+s26+$0x0] =	vst.idx.msk $0xffff, v8  }
0x256: {  	v8 =	vld.idx.msk [tilespmem:v22+s18+$0x0], $0xffff;
	_ =	sdelay $0x2  }
0x257: {  	v23 =	vadd.s32 $0x16, v1;
	_ =	sdelay $0x1  }
0x258: {  	v8 =	vmul.f32 v8, v7;
	_ =	sdelay $0x1  }
0x259: {  	[tilespmem:v22+s26+$0x0] =	vst.idx.msk $0xffff, v8  }
0x25a: {  	v8 =	vld.idx.msk [tilespmem:v23+s18+$0x0], $0xffff;
	_ =	sdelay $0x2  }
0x25b: {  	v24 =	vadd.s32 $0x17, v1;
	_ =	sdelay $0x1  }
0x25c: {  	v8 =	vmul.f32 v8, v7;
	_ =	sdelay $0x1  }
0x25d: {  	[tilespmem:v23+s26+$0x0] =	vst.idx.msk $0xffff, v8  }
0x25e: {  	v8 =	vld.idx.msk [tilespmem:v24+s18+$0x0], $0xffff;
	_ =	sdelay $0x2  }
0x25f: {  	v25 =	vadd.s32 $0x18, v1;
	_ =	sdelay $0x1  }
0x260: {  	v7 =	vmul.f32 v8, v7;
	_ =	sdelay $0x1  }
0x261: {  	[tilespmem:v24+s26+$0x0] =	vst.idx.msk $0xffff, v7  }
0x262: {  	v7 =	vld.idx.msk [tilespmem:v25+s18+$0x0], $0xffff;
	_ =	sdelay $0x2  }
0x263: {  	v26 =	vadd.s32 $0x19, v1;
	_ =	sdelay $0x1  }
0x264: {  	v7 =	vmul.f32 v7, v6;
	_ =	sdelay $0x1  }
0x265: {  	[tilespmem:v25+s26+$0x0] =	vst.idx.msk $0xffff, v7  }
0x266: {  	v7 =	vld.idx.msk [tilespmem:v26+s18+$0x0], $0xffff;
	_ =	sdelay $0x2  }
0x267: {  	v27 =	vadd.s32 $0x1A, v1;
	_ =	sdelay $0x1  }
0x268: {  	v7 =	vmul.f32 v7, v6;
	_ =	sdelay $0x1  }
0x269: {  	[tilespmem:v26+s26+$0x0] =	vst.idx.msk $0xffff, v7  }
0x26a: {  	v7 =	vld.idx.msk [tilespmem:v27+s18+$0x0], $0xffff;
	_ =	sdelay $0x2  }
0x26b: {  	v28 =	vadd.s32 $0x1B, v1;
	_ =	sdelay $0x1  }
0x26c: {  	v7 =	vmul.f32 v7, v6;
	_ =	sdelay $0x1  }
0x26d: {  	[tilespmem:v27+s26+$0x0] =	vst.idx.msk $0xffff, v7  }
0x26e: {  	v7 =	vld.idx.msk [tilespmem:v28+s18+$0x0], $0xffff;
	_ =	sdelay $0x2  }
0x26f: {  	v29 =	vadd.s32 $0x1C, v1;
	_ =	sdelay $0x1  }
0x270: {  	v7 =	vmul.f32 v7, v6;
	_ =	sdelay $0x1  }
0x271: {  	[tilespmem:v28+s26+$0x0] =	vst.idx.msk $0xffff, v7  }
0x272: {  	v7 =	vld.idx.msk [tilespmem:v29+s18+$0x0], $0xffff;
	_ =	sdelay $0x2  }
0x273: {  	v30 =	vadd.s32 $0x1D, v1;
	_ =	sdelay $0x1  }
0x274: {  	v7 =	vmul.f32 v7, v6;
	_ =	sdelay $0x1  }
0x275: {  	[tilespmem:v29+s26+$0x0] =	vst.idx.msk $0xffff, v7  }
0x276: {  	v7 =	vld.idx.msk [tilespmem:v30+s18+$0x0], $0xffff;
	_ =	sdelay $0x2  }
0x277: {  	v31 =	vadd.s32 $0x1E, v1;
	_ =	sdelay $0x1  }
0x278: {  	v7 =	vmul.f32 v7, v6;
	_ =	sdelay $0x1  }
0x279: {  	[tilespmem:v30+s26+$0x0] =	vst.idx.msk $0xffff, v7  }
0x27a: {  	v7 =	vld.idx.msk [tilespmem:v31+s18+$0x0], $0xffff;
	_ =	sdelay $0x2  }
0x27b: {  	v32 =	vadd.s32 $0x1F, v1;
	_ =	sdelay $0x1  }
0x27c: {  	v7 =	vmul.f32 v7, v6;
	_ =	sdelay $0x1  }
0x27d: {  	[tilespmem:v31+s26+$0x0] =	vst.idx.msk $0xffff, v7  }
0x27e: {  	v7 =	vld.idx.msk [tilespmem:v32+s18+$0x0], $0xffff;
	_ =	sdelay $0x2  }
0x27f: {  	v33 =	vadd.s32 $0x20, v1;
	_ =	sdelay $0x1  }
0x280: {  	v6 =	vmul.f32 v7, v6;
	_ =	sdelay $0x1  }
0x281: {  	[tilespmem:v32+s26+$0x0] =	vst.idx.msk $0xffff, v6  }
0x282: {  	v6 =	vld.idx.msk [tilespmem:v33+s18+$0x0], $0xffff;
	_ =	sdelay $0x2  }
0x283: {  	v34 =	vadd.s32 $0x21, v1;
	_ =	sdelay $0x1  }
0x284: {  	v6 =	vmul.f32 v6, v52;
	_ =	sdelay $0x1  }
0x285: {  	[tilespmem:v33+s26+$0x0] =	vst.idx.msk $0xffff, v6  }
0x286: {  	v6 =	vld.idx.msk [tilespmem:v34+s18+$0x0], $0xffff;
	_ =	sdelay $0x2  }
0x287: {  	v35 =	vadd.s32 $0x22, v1;
	_ =	sdelay $0x1  }
0x288: {  	v6 =	vmul.f32 v6, v52;
	_ =	sdelay $0x1  }
0x289: {  	[tilespmem:v34+s26+$0x0] =	vst.idx.msk $0xffff, v6  }
0x28a: {  	v6 =	vld.idx.msk [tilespmem:v35+s18+$0x0], $0xffff;
	_ =	sdelay $0x2  }
0x28b: {  	v36 =	vadd.s32 $0x23, v1;
	_ =	sdelay $0x1  }
0x28c: {  	v6 =	vmul.f32 v6, v52;
	_ =	sdelay $0x1  }
0x28d: {  	[tilespmem:v35+s26+$0x0] =	vst.idx.msk $0xffff, v6  }
0x28e: {  	v6 =	vld.idx.msk [tilespmem:v36+s18+$0x0], $0xffff;
	_ =	sdelay $0x2  }
0x28f: {  	v37 =	vadd.s32 $0x24, v1;
	_ =	sdelay $0x1  }
0x290: {  	v6 =	vmul.f32 v6, v52;
	_ =	sdelay $0x1  }
0x291: {  	[tilespmem:v36+s26+$0x0] =	vst.idx.msk $0xffff, v6  }
0x292: {  	v6 =	vld.idx.msk [tilespmem:v37+s18+$0x0], $0xffff;
	_ =	sdelay $0x2  }
0x293: {  	v38 =	vadd.s32 $0x25, v1;
	_ =	sdelay $0x1  }
0x294: {  	v6 =	vmul.f32 v6, v52;
	_ =	sdelay $0x1  }
0x295: {  	[tilespmem:v37+s26+$0x0] =	vst.idx.msk $0xffff, v6  }
0x296: {  	v6 =	vld.idx.msk [tilespmem:v38+s18+$0x0], $0xffff;
	_ =	sdelay $0x2  }
0x297: {  	v39 =	vadd.s32 $0x26, v1;
	_ =	sdelay $0x1  }
0x298: {  	v6 =	vmul.f32 v6, v52;
	_ =	sdelay $0x1  }
0x299: {  	[tilespmem:v38+s26+$0x0] =	vst.idx.msk $0xffff, v6  }
0x29a: {  	v6 =	vld.idx.msk [tilespmem:v39+s18+$0x0], $0xffff;
	_ =	sdelay $0x2  }
0x29b: {  	v40 =	vadd.s32 $0x27, v1;
	_ =	sdelay $0x1  }
0x29c: {  	v6 =	vmul.f32 v6, v52;
	_ =	sdelay $0x1  }
0x29d: {  	[tilespmem:v39+s26+$0x0] =	vst.idx.msk $0xffff, v6  }
0x29e: {  	v6 =	vld.idx.msk [tilespmem:v40+s18+$0x0], $0xffff;
	_ =	sdelay $0x2  }
0x29f: {  	v41 =	vadd.s32 $0x28, v1;
	_ =	sdelay $0x1  }
0x2a0: {  	v5 =	vmul.f32 v6, v52;
	_ =	sdelay $0x1  }
0x2a1: {  	[tilespmem:v40+s26+$0x0] =	vst.idx.msk $0xffff, v5  }
0x2a2: {  	v5 =	vld.idx.msk [tilespmem:v41+s18+$0x0], $0xffff;
	_ =	sdelay $0x2  }
0x2a3: {  	v42 =	vadd.s32 $0x29, v1;
	_ =	sdelay $0x1  }
0x2a4: {  	v5 =	vmul.f32 v5, v53;
	_ =	sdelay $0x1  }
0x2a5: {  	[tilespmem:v41+s26+$0x0] =	vst.idx.msk $0xffff, v5  }
0x2a6: {  	v5 =	vld.idx.msk [tilespmem:v42+s18+$0x0], $0xffff;
	_ =	sdelay $0x2  }
0x2a7: {  	v43 =	vadd.s32 $0x2A, v1;
	_ =	sdelay $0x1  }
0x2a8: {  	v5 =	vmul.f32 v5, v53;
	_ =	sdelay $0x1  }
0x2a9: {  	[tilespmem:v42+s26+$0x0] =	vst.idx.msk $0xffff, v5  }
0x2aa: {  	v5 =	vld.idx.msk [tilespmem:v43+s18+$0x0], $0xffff;
	_ =	sdelay $0x2  }
0x2ab: {  	v44 =	vadd.s32 $0x2B, v1;
	_ =	sdelay $0x1  }
0x2ac: {  	v5 =	vmul.f32 v5, v53;
	_ =	sdelay $0x1  }
0x2ad: {  	[tilespmem:v43+s26+$0x0] =	vst.idx.msk $0xffff, v5  }
0x2ae: {  	v5 =	vld.idx.msk [tilespmem:v44+s18+$0x0], $0xffff;
	_ =	sdelay $0x2  }
0x2af: {  	v45 =	vadd.s32 $0x2C, v1;
	_ =	sdelay $0x1  }
0x2b0: {  	v5 =	vmul.f32 v5, v53;
	_ =	sdelay $0x1  }
0x2b1: {  	[tilespmem:v44+s26+$0x0] =	vst.idx.msk $0xffff, v5  }
0x2b2: {  	v5 =	vld.idx.msk [tilespmem:v45+s18+$0x0], $0xffff;
	_ =	sdelay $0x2  }
0x2b3: {  	v46 =	vadd.s32 $0x2D, v1;
	_ =	sdelay $0x1  }
0x2b4: {  	v5 =	vmul.f32 v5, v53;
	_ =	sdelay $0x1  }
0x2b5: {  	[tilespmem:v45+s26+$0x0] =	vst.idx.msk $0xffff, v5  }
0x2b6: {  	v5 =	vld.idx.msk [tilespmem:v46+s18+$0x0], $0xffff;
	_ =	sdelay $0x2  }
0x2b7: {  	v47 =	vadd.s32 $0x2E, v1;
	_ =	sdelay $0x1  }
0x2b8: {  	v5 =	vmul.f32 v5, v53;
	_ =	sdelay $0x1  }
0x2b9: {  	[tilespmem:v46+s26+$0x0] =	vst.idx.msk $0xffff, v5  }
0x2ba: {  	v5 =	vld.idx.msk [tilespmem:v47+s18+$0x0], $0xffff;
	_ =	sdelay $0x2  }
0x2bb: {  	v48 =	vadd.s32 $0x2F, v1;
	_ =	sdelay $0x1  }
0x2bc: {  	v5 =	vmul.f32 v5, v53;
	_ =	sdelay $0x1  }
0x2bd: {  	[tilespmem:v47+s26+$0x0] =	vst.idx.msk $0xffff, v5  }
0x2be: {  	v5 =	vld.idx.msk [tilespmem:v48+s18+$0x0], $0xffff;
	_ =	sdelay $0x2  }
0x2bf: {  	v49 =	vadd.s32 $0x30, v1;
	_ =	sdelay $0x1  }
0x2c0: {  	v4 =	vmul.f32 v5, v53;
	_ =	sdelay $0x1  }
0x2c1: {  	[tilespmem:v48+s26+$0x0] =	vst.idx.msk $0xffff, v4  }
0x2c2: {  	v4 =	vld.idx.msk [tilespmem:v49+s18+$0x0], $0xffff;
	_ =	sdelay $0x2  }
0x2c3: {  	v50 =	vadd.s32 $0x31, v1;
	_ =	sdelay $0x1  }
0x2c4: {  	v4 =	vmul.f32 v4, v3;
	_ =	sdelay $0x1  }
0x2c5: {  	[tilespmem:v49+s26+$0x0] =	vst.idx.msk $0xffff, v4  }
0x2c6: {  	v4 =	vld.idx.msk [tilespmem:v50+s18+$0x0], $0xffff;
	_ =	sdelay $0x2  }
0x2c7: {  	v51 =	vadd.s32 $0x32, v1;
	_ =	sdelay $0x1  }
0x2c8: {  	v4 =	vmul.f32 v4, v3;
	_ =	sdelay $0x1  }
0x2c9: {  	[tilespmem:v50+s26+$0x0] =	vst.idx.msk $0xffff, v4  }
0x2ca: {  	v4 =	vld.idx.msk [tilespmem:v51+s18+$0x0], $0xffff;
	_ =	sdelay $0x2  }
0x2cb: {  	v52 =	vadd.s32 $0x33, v1;
	_ =	sdelay $0x1  }
0x2cc: {  	v4 =	vmul.f32 v4, v3;
	_ =	sdelay $0x1  }
0x2cd: {  	[tilespmem:v51+s26+$0x0] =	vst.idx.msk $0xffff, v4  }
0x2ce: {  	v4 =	vld.idx.msk [tilespmem:v52+s18+$0x0], $0xffff;
	_ =	sdelay $0x2  }
0x2cf: {  	v53 =	vadd.s32 $0x34, v1;
	_ =	sdelay $0x1  }
0x2d0: {  	v4 =	vmul.f32 v4, v3;
	_ =	sdelay $0x1  }
0x2d1: {  	[tilespmem:v52+s26+$0x0] =	vst.idx.msk $0xffff, v4  }
0x2d2: {  	v4 =	vld.idx.msk [tilespmem:v53+s18+$0x0], $0xffff;
	_ =	sdelay $0x2  }
0x2d3: {  	v54 =	vadd.s32 $0x35, v1;
	_ =	sdelay $0x1  }
0x2d4: {  	v4 =	vmul.f32 v4, v3;
	_ =	sdelay $0x1  }
0x2d5: {  	[tilespmem:v53+s26+$0x0] =	vst.idx.msk $0xffff, v4  }
0x2d6: {  	v4 =	vld.idx.msk [tilespmem:v54+s18+$0x0], $0xffff;
	_ =	sdelay $0x2  }
0x2d7: {  	v55 =	vadd.s32 $0x36, v1;
	_ =	sdelay $0x1  }
0x2d8: {  	v4 =	vmul.f32 v4, v3;
	_ =	sdelay $0x1  }
0x2d9: {  	[tilespmem:v54+s26+$0x0] =	vst.idx.msk $0xffff, v4  }
0x2da: {  	v4 =	vld.idx.msk [tilespmem:v55+s18+$0x0], $0xffff;
	_ =	sdelay $0x2  }
0x2db: {  	v56 =	vadd.s32 $0x37, v1;
	_ =	sdelay $0x1  }
0x2dc: {  	v4 =	vmul.f32 v4, v3;
	_ =	sdelay $0x1  }
0x2dd: {  	[tilespmem:v55+s26+$0x0] =	vst.idx.msk $0xffff, v4  }
0x2de: {  	v4 =	vld.idx.msk [tilespmem:v56+s18+$0x0], $0xffff;
	_ =	sdelay $0x2  }
0x2df: {  	v57 =	vadd.s32 $0x38, v1;
	_ =	sdelay $0x1  }
0x2e0: {  	v3 =	vmul.f32 v4, v3;
	_ =	sdelay $0x1  }
0x2e1: {  	[tilespmem:v56+s26+$0x0] =	vst.idx.msk $0xffff, v3  }
0x2e2: {  	v3 =	vld.idx.msk [tilespmem:v57+s18+$0x0], $0xffff;
	_ =	sdelay $0x2  }
0x2e3: {  	v58 =	vadd.s32 $0x39, v1;
	_ =	sdelay $0x1  }
0x2e4: {  	v3 =	vmul.f32 v3, v2;
	_ =	sdelay $0x1  }
0x2e5: {  	[tilespmem:v57+s26+$0x0] =	vst.idx.msk $0xffff, v3  }
0x2e6: {  	v3 =	vld.idx.msk [tilespmem:v58+s18+$0x0], $0xffff;
	_ =	sdelay $0x2  }
0x2e7: {  	v59 =	vadd.s32 $0x3A, v1;
	_ =	sdelay $0x1  }
0x2e8: {  	v3 =	vmul.f32 v3, v2;
	_ =	sdelay $0x1  }
0x2e9: {  	[tilespmem:v58+s26+$0x0] =	vst.idx.msk $0xffff, v3  }
0x2ea: {  	v3 =	vld.idx.msk [tilespmem:v59+s18+$0x0], $0xffff;
	_ =	sdelay $0x2  }
0x2eb: {  	v60 =	vadd.s32 $0x3B, v1;
	_ =	sdelay $0x1  }
0x2ec: {  	v3 =	vmul.f32 v3, v2;
	_ =	sdelay $0x1  }
0x2ed: {  	[tilespmem:v59+s26+$0x0] =	vst.idx.msk $0xffff, v3  }
0x2ee: {  	v3 =	vld.idx.msk [tilespmem:v60+s18+$0x0], $0xffff;
	_ =	sdelay $0x2  }
0x2ef: {  	v61 =	vadd.s32 $0x3C, v1;
	_ =	sdelay $0x1  }
0x2f0: {  	v3 =	vmul.f32 v3, v2;
	_ =	sdelay $0x1  }
0x2f1: {  	[tilespmem:v60+s26+$0x0] =	vst.idx.msk $0xffff, v3  }
0x2f2: {  	v3 =	vld.idx.msk [tilespmem:v61+s18+$0x0], $0xffff;
	_ =	sdelay $0x2  }
0x2f3: {  	v62 =	vadd.s32 $0x3D, v1;
	_ =	sdelay $0x1  }
0x2f4: {  	v3 =	vmul.f32 v3, v2;
	_ =	sdelay $0x1  }
0x2f5: {  	[tilespmem:v61+s26+$0x0] =	vst.idx.msk $0xffff, v3  }
0x2f6: {  	v3 =	vld.idx.msk [tilespmem:v62+s18+$0x0], $0xffff;
	_ =	sdelay $0x2  }
0x2f7: {  	v63 =	vadd.s32 $0x3E, v1;
	_ =	sdelay $0x1  }
0x2f8: {  	v3 =	vmul.f32 v3, v2;
	_ =	sdelay $0x1  }
0x2f9: {  	[tilespmem:v62+s26+$0x0] =	vst.idx.msk $0xffff, v3  }
0x2fa: {  	v3 =	vld.idx.msk [tilespmem:v63+s18+$0x0], $0xffff;
	_ =	sdelay $0x2  }
0x2fb: {  	v1 =	vadd.s32 $0x3F, v1;
	_ =	sdelay $0x1  }
0x2fc: {  	v3 =	vmul.f32 v3, v2;
	_ =	sdelay $0x1  }
0x2fd: {  	[tilespmem:v63+s26+$0x0] =	vst.idx.msk $0xffff, v3  }
0x2fe: {  	v3 =	vld.idx.msk [tilespmem:v1+s18+$0x0], $0xffff;
	_ =	sdelay $0x1  }
0x2ff: {  	p0 =	sne.s32 s0, $0xB0  }
.Ltmp3:
0x300: {  	_ = 	snop;
	(pc) =	sbr.rel @p0 .LBB2_5-.Ltmp3, $3  }
0x301: {  	_ = 	snop  }
0x302: {  	v2 =	vmul.f32 v3, v2;
	_ =	sdelay $0x1  }
0x303: {  	s0 =	sadd.s32 $0x10, s0;
	[tilespmem:v1+s26+$0x0] =	vst.idx.msk $0xffff, v2  }
.Ltmp4:
0x304: {  	(pc) =	sbr.rel @p1 .LBB2_8-.Ltmp4, $3  }
0x305: {  	_ =	sdelay $0x1  }
0x306: {  	s0 =	sadd.s32 $0x2940, s1  }
0x307: {  	[spmem:s3] =	stream.indirect.scatter.add.f32 [tilespmem:s26], [sflag:$0x6], $0x48, s0, s15, $0xb8;
	[tilespmem:$0x1E900] =	vst v63  }
0x308: {  	s0 =	smul.u32 $0x180, s31  }
.Ltmp5:
0x309: {  	_ = 	snop;
	(pc) =	sbr.rel .LBB2_2-.Ltmp5, $4  }
0x30a: {  	s1 =	sadd.s32 $0x240, s0  }
0x30b: {  	[tilespmem:s18], [sflag:$0x2] =	stream.indirect.gather [hbm4b:s5+s15], $0x48, s1, s15, $0xb8;
	[tilespmem:$0x1E900] =	vst v63  }
0x30c: {  	s31 =	sadd.s32 $0x1, s31;
	s0 =	sadd.s32 $0x2AC0, s0  }
0x30d: {  	[tilespmem:s20], [sflag:$0x4] =	stream.indirect.gather [hbm4b:s2+s15], $0x8, s0, s15, $0xb8;
	[tilespmem:$0x1E900] =	vst v63  }
.LBB2_9:
0x30e: {  	_ =	sfence.sel $0x180000  }
0x30f: {  	[bflag:$0x0] =	sbarrier.arrive $0xFFFF  }
0x310: {  	_ =	strace $0x90000047  }
0x311: {  	s0 =	stileid.u32;
	[bflag:$0x2] =	sbarrier.arrive $0xFFFF  }
0x312: {  	p0 =	sne.s32 s0, $0x0;
	s0 =	rddreg [dreg:$0x3]  }
0x313: {  	s0 =	sadd.s32 @!p0 $0x100000, s0  }
0x314: {  	[sflag:s0] =	ssyncadd.tile.s32 @!p0 $0x1;
	_ =	shalt  }
.Lfunc_end2:
_tile_overlayer_lowered:
.L_overlay_start_2:
0x315: {  	(tag) =	ssettag $0x2  }
0x316: {  	s0 =	rddreg [dreg:$0x0];
	s2 =	stileid.u32  }
0x317: {  	s1 =	rddreg [dreg:$0x1];
	p0 =	sne.s32 s2, $0x0  }
0x318: {  	s3 =	rddreg [dreg:$0x2];
	[bflag:$0x3] =	sbarrier.arrive $0xFFFF;
	s2 =	simm.s32 @!p0 $0x1C07  }
0x319: {  	[timem:s3], [sflag:s2] =	dma.local @!p0 [hbm:s0], s1  }
0x31a: {  	s0 =	simm.s32 @!p0 $0x7  }
0x31b: {  	_ =	swait.ge @!p0 [sflag:s0], s1  }
0x31c: {  	s1 =	ssub.s32 @!p0 $0x0, s1;
	[sflag:s0] =	ssyncset.done @!p0 $0x0  }
0x31d: {  	[sflag:s0] =	ssyncadd.s32 @!p0 s1  }
0x31e: {  	[bflag:$0x3] =	sbarrier.arrive $0xFFFF  }
0x31f: {  	_ =	shalt  }

// kernel: kernel.15.cloned.1.call-start
scs
__scs_entry_jumppad:
0x0: {  	(pc) =	sbr.rel $0x88, $3  }
0x1: {  	(tag) =	ssettag $0x0;
	lr =	simm.s32 $0x1  }
0x2: {  	[smem:$0x3F8F] =	sst lr;
	_ =	strace $0xD0000000  }
0x3: {  	_ = 	snop  }
0x4: {  	_ = 	snop  }
0x5: {  	_ = 	snop  }
0x6: {  	_ = 	snop  }
0x7: {  	_ = 	snop  }
__scs_overlays_trampoline_lowered:
0x8: {  	[smem:$0x3F9E] =	sst s0  }
0x9: {  	[smem:$0x3F9F] =	sst s1  }
0xa: {  	[smem:$0x3FA0] =	sst s2  }
0xb: {  	[smem:$0x3FA1] =	sst s3  }
0xc: {  	[smem:$0x3FA2] =	sst s4  }
0xd: {  	[smem:$0x3FA3] =	sst s5  }
0xe: {  	[smem:$0x3FA4] =	sst s6  }
0xf: {  	[smem:$0x3FA5] =	sst s7  }
0x10: {  	[smem:$0x3FA6] =	sst s8  }
0x11: {  	[smem:$0x3FA7] =	sst s9;
	s0 =	simm.s32 @!p0 $0x0  }
0x12: {  	s1 =	sld [smem:$0x3F8D];
	s0 =	simm.s32 @p0 $0x1  }
0x13: {  	[smem:$0x3FA8] =	sst s0;
	s0 =	simm.s32 @!p1 $0x0  }
0x14: {  	s2 =	sld [smem:$0x3F8C];
	s0 =	simm.s32 @p1 $0x1  }
0x15: {  	[smem:$0x3FA9] =	sst s0;
	s0 =	simm.s32 @!p2 $0x0  }
0x16: {  	s3 =	sld [smem:$0x3FDB];
	s0 =	simm.s32 @p2 $0x1  }
0x17: {  	s4 =	simm.s32 $0x1BF5;
	[smem:$0x3FAB] =	sst s0  }
0x18: {  	s0 =	sld [smem:$0x3F8E];
	_ =	swait.ge [sflag:s4], $0x0  }
0x19: {  	s7 =	sld [smem:$0x3F8F]  }
0x1a: {  	s8 =	sadd.s32 $0xFFFFE003, lr  }
0x1b: {  	s9 =	sadd.s32 $0xFFFFFEF7, lr;
	s5 =	simm.s32 $0xFFFFFFFF;
	p2 =	slt.u32 s8, $0xFFFFF086  }
0x1c: {  	p1 =	slt.u32 s9, $0xF7A;
	s5 =	simm.s32 @!p2 $0x0  }
0x1d: {  	s5 =	simm.s32 @p1 $0x1;
	p0 =	seq.s32 s7, s2  }
0x1e: {  	s7 =	smul.u32 @!p0 $0xF7A, s2;
	p2 =	seq.s32 @!p0 s5, $0x0  }
0x1f: {  	s9 =	smul.u32 $0xF7A, s1;
	s8 =	simm.s32 @!p0 $0x1BF5;
	p2 =	por !p2, p0  }
0x20: {  	[sflag:s8] =	ssyncset.s32 @!p0 $0xFFFFF086;
	s6 =	sadd.s32 @!p0 s3, s7;
	s7 =	simm.s32 @!p0 $0x108  }
0x21: {  	s3 =	sadd.s32 s3, s9;
	s6 =	sadd.s32 @!p0 $0x88, s6;
	s7 =	simm.s32 @p2 $0x1082  }
0x22: {  	[simem:s7], [sflag:s8] =	dma.local @!p0 [hbm:s6], $0xF7A  }
0x23: {  	s9 =	sor.u32 $0xD0000000, s2;
	s6 =	simm.s32 $0x108;
	_ =	swait.ge @!p0 [sflag:s8], $0x0  }
0x24: {  	s3 =	sadd.s32 $0x88, s3;
	s6 =	simm.s32 @!p1 $0x1082;
	[sflag:s4] =	ssyncset.s32 $0xFFFFF086  }
0x25: {  	[simem:s6], [sflag:s4] =	dma.local [hbm:s3], $0xF7A  }
0x26: {  	[smem:$0x3F8F] =	sst s1;
	(tag) =	ssettag s2;
	_ =	strace s9  }
0x27: {  	s1 =	sld [smem:$0x3F9F]  }
0x28: {  	s2 =	sld [smem:$0x3FA0]  }
0x29: {  	s4 =	sld [smem:$0x3FA2]  }
0x2a: {  	p0 =	seq.s32 s5, $0x0;
	s5 =	sld [smem:$0x3FA3]  }
0x2b: {  	s6 =	sld [smem:$0x3FA4]  }
0x2c: {  	s7 =	sld [smem:$0x3FA5]  }
0x2d: {  	s3 =	simm.s32 $0x108;
	s8 =	sld [smem:$0x3FA6]  }
0x2e: {  	s3 =	simm.s32 @!p0 $0x1082;
	s9 =	sld [smem:$0x3FA7]  }
0x2f: {  	lr =	sadd.s32 s0, s3;
	s0 =	sld [smem:$0x3F9E]  }
0x30: {  	s3 =	sld [smem:$0x3FA1]  }
0x31: {  	[smem:$0x3FAA] =	sst s10  }
0x32: {  	s10 =	sld [smem:$0x3FA8];
	_ =	sdelay $0x3  }
0x33: {  	p0 =	seq.s32 s10, $0x1;
	s10 =	sld [smem:$0x3FAA];
	_ =	sdelay $0x3  }
0x34: {  	[smem:$0x3FAA] =	sst s10  }
0x35: {  	s10 =	sld [smem:$0x3FA9];
	_ =	sdelay $0x3  }
0x36: {  	p1 =	seq.s32 s10, $0x1;
	s10 =	sld [smem:$0x3FAA];
	_ =	sdelay $0x3  }
0x37: {  	[smem:$0x3FAA] =	sst s10  }
0x38: {  	s10 =	sld [smem:$0x3FAB]  }
0x39: {  	_ = 	snop;
	(pc) =	sbr.ind lr, $3  }
0x3a: {  	_ = 	snop  }
0x3b: {  	_ = 	snop  }
0x3c: {  	p2 =	seq.s32 s10, $0x1;
	s10 =	sld [smem:$0x3FAA]  }
0x3d: {  	_ =	shalt  }
0x3e: {  	_ =	shalt  }
0x3f: {  	_ =	shalt  }
0x40: {  	_ =	shalt  }
0x41: {  	_ =	shalt  }
0x42: {  	_ =	shalt  }
0x43: {  	_ =	shalt  }
0x44: {  	_ =	shalt  }
0x45: {  	_ =	shalt  }
0x46: {  	_ =	shalt  }
0x47: {  	_ =	shalt  }
0x48: {  	_ =	shalt  }
0x49: {  	_ =	shalt  }
0x4a: {  	_ =	shalt  }
0x4b: {  	_ =	shalt  }
0x4c: {  	_ =	shalt  }
0x4d: {  	_ =	shalt  }
0x4e: {  	_ =	shalt  }
0x4f: {  	_ =	shalt  }
0x50: {  	_ =	shalt  }
0x51: {  	_ =	shalt  }
0x52: {  	_ =	shalt  }
0x53: {  	_ =	shalt  }
0x54: {  	_ =	shalt  }
0x55: {  	_ =	shalt  }
0x56: {  	_ =	shalt  }
0x57: {  	_ =	shalt  }
0x58: {  	_ =	shalt  }
0x59: {  	_ =	shalt  }
0x5a: {  	_ =	shalt  }
0x5b: {  	_ =	shalt  }
0x5c: {  	_ =	shalt  }
0x5d: {  	_ =	shalt  }
0x5e: {  	_ =	shalt  }
0x5f: {  	_ =	shalt  }
0x60: {  	_ =	shalt  }
0x61: {  	_ =	shalt  }
0x62: {  	_ =	shalt  }
0x63: {  	_ =	shalt  }
0x64: {  	_ =	shalt  }
0x65: {  	_ =	shalt  }
0x66: {  	_ =	shalt  }
0x67: {  	_ =	shalt  }
0x68: {  	_ =	shalt  }
0x69: {  	_ =	shalt  }
0x6a: {  	_ =	shalt  }
0x6b: {  	_ =	shalt  }
0x6c: {  	_ =	shalt  }
0x6d: {  	_ =	shalt  }
0x6e: {  	_ =	shalt  }
0x6f: {  	_ =	shalt  }
0x70: {  	_ =	shalt  }
0x71: {  	_ =	shalt  }
0x72: {  	_ =	shalt  }
0x73: {  	_ =	shalt  }
0x74: {  	_ =	shalt  }
0x75: {  	_ =	shalt  }
0x76: {  	_ =	shalt  }
0x77: {  	_ =	shalt  }
0x78: {  	_ =	shalt  }
0x79: {  	_ =	shalt  }
0x7a: {  	_ =	shalt  }
0x7b: {  	_ =	shalt  }
0x7c: {  	_ =	shalt  }
0x7d: {  	_ =	shalt  }
0x7e: {  	_ =	shalt  }
0x7f: {  	_ =	shalt  }
0x80: {  	_ =	shalt  }
0x81: {  	_ =	shalt  }
0x82: {  	_ =	shalt  }
0x83: {  	_ =	shalt  }
0x84: {  	_ =	shalt  }
0x85: {  	_ =	shalt  }
0x86: {  	_ =	shalt  }
0x87: {  	_ =	shalt  }
.Lfunc_end0:
.L_simem_size_0:
called_computation.1_lowered:
.L_overlay_start_0:
0x88: {  	s2 =	sld [smem:$0x3FD9]  }
0x89: {  	s3 =	sld [smem:$0x3FFE];
	_ =	sdelay $0x1  }
0x8a: {  	s1 =	srdreg.scid  }
0x8b: {  	s0 =	sand.u32 $0x1, s1  }
0x8c: {  	s17 =	sshll.u32 s0, $0xA;
	s2 =	sadd.s32 s3, s2  }
0x8d: {  	s2 =	sadd.s32 s2, s17  }
0x8e: {  	[smem:$0x3FB6] =	sst s2  }
0x8f: {  	_ = 	snop  }
0x90: {  	s2 =	sld [smem:$0x3FD0];
	(tm) =	ssettm $0x1  }
0x91: {  	s18 =	sld [smem:$0x3FFB];
	_ =	sdelay $0x3  }
0x92: {  	_ =	strace s18  }
0x93: {  	s3 =	sld [smem:$0x3FFC];
	_ =	sdelay $0x3  }
0x94: {  	_ =	strace s3  }
0x95: {  	s3 =	sld [smem:$0x3FFD];
	_ =	sdelay $0x3  }
0x96: {  	_ =	strace s3  }
0x97: {  	_ =	strace $0x8FFFFFFF  }
0x98: {  	s19 =	sld [smem:$0x3FDB];
	_ =	sdelay $0x1  }
0x99: {  	s4 =	simm.s32 $_scs_section_size  }
0x9a: {  	s5 =	simm.s32 $_size__tile_overlayer_lowered;
	s6 =	simm.s32 $_tile_overlayer_lowered  }
0x9b: {  	s22 =	simm.s32 $0x1BFF;
	s21 =	sshll.u32 s6, $0x1;
	s3 =	sadd.s32 s4, s19  }
0x9c: {  	s7 =	simm.s32 $0x0;
	s20 =	sshll.u32 s5, $0x1;
	s5 =	sadd.s32 s21, s3  }
0x9d: {  	[timem:s7], [sflag:s22] =	dma.local [hbm:s5], s20  }
0x9e: {  	_ =	swait.ge [sflag:s22], s20  }
0x9f: {  	s4 =	ssub.s32 $0x0, s20;
	[sflag:s22] =	ssyncset.done $0x0  }
0xa0: {  	[sflag:s22] =	ssyncadd.s32 s4;
	_ =	sdelay $0x1  }
0xa1: {  	s23 =	simm.s32 $0x1B8B  }
0xa2: {  	_ =	swait.ge [sflag:s23], $0x1  }
0xa3: {  	[sflag:s23] =	ssyncset.done $0x0  }
0xa4: {  	s25 =	simm.s32 $0x1B8E;
	s24 =	sld [smem:$0x3FFE];
	[sflag:s23] =	ssyncadd.s32 $0xFFFFFFFF  }
0xa5: {  	s26 =	simm.s32 $execute0_lowered;
	[smem:$0x3FD2] =	sst s25  }
0xa6: {  	s5 =	sshll.u32 s26, $0x1;
	_ =	strace $0x80000049;
	[dreg:$0x1] =	wrdreg $0xFFFFFFFF  }
0xa7: {  	s28 =	simm.s32 $_size_execute0_lowered;
	s3 =	sadd.s32 s3, s5;
	[dreg:$0x0] =	wrdreg $0x0  }
0xa8: {  	s5 =	sshll.u32 s28, $0x1;
	[dreg:$0x2] =	wrdreg s3  }
0xa9: {  	[dreg:$0x3] =	wrdreg s5  }
0xaa: {  	[dreg:$0x4] =	wrdreg $0xC0  }
0xab: {  	_ =	task [dreg:s7], $0x5FFFF  }
0xac: {  	[dreg:$0x1] =	wrdreg $0xFFFFFFFF  }
0xad: {  	[dreg:$0x0] =	wrdreg $0x60  }
0xae: {  	[dreg:$0x2] =	wrdreg s24  }
0xaf: {  	[dreg:$0x3] =	wrdreg s2  }
0xb0: {  	[dreg:$0x4] =	wrdreg $0x90000  }
0xb1: {  	[dreg:$0x5] =	wrdreg $0x9  }
0xb2: {  	_ =	task.clear_ibuf [dreg:s7], $0x6FFFF;
	_ =	strace $0x90000049  }
0xb3: {  	s29 =	simm.s32 $0x9;
	_ =	strace $0x8000004B  }
0xb4: {  	_ =	swait.ge [sflag:s29], $0x1  }
0xb5: {  	[sflag:s29] =	ssyncadd.s32 $0xFFFFFFFF  }
0xb6: {  	_ =	strace $0x9000004B  }
0xb7: {  	_ =	sfence  }
0xb8: {  	s30 =	sld [smem:$0x0];
	_ =	sdelay $0x2  }
0xb9: {  	s31 =	sshll.u32 s1, $0xD;
	s1 =	sshrl.u32 s1, $0x2  }
0xba: {  	s3 =	sand.u32 $0x4000, s31;
	s1 =	sadd.s32 s1, s30  }
0xbb: {  	s0 =	sor.u32 s3, s0;
	s1 =	sshll.u32 s1, $0x11  }
0xbc: {  	s0 =	sor.u32 s1, s0  }
0xbd: {  	s0 =	sadd.s32 $0x8F2B, s0  }
0xbe: {  	[sflag:s0] =	ssyncadd.remote.s32 $0x1  }
0xbf: {  	_ =	sfence.sel $0xFFFF  }
0xc0: {  	[dreg:$0x0] =	wrdreg $0xFFFFFFFF;
	(pc) =	sbr.abs _section_cstart, $3  }
0xc1: {  	[dreg:$0x1] =	wrdreg $0xFFFFFFFF  }
0xc2: {  	_ =	task.clear_ibuf [dreg:s7], $0x2FFFF;
	_ =	strace $0x9FFFFFFF  }
0xc3: {  	(tm) =	ssettm $0x7FFFFFFF  }
tec
execute0_lowered:
.L_overlay_start_1:
0x0: {  	(tag) =	ssettag $0x1  }
0x1: {  	s0 =	srdreg.scid;
	s1 =	rddreg [dreg:$0x0]  }
0x2: {  	s12 =	stileid.u32;
	s2 =	rddreg [dreg:$0x1];
	s14 =	simm.s32 $0x9  }
0x3: {  	s16 =	simm.s32 $0xC0;
	s17 =	simm.s32 $0x5100;
	s20 =	simm.s32 $0x5D00  }
0x4: {  	s21 =	simm.s32 $0x69C0;
	s28 =	simm.s32 $0x6C00;
	s29 =	simm.s32 $0x2  }
0x5: {  	s30 =	simm.s32 $0x4;
	s31 =	simm.s32 $0x6;
	s18 =	simm.s32 $0x8  }
0x6: {  	s19 =	simm.s32 $0x0;
	s0 =	sand.u32 $0x1, s0;
	s3 =	sshll.u32 s12, $0x1  }
0x7: {  	s8 =	smul.u32 $0x3C00, s12;
	s5 =	sadd.s32 $0x1400, s1;
	s6 =	sadd.s32 $0x6400, s1  }
0x8: {  	s25 =	sshll.u32 s12, $0x6;
	s4 =	sor.u32 s0, s3;
	s9 =	smul.u32 $0x3C000, s0  }
0x9: {  	s3 =	rddreg [dreg:$0x2];
	s0 =	ssub.s32 $0x2, s0;
	s7 =	smul.u32 $0x510, s4  }
0xa: {  	s4 =	simm.s32 $0x0;
	s10 =	sshrl.u32 s8, $0x3;
	s11 =	sshrl.u32 s0, $0x1  }
0xb: {  	s23 =	sadd.s32 s8, s3;
	[smem:$0x7FF] =	sst s4;
	s9 =	sadd.s32 s8, s9  }
0xc: {  	s10 =	sadd.s32 s10, s1;
	s0 =	ssub.s32 s0, s11;
	s8 =	sor.u32 $0x1C09, s25  }
0xd: {  	s13 =	sshrl.u32 s23, $0x3;
	s23 =	simm.s32 $0x6B40;
	s25 =	simm.s32 $0x3  }
0xe: {  	_ =	strace $0x8000004A;
	s7 =	sadd.s32 s7, s1;
	s9 =	sshrl.u32 s9, $0x3  }
.Ltmp0:
0xf: {  	s24 =	sadd.s32 $0x6A00, s10;
	s12 =	smax.u32 s0, $0x1;
	(pc) =	sbr.rel .LBB2_1-.Ltmp0, $4  }
0x10: {  	s0 =	simm.s32 $0x7;
	[dreg:$0x4] =	wrdreg s24;
	s26 =	sadd.s32 $0x21E00, s7  }
0x11: {  	s1 =	sadd.s32 s9, s1;
	s7 =	sadd.s32 $0x17C00, s7;
	[dreg:$0x5] =	wrdreg s26  }
0x12: {  	s24 =	simm.s32 $0x1;
	[dreg:$0x6] =	wrdreg s7;
	s1 =	sadd.s32 $0x2C000, s1  }
0x13: {  	v0 =	vlaneseq.u32;
	s26 =	simm.s32 $0x5;
	[dreg:$0x7] =	wrdreg s1;
	s1 =	simm.s32 $0x7E00  }
.LBB2_8:
0x14: {  	_ =	swait.ge [sflag:s0], $0x1200  }
0x15: {  	[sflag:s0] =	ssyncset.done $0x0  }
0x16: {  	[sflag:s0] =	ssyncadd.s32 $0xFFFFEE00  }
0x17: {  	_ =	swait.ge [sflag:s18], $0x1200  }
0x18: {  	[sflag:s18] =	ssyncset.done $0x0  }
0x19: {  	s19 =	sadd.s32 $0x1, s19;
	[sflag:s18] =	ssyncadd.s32 $0xFFFFEE00  }
0x1a: {  	p0 =	sne.s32 s19, s12;
	[bflag:$0x0] =	sbarrier.arrive $0xFFFF  }
.Ltmp1:
0x1b: {  	s7 =	rddreg [dreg:$0x7];
	(pc) =	sbr.rel @!p0 .LBB2_9-.Ltmp1, $4  }
0x1c: {  	[hbm:s7], [sflag:s8] =	dma.local [spmem:s13], $0x780  }
0x1d: {  	_ =	swait.ge [sflag:s14], $0x780  }
0x1e: {  	[sflag:s14] =	ssyncset.done $0x0  }
0x1f: {  	[sflag:s14] =	ssyncadd.s32 $0xFFFFF880  }
.LBB2_1:
0x20: {  	s7 =	rddreg [dreg:$0x4]  }
0x21: {  	[spmem:s13], [sflag:s8] =	dma.local [hbm:s7], $0x780  }
0x22: {  	_ =	swait.ge [sflag:s14], $0x780  }
0x23: {  	[sflag:s14] =	ssyncset.done $0x0  }
0x24: {  	s9 =	rddreg [dreg:$0x5];
	[sflag:s14] =	ssyncadd.s32 $0xFFFFF880  }
0x25: {  	[tilespmem:s4], [sflag:$0x9] =	stream.linear.gather [hbm4b:s9+s4], $0x2880, $0x38;
	[tilespmem:$0xCC00] =	vst v63  }
0x26: {  	_ =	swait.ge [sflag:s14], $0x2880  }
0x27: {  	[sflag:s14] =	ssyncset.done $0x0  }
0x28: {  	s9 =	simm.s32 $0x2880;
	s10 =	rddreg [dreg:$0x6];
	[sflag:s14] =	ssyncadd.s32 $0xFFFFD780  }
0x29: {  	[tilespmem:s9], [sflag:$0x9] =	stream.linear.gather [hbm4b:s10+s4], $0x2880, $0x38;
	[tilespmem:$0xCC00] =	vst v63  }
0x2a: {  	_ =	swait.ge [sflag:s14], $0x2880  }
0x2b: {  	[sflag:s14] =	ssyncset.done $0x0  }
0x2c: {  	[sflag:s14] =	ssyncadd.s32 $0xFFFFD780  }
0x2d: {  	[bflag:$0x0] =	sbarrier.arrive $0xFFFF  }
0x2e: {  	[tilespmem:s17], [sflag:$0x1] =	stream.indirect.gather [hbm4b:s5+s16], $0x10, s4, s16, $0xb8;
	[tilespmem:$0xCC00] =	vst v63  }
0x2f: {  	s11 =	simm.s32 $0x6900  }
0x30: {  	[tilespmem:s11], [sflag:$0x3] =	stream.indirect.gather [hbm4b:s2+s16], $0x1, s4, s16, $0xb8;
	[tilespmem:$0xCC00] =	vst v63  }
0x31: {  	s15 =	simm.s32 $0x6A80  }
0x32: {  	[tilespmem:s15], [sflag:$0x5] =	stream.indirect.gather [hbm4b:s6+s16], $0x1, s9, s16, $0xb8;
	[tilespmem:$0xCC00] =	vst v63  }
0x33: {  	_ = 	snop  }
0x34: {  	[tilespmem:s20], [sflag:$0x2] =	stream.indirect.gather [hbm4b:s5+s16], $0x10, s16, s16, $0xb8;
	[tilespmem:$0xCC00] =	vst v63  }
0x35: {  	_ = 	snop  }
0x36: {  	[tilespmem:s21], [sflag:$0x4] =	stream.indirect.gather [hbm4b:s2+s16], $0x1, s16, s16, $0xb8;
	[tilespmem:$0xCC00] =	vst v63  }
0x37: {  	s22 =	simm.s32 $0x2940  }
0x38: {  	[tilespmem:s23], [sflag:$0x6] =	stream.indirect.gather [hbm4b:s6+s16], $0x1, s22, s16, $0xb8;
	[tilespmem:$0xCC00] =	vst v63  }
0x39: {  	s22 =	simm.s32 $0x0  }
.LBB2_2:
0x3a: {  	_ =	swait.ge [sflag:s24], $0xC00  }
0x3b: {  	[sflag:s24] =	ssyncset.done $0x0  }
0x3c: {  	[sflag:s24] =	ssyncadd.s32 $0xFFFFF400  }
0x3d: {  	_ =	swait.ge [sflag:s25], $0xC0  }
0x3e: {  	[sflag:s25] =	ssyncset.done $0x0  }
0x3f: {  	[sflag:s25] =	ssyncadd.s32 $0xFFFFFF40  }
0x40: {  	_ =	swait.ge [sflag:s26], $0xC0  }
0x41: {  	p0 =	seq.s32 s22, $0x0;
	[sflag:s26] =	ssyncset.done $0x0  }
0x42: {  	s7 =	simm.s32 @!p0 $0x7;
	[sflag:s26] =	ssyncadd.s32 $0xFFFFFF40  }
0x43: {  	_ =	swait.ge @!p0 [sflag:s7], $0x1200  }
0x44: {  	[sflag:s7] =	ssyncset.done @!p0 $0x0  }
0x45: {  	s15 =	simm.s32 $0x6A80;
	[sflag:s7] =	ssyncadd.s32 @!p0 $0xFFFFEE00  }
0x46: {  	s7 =	simm.s32 $0x6900;
	v1 =	vld [tilespmem:s15+$0x0]  }
0x47: {  	v2 =	vld [tilespmem:s7+$0x0];
	_ =	sdelay $0x4  }
0x48: {  	v1 =	vadd.f32 v1, v2;
	_ =	sdelay $0x1  }
0x49: {  	v2 =	vmul.f32 $2.000000030e-01, v1;
	_ =	sdelay $0x1  }
0x4a: {  	v1 =	vmax.f32 v1, v2  }
0x4b: {  	v1 =	vmul.f32 $1.442695020e+00, v1;
	_ =	sdelay $0x1  }
0x4c: {  	(erf) = vpow2.f32 v1  }
0x4d: {  	s9 =	simm.s32 $0x0  }
0x4e: {  	v1 =	vor.u32 s9, v0  }
0x4f: {  	v2 =	vmul.u32 $0x18, v1;
	_ =	sdelay $0x1  }
0x50: {  	v3 =	vadd.s32 $0x10, v2  }
0x51: {  	v1 =	vshll.u32 v1, $0x4;
	_ =	sdelay $0x2  }
0x52: {  	v4 =	vpop (erf)  }
0x53: {  	[tilespmem:v3+s28+$0x0] =	vst.idx.msk $0xffff, v4  }
0x54: {  	v3 =	vld.idx.msk [tilespmem:v1+s17+$0x0], $0xffff;
	_ =	sdelay $0x2  }
0x55: {  	v5 =	vor.u32 $0x1, v1;
	_ =	sdelay $0x1  }
0x56: {  	v3 =	vmul.f32 v4, v3;
	_ =	sdelay $0x1  }
0x57: {  	[tilespmem:v2+s28+$0x0] =	vst.idx.msk $0xffff, v3  }
0x58: {  	v3 =	vld.idx.msk [tilespmem:v5+s17+$0x0], $0xffff;
	_ =	sdelay $0x1  }
0x59: {  	v38 =	vor.u32 $0x1, v2  }
0x5a: {  	v6 =	vor.u32 $0x2, v1;
	_ =	sdelay $0x1  }
0x5b: {  	v3 =	vmul.f32 v4, v3;
	_ =	sdelay $0x1  }
0x5c: {  	[tilespmem:v38+s28+$0x0] =	vst.idx.msk $0xffff, v3  }
0x5d: {  	v3 =	vld.idx.msk [tilespmem:v6+s17+$0x0], $0xffff;
	_ =	sdelay $0x1  }
0x5e: {  	v39 =	vor.u32 $0x2, v2  }
0x5f: {  	v40 =	vor.u32 $0x3, v1;
	_ =	sdelay $0x1  }
0x60: {  	v3 =	vmul.f32 v3, v4;
	_ =	sdelay $0x1  }
0x61: {  	[tilespmem:v39+s28+$0x0] =	vst.idx.msk $0xffff, v3  }
0x62: {  	v3 =	vld.idx.msk [tilespmem:v40+s17+$0x0], $0xffff;
	_ =	sdelay $0x1  }
0x63: {  	v41 =	vor.u32 $0x3, v2  }
0x64: {  	v42 =	vor.u32 $0x4, v1;
	_ =	sdelay $0x1  }
0x65: {  	v3 =	vmul.f32 v3, v4;
	_ =	sdelay $0x1  }
0x66: {  	[tilespmem:v41+s28+$0x0] =	vst.idx.msk $0xffff, v3  }
0x67: {  	v3 =	vld.idx.msk [tilespmem:v42+s17+$0x0], $0xffff;
	_ =	sdelay $0x1  }
0x68: {  	v43 =	vor.u32 $0x4, v2  }
0x69: {  	v44 =	vor.u32 $0x5, v1;
	_ =	sdelay $0x1  }
0x6a: {  	v3 =	vmul.f32 v3, v4;
	_ =	sdelay $0x1  }
0x6b: {  	[tilespmem:v43+s28+$0x0] =	vst.idx.msk $0xffff, v3  }
0x6c: {  	v3 =	vld.idx.msk [tilespmem:v44+s17+$0x0], $0xffff;
	_ =	sdelay $0x1  }
0x6d: {  	v45 =	vor.u32 $0x5, v2  }
0x6e: {  	v46 =	vor.u32 $0x6, v1;
	_ =	sdelay $0x1  }
0x6f: {  	v3 =	vmul.f32 v3, v4;
	_ =	sdelay $0x1  }
0x70: {  	[tilespmem:v45+s28+$0x0] =	vst.idx.msk $0xffff, v3  }
0x71: {  	v3 =	vld.idx.msk [tilespmem:v46+s17+$0x0], $0xffff;
	_ =	sdelay $0x1  }
0x72: {  	v47 =	vor.u32 $0x6, v2  }
0x73: {  	v48 =	vor.u32 $0x7, v1;
	_ =	sdelay $0x1  }
0x74: {  	v3 =	vmul.f32 v3, v4;
	_ =	sdelay $0x1  }
0x75: {  	[tilespmem:v47+s28+$0x0] =	vst.idx.msk $0xffff, v3  }
0x76: {  	v3 =	vld.idx.msk [tilespmem:v48+s17+$0x0], $0xffff;
	_ =	sdelay $0x1  }
0x77: {  	v49 =	vor.u32 $0x7, v2  }
0x78: {  	v50 =	vor.u32 $0x8, v1;
	_ =	sdelay $0x1  }
0x79: {  	v3 =	vmul.f32 v3, v4;
	_ =	sdelay $0x1  }
0x7a: {  	[tilespmem:v49+s28+$0x0] =	vst.idx.msk $0xffff, v3  }
0x7b: {  	v3 =	vld.idx.msk [tilespmem:v50+s17+$0x0], $0xffff;
	_ =	sdelay $0x1  }
0x7c: {  	v51 =	vadd.s32 $0x8, v2  }
0x7d: {  	v52 =	vor.u32 $0x9, v1;
	_ =	sdelay $0x1  }
0x7e: {  	v3 =	vmul.f32 v3, v4;
	_ =	sdelay $0x1  }
0x7f: {  	[tilespmem:v51+s28+$0x0] =	vst.idx.msk $0xffff, v3  }
0x80: {  	v3 =	vld.idx.msk [tilespmem:v52+s17+$0x0], $0xffff;
	_ =	sdelay $0x1  }
0x81: {  	v53 =	vadd.s32 $0x9, v2  }
0x82: {  	v54 =	vor.u32 $0xA, v1;
	_ =	sdelay $0x1  }
0x83: {  	v3 =	vmul.f32 v3, v4;
	_ =	sdelay $0x1  }
0x84: {  	[tilespmem:v53+s28+$0x0] =	vst.idx.msk $0xffff, v3  }
0x85: {  	v3 =	vld.idx.msk [tilespmem:v54+s17+$0x0], $0xffff;
	_ =	sdelay $0x1  }
0x86: {  	v55 =	vadd.s32 $0xA, v2  }
0x87: {  	v56 =	vor.u32 $0xB, v1;
	_ =	sdelay $0x1  }
0x88: {  	v3 =	vmul.f32 v3, v4;
	_ =	sdelay $0x1  }
0x89: {  	[tilespmem:v55+s28+$0x0] =	vst.idx.msk $0xffff, v3  }
0x8a: {  	v3 =	vld.idx.msk [tilespmem:v56+s17+$0x0], $0xffff;
	_ =	sdelay $0x1  }
0x8b: {  	v57 =	vadd.s32 $0xB, v2  }
0x8c: {  	v58 =	vor.u32 $0xC, v1;
	_ =	sdelay $0x1  }
0x8d: {  	v3 =	vmul.f32 v3, v4;
	_ =	sdelay $0x1  }
0x8e: {  	[tilespmem:v57+s28+$0x0] =	vst.idx.msk $0xffff, v3  }
0x8f: {  	v3 =	vld.idx.msk [tilespmem:v58+s17+$0x0], $0xffff;
	_ =	sdelay $0x1  }
0x90: {  	v59 =	vadd.s32 $0xC, v2  }
0x91: {  	v60 =	vor.u32 $0xD, v1;
	_ =	sdelay $0x1  }
0x92: {  	v3 =	vmul.f32 v3, v4;
	_ =	sdelay $0x1  }
0x93: {  	[tilespmem:v59+s28+$0x0] =	vst.idx.msk $0xffff, v3  }
0x94: {  	v3 =	vld.idx.msk [tilespmem:v60+s17+$0x0], $0xffff;
	_ =	sdelay $0x1  }
0x95: {  	v61 =	vadd.s32 $0xD, v2  }
0x96: {  	v62 =	vor.u32 $0xE, v1;
	_ =	sdelay $0x1  }
0x97: {  	v3 =	vmul.f32 v3, v4;
	_ =	sdelay $0x1  }
0x98: {  	[tilespmem:v61+s28+$0x0] =	vst.idx.msk $0xffff, v3  }
0x99: {  	v3 =	vld.idx.msk [tilespmem:v62+s17+$0x0], $0xffff;
	_ =	sdelay $0x1  }
0x9a: {  	v63 =	vadd.s32 $0xE, v2  }
0x9b: {  	v1 =	vor.u32 $0xF, v1;
	_ =	sdelay $0x1  }
0x9c: {  	v3 =	vmul.f32 v3, v4;
	_ =	sdelay $0x1  }
0x9d: {  	[tilespmem:v63+s28+$0x0] =	vst.idx.msk $0xffff, v3  }
0x9e: {  	v3 =	vld.idx.msk [tilespmem:v1+s17+$0x0], $0xffff;
	_ =	sdelay $0x1  }
0x9f: {  	v1 =	vadd.s32 $0xF, v2;
	_ =	sdelay $0x2  }
0xa0: {  	s9 =	simm.s32 $0x10;
	v2 =	vmul.f32 v3, v4  }
.LBB2_3:
0xa1: {  	_ = 	snop  }
0xa2: {  	p1 =	sne.s32 s9, $0xB0;
	s7 =	sadd.s32 $0x10, s7;
	s15 =	sadd.s32 $0x10, s15;
	[tilespmem:v1+s28+$0x0] =	vst.idx.msk $0xffff, v2  }
0xa3: {  	s10 =	smov.u32 s9;
	s9 =	sadd.s32 $0x10, s9;
	v1 =	vld [tilespmem:s15+$0x0]  }
0xa4: {  	v2 =	vld [tilespmem:s7+$0x0];
	_ =	sdelay $0x4  }
0xa5: {  	v1 =	vadd.f32 v1, v2;
	_ =	sdelay $0x1  }
0xa6: {  	v2 =	vmul.f32 $2.000000030e-01, v1;
	_ =	sdelay $0x1  }
0xa7: {  	v1 =	vmax.f32 v1, v2  }
0xa8: {  	v1 =	vmul.f32 $1.442695020e+00, v1;
	_ =	sdelay $0x1  }
0xa9: {  	(erf) = vpow2.f32 v1;
	_ =	sdelay $0x1  }
0xaa: {  	v2 =	vor.u32 s10, v0  }
0xab: {  	v1 =	vmul.u32 $0x18, v2;
	_ =	sdelay $0x1  }
0xac: {  	v4 =	vadd.s32 $0x10, v1  }
0xad: {  	v3 =	vshll.u32 v2, $0x4;
	_ =	sdelay $0x2  }
0xae: {  	v2 =	vpop (erf)  }
0xaf: {  	[tilespmem:v4+s28+$0x0] =	vst.idx.msk $0xffff, v2  }
0xb0: {  	v4 =	vld.idx.msk [tilespmem:v3+s17+$0x0], $0xffff;
	_ =	sdelay $0x3  }
0xb1: {  	v5 =	vor.u32 $0x1, v3;
	_ =	sdelay $0x1  }
0xb2: {  	v4 =	vmul.f32 v2, v4;
	_ =	sdelay $0x1  }
0xb3: {  	[tilespmem:v1+s28+$0x0] =	vst.idx.msk $0xffff, v4  }
0xb4: {  	v4 =	vld.idx.msk [tilespmem:v5+s17+$0x0], $0xffff;
	_ =	sdelay $0x2  }
0xb5: {  	v5 =	vor.u32 $0x1, v1  }
0xb6: {  	v6 =	vor.u32 $0x2, v3;
	_ =	sdelay $0x1  }
0xb7: {  	v4 =	vmul.f32 v2, v4;
	_ =	sdelay $0x1  }
0xb8: {  	[tilespmem:v5+s28+$0x0] =	vst.idx.msk $0xffff, v4  }
0xb9: {  	v4 =	vld.idx.msk [tilespmem:v6+s17+$0x0], $0xffff;
	_ =	sdelay $0x2  }
0xba: {  	v5 =	vor.u32 $0x2, v1  }
0xbb: {  	v6 =	vor.u32 $0x3, v3;
	_ =	sdelay $0x1  }
0xbc: {  	v4 =	vmul.f32 v4, v2;
	_ =	sdelay $0x1  }
0xbd: {  	[tilespmem:v5+s28+$0x0] =	vst.idx.msk $0xffff, v4  }
0xbe: {  	v4 =	vld.idx.msk [tilespmem:v6+s17+$0x0], $0xffff;
	_ =	sdelay $0x2  }
0xbf: {  	v5 =	vor.u32 $0x3, v1  }
0xc0: {  	v6 =	vor.u32 $0x4, v3;
	_ =	sdelay $0x1  }
0xc1: {  	v4 =	vmul.f32 v4, v2;
	_ =	sdelay $0x1  }
0xc2: {  	[tilespmem:v5+s28+$0x0] =	vst.idx.msk $0xffff, v4  }
0xc3: {  	v4 =	vld.idx.msk [tilespmem:v6+s17+$0x0], $0xffff;
	_ =	sdelay $0x2  }
0xc4: {  	v5 =	vor.u32 $0x4, v1  }
0xc5: {  	v6 =	vor.u32 $0x5, v3;
	_ =	sdelay $0x1  }
0xc6: {  	v4 =	vmul.f32 v4, v2;
	_ =	sdelay $0x1  }
0xc7: {  	[tilespmem:v5+s28+$0x0] =	vst.idx.msk $0xffff, v4  }
0xc8: {  	v4 =	vld.idx.msk [tilespmem:v6+s17+$0x0], $0xffff;
	_ =	sdelay $0x2  }
0xc9: {  	v5 =	vor.u32 $0x5, v1  }
0xca: {  	v6 =	vor.u32 $0x6, v3;
	_ =	sdelay $0x1  }
0xcb: {  	v4 =	vmul.f32 v4, v2;
	_ =	sdelay $0x1  }
0xcc: {  	[tilespmem:v5+s28+$0x0] =	vst.idx.msk $0xffff, v4  }
0xcd: {  	v4 =	vld.idx.msk [tilespmem:v6+s17+$0x0], $0xffff;
	_ =	sdelay $0x2  }
0xce: {  	v5 =	vor.u32 $0x6, v1  }
0xcf: {  	v6 =	vor.u32 $0x7, v3;
	_ =	sdelay $0x1  }
0xd0: {  	v4 =	vmul.f32 v4, v2;
	_ =	sdelay $0x1  }
0xd1: {  	[tilespmem:v5+s28+$0x0] =	vst.idx.msk $0xffff, v4  }
0xd2: {  	v4 =	vld.idx.msk [tilespmem:v6+s17+$0x0], $0xffff;
	_ =	sdelay $0x2  }
0xd3: {  	v5 =	vor.u32 $0x7, v1  }
0xd4: {  	v6 =	vor.u32 $0x8, v3;
	_ =	sdelay $0x1  }
0xd5: {  	v4 =	vmul.f32 v4, v2;
	_ =	sdelay $0x1  }
0xd6: {  	[tilespmem:v5+s28+$0x0] =	vst.idx.msk $0xffff, v4  }
0xd7: {  	v4 =	vld.idx.msk [tilespmem:v6+s17+$0x0], $0xffff;
	_ =	sdelay $0x2  }
0xd8: {  	v5 =	vadd.s32 $0x8, v1  }
0xd9: {  	v6 =	vor.u32 $0x9, v3;
	_ =	sdelay $0x1  }
0xda: {  	v4 =	vmul.f32 v4, v2;
	_ =	sdelay $0x1  }
0xdb: {  	[tilespmem:v5+s28+$0x0] =	vst.idx.msk $0xffff, v4  }
0xdc: {  	v4 =	vld.idx.msk [tilespmem:v6+s17+$0x0], $0xffff;
	_ =	sdelay $0x2  }
0xdd: {  	v5 =	vadd.s32 $0x9, v1  }
0xde: {  	v6 =	vor.u32 $0xA, v3;
	_ =	sdelay $0x1  }
0xdf: {  	v4 =	vmul.f32 v4, v2;
	_ =	sdelay $0x1  }
0xe0: {  	[tilespmem:v5+s28+$0x0] =	vst.idx.msk $0xffff, v4  }
0xe1: {  	v4 =	vld.idx.msk [tilespmem:v6+s17+$0x0], $0xffff;
	_ =	sdelay $0x2  }
0xe2: {  	v5 =	vadd.s32 $0xA, v1  }
0xe3: {  	v6 =	vor.u32 $0xB, v3;
	_ =	sdelay $0x1  }
0xe4: {  	v4 =	vmul.f32 v4, v2;
	_ =	sdelay $0x1  }
0xe5: {  	[tilespmem:v5+s28+$0x0] =	vst.idx.msk $0xffff, v4  }
0xe6: {  	v4 =	vld.idx.msk [tilespmem:v6+s17+$0x0], $0xffff;
	_ =	sdelay $0x2  }
0xe7: {  	v5 =	vadd.s32 $0xB, v1  }
0xe8: {  	v6 =	vor.u32 $0xC, v3;
	_ =	sdelay $0x1  }
0xe9: {  	v4 =	vmul.f32 v4, v2;
	_ =	sdelay $0x1  }
0xea: {  	[tilespmem:v5+s28+$0x0] =	vst.idx.msk $0xffff, v4  }
0xeb: {  	v4 =	vld.idx.msk [tilespmem:v6+s17+$0x0], $0xffff;
	_ =	sdelay $0x2  }
0xec: {  	v5 =	vadd.s32 $0xC, v1  }
0xed: {  	v6 =	vor.u32 $0xD, v3;
	_ =	sdelay $0x1  }
0xee: {  	v4 =	vmul.f32 v4, v2;
	_ =	sdelay $0x1  }
0xef: {  	[tilespmem:v5+s28+$0x0] =	vst.idx.msk $0xffff, v4  }
0xf0: {  	v4 =	vld.idx.msk [tilespmem:v6+s17+$0x0], $0xffff;
	_ =	sdelay $0x2  }
0xf1: {  	v5 =	vadd.s32 $0xD, v1  }
0xf2: {  	v6 =	vor.u32 $0xE, v3;
	_ =	sdelay $0x1  }
0xf3: {  	v4 =	vmul.f32 v4, v2;
	_ =	sdelay $0x1  }
0xf4: {  	[tilespmem:v5+s28+$0x0] =	vst.idx.msk $0xffff, v4  }
0xf5: {  	v4 =	vld.idx.msk [tilespmem:v6+s17+$0x0], $0xffff;
	_ =	sdelay $0x2  }
0xf6: {  	v5 =	vadd.s32 $0xE, v1  }
0xf7: {  	v3 =	vor.u32 $0xF, v3;
	_ =	sdelay $0x1  }
0xf8: {  	v4 =	vmul.f32 v4, v2;
	_ =	sdelay $0x1  }
0xf9: {  	[tilespmem:v5+s28+$0x0] =	vst.idx.msk $0xffff, v4  }
0xfa: {  	v3 =	vld.idx.msk [tilespmem:v3+s17+$0x0], $0xffff;
	_ =	sdelay $0x1  }
.Ltmp2:
0xfb: {  	(pc) =	sbr.rel @p1 .LBB2_3-.Ltmp2, $2  }
0xfc: {  	v1 =	vadd.s32 $0xF, v1;
	_ =	sdelay $0x2  }
0xfd: {  	v2 =	vmul.f32 v3, v2  }
0xfe: {  	_ = 	snop  }
0xff: {  	s7 =	smul.u32 $0x600, s22;
	_ =	sdelay $0x1  }
0x100: {  	p1 =	seq.s32 s22, $0x1A;
	s15 =	sshra.s32 s7, $0x2  }
0x101: {  	[tilespmem:v1+s28+$0x0] =	vst.idx.msk $0xffff, v2;
	s9 =	smul.u32 @!p1 $0x180, s22;
	s7 =	sadd.s32 $0x2880, s15  }
0x102: {  	[spmem:s3] =	stream.indirect.scatter.add.f32 [tilespmem:s28], [sflag:$0x7], $0x18, s7, s16, $0xb8;
	[tilespmem:$0xCC00] =	vst v63  }
0x103: {  	s10 =	simm.s32 @!p1 $0xC0;
	s11 =	simm.s32 @!p1 $0x5100;
	s7 =	sadd.s32 @!p1 $0x180, s9  }
0x104: {  	[tilespmem:s11], [sflag:$0x1] =	stream.indirect.gather @!p1 [hbm4b:s5+s10], $0x10, s7, s10, $0xb8;
	[tilespmem:$0xCC00] =	vst v63  }
0x105: {  	s11 =	simm.s32 @!p1 $0x6900  }
0x106: {  	[tilespmem:s11], [sflag:$0x3] =	stream.indirect.gather @!p1 [hbm4b:s2+s10], $0x1, s7, s10, $0xb8;
	[tilespmem:$0xCC00] =	vst v63  }
0x107: {  	s7 =	sadd.s32 @!p1 $0x2A00, s9;
	s9 =	simm.s32 @!p1 $0x6A80  }
0x108: {  	[tilespmem:s9], [sflag:$0x5] =	stream.indirect.gather @!p1 [hbm4b:s6+s10], $0x1, s7, s10, $0xb8;
	[tilespmem:$0xCC00] =	vst v63  }
0x109: {  	_ =	swait.ge [sflag:s29], $0xC00  }
0x10a: {  	[sflag:s29] =	ssyncset.done $0x0  }
0x10b: {  	[sflag:s29] =	ssyncadd.s32 $0xFFFFF400  }
0x10c: {  	_ =	swait.ge [sflag:s30], $0xC0  }
0x10d: {  	[sflag:s30] =	ssyncset.done $0x0  }
0x10e: {  	[sflag:s30] =	ssyncadd.s32 $0xFFFFFF40  }
0x10f: {  	_ =	swait.ge [sflag:s31], $0xC0  }
0x110: {  	[sflag:s31] =	ssyncset.done $0x0  }
0x111: {  	s7 =	simm.s32 @!p0 $0x8;
	[sflag:s31] =	ssyncadd.s32 $0xFFFFFF40  }
0x112: {  	_ =	swait.ge @!p0 [sflag:s7], $0x1200  }
0x113: {  	[sflag:s7] =	ssyncset.done @!p0 $0x0  }
0x114: {  	[sflag:s7] =	ssyncadd.s32 @!p0 $0xFFFFEE00;
	s7 =	simm.s32 $0x6B40  }
0x115: {  	s9 =	simm.s32 $0x69C0;
	v1 =	vld [tilespmem:s7+$0x0]  }
0x116: {  	v2 =	vld [tilespmem:s9+$0x0];
	_ =	sdelay $0x4  }
0x117: {  	v1 =	vadd.f32 v1, v2;
	_ =	sdelay $0x1  }
0x118: {  	v2 =	vmul.f32 $2.000000030e-01, v1;
	_ =	sdelay $0x1  }
0x119: {  	v1 =	vmax.f32 v1, v2  }
0x11a: {  	v1 =	vmul.f32 $1.442695020e+00, v1;
	_ =	sdelay $0x1  }
0x11b: {  	(erf) = vpow2.f32 v1  }
0x11c: {  	s11 =	simm.s32 $0x0  }
0x11d: {  	v1 =	vor.u32 s11, v0  }
0x11e: {  	v2 =	vmul.u32 $0x18, v1;
	_ =	sdelay $0x1  }
0x11f: {  	v3 =	vadd.s32 $0x10, v2  }
0x120: {  	v1 =	vshll.u32 v1, $0x4;
	_ =	sdelay $0x2  }
0x121: {  	v4 =	vpop (erf)  }
0x122: {  	[tilespmem:v3+s1+$0x0] =	vst.idx.msk $0xffff, v4  }
0x123: {  	v3 =	vld.idx.msk [tilespmem:v1+s20+$0x0], $0xffff;
	_ =	sdelay $0x2  }
0x124: {  	v5 =	vor.u32 $0x1, v1;
	_ =	sdelay $0x1  }
0x125: {  	v3 =	vmul.f32 v4, v3;
	_ =	sdelay $0x1  }
0x126: {  	[tilespmem:v2+s1+$0x0] =	vst.idx.msk $0xffff, v3  }
0x127: {  	v3 =	vld.idx.msk [tilespmem:v5+s20+$0x0], $0xffff;
	_ =	sdelay $0x1  }
0x128: {  	v38 =	vor.u32 $0x1, v2  }
0x129: {  	v6 =	vor.u32 $0x2, v1;
	_ =	sdelay $0x1  }
0x12a: {  	v3 =	vmul.f32 v4, v3;
	_ =	sdelay $0x1  }
0x12b: {  	[tilespmem:v38+s1+$0x0] =	vst.idx.msk $0xffff, v3  }
0x12c: {  	v3 =	vld.idx.msk [tilespmem:v6+s20+$0x0], $0xffff;
	_ =	sdelay $0x1  }
0x12d: {  	v39 =	vor.u32 $0x2, v2  }
0x12e: {  	v40 =	vor.u32 $0x3, v1;
	_ =	sdelay $0x1  }
0x12f: {  	v3 =	vmul.f32 v3, v4;
	_ =	sdelay $0x1  }
0x130: {  	[tilespmem:v39+s1+$0x0] =	vst.idx.msk $0xffff, v3  }
0x131: {  	v3 =	vld.idx.msk [tilespmem:v40+s20+$0x0], $0xffff;
	_ =	sdelay $0x1  }
0x132: {  	v41 =	vor.u32 $0x3, v2  }
0x133: {  	v42 =	vor.u32 $0x4, v1;
	_ =	sdelay $0x1  }
0x134: {  	v3 =	vmul.f32 v3, v4;
	_ =	sdelay $0x1  }
0x135: {  	[tilespmem:v41+s1+$0x0] =	vst.idx.msk $0xffff, v3  }
0x136: {  	v3 =	vld.idx.msk [tilespmem:v42+s20+$0x0], $0xffff;
	_ =	sdelay $0x1  }
0x137: {  	v43 =	vor.u32 $0x4, v2  }
0x138: {  	v44 =	vor.u32 $0x5, v1;
	_ =	sdelay $0x1  }
0x139: {  	v3 =	vmul.f32 v3, v4;
	_ =	sdelay $0x1  }
0x13a: {  	[tilespmem:v43+s1+$0x0] =	vst.idx.msk $0xffff, v3  }
0x13b: {  	v3 =	vld.idx.msk [tilespmem:v44+s20+$0x0], $0xffff;
	_ =	sdelay $0x1  }
0x13c: {  	v45 =	vor.u32 $0x5, v2  }
0x13d: {  	v46 =	vor.u32 $0x6, v1;
	_ =	sdelay $0x1  }
0x13e: {  	v3 =	vmul.f32 v3, v4;
	_ =	sdelay $0x1  }
0x13f: {  	[tilespmem:v45+s1+$0x0] =	vst.idx.msk $0xffff, v3  }
0x140: {  	v3 =	vld.idx.msk [tilespmem:v46+s20+$0x0], $0xffff;
	_ =	sdelay $0x1  }
0x141: {  	v47 =	vor.u32 $0x6, v2  }
0x142: {  	v48 =	vor.u32 $0x7, v1;
	_ =	sdelay $0x1  }
0x143: {  	v3 =	vmul.f32 v3, v4;
	_ =	sdelay $0x1  }
0x144: {  	[tilespmem:v47+s1+$0x0] =	vst.idx.msk $0xffff, v3  }
0x145: {  	v3 =	vld.idx.msk [tilespmem:v48+s20+$0x0], $0xffff;
	_ =	sdelay $0x1  }
0x146: {  	v49 =	vor.u32 $0x7, v2  }
0x147: {  	v50 =	vor.u32 $0x8, v1;
	_ =	sdelay $0x1  }
0x148: {  	v3 =	vmul.f32 v3, v4;
	_ =	sdelay $0x1  }
0x149: {  	[tilespmem:v49+s1+$0x0] =	vst.idx.msk $0xffff, v3  }
0x14a: {  	v3 =	vld.idx.msk [tilespmem:v50+s20+$0x0], $0xffff;
	_ =	sdelay $0x1  }
0x14b: {  	v51 =	vadd.s32 $0x8, v2  }
0x14c: {  	v52 =	vor.u32 $0x9, v1;
	_ =	sdelay $0x1  }
0x14d: {  	v3 =	vmul.f32 v3, v4;
	_ =	sdelay $0x1  }
0x14e: {  	[tilespmem:v51+s1+$0x0] =	vst.idx.msk $0xffff, v3  }
0x14f: {  	v3 =	vld.idx.msk [tilespmem:v52+s20+$0x0], $0xffff;
	_ =	sdelay $0x1  }
0x150: {  	v53 =	vadd.s32 $0x9, v2  }
0x151: {  	v54 =	vor.u32 $0xA, v1;
	_ =	sdelay $0x1  }
0x152: {  	v3 =	vmul.f32 v3, v4;
	_ =	sdelay $0x1  }
0x153: {  	[tilespmem:v53+s1+$0x0] =	vst.idx.msk $0xffff, v3  }
0x154: {  	v3 =	vld.idx.msk [tilespmem:v54+s20+$0x0], $0xffff;
	_ =	sdelay $0x1  }
0x155: {  	v55 =	vadd.s32 $0xA, v2  }
0x156: {  	v56 =	vor.u32 $0xB, v1;
	_ =	sdelay $0x1  }
0x157: {  	v3 =	vmul.f32 v3, v4;
	_ =	sdelay $0x1  }
0x158: {  	[tilespmem:v55+s1+$0x0] =	vst.idx.msk $0xffff, v3  }
0x159: {  	v3 =	vld.idx.msk [tilespmem:v56+s20+$0x0], $0xffff;
	_ =	sdelay $0x1  }
0x15a: {  	v57 =	vadd.s32 $0xB, v2  }
0x15b: {  	v58 =	vor.u32 $0xC, v1;
	_ =	sdelay $0x1  }
0x15c: {  	v3 =	vmul.f32 v3, v4;
	_ =	sdelay $0x1  }
0x15d: {  	[tilespmem:v57+s1+$0x0] =	vst.idx.msk $0xffff, v3  }
0x15e: {  	v3 =	vld.idx.msk [tilespmem:v58+s20+$0x0], $0xffff;
	_ =	sdelay $0x1  }
0x15f: {  	v59 =	vadd.s32 $0xC, v2  }
0x160: {  	v60 =	vor.u32 $0xD, v1;
	_ =	sdelay $0x1  }
0x161: {  	v3 =	vmul.f32 v3, v4;
	_ =	sdelay $0x1  }
0x162: {  	[tilespmem:v59+s1+$0x0] =	vst.idx.msk $0xffff, v3  }
0x163: {  	v3 =	vld.idx.msk [tilespmem:v60+s20+$0x0], $0xffff;
	_ =	sdelay $0x1  }
0x164: {  	v61 =	vadd.s32 $0xD, v2  }
0x165: {  	v62 =	vor.u32 $0xE, v1;
	_ =	sdelay $0x1  }
0x166: {  	v3 =	vmul.f32 v3, v4;
	_ =	sdelay $0x1  }
0x167: {  	[tilespmem:v61+s1+$0x0] =	vst.idx.msk $0xffff, v3  }
0x168: {  	v3 =	vld.idx.msk [tilespmem:v62+s20+$0x0], $0xffff;
	_ =	sdelay $0x1  }
0x169: {  	v63 =	vadd.s32 $0xE, v2  }
0x16a: {  	v1 =	vor.u32 $0xF, v1;
	_ =	sdelay $0x1  }
0x16b: {  	v3 =	vmul.f32 v3, v4;
	_ =	sdelay $0x1  }
0x16c: {  	[tilespmem:v63+s1+$0x0] =	vst.idx.msk $0xffff, v3  }
0x16d: {  	v3 =	vld.idx.msk [tilespmem:v1+s20+$0x0], $0xffff;
	_ =	sdelay $0x1  }
0x16e: {  	v1 =	vadd.s32 $0xF, v2;
	_ =	sdelay $0x2  }
0x16f: {  	s10 =	simm.s32 $0x10;
	v2 =	vmul.f32 v3, v4  }
.LBB2_5:
0x170: {  	_ = 	snop  }
0x171: {  	p0 =	sne.s32 s10, $0xB0;
	s9 =	sadd.s32 $0x10, s9;
	s7 =	sadd.s32 $0x10, s7;
	[tilespmem:v1+s1+$0x0] =	vst.idx.msk $0xffff, v2  }
0x172: {  	s11 =	smov.u32 s10;
	s10 =	sadd.s32 $0x10, s10;
	v1 =	vld [tilespmem:s7+$0x0]  }
0x173: {  	v2 =	vld [tilespmem:s9+$0x0];
	_ =	sdelay $0x4  }
0x174: {  	v1 =	vadd.f32 v1, v2;
	_ =	sdelay $0x1  }
0x175: {  	v2 =	vmul.f32 $2.000000030e-01, v1;
	_ =	sdelay $0x1  }
0x176: {  	v1 =	vmax.f32 v1, v2  }
0x177: {  	v1 =	vmul.f32 $1.442695020e+00, v1;
	_ =	sdelay $0x1  }
0x178: {  	(erf) = vpow2.f32 v1;
	_ =	sdelay $0x1  }
0x179: {  	v2 =	vor.u32 s11, v0  }
0x17a: {  	v1 =	vmul.u32 $0x18, v2;
	_ =	sdelay $0x1  }
0x17b: {  	v4 =	vadd.s32 $0x10, v1  }
0x17c: {  	v3 =	vshll.u32 v2, $0x4;
	_ =	sdelay $0x2  }
0x17d: {  	v2 =	vpop (erf)  }
0x17e: {  	[tilespmem:v4+s1+$0x0] =	vst.idx.msk $0xffff, v2  }
0x17f: {  	v4 =	vld.idx.msk [tilespmem:v3+s20+$0x0], $0xffff;
	_ =	sdelay $0x3  }
0x180: {  	v5 =	vor.u32 $0x1, v3;
	_ =	sdelay $0x1  }
0x181: {  	v4 =	vmul.f32 v2, v4;
	_ =	sdelay $0x1  }
0x182: {  	[tilespmem:v1+s1+$0x0] =	vst.idx.msk $0xffff, v4  }
0x183: {  	v4 =	vld.idx.msk [tilespmem:v5+s20+$0x0], $0xffff;
	_ =	sdelay $0x2  }
0x184: {  	v5 =	vor.u32 $0x1, v1  }
0x185: {  	v6 =	vor.u32 $0x2, v3;
	_ =	sdelay $0x1  }
0x186: {  	v4 =	vmul.f32 v2, v4;
	_ =	sdelay $0x1  }
0x187: {  	[tilespmem:v5+s1+$0x0] =	vst.idx.msk $0xffff, v4  }
0x188: {  	v4 =	vld.idx.msk [tilespmem:v6+s20+$0x0], $0xffff;
	_ =	sdelay $0x2  }
0x189: {  	v5 =	vor.u32 $0x2, v1  }
0x18a: {  	v6 =	vor.u32 $0x3, v3;
	_ =	sdelay $0x1  }
0x18b: {  	v4 =	vmul.f32 v4, v2;
	_ =	sdelay $0x1  }
0x18c: {  	[tilespmem:v5+s1+$0x0] =	vst.idx.msk $0xffff, v4  }
0x18d: {  	v4 =	vld.idx.msk [tilespmem:v6+s20+$0x0], $0xffff;
	_ =	sdelay $0x2  }
0x18e: {  	v5 =	vor.u32 $0x3, v1  }
0x18f: {  	v6 =	vor.u32 $0x4, v3;
	_ =	sdelay $0x1  }
0x190: {  	v4 =	vmul.f32 v4, v2;
	_ =	sdelay $0x1  }
0x191: {  	[tilespmem:v5+s1+$0x0] =	vst.idx.msk $0xffff, v4  }
0x192: {  	v4 =	vld.idx.msk [tilespmem:v6+s20+$0x0], $0xffff;
	_ =	sdelay $0x2  }
0x193: {  	v5 =	vor.u32 $0x4, v1  }
0x194: {  	v6 =	vor.u32 $0x5, v3;
	_ =	sdelay $0x1  }
0x195: {  	v4 =	vmul.f32 v4, v2;
	_ =	sdelay $0x1  }
0x196: {  	[tilespmem:v5+s1+$0x0] =	vst.idx.msk $0xffff, v4  }
0x197: {  	v4 =	vld.idx.msk [tilespmem:v6+s20+$0x0], $0xffff;
	_ =	sdelay $0x2  }
0x198: {  	v5 =	vor.u32 $0x5, v1  }
0x199: {  	v6 =	vor.u32 $0x6, v3;
	_ =	sdelay $0x1  }
0x19a: {  	v4 =	vmul.f32 v4, v2;
	_ =	sdelay $0x1  }
0x19b: {  	[tilespmem:v5+s1+$0x0] =	vst.idx.msk $0xffff, v4  }
0x19c: {  	v4 =	vld.idx.msk [tilespmem:v6+s20+$0x0], $0xffff;
	_ =	sdelay $0x2  }
0x19d: {  	v5 =	vor.u32 $0x6, v1  }
0x19e: {  	v6 =	vor.u32 $0x7, v3;
	_ =	sdelay $0x1  }
0x19f: {  	v4 =	vmul.f32 v4, v2;
	_ =	sdelay $0x1  }
0x1a0: {  	[tilespmem:v5+s1+$0x0] =	vst.idx.msk $0xffff, v4  }
0x1a1: {  	v4 =	vld.idx.msk [tilespmem:v6+s20+$0x0], $0xffff;
	_ =	sdelay $0x2  }
0x1a2: {  	v5 =	vor.u32 $0x7, v1  }
0x1a3: {  	v6 =	vor.u32 $0x8, v3;
	_ =	sdelay $0x1  }
0x1a4: {  	v4 =	vmul.f32 v4, v2;
	_ =	sdelay $0x1  }
0x1a5: {  	[tilespmem:v5+s1+$0x0] =	vst.idx.msk $0xffff, v4  }
0x1a6: {  	v4 =	vld.idx.msk [tilespmem:v6+s20+$0x0], $0xffff;
	_ =	sdelay $0x2  }
0x1a7: {  	v5 =	vadd.s32 $0x8, v1  }
0x1a8: {  	v6 =	vor.u32 $0x9, v3;
	_ =	sdelay $0x1  }
0x1a9: {  	v4 =	vmul.f32 v4, v2;
	_ =	sdelay $0x1  }
0x1aa: {  	[tilespmem:v5+s1+$0x0] =	vst.idx.msk $0xffff, v4  }
0x1ab: {  	v4 =	vld.idx.msk [tilespmem:v6+s20+$0x0], $0xffff;
	_ =	sdelay $0x2  }
0x1ac: {  	v5 =	vadd.s32 $0x9, v1  }
0x1ad: {  	v6 =	vor.u32 $0xA, v3;
	_ =	sdelay $0x1  }
0x1ae: {  	v4 =	vmul.f32 v4, v2;
	_ =	sdelay $0x1  }
0x1af: {  	[tilespmem:v5+s1+$0x0] =	vst.idx.msk $0xffff, v4  }
0x1b0: {  	v4 =	vld.idx.msk [tilespmem:v6+s20+$0x0], $0xffff;
	_ =	sdelay $0x2  }
0x1b1: {  	v5 =	vadd.s32 $0xA, v1  }
0x1b2: {  	v6 =	vor.u32 $0xB, v3;
	_ =	sdelay $0x1  }
0x1b3: {  	v4 =	vmul.f32 v4, v2;
	_ =	sdelay $0x1  }
0x1b4: {  	[tilespmem:v5+s1+$0x0] =	vst.idx.msk $0xffff, v4  }
0x1b5: {  	v4 =	vld.idx.msk [tilespmem:v6+s20+$0x0], $0xffff;
	_ =	sdelay $0x2  }
0x1b6: {  	v5 =	vadd.s32 $0xB, v1  }
0x1b7: {  	v6 =	vor.u32 $0xC, v3;
	_ =	sdelay $0x1  }
0x1b8: {  	v4 =	vmul.f32 v4, v2;
	_ =	sdelay $0x1  }
0x1b9: {  	[tilespmem:v5+s1+$0x0] =	vst.idx.msk $0xffff, v4  }
0x1ba: {  	v4 =	vld.idx.msk [tilespmem:v6+s20+$0x0], $0xffff;
	_ =	sdelay $0x2  }
0x1bb: {  	v5 =	vadd.s32 $0xC, v1  }
0x1bc: {  	v6 =	vor.u32 $0xD, v3;
	_ =	sdelay $0x1  }
0x1bd: {  	v4 =	vmul.f32 v4, v2;
	_ =	sdelay $0x1  }
0x1be: {  	[tilespmem:v5+s1+$0x0] =	vst.idx.msk $0xffff, v4  }
0x1bf: {  	v4 =	vld.idx.msk [tilespmem:v6+s20+$0x0], $0xffff;
	_ =	sdelay $0x2  }
0x1c0: {  	v5 =	vadd.s32 $0xD, v1  }
0x1c1: {  	v6 =	vor.u32 $0xE, v3;
	_ =	sdelay $0x1  }
0x1c2: {  	v4 =	vmul.f32 v4, v2;
	_ =	sdelay $0x1  }
0x1c3: {  	[tilespmem:v5+s1+$0x0] =	vst.idx.msk $0xffff, v4  }
0x1c4: {  	v4 =	vld.idx.msk [tilespmem:v6+s20+$0x0], $0xffff;
	_ =	sdelay $0x2  }
0x1c5: {  	v5 =	vadd.s32 $0xE, v1  }
0x1c6: {  	v3 =	vor.u32 $0xF, v3;
	_ =	sdelay $0x1  }
0x1c7: {  	v4 =	vmul.f32 v4, v2;
	_ =	sdelay $0x1  }
0x1c8: {  	[tilespmem:v5+s1+$0x0] =	vst.idx.msk $0xffff, v4  }
0x1c9: {  	v3 =	vld.idx.msk [tilespmem:v3+s20+$0x0], $0xffff;
	_ =	sdelay $0x1  }
.Ltmp3:
0x1ca: {  	(pc) =	sbr.rel @p0 .LBB2_5-.Ltmp3, $2  }
0x1cb: {  	v1 =	vadd.s32 $0xF, v1;
	_ =	sdelay $0x2  }
0x1cc: {  	v2 =	vmul.f32 v3, v2  }
0x1cd: {  	_ = 	snop  }
.Ltmp4:
0x1ce: {  	_ = 	snop;
	(pc) =	sbr.rel @p1 .LBB2_8-.Ltmp4, $3  }
0x1cf: {  	_ =	sdelay $0x1  }
0x1d0: {  	s7 =	sadd.s32 $0x2940, s15;
	[tilespmem:v1+s1+$0x0] =	vst.idx.msk $0xffff, v2  }
0x1d1: {  	[spmem:s3] =	stream.indirect.scatter.add.f32 [tilespmem:s1], [sflag:$0x8], $0x18, s7, s16, $0xb8;
	[tilespmem:$0xCC00] =	vst v63  }
0x1d2: {  	s7 =	smul.u32 $0x180, s22;
	_ =	sdelay $0x1  }
0x1d3: {  	s9 =	sadd.s32 $0x240, s7  }
0x1d4: {  	[tilespmem:s20], [sflag:$0x2] =	stream.indirect.gather [hbm4b:s5+s16], $0x10, s9, s16, $0xb8;
	[tilespmem:$0xCC00] =	vst v63  }
.Ltmp5:
0x1d5: {  	_ = 	snop;
	(pc) =	sbr.rel .LBB2_2-.Ltmp5, $4  }
0x1d6: {  	_ = 	snop  }
0x1d7: {  	[tilespmem:s21], [sflag:$0x4] =	stream.indirect.gather [hbm4b:s2+s16], $0x1, s9, s16, $0xb8;
	[tilespmem:$0xCC00] =	vst v63  }
0x1d8: {  	s22 =	sadd.s32 $0x1, s22;
	s7 =	sadd.s32 $0x2AC0, s7  }
0x1d9: {  	[tilespmem:s23], [sflag:$0x6] =	stream.indirect.gather [hbm4b:s6+s16], $0x1, s7, s16, $0xb8;
	[tilespmem:$0xCC00] =	vst v63  }
.LBB2_9:
0x1da: {  	_ =	sfence.sel $0x180000  }
0x1db: {  	[bflag:$0x0] =	sbarrier.arrive $0xFFFF  }
0x1dc: {  	_ =	strace $0x9000004A  }
0x1dd: {  	s0 =	stileid.u32;
	[bflag:$0x2] =	sbarrier.arrive $0xFFFF  }
0x1de: {  	p0 =	sne.s32 s0, $0x0;
	s0 =	rddreg [dreg:$0x3]  }
0x1df: {  	s0 =	sadd.s32 @!p0 $0x100000, s0  }
0x1e0: {  	[sflag:s0] =	ssyncadd.tile.s32 @!p0 $0x1;
	_ =	shalt  }
.Lfunc_end2:
_tile_overlayer_lowered:
.L_overlay_start_2:
0x1e1: {  	(tag) =	ssettag $0x2  }
0x1e2: {  	s0 =	rddreg [dreg:$0x0];
	s2 =	stileid.u32  }
0x1e3: {  	s1 =	rddreg [dreg:$0x1];
	p0 =	sne.s32 s2, $0x0  }
0x1e4: {  	s3 =	rddreg [dreg:$0x2];
	[bflag:$0x3] =	sbarrier.arrive $0xFFFF;
	s2 =	simm.s32 @!p0 $0x1C09  }
0x1e5: {  	[timem:s3], [sflag:s2] =	dma.local @!p0 [hbm:s0], s1  }
0x1e6: {  	s0 =	simm.s32 @!p0 $0x9  }
0x1e7: {  	_ =	swait.ge @!p0 [sflag:s0], s1  }
0x1e8: {  	s1 =	ssub.s32 @!p0 $0x0, s1;
	[sflag:s0] =	ssyncset.done @!p0 $0x0  }
0x1e9: {  	[sflag:s0] =	ssyncadd.s32 @!p0 s1  }
0x1ea: {  	[bflag:$0x3] =	sbarrier.arrive $0xFFFF  }
0x1eb: {  	_ =	shalt  }

// kernel: kernel.18.cloned.1.call-start
scs
__scs_entry_jumppad:
0x0: {  	(pc) =	sbr.rel $0x88, $3  }
0x1: {  	(tag) =	ssettag $0x0;
	lr =	simm.s32 $0x1  }
0x2: {  	[smem:$0x3F8F] =	sst lr;
	_ =	strace $0xD0000000  }
0x3: {  	_ = 	snop  }
0x4: {  	_ = 	snop  }
0x5: {  	_ = 	snop  }
0x6: {  	_ = 	snop  }
0x7: {  	_ = 	snop  }
__scs_overlays_trampoline_lowered:
0x8: {  	[smem:$0x3F9E] =	sst s0  }
0x9: {  	[smem:$0x3F9F] =	sst s1  }
0xa: {  	[smem:$0x3FA0] =	sst s2  }
0xb: {  	[smem:$0x3FA1] =	sst s3  }
0xc: {  	[smem:$0x3FA2] =	sst s4  }
0xd: {  	[smem:$0x3FA3] =	sst s5  }
0xe: {  	[smem:$0x3FA4] =	sst s6  }
0xf: {  	[smem:$0x3FA5] =	sst s7  }
0x10: {  	[smem:$0x3FA6] =	sst s8  }
0x11: {  	[smem:$0x3FA7] =	sst s9;
	s0 =	simm.s32 @!p0 $0x0  }
0x12: {  	s1 =	sld [smem:$0x3F8D];
	s0 =	simm.s32 @p0 $0x1  }
0x13: {  	[smem:$0x3FA8] =	sst s0;
	s0 =	simm.s32 @!p1 $0x0  }
0x14: {  	s2 =	sld [smem:$0x3F8C];
	s0 =	simm.s32 @p1 $0x1  }
0x15: {  	[smem:$0x3FA9] =	sst s0;
	s0 =	simm.s32 @!p2 $0x0  }
0x16: {  	s3 =	sld [smem:$0x3FDB];
	s0 =	simm.s32 @p2 $0x1  }
0x17: {  	s4 =	simm.s32 $0x1BF5;
	[smem:$0x3FAB] =	sst s0  }
0x18: {  	s0 =	sld [smem:$0x3F8E];
	_ =	swait.ge [sflag:s4], $0x0  }
0x19: {  	s7 =	sld [smem:$0x3F8F]  }
0x1a: {  	s8 =	sadd.s32 $0xFFFFE003, lr  }
0x1b: {  	s9 =	sadd.s32 $0xFFFFFEF7, lr;
	s5 =	simm.s32 $0xFFFFFFFF;
	p2 =	slt.u32 s8, $0xFFFFF086  }
0x1c: {  	p1 =	slt.u32 s9, $0xF7A;
	s5 =	simm.s32 @!p2 $0x0  }
0x1d: {  	s5 =	simm.s32 @p1 $0x1;
	p0 =	seq.s32 s7, s2  }
0x1e: {  	s7 =	smul.u32 @!p0 $0xF7A, s2;
	p2 =	seq.s32 @!p0 s5, $0x0  }
0x1f: {  	s9 =	smul.u32 $0xF7A, s1;
	s8 =	simm.s32 @!p0 $0x1BF5;
	p2 =	por !p2, p0  }
0x20: {  	[sflag:s8] =	ssyncset.s32 @!p0 $0xFFFFF086;
	s6 =	sadd.s32 @!p0 s3, s7;
	s7 =	simm.s32 @!p0 $0x108  }
0x21: {  	s3 =	sadd.s32 s3, s9;
	s6 =	sadd.s32 @!p0 $0x88, s6;
	s7 =	simm.s32 @p2 $0x1082  }
0x22: {  	[simem:s7], [sflag:s8] =	dma.local @!p0 [hbm:s6], $0xF7A  }
0x23: {  	s9 =	sor.u32 $0xD0000000, s2;
	s6 =	simm.s32 $0x108;
	_ =	swait.ge @!p0 [sflag:s8], $0x0  }
0x24: {  	s3 =	sadd.s32 $0x88, s3;
	s6 =	simm.s32 @!p1 $0x1082;
	[sflag:s4] =	ssyncset.s32 $0xFFFFF086  }
0x25: {  	[simem:s6], [sflag:s4] =	dma.local [hbm:s3], $0xF7A  }
0x26: {  	[smem:$0x3F8F] =	sst s1;
	(tag) =	ssettag s2;
	_ =	strace s9  }
0x27: {  	s1 =	sld [smem:$0x3F9F]  }
0x28: {  	s2 =	sld [smem:$0x3FA0]  }
0x29: {  	s4 =	sld [smem:$0x3FA2]  }
0x2a: {  	p0 =	seq.s32 s5, $0x0;
	s5 =	sld [smem:$0x3FA3]  }
0x2b: {  	s6 =	sld [smem:$0x3FA4]  }
0x2c: {  	s7 =	sld [smem:$0x3FA5]  }
0x2d: {  	s3 =	simm.s32 $0x108;
	s8 =	sld [smem:$0x3FA6]  }
0x2e: {  	s3 =	simm.s32 @!p0 $0x1082;
	s9 =	sld [smem:$0x3FA7]  }
0x2f: {  	lr =	sadd.s32 s0, s3;
	s0 =	sld [smem:$0x3F9E]  }
0x30: {  	s3 =	sld [smem:$0x3FA1]  }
0x31: {  	[smem:$0x3FAA] =	sst s10  }
0x32: {  	s10 =	sld [smem:$0x3FA8];
	_ =	sdelay $0x3  }
0x33: {  	p0 =	seq.s32 s10, $0x1;
	s10 =	sld [smem:$0x3FAA];
	_ =	sdelay $0x3  }
0x34: {  	[smem:$0x3FAA] =	sst s10  }
0x35: {  	s10 =	sld [smem:$0x3FA9];
	_ =	sdelay $0x3  }
0x36: {  	p1 =	seq.s32 s10, $0x1;
	s10 =	sld [smem:$0x3FAA];
	_ =	sdelay $0x3  }
0x37: {  	[smem:$0x3FAA] =	sst s10  }
0x38: {  	s10 =	sld [smem:$0x3FAB]  }
0x39: {  	_ = 	snop;
	(pc) =	sbr.ind lr, $3  }
0x3a: {  	_ = 	snop  }
0x3b: {  	_ = 	snop  }
0x3c: {  	p2 =	seq.s32 s10, $0x1;
	s10 =	sld [smem:$0x3FAA]  }
0x3d: {  	_ =	shalt  }
0x3e: {  	_ =	shalt  }
0x3f: {  	_ =	shalt  }
0x40: {  	_ =	shalt  }
0x41: {  	_ =	shalt  }
0x42: {  	_ =	shalt  }
0x43: {  	_ =	shalt  }
0x44: {  	_ =	shalt  }
0x45: {  	_ =	shalt  }
0x46: {  	_ =	shalt  }
0x47: {  	_ =	shalt  }
0x48: {  	_ =	shalt  }
0x49: {  	_ =	shalt  }
0x4a: {  	_ =	shalt  }
0x4b: {  	_ =	shalt  }
0x4c: {  	_ =	shalt  }
0x4d: {  	_ =	shalt  }
0x4e: {  	_ =	shalt  }
0x4f: {  	_ =	shalt  }
0x50: {  	_ =	shalt  }
0x51: {  	_ =	shalt  }
0x52: {  	_ =	shalt  }
0x53: {  	_ =	shalt  }
0x54: {  	_ =	shalt  }
0x55: {  	_ =	shalt  }
0x56: {  	_ =	shalt  }
0x57: {  	_ =	shalt  }
0x58: {  	_ =	shalt  }
0x59: {  	_ =	shalt  }
0x5a: {  	_ =	shalt  }
0x5b: {  	_ =	shalt  }
0x5c: {  	_ =	shalt  }
0x5d: {  	_ =	shalt  }
0x5e: {  	_ =	shalt  }
0x5f: {  	_ =	shalt  }
0x60: {  	_ =	shalt  }
0x61: {  	_ =	shalt  }
0x62: {  	_ =	shalt  }
0x63: {  	_ =	shalt  }
0x64: {  	_ =	shalt  }
0x65: {  	_ =	shalt  }
0x66: {  	_ =	shalt  }
0x67: {  	_ =	shalt  }
0x68: {  	_ =	shalt  }
0x69: {  	_ =	shalt  }
0x6a: {  	_ =	shalt  }
0x6b: {  	_ =	shalt  }
0x6c: {  	_ =	shalt  }
0x6d: {  	_ =	shalt  }
0x6e: {  	_ =	shalt  }
0x6f: {  	_ =	shalt  }
0x70: {  	_ =	shalt  }
0x71: {  	_ =	shalt  }
0x72: {  	_ =	shalt  }
0x73: {  	_ =	shalt  }
0x74: {  	_ =	shalt  }
0x75: {  	_ =	shalt  }
0x76: {  	_ =	shalt  }
0x77: {  	_ =	shalt  }
0x78: {  	_ =	shalt  }
0x79: {  	_ =	shalt  }
0x7a: {  	_ =	shalt  }
0x7b: {  	_ =	shalt  }
0x7c: {  	_ =	shalt  }
0x7d: {  	_ =	shalt  }
0x7e: {  	_ =	shalt  }
0x7f: {  	_ =	shalt  }
0x80: {  	_ =	shalt  }
0x81: {  	_ =	shalt  }
0x82: {  	_ =	shalt  }
0x83: {  	_ =	shalt  }
0x84: {  	_ =	shalt  }
0x85: {  	_ =	shalt  }
0x86: {  	_ =	shalt  }
0x87: {  	_ =	shalt  }
.Lfunc_end0:
.L_simem_size_0:
called_computation.2_lowered:
.L_overlay_start_0:
0x88: {  	s2 =	sld [smem:$0x3FD9]  }
0x89: {  	s3 =	sld [smem:$0x3FFE];
	_ =	sdelay $0x1  }
0x8a: {  	s1 =	srdreg.scid  }
0x8b: {  	s0 =	sand.u32 $0x1, s1  }
0x8c: {  	s17 =	sshll.u32 s0, $0xA;
	s2 =	sadd.s32 s3, s2  }
0x8d: {  	s2 =	sadd.s32 s2, s17  }
0x8e: {  	[smem:$0x3FB6] =	sst s2  }
0x8f: {  	_ = 	snop  }
0x90: {  	s2 =	sld [smem:$0x3FD0];
	(tm) =	ssettm $0x1  }
0x91: {  	s18 =	sld [smem:$0x3FFB];
	_ =	sdelay $0x3  }
0x92: {  	_ =	strace s18  }
0x93: {  	s3 =	sld [smem:$0x3FFC];
	_ =	sdelay $0x3  }
0x94: {  	_ =	strace s3  }
0x95: {  	s3 =	sld [smem:$0x3FFD];
	_ =	sdelay $0x3  }
0x96: {  	_ =	strace s3  }
0x97: {  	_ =	strace $0x8FFFFFFF  }
0x98: {  	s19 =	sld [smem:$0x3FDB];
	_ =	sdelay $0x1  }
0x99: {  	s4 =	simm.s32 $_scs_section_size  }
0x9a: {  	s5 =	simm.s32 $_size__tile_overlayer_lowered;
	s6 =	simm.s32 $_tile_overlayer_lowered  }
0x9b: {  	s22 =	simm.s32 $0x1BFF;
	s21 =	sshll.u32 s6, $0x1;
	s3 =	sadd.s32 s4, s19  }
0x9c: {  	s7 =	simm.s32 $0x0;
	s20 =	sshll.u32 s5, $0x1;
	s5 =	sadd.s32 s21, s3  }
0x9d: {  	[timem:s7], [sflag:s22] =	dma.local [hbm:s5], s20  }
0x9e: {  	_ =	swait.ge [sflag:s22], s20  }
0x9f: {  	s4 =	ssub.s32 $0x0, s20;
	[sflag:s22] =	ssyncset.done $0x0  }
0xa0: {  	[sflag:s22] =	ssyncadd.s32 s4;
	_ =	sdelay $0x1  }
0xa1: {  	s23 =	simm.s32 $0x1B8B  }
0xa2: {  	_ =	swait.ge [sflag:s23], $0x1  }
0xa3: {  	[sflag:s23] =	ssyncset.done $0x0  }
0xa4: {  	s25 =	simm.s32 $0x1B8E;
	s24 =	sld [smem:$0x3FFE];
	[sflag:s23] =	ssyncadd.s32 $0xFFFFFFFF  }
0xa5: {  	s26 =	simm.s32 $execute0_lowered;
	[smem:$0x3FD2] =	sst s25  }
0xa6: {  	s5 =	sshll.u32 s26, $0x1;
	_ =	strace $0x8000004C;
	[dreg:$0x1] =	wrdreg $0xFFFFFFFF  }
0xa7: {  	s28 =	simm.s32 $_size_execute0_lowered;
	s3 =	sadd.s32 s3, s5;
	[dreg:$0x0] =	wrdreg $0x0  }
0xa8: {  	s5 =	sshll.u32 s28, $0x1;
	[dreg:$0x2] =	wrdreg s3  }
0xa9: {  	[dreg:$0x3] =	wrdreg s5  }
0xaa: {  	[dreg:$0x4] =	wrdreg $0xC0  }
0xab: {  	_ =	task [dreg:s7], $0x5FFFF  }
0xac: {  	[dreg:$0x1] =	wrdreg $0xFFFFFFFF  }
0xad: {  	[dreg:$0x0] =	wrdreg $0x60  }
0xae: {  	[dreg:$0x2] =	wrdreg s24  }
0xaf: {  	[dreg:$0x3] =	wrdreg s2  }
0xb0: {  	[dreg:$0x4] =	wrdreg $0x9  }
0xb1: {  	_ =	task.clear_ibuf [dreg:s7], $0x5FFFF;
	_ =	strace $0x9000004C  }
0xb2: {  	s29 =	simm.s32 $0x9;
	_ =	strace $0x8000004E  }
0xb3: {  	_ =	swait.ge [sflag:s29], $0x1  }
0xb4: {  	[sflag:s29] =	ssyncadd.s32 $0xFFFFFFFF  }
0xb5: {  	_ =	strace $0x9000004E  }
0xb6: {  	_ =	sfence  }
0xb7: {  	s30 =	sld [smem:$0x0];
	_ =	sdelay $0x2  }
0xb8: {  	s31 =	sshll.u32 s1, $0xD;
	s1 =	sshrl.u32 s1, $0x2  }
0xb9: {  	s3 =	sand.u32 $0x4000, s31;
	s1 =	sadd.s32 s1, s30  }
0xba: {  	s0 =	sor.u32 s3, s0;
	s1 =	sshll.u32 s1, $0x11  }
0xbb: {  	s0 =	sor.u32 s1, s0  }
0xbc: {  	s0 =	sadd.s32 $0x8F2B, s0  }
0xbd: {  	[sflag:s0] =	ssyncadd.remote.s32 $0x1  }
0xbe: {  	_ =	sfence.sel $0xFFFF  }
0xbf: {  	[dreg:$0x0] =	wrdreg $0xFFFFFFFF;
	(pc) =	sbr.abs _section_cstart, $3  }
0xc0: {  	[dreg:$0x1] =	wrdreg $0xFFFFFFFF  }
0xc1: {  	_ =	task.clear_ibuf [dreg:s7], $0x2FFFF;
	_ =	strace $0x9FFFFFFF  }
0xc2: {  	(tm) =	ssettm $0x7FFFFFFF  }
0xc3: {  	_ =	shalt  }
tec
execute0_lowered:
.L_overlay_start_1:
0x0: {  	(tag) =	ssettag $0x1  }
0x1: {  	s1 =	srdreg.scid;
	s0 =	stileid.u32  }
0x2: {  	s7 =	rddreg [dreg:$0x0];
	s5 =	sand.u32 $0x1, s1;
	s4 =	sshll.u32 s0, $0x1  }
0x3: {  	s3 =	rddreg [dreg:$0x1];
	s2 =	simm.s32 $0x0;
	s4 =	sor.u32 s5, s4  }
0x4: {  	[smem:$0x7FF] =	sst s2;
	s6 =	smul.u32 $0x28, s4  }
0x5: {  	s1 =	rddreg [dreg:$0x2];
	_ =	strace $0x8000004D;
	s31 =	ssub.s32 $0x2, s5  }
0x6: {  	s8 =	smul.u32 $0x280, s4;
	s4 =	simm.s32 $0x2;
	s3 =	sadd.s32 s3, s6  }
0x7: {  	[tilespmem:s2], [sflag:$0x2] =	stream.linear.gather [hbm4b:s3+s2], $0x140, $0x38;
	[tilespmem:$0x1540] =	vst v63  }
0x8: {  	s9 =	sshrl.u32 s31, $0x1;
	s30 =	sadd.s32 s8, s7;
	_ =	swait.ge [sflag:s4], $0x140  }
0x9: {  	s6 =	simm.s32 $0x140;
	s8 =	ssub.s32 s31, s9;
	[sflag:s4] =	ssyncset.done $0x0  }
0xa: {  	s5 =	sadd.s32 $0x1400, s30;
	s9 =	smax.u32 s8, $0x1;
	[sflag:s4] =	ssyncadd.s32 $0xFFFFFEC0  }
0xb: {  	[tilespmem:s6], [sflag:$0x2] =	stream.linear.gather [hbm4b:s5+s2], $0x1400, $0x38;
	[tilespmem:$0x1540] =	vst v63  }
0xc: {  	p0 =	sne.s32 s9, $0x1;
	_ =	swait.ge [sflag:s4], $0x1400  }
.Ltmp0:
0xd: {  	[sflag:s4] =	ssyncset.done $0x0;
	(pc) =	sbr.rel @!p0 .LBB2_2-.Ltmp0, $4  }
0xe: {  	s7 =	sadd.s32 $0x6400, s7;
	s8 =	simm.s32 $0x1;
	[sflag:s4] =	ssyncadd.s32 $0xFFFFEC00  }
0xf: {  	[hbm4b:s7+s6] =	stream.indirect.scatter [tilespmem:s6], [sflag:$0x1], $0x10, s2, s6, $0xb8;
	[tilespmem:$0x1540] =	vst v63  }
0x10: {  	_ =	swait.ge [sflag:s8], $0x1400  }
0x11: {  	s9 =	sadd.s32 $0xFFFFFFFF, s9;
	[sflag:s8] =	ssyncset.done $0x0  }
.LBB2_1:
0x12: {  	p0 =	sne.s32 s9, $0x1;
	s9 =	sadd.s32 $0xFFFFFFFF, s9;
	[sflag:s8] =	ssyncadd.s32 $0xFFFFEC00  }
0x13: {  	[tilespmem:s2], [sflag:$0x2] =	stream.linear.gather [hbm4b:s3+s2], $0x140, $0x38;
	[tilespmem:$0x1540] =	vst v63  }
0x14: {  	_ =	swait.ge [sflag:s4], $0x140  }
0x15: {  	[sflag:s4] =	ssyncset.done $0x0  }
0x16: {  	[sflag:s4] =	ssyncadd.s32 $0xFFFFFEC0  }
0x17: {  	[tilespmem:s6], [sflag:$0x2] =	stream.linear.gather [hbm4b:s5+s2], $0x1400, $0x38;
	[tilespmem:$0x1540] =	vst v63  }
0x18: {  	_ =	swait.ge [sflag:s4], $0x1400  }
.Ltmp1:
0x19: {  	[sflag:s4] =	ssyncset.done $0x0;
	(pc) =	sbr.rel @p0 .LBB2_1-.Ltmp1, $4  }
0x1a: {  	[sflag:s4] =	ssyncadd.s32 $0xFFFFEC00  }
0x1b: {  	[hbm4b:s7+s6] =	stream.indirect.scatter [tilespmem:s6], [sflag:$0x1], $0x10, s2, s6, $0xb8;
	[tilespmem:$0x1540] =	vst v63  }
0x1c: {  	_ =	swait.ge [sflag:s8], $0x1400  }
0x1d: {  	[sflag:s8] =	ssyncset.done $0x0  }
.LBB2_2:
0x1e: {  	[sflag:s8] =	ssyncadd.s32 $0xFFFFEC00  }
0x1f: {  	_ =	sfence.sel $0x180000  }
0x20: {  	[bflag:$0x0] =	sbarrier.arrive $0xFFFF  }
0x21: {  	p0 =	sne.s32 s0, $0x0;
	_ =	strace $0x9000004D  }
0x22: {  	s0 =	sadd.s32 @!p0 $0x100000, s1;
	[bflag:$0x2] =	sbarrier.arrive $0xFFFF  }
0x23: {  	[sflag:s0] =	ssyncadd.tile.s32 @!p0 $0x1;
	_ =	shalt  }
.Lfunc_end2:
_tile_overlayer_lowered:
.L_overlay_start_2:
0x24: {  	(tag) =	ssettag $0x2  }
0x25: {  	s0 =	rddreg [dreg:$0x0];
	s2 =	stileid.u32  }
0x26: {  	s1 =	rddreg [dreg:$0x1];
	p0 =	sne.s32 s2, $0x0  }
0x27: {  	s3 =	rddreg [dreg:$0x2];
	[bflag:$0x3] =	sbarrier.arrive $0xFFFF;
	s2 =	simm.s32 @!p0 $0x1C02  }
0x28: {  	[timem:s3], [sflag:s2] =	dma.local @!p0 [hbm:s0], s1  }
0x29: {  	s0 =	simm.s32 @!p0 $0x2  }
0x2a: {  	_ =	swait.ge @!p0 [sflag:s0], s1  }
0x2b: {  	s1 =	ssub.s32 @!p0 $0x0, s1;
	[sflag:s0] =	ssyncset.done @!p0 $0x0  }
0x2c: {  	[sflag:s0] =	ssyncadd.s32 @!p0 s1  }
0x2d: {  	[bflag:$0x3] =	sbarrier.arrive $0xFFFF  }
0x2e: {  	_ =	shalt  }

// kernel: kernel.21.cloned.1.call-start
scs
__scs_entry_jumppad:
0x0: {  	(pc) =	sbr.rel $0x88, $3  }
0x1: {  	(tag) =	ssettag $0x0;
	lr =	simm.s32 $0x1  }
0x2: {  	[smem:$0x3F8F] =	sst lr;
	_ =	strace $0xD0000000  }
0x3: {  	_ = 	snop  }
0x4: {  	_ = 	snop  }
0x5: {  	_ = 	snop  }
0x6: {  	_ = 	snop  }
0x7: {  	_ = 	snop  }
__scs_overlays_trampoline_lowered:
0x8: {  	[smem:$0x3F9E] =	sst s0  }
0x9: {  	[smem:$0x3F9F] =	sst s1  }
0xa: {  	[smem:$0x3FA0] =	sst s2  }
0xb: {  	[smem:$0x3FA1] =	sst s3  }
0xc: {  	[smem:$0x3FA2] =	sst s4  }
0xd: {  	[smem:$0x3FA3] =	sst s5  }
0xe: {  	[smem:$0x3FA4] =	sst s6  }
0xf: {  	[smem:$0x3FA5] =	sst s7  }
0x10: {  	[smem:$0x3FA6] =	sst s8  }
0x11: {  	[smem:$0x3FA7] =	sst s9;
	s0 =	simm.s32 @!p0 $0x0  }
0x12: {  	s1 =	sld [smem:$0x3F8D];
	s0 =	simm.s32 @p0 $0x1  }
0x13: {  	[smem:$0x3FA8] =	sst s0;
	s0 =	simm.s32 @!p1 $0x0  }
0x14: {  	s2 =	sld [smem:$0x3F8C];
	s0 =	simm.s32 @p1 $0x1  }
0x15: {  	[smem:$0x3FA9] =	sst s0;
	s0 =	simm.s32 @!p2 $0x0  }
0x16: {  	s3 =	sld [smem:$0x3FDB];
	s0 =	simm.s32 @p2 $0x1  }
0x17: {  	s4 =	simm.s32 $0x1BF5;
	[smem:$0x3FAB] =	sst s0  }
0x18: {  	s0 =	sld [smem:$0x3F8E];
	_ =	swait.ge [sflag:s4], $0x0  }
0x19: {  	s7 =	sld [smem:$0x3F8F]  }
0x1a: {  	s8 =	sadd.s32 $0xFFFFE003, lr  }
0x1b: {  	s9 =	sadd.s32 $0xFFFFFEF7, lr;
	s5 =	simm.s32 $0xFFFFFFFF;
	p2 =	slt.u32 s8, $0xFFFFF086  }
0x1c: {  	p1 =	slt.u32 s9, $0xF7A;
	s5 =	simm.s32 @!p2 $0x0  }
0x1d: {  	s5 =	simm.s32 @p1 $0x1;
	p0 =	seq.s32 s7, s2  }
0x1e: {  	s7 =	smul.u32 @!p0 $0xF7A, s2;
	p2 =	seq.s32 @!p0 s5, $0x0  }
0x1f: {  	s9 =	smul.u32 $0xF7A, s1;
	s8 =	simm.s32 @!p0 $0x1BF5;
	p2 =	por !p2, p0  }
0x20: {  	[sflag:s8] =	ssyncset.s32 @!p0 $0xFFFFF086;
	s6 =	sadd.s32 @!p0 s3, s7;
	s7 =	simm.s32 @!p0 $0x108  }
0x21: {  	s3 =	sadd.s32 s3, s9;
	s6 =	sadd.s32 @!p0 $0x88, s6;
	s7 =	simm.s32 @p2 $0x1082  }
0x22: {  	[simem:s7], [sflag:s8] =	dma.local @!p0 [hbm:s6], $0xF7A  }
0x23: {  	s9 =	sor.u32 $0xD0000000, s2;
	s6 =	simm.s32 $0x108;
	_ =	swait.ge @!p0 [sflag:s8], $0x0  }
0x24: {  	s3 =	sadd.s32 $0x88, s3;
	s6 =	simm.s32 @!p1 $0x1082;
	[sflag:s4] =	ssyncset.s32 $0xFFFFF086  }
0x25: {  	[simem:s6], [sflag:s4] =	dma.local [hbm:s3], $0xF7A  }
0x26: {  	[smem:$0x3F8F] =	sst s1;
	(tag) =	ssettag s2;
	_ =	strace s9  }
0x27: {  	s1 =	sld [smem:$0x3F9F]  }
0x28: {  	s2 =	sld [smem:$0x3FA0]  }
0x29: {  	s4 =	sld [smem:$0x3FA2]  }
0x2a: {  	p0 =	seq.s32 s5, $0x0;
	s5 =	sld [smem:$0x3FA3]  }
0x2b: {  	s6 =	sld [smem:$0x3FA4]  }
0x2c: {  	s7 =	sld [smem:$0x3FA5]  }
0x2d: {  	s3 =	simm.s32 $0x108;
	s8 =	sld [smem:$0x3FA6]  }
0x2e: {  	s3 =	simm.s32 @!p0 $0x1082;
	s9 =	sld [smem:$0x3FA7]  }
0x2f: {  	lr =	sadd.s32 s0, s3;
	s0 =	sld [smem:$0x3F9E]  }
0x30: {  	s3 =	sld [smem:$0x3FA1]  }
0x31: {  	[smem:$0x3FAA] =	sst s10  }
0x32: {  	s10 =	sld [smem:$0x3FA8];
	_ =	sdelay $0x3  }
0x33: {  	p0 =	seq.s32 s10, $0x1;
	s10 =	sld [smem:$0x3FAA];
	_ =	sdelay $0x3  }
0x34: {  	[smem:$0x3FAA] =	sst s10  }
0x35: {  	s10 =	sld [smem:$0x3FA9];
	_ =	sdelay $0x3  }
0x36: {  	p1 =	seq.s32 s10, $0x1;
	s10 =	sld [smem:$0x3FAA];
	_ =	sdelay $0x3  }
0x37: {  	[smem:$0x3FAA] =	sst s10  }
0x38: {  	s10 =	sld [smem:$0x3FAB]  }
0x39: {  	_ = 	snop;
	(pc) =	sbr.ind lr, $3  }
0x3a: {  	_ = 	snop  }
0x3b: {  	_ = 	snop  }
0x3c: {  	p2 =	seq.s32 s10, $0x1;
	s10 =	sld [smem:$0x3FAA]  }
0x3d: {  	_ =	shalt  }
0x3e: {  	_ =	shalt  }
0x3f: {  	_ =	shalt  }
0x40: {  	_ =	shalt  }
0x41: {  	_ =	shalt  }
0x42: {  	_ =	shalt  }
0x43: {  	_ =	shalt  }
0x44: {  	_ =	shalt  }
0x45: {  	_ =	shalt  }
0x46: {  	_ =	shalt  }
0x47: {  	_ =	shalt  }
0x48: {  	_ =	shalt  }
0x49: {  	_ =	shalt  }
0x4a: {  	_ =	shalt  }
0x4b: {  	_ =	shalt  }
0x4c: {  	_ =	shalt  }
0x4d: {  	_ =	shalt  }
0x4e: {  	_ =	shalt  }
0x4f: {  	_ =	shalt  }
0x50: {  	_ =	shalt  }
0x51: {  	_ =	shalt  }
0x52: {  	_ =	shalt  }
0x53: {  	_ =	shalt  }
0x54: {  	_ =	shalt  }
0x55: {  	_ =	shalt  }
0x56: {  	_ =	shalt  }
0x57: {  	_ =	shalt  }
0x58: {  	_ =	shalt  }
0x59: {  	_ =	shalt  }
0x5a: {  	_ =	shalt  }
0x5b: {  	_ =	shalt  }
0x5c: {  	_ =	shalt  }
0x5d: {  	_ =	shalt  }
0x5e: {  	_ =	shalt  }
0x5f: {  	_ =	shalt  }
0x60: {  	_ =	shalt  }
0x61: {  	_ =	shalt  }
0x62: {  	_ =	shalt  }
0x63: {  	_ =	shalt  }
0x64: {  	_ =	shalt  }
0x65: {  	_ =	shalt  }
0x66: {  	_ =	shalt  }
0x67: {  	_ =	shalt  }
0x68: {  	_ =	shalt  }
0x69: {  	_ =	shalt  }
0x6a: {  	_ =	shalt  }
0x6b: {  	_ =	shalt  }
0x6c: {  	_ =	shalt  }
0x6d: {  	_ =	shalt  }
0x6e: {  	_ =	shalt  }
0x6f: {  	_ =	shalt  }
0x70: {  	_ =	shalt  }
0x71: {  	_ =	shalt  }
0x72: {  	_ =	shalt  }
0x73: {  	_ =	shalt  }
0x74: {  	_ =	shalt  }
0x75: {  	_ =	shalt  }
0x76: {  	_ =	shalt  }
0x77: {  	_ =	shalt  }
0x78: {  	_ =	shalt  }
0x79: {  	_ =	shalt  }
0x7a: {  	_ =	shalt  }
0x7b: {  	_ =	shalt  }
0x7c: {  	_ =	shalt  }
0x7d: {  	_ =	shalt  }
0x7e: {  	_ =	shalt  }
0x7f: {  	_ =	shalt  }
0x80: {  	_ =	shalt  }
0x81: {  	_ =	shalt  }
0x82: {  	_ =	shalt  }
0x83: {  	_ =	shalt  }
0x84: {  	_ =	shalt  }
0x85: {  	_ =	shalt  }
0x86: {  	_ =	shalt  }
0x87: {  	_ =	shalt  }
.Lfunc_end0:
.L_simem_size_0:
called_computation.3_lowered:
.L_overlay_start_0:
0x88: {  	s2 =	sld [smem:$0x3FD9]  }
0x89: {  	s3 =	sld [smem:$0x3FFE];
	_ =	sdelay $0x1  }
0x8a: {  	s1 =	srdreg.scid  }
0x8b: {  	s0 =	sand.u32 $0x1, s1  }
0x8c: {  	s17 =	sshll.u32 s0, $0xA;
	s2 =	sadd.s32 s3, s2  }
0x8d: {  	s2 =	sadd.s32 s2, s17  }
0x8e: {  	[smem:$0x3FB6] =	sst s2  }
0x8f: {  	_ = 	snop  }
0x90: {  	s2 =	sld [smem:$0x3FD0];
	(tm) =	ssettm $0x1  }
0x91: {  	s18 =	sld [smem:$0x3FFB];
	_ =	sdelay $0x3  }
0x92: {  	_ =	strace s18  }
0x93: {  	s3 =	sld [smem:$0x3FFC];
	_ =	sdelay $0x3  }
0x94: {  	_ =	strace s3  }
0x95: {  	s3 =	sld [smem:$0x3FFD];
	_ =	sdelay $0x3  }
0x96: {  	_ =	strace s3  }
0x97: {  	_ =	strace $0x8FFFFFFF  }
0x98: {  	s19 =	sld [smem:$0x3FDB];
	_ =	sdelay $0x1  }
0x99: {  	s4 =	simm.s32 $_scs_section_size  }
0x9a: {  	s5 =	simm.s32 $_size__tile_overlayer_lowered;
	s6 =	simm.s32 $_tile_overlayer_lowered  }
0x9b: {  	s22 =	simm.s32 $0x1BFF;
	s21 =	sshll.u32 s6, $0x1;
	s3 =	sadd.s32 s4, s19  }
0x9c: {  	s7 =	simm.s32 $0x0;
	s20 =	sshll.u32 s5, $0x1;
	s5 =	sadd.s32 s21, s3  }
0x9d: {  	[timem:s7], [sflag:s22] =	dma.local [hbm:s5], s20  }
0x9e: {  	_ =	swait.ge [sflag:s22], s20  }
0x9f: {  	s4 =	ssub.s32 $0x0, s20;
	[sflag:s22] =	ssyncset.done $0x0  }
0xa0: {  	[sflag:s22] =	ssyncadd.s32 s4;
	_ =	sdelay $0x1  }
0xa1: {  	s23 =	simm.s32 $0x1B8B  }
0xa2: {  	_ =	swait.ge [sflag:s23], $0x1  }
0xa3: {  	[sflag:s23] =	ssyncset.done $0x0  }
0xa4: {  	s25 =	simm.s32 $0x1B8E;
	s24 =	sld [smem:$0x3FFE];
	[sflag:s23] =	ssyncadd.s32 $0xFFFFFFFF  }
0xa5: {  	s26 =	simm.s32 $execute0_lowered;
	[smem:$0x3FD2] =	sst s25  }
0xa6: {  	s5 =	sshll.u32 s26, $0x1;
	_ =	strace $0x8000004F;
	[dreg:$0x1] =	wrdreg $0xFFFFFFFF  }
0xa7: {  	s28 =	simm.s32 $_size_execute0_lowered;
	s3 =	sadd.s32 s3, s5;
	[dreg:$0x0] =	wrdreg $0x0  }
0xa8: {  	s5 =	sshll.u32 s28, $0x1;
	[dreg:$0x2] =	wrdreg s3  }
0xa9: {  	[dreg:$0x3] =	wrdreg s5  }
0xaa: {  	[dreg:$0x4] =	wrdreg $0xC0  }
0xab: {  	_ =	task [dreg:s7], $0x5FFFF  }
0xac: {  	[dreg:$0x1] =	wrdreg $0xFFFFFFFF  }
0xad: {  	[dreg:$0x0] =	wrdreg $0x60  }
0xae: {  	[dreg:$0x2] =	wrdreg s24  }
0xaf: {  	[dreg:$0x3] =	wrdreg s2  }
0xb0: {  	[dreg:$0x4] =	wrdreg $0x9  }
0xb1: {  	_ =	task.clear_ibuf [dreg:s7], $0x5FFFF;
	_ =	strace $0x9000004F  }
0xb2: {  	s29 =	simm.s32 $0x9;
	_ =	strace $0x80000051  }
0xb3: {  	_ =	swait.ge [sflag:s29], $0x1  }
0xb4: {  	[sflag:s29] =	ssyncadd.s32 $0xFFFFFFFF  }
0xb5: {  	_ =	strace $0x90000051  }
0xb6: {  	_ =	sfence  }
0xb7: {  	s30 =	sld [smem:$0x0];
	_ =	sdelay $0x2  }
0xb8: {  	s31 =	sshll.u32 s1, $0xD;
	s1 =	sshrl.u32 s1, $0x2  }
0xb9: {  	s3 =	sand.u32 $0x4000, s31;
	s1 =	sadd.s32 s1, s30  }
0xba: {  	s0 =	sor.u32 s3, s0;
	s1 =	sshll.u32 s1, $0x11  }
0xbb: {  	s0 =	sor.u32 s1, s0  }
0xbc: {  	s0 =	sadd.s32 $0x8F2B, s0  }
0xbd: {  	[sflag:s0] =	ssyncadd.remote.s32 $0x1  }
0xbe: {  	_ =	sfence.sel $0xFFFF  }
0xbf: {  	[dreg:$0x0] =	wrdreg $0xFFFFFFFF;
	(pc) =	sbr.abs _section_cstart, $3  }
0xc0: {  	[dreg:$0x1] =	wrdreg $0xFFFFFFFF  }
0xc1: {  	_ =	task.clear_ibuf [dreg:s7], $0x2FFFF;
	_ =	strace $0x9FFFFFFF  }
0xc2: {  	(tm) =	ssettm $0x7FFFFFFF  }
0xc3: {  	_ =	shalt  }
tec
execute0_lowered:
.L_overlay_start_1:
0x0: {  	(tag) =	ssettag $0x1  }
0x1: {  	s1 =	srdreg.scid  }
0x2: {  	s0 =	stileid.u32;
	s8 =	rddreg [dreg:$0x0]  }
0x3: {  	s3 =	rddreg [dreg:$0x1];
	s6 =	sand.u32 $0x1, s1;
	s30 =	sshll.u32 s0, $0x1  }
0x4: {  	s2 =	simm.s32 $0x0;
	s1 =	rddreg [dreg:$0x2];
	s7 =	sor.u32 s6, s30  }
0x5: {  	[smem:$0x7FF] =	sst s2;
	s4 =	smul.u32 $0x28, s7  }
0x6: {  	s5 =	sadd.s32 $0x1400, s8;
	_ =	strace $0x80000050;
	s10 =	ssub.s32 $0x2, s6  }
0x7: {  	s6 =	simm.s32 $0x140;
	s4 =	sadd.s32 s3, s4;
	s3 =	simm.s32 $0x2  }
0x8: {  	[tilespmem:s2], [sflag:$0x2] =	stream.linear.gather [hbm4b:s4+s2], $0x140, $0x38;
	[tilespmem:$0x1540] =	vst v63  }
0x9: {  	s9 =	smul.u32 $0x280, s7;
	s11 =	sshrl.u32 s10, $0x1;
	_ =	swait.ge [sflag:s3], $0x140  }
0xa: {  	s7 =	simm.s32 $0x1;
	s31 =	ssub.s32 s10, s11;
	[sflag:s3] =	ssyncset.done $0x0  }
0xb: {  	s8 =	sadd.s32 s9, s8;
	s9 =	smax.u32 s31, $0x1;
	[sflag:s3] =	ssyncadd.s32 $0xFFFFFEC0  }
0xc: {  	[tilespmem:s6], [sflag:$0x1] =	stream.indirect.gather [hbm4b:s5+s6], $0x10, s2, s6, $0xb8;
	[tilespmem:$0x1540] =	vst v63  }
0xd: {  	p0 =	sne.s32 s9, $0x1;
	_ =	swait.ge [sflag:s7], $0x1400  }
.Ltmp0:
0xe: {  	[sflag:s7] =	ssyncset.done $0x0;
	(pc) =	sbr.rel @!p0 .LBB2_2-.Ltmp0, $4  }
0xf: {  	s8 =	sadd.s32 $0x6400, s8;
	[sflag:s7] =	ssyncadd.s32 $0xFFFFEC00  }
0x10: {  	[hbm4b:s8+s2] =	stream.linear.scatter [tilespmem:s6], [sflag:$0x2], $0x1400, $0x38;
	[tilespmem:$0x1540] =	vst v63  }
0x11: {  	_ =	swait.ge [sflag:s3], $0x1400  }
0x12: {  	s9 =	sadd.s32 $0xFFFFFFFF, s9;
	[sflag:s3] =	ssyncset.done $0x0  }
.LBB2_1:
0x13: {  	p0 =	sne.s32 s9, $0x1;
	s9 =	sadd.s32 $0xFFFFFFFF, s9;
	[sflag:s3] =	ssyncadd.s32 $0xFFFFEC00  }
0x14: {  	[tilespmem:s2], [sflag:$0x2] =	stream.linear.gather [hbm4b:s4+s2], $0x140, $0x38;
	[tilespmem:$0x1540] =	vst v63  }
0x15: {  	_ =	swait.ge [sflag:s3], $0x140  }
0x16: {  	[sflag:s3] =	ssyncset.done $0x0  }
0x17: {  	[sflag:s3] =	ssyncadd.s32 $0xFFFFFEC0  }
0x18: {  	[tilespmem:s6], [sflag:$0x1] =	stream.indirect.gather [hbm4b:s5+s6], $0x10, s2, s6, $0xb8;
	[tilespmem:$0x1540] =	vst v63  }
0x19: {  	_ =	swait.ge [sflag:s7], $0x1400  }
.Ltmp1:
0x1a: {  	[sflag:s7] =	ssyncset.done $0x0;
	(pc) =	sbr.rel @p0 .LBB2_1-.Ltmp1, $4  }
0x1b: {  	[sflag:s7] =	ssyncadd.s32 $0xFFFFEC00  }
0x1c: {  	[hbm4b:s8+s2] =	stream.linear.scatter [tilespmem:s6], [sflag:$0x2], $0x1400, $0x38;
	[tilespmem:$0x1540] =	vst v63  }
0x1d: {  	_ =	swait.ge [sflag:s3], $0x1400  }
0x1e: {  	[sflag:s3] =	ssyncset.done $0x0  }
.LBB2_2:
0x1f: {  	[sflag:s3] =	ssyncadd.s32 $0xFFFFEC00  }
0x20: {  	_ =	sfence.sel $0x180000  }
0x21: {  	[bflag:$0x0] =	sbarrier.arrive $0xFFFF  }
0x22: {  	p0 =	sne.s32 s0, $0x0;
	_ =	strace $0x90000050  }
0x23: {  	s0 =	sadd.s32 @!p0 $0x100000, s1;
	[bflag:$0x2] =	sbarrier.arrive $0xFFFF  }
0x24: {  	[sflag:s0] =	ssyncadd.tile.s32 @!p0 $0x1;
	_ =	shalt  }
.Lfunc_end2:
_tile_overlayer_lowered:
.L_overlay_start_2:
0x25: {  	(tag) =	ssettag $0x2  }
0x26: {  	s0 =	rddreg [dreg:$0x0];
	s2 =	stileid.u32  }
0x27: {  	s1 =	rddreg [dreg:$0x1];
	p0 =	sne.s32 s2, $0x0  }
0x28: {  	s3 =	rddreg [dreg:$0x2];
	[bflag:$0x3] =	sbarrier.arrive $0xFFFF;
	s2 =	simm.s32 @!p0 $0x1C02  }
0x29: {  	[timem:s3], [sflag:s2] =	dma.local @!p0 [hbm:s0], s1  }
0x2a: {  	s0 =	simm.s32 @!p0 $0x2  }
0x2b: {  	_ =	swait.ge @!p0 [sflag:s0], s1  }
0x2c: {  	s1 =	ssub.s32 @!p0 $0x0, s1;
	[sflag:s0] =	ssyncset.done @!p0 $0x0  }
0x2d: {  	[sflag:s0] =	ssyncadd.s32 @!p0 s1  }
0x2e: {  	[bflag:$0x3] =	sbarrier.arrive $0xFFFF  }
0x2f: {  	_ =	shalt  }

</sc_bundles>
